<compile_context>
chip_gen: v7x
topology: tpu7x:2x2x1
jax: 0.10.2.dev20260603
libtpu: 0.0.44.dev20260713+nightly
codegen_flags: <defaults>
</compile_context>

<pallas_src>
import functools

import jax
import jax.numpy as jnp
from jax import lax
from jax.experimental import pallas as pl
from jax.experimental.pallas import tpu as pltpu
from jax.experimental.pallas import tpu_sc as plsc

N_NODES = 100000
N_EDGES = 1600000
F = 32

_NODE_BLK = 2000
_EDGE_BLK = 12800

_NC = 2
_NS = 16
_NW = _NC * _NS
_EPT = N_EDGES // _NW
_GCH = 1000
_GNCH = _EPT // _GCH


def _gather_diff_relu(A, B, src, dst):
    mesh = plsc.VectorSubcoreMesh(core_axis_name="c", subcore_axis_name="s")

    @functools.partial(
        pl.kernel, mesh=mesh,
        out_type=jax.ShapeDtypeStruct((N_EDGES // 4, 4 * F), jnp.float32),
        compiler_params=pltpu.CompilerParams(use_tc_tiling_on_sc=False),
        scratch_types=[
            pltpu.VMEM((_GCH,), jnp.int32),
            pltpu.VMEM((_GCH,), jnp.int32),
            pltpu.VMEM((_GCH, F), jnp.float32),
            pltpu.VMEM((_GCH, F), jnp.float32),
            pltpu.VMEM((_GCH // 4, 4 * F), jnp.float32),
            pltpu.SemaphoreType.DMA,
            pltpu.SemaphoreType.DMA,
        ],
    )
    def k(a_hbm, b_hbm, src_hbm, dst_hbm, out_hbm, si_v, di_v, ar_v, br_v,
          out_v, sem, sem2):
        wid = lax.axis_index("s") * _NC + lax.axis_index("c")
        base = wid * _EPT

        def chunk_body(ci, carry):
            off = base + ci * _GCH
            c1 = pltpu.async_copy(src_hbm.at[pl.ds(off, _GCH)], si_v, sem)
            c2 = pltpu.async_copy(dst_hbm.at[pl.ds(off, _GCH)], di_v, sem2)
            c1.wait()
            c2.wait()
            c3 = pltpu.async_copy(a_hbm.at[si_v], ar_v, sem)
            c4 = pltpu.async_copy(b_hbm.at[di_v], br_v, sem2)
            c3.wait()
            c4.wait()

            @plsc.parallel_loop(0, _GCH // 4, unroll=4)
            def row_body(i):
                for q in range(4):
                    for j in range(F // 16):
                        sl = pl.ds(j * 16, 16)
                        osl = pl.ds(q * F + j * 16, 16)
                        out_v[i, osl] = jnp.maximum(
                            ar_v[i * 4 + q, sl] - br_v[i * 4 + q, sl], 0.0)

            pltpu.sync_copy(out_v, out_hbm.at[pl.ds(off // 4, _GCH // 4)])
            return carry

        lax.fori_loop(0, _GNCH, chunk_body, 0)

    return k(A, B, src, dst)


def _node_tables_body(h_ref, pos_ref, wh_ref, wp_ref, b_ref, a_ref, b_out_ref):
    pq = jax.lax.dot_general(pos_ref[...], wp_ref[...], (((1,), (0,)), ((), ())),
                             preferred_element_type=jnp.float32)
    hq = jax.lax.dot_general(h_ref[...], wh_ref[...], (((1,), (0,)), ((), ())),
                             preferred_element_type=jnp.float32)
    a_ref[...] = hq + pq + b_ref[...]
    b_out_ref[...] = pq


def _node_tables(h, pos, Wh, Wp, b):
    n = h.shape[0]
    k = h.shape[1]
    grid = n // _NODE_BLK
    return pl.pallas_call(
        _node_tables_body,
        grid=(grid,),
        in_specs=[
            pl.BlockSpec((_NODE_BLK, k), lambda i: (i, 0)),
            pl.BlockSpec((_NODE_BLK, 3), lambda i: (i, 0)),
            pl.BlockSpec((k, F), lambda i: (0, 0)),
            pl.BlockSpec((3, F), lambda i: (0, 0)),
            pl.BlockSpec((1, F), lambda i: (0, 0)),
        ],
        out_specs=[
            pl.BlockSpec((_NODE_BLK, F), lambda i: (i, 0)),
            pl.BlockSpec((_NODE_BLK, F), lambda i: (i, 0)),
        ],
        out_shape=[
            jax.ShapeDtypeStruct((n, F), jnp.float32),
            jax.ShapeDtypeStruct((n, F), jnp.float32),
        ],
    )(h, pos, Wh, Wp, b[None, :])


def _edge_mlp_body(e_ref, wb_ref, bb_ref, out_ref):
    out_ref[...] = jax.lax.dot_general(
        e_ref[...], wb_ref[...], (((1,), (0,)), ((), ())),
        preferred_element_type=jnp.float32) + bb_ref[...]


def _edge_mlp(e_fold, Wb, bb):
    nr = e_fold.shape[0]
    blk = _EDGE_BLK // 4
    grid = nr // blk
    w_block = jnp.kron(jnp.eye(4, dtype=jnp.float32), Wb)
    bb_tile = jnp.tile(bb, 4)[None, :]
    return pl.pallas_call(
        _edge_mlp_body,
        grid=(grid,),
        in_specs=[
            pl.BlockSpec((blk, 4 * F), lambda i: (i, 0)),
            pl.BlockSpec((4 * F, 4 * F), lambda i: (0, 0)),
            pl.BlockSpec((1, 4 * F), lambda i: (0, 0)),
        ],
        out_specs=pl.BlockSpec((blk, 4 * F), lambda i: (i, 0)),
        out_shape=jax.ShapeDtypeStruct((nr, 4 * F), jnp.float32),
    )(e_fold, w_block, bb_tile)


def _layer(h, pos, src, dst, Wh, Wp, ba, Wb, bb):
    A, B = _node_tables(h, pos, Wh, Wp, ba)
    e_fold = _gather_diff_relu(A, B, src, dst)
    msg = jnp.reshape(_edge_mlp(e_fold, Wb, bb), (N_EDGES, F))
    agg = jax.ops.segment_max(msg, dst, num_segments=N_NODES)
    return jnp.maximum(agg, 0.0)


def _pool_classify_body(h_ref, wc_ref, bc_ref, out_ref):
    out_ref[...] = jax.lax.dot_general(
        h_ref[...], wc_ref[...], (((1,), (0,)), ((), ())),
        preferred_element_type=jnp.float32) + bc_ref[...]


def kernel(pos, edge_index, batch, W1a, b1a, W1b, b1b, W2a, b2a, W2b, b2b, Wc, bc):
    src = edge_index[0]
    dst = edge_index[1]
    h = _layer(pos, pos, src, dst, W1a[:3], W1a[3:], b1a, W1b, b1b)
    h = _layer(h, pos, src, dst, W2a[:F], W2a[F:], b2a, W2b, b2b)
    pooled = jnp.maximum(jax.ops.segment_max(h, batch, num_segments=64), 0.0)
    nc = Wc.shape[1]
    out = pl.pallas_call(
        _pool_classify_body,
        in_specs=[
            pl.BlockSpec((64, F), lambda: (0, 0)),
            pl.BlockSpec((F, nc), lambda: (0, 0)),
            pl.BlockSpec((1, nc), lambda: (0, 0)),
        ],
        out_specs=pl.BlockSpec((64, nc), lambda: (0, 0)),
        out_shape=jax.ShapeDtypeStruct((64, nc), jnp.float32),
    )(pooled, Wc, bc[None, :])
    return out

# --- scband reference (transcript-rebuilt; emitter-appended) ---
"""Pipeline reference for scband-point-net-14018773254577 (READ-ONLY COPY).

The authoritative reference and input builder live on the scoring server;
editing this copy changes nothing except your own understanding.
"""

import jax, jax.numpy as jnp
import numpy as np

N = 100000
E = 1600000
G = 64
NUM_CLASSES = 40  # GeometricShapes has 40 classes


def setup_inputs(seed: int = 0) -> dict:
    key = jax.random.key(seed)
    ks = jax.random.split(key, 16)
    pos = jax.random.normal(ks[0], (N, 3), dtype=jnp.float32)
    edge_index = jax.random.randint(ks[1], (2, E), 0, N, dtype=jnp.int32)
    batch = jnp.sort(jax.random.randint(ks[2], (N,), 0, G, dtype=jnp.int32))
    # conv1 mlp: Linear(3+3, 32) -> ReLU -> Linear(32, 32)
    W1a = jax.random.normal(ks[3], (6, 32), dtype=jnp.float32) * 0.1
    b1a = jnp.zeros((32,), dtype=jnp.float32)
    W1b = jax.random.normal(ks[4], (32, 32), dtype=jnp.float32) * 0.1
    b1b = jnp.zeros((32,), dtype=jnp.float32)
    # conv2 mlp: Linear(32+3, 32) -> ReLU -> Linear(32, 32)
    W2a = jax.random.normal(ks[5], (35, 32), dtype=jnp.float32) * 0.1
    b2a = jnp.zeros((32,), dtype=jnp.float32)
    W2b = jax.random.normal(ks[6], (32, 32), dtype=jnp.float32) * 0.1
    b2b = jnp.zeros((32,), dtype=jnp.float32)
    # classifier: Linear(32, NUM_CLASSES)
    Wc = jax.random.normal(ks[7], (32, NUM_CLASSES), dtype=jnp.float32) * 0.1
    bc = jnp.zeros((NUM_CLASSES,), dtype=jnp.float32)
    return {"pos": pos, "edge_index": edge_index, "batch": batch,
            "W1a": W1a, "b1a": b1a, "W1b": W1b, "b1b": b1b,
            "W2a": W2a, "b2a": b2a, "W2b": W2b, "b2b": b2b,
            "Wc": Wc, "bc": bc}


def _pointnet_layer(h, pos, src, dst, Wa, ba, Wb, bb):
    # message: mlp(cat([h_j, pos_j - pos_i], -1)), aggr='max' at dst
    h_j = jnp.take(h, src, axis=0)
    pos_j = jnp.take(pos, src, axis=0)
    pos_i = jnp.take(pos, dst, axis=0)
    edge_feat = jnp.concatenate([h_j, pos_j - pos_i], axis=-1)
    msg = jnp.maximum(edge_feat @ Wa + ba, 0.0) @ Wb + bb
    agg = jax.ops.segment_max(msg, dst, num_segments=N)
    # PyG max-aggregation leaves nodes with no incoming edges at 0
    return jnp.where(jnp.isneginf(agg), 0.0, agg)


def reference(pos, edge_index, batch, W1a, b1a, W1b, b1b, W2a, b2a, W2b, b2b, Wc, bc):
    src = edge_index[0]
    dst = edge_index[1]
    h = _pointnet_layer(pos, pos, src, dst, W1a, b1a, W1b, b1b)
    h = jnp.maximum(h, 0.0)
    h = _pointnet_layer(h, pos, src, dst, W2a, b2a, W2b, b2b)
    h = jnp.maximum(h, 0.0)
    pooled = jax.ops.segment_max(h, batch, num_segments=G)
    pooled = jnp.where(jnp.isneginf(pooled), 0.0, pooled)
    return pooled @ Wc + bc

if __name__ == "__main__":
    import jax
    _d = setup_inputs()
    print(jax.jit(kernel)(*tuple(_d.values())))

</pallas_src>

<mosaic_0001>
#map = affine_map<(d0, d1) -> (0, 0)>
#map1 = affine_map<(d0, d1) -> (0)>
module attributes {stable_mosaic.version = 14 : i64} {
  func.func @k(%arg0: i32, %arg1: i32, %arg2: memref<100000x32xf32, #tpu.memory_space<hbm>>, %arg3: memref<100000x32xf32, #tpu.memory_space<hbm>>, %arg4: memref<1600000xi32, #tpu.memory_space<hbm>>, %arg5: memref<1600000xi32, #tpu.memory_space<hbm>>, %arg6: memref<400000x128xf32, #tpu.memory_space<hbm>>, %arg7: memref<1000xi32, #tpu.memory_space<vmem>>, %arg8: memref<1000xi32, #tpu.memory_space<vmem>>, %arg9: memref<1000x32xf32, #tpu.memory_space<vmem>>, %arg10: memref<1000x32xf32, #tpu.memory_space<vmem>>, %arg11: memref<250x128xf32, #tpu.memory_space<vmem>>, %arg12: memref<!tpu.dma_semaphore, #tpu.memory_space<semaphore_mem>>, %arg13: memref<!tpu.dma_semaphore, #tpu.memory_space<semaphore_mem>>) attributes {dimension_semantics = [#tpu.dimension_semantics<core_parallel>, #tpu.dimension_semantics<subcore_parallel>], iteration_bounds = array<i64: 2, 16>, scalar_prefetch = 0 : i64, scratch_operands = 7 : i64, tpu.core_type = #tpu.core_type<sc_vector_subcore>, window_params = [{transform_indices = #map}, {transform_indices = #map}, {transform_indices = #map1}, {transform_indices = #map1}, {transform_indices = #map}]} {
    %mul3A = arith.constant 2 : i32
    %mul3A_0 = arith.muli %arg1, %mul3A : i32
    %add3A = arith.addi %mul3A_0, %arg0 : i32
    %mul3A_1 = arith.constant 50000 : i32
    %mul3A_2 = arith.muli %add3A, %mul3A_1 : i32
    %scan3A = arith.constant 0 : i32
    %scan3A_3 = arith.constant 0 : i32
    %scan3A_4 = arith.constant 50 : i32
    %scan3A_5 = arith.addi %scan3A_3, %scan3A_4 : i32
    %scan3A_6 = arith.constant 1 : i32
    scf.for %scan3A_8 = %scan3A_3 to %scan3A_5 step %scan3A_6  : i32 {
      %mul3A_9 = arith.constant 1000 : i32
      %mul3A_10 = arith.muli %scan3A_8, %mul3A_9 : i32
      %add3A_11 = arith.addi %mul3A_2, %mul3A_10 : i32
      %dma_start3A = tpu.memref_slice %arg4[%add3A_11] : memref<1600000xi32, #tpu.memory_space<hbm>> -> memref<1000xi32, #tpu.memory_space<hbm>>
      %dma_start3A_12 = tpu.memref_slice %arg4[%add3A_11] : memref<1600000xi32, #tpu.memory_space<hbm>> -> memref<1000xi32, #tpu.memory_space<hbm>>
      tpu.enqueue_dma source(%dma_start3A_12 : memref<1000xi32, #tpu.memory_space<hbm>>) target(%arg7 : memref<1000xi32, #tpu.memory_space<vmem>>) target_semaphore(%arg12 : memref<!tpu.dma_semaphore, #tpu.memory_space<semaphore_mem>>)
      %dma_start3A_13 = tpu.memref_slice %arg5[%add3A_11] : memref<1600000xi32, #tpu.memory_space<hbm>> -> memref<1000xi32, #tpu.memory_space<hbm>>
      %dma_start3A_14 = tpu.memref_slice %arg5[%add3A_11] : memref<1600000xi32, #tpu.memory_space<hbm>> -> memref<1000xi32, #tpu.memory_space<hbm>>
      tpu.enqueue_dma source(%dma_start3A_14 : memref<1000xi32, #tpu.memory_space<hbm>>) target(%arg8 : memref<1000xi32, #tpu.memory_space<vmem>>) target_semaphore(%arg13 : memref<!tpu.dma_semaphore, #tpu.memory_space<semaphore_mem>>)
      %dma_wait3A = tpu.memref_slice %arg4[%add3A_11] : memref<1600000xi32, #tpu.memory_space<hbm>> -> memref<1000xi32, #tpu.memory_space<hbm>>
      %dma_wait3A_15 = tpu.memref_slice %arg4[%add3A_11] : memref<1600000xi32, #tpu.memory_space<hbm>> -> memref<1000xi32, #tpu.memory_space<hbm>>
      tpu.wait_dma2 semaphore(%arg12 : memref<!tpu.dma_semaphore, #tpu.memory_space<semaphore_mem>>) src(%dma_wait3A_15 : memref<1000xi32, #tpu.memory_space<hbm>>) dst(%arg7 : memref<1000xi32, #tpu.memory_space<vmem>>)
      %dma_wait3A_16 = tpu.memref_slice %arg5[%add3A_11] : memref<1600000xi32, #tpu.memory_space<hbm>> -> memref<1000xi32, #tpu.memory_space<hbm>>
      %dma_wait3A_17 = tpu.memref_slice %arg5[%add3A_11] : memref<1600000xi32, #tpu.memory_space<hbm>> -> memref<1000xi32, #tpu.memory_space<hbm>>
      tpu.wait_dma2 semaphore(%arg13 : memref<!tpu.dma_semaphore, #tpu.memory_space<semaphore_mem>>) src(%dma_wait3A_17 : memref<1000xi32, #tpu.memory_space<hbm>>) dst(%arg8 : memref<1000xi32, #tpu.memory_space<vmem>>)
      %dma_start3A_18 = arith.constant 0 : i32
      %dma_start3A_19 = arith.constant 0 : i32
      %dma_start3A_20 = tpu.memref_slice %arg2[%dma_start3A_18, %dma_start3A_19] : memref<100000x32xf32, #tpu.memory_space<hbm>> -> memref<100000x32xf32, #tpu.memory_space<hbm>>
      tpu.enqueue_indirect_dma source(%dma_start3A_20 : memref<100000x32xf32, #tpu.memory_space<hbm>>) target(%arg9 : memref<1000x32xf32, #tpu.memory_space<vmem>>) offsets(%arg7 : memref<1000xi32, #tpu.memory_space<vmem>>) semaphore(%arg12 : memref<!tpu.dma_semaphore, #tpu.memory_space<semaphore_mem>>)
      %dma_start3A_21 = arith.constant 0 : i32
      %dma_start3A_22 = arith.constant 0 : i32
      %dma_start3A_23 = tpu.memref_slice %arg3[%dma_start3A_21, %dma_start3A_22] : memref<100000x32xf32, #tpu.memory_space<hbm>> -> memref<100000x32xf32, #tpu.memory_space<hbm>>
      tpu.enqueue_indirect_dma source(%dma_start3A_23 : memref<100000x32xf32, #tpu.memory_space<hbm>>) target(%arg10 : memref<1000x32xf32, #tpu.memory_space<vmem>>) offsets(%arg8 : memref<1000xi32, #tpu.memory_space<vmem>>) semaphore(%arg13 : memref<!tpu.dma_semaphore, #tpu.memory_space<semaphore_mem>>)
      %dma_wait3A_24 = arith.constant 0 : i32
      %dma_wait3A_25 = arith.constant 0 : i32
      %dma_wait3A_26 = tpu.memref_slice %arg2[%dma_wait3A_24, %dma_wait3A_25] : memref<100000x32xf32, #tpu.memory_space<hbm>> -> memref<100000x32xf32, #tpu.memory_space<hbm>>
      tpu.wait_indirect_dma semaphore(%arg12 : memref<!tpu.dma_semaphore, #tpu.memory_space<semaphore_mem>>) src(%dma_wait3A_26 : memref<100000x32xf32, #tpu.memory_space<hbm>>) dst(%arg9 : memref<1000x32xf32, #tpu.memory_space<vmem>>)
      %dma_wait3A_27 = arith.constant 0 : i32
      %dma_wait3A_28 = arith.constant 0 : i32
      %dma_wait3A_29 = tpu.memref_slice %arg3[%dma_wait3A_27, %dma_wait3A_28] : memref<100000x32xf32, #tpu.memory_space<hbm>> -> memref<100000x32xf32, #tpu.memory_space<hbm>>
      tpu.wait_indirect_dma semaphore(%arg13 : memref<!tpu.dma_semaphore, #tpu.memory_space<semaphore_mem>>) src(%dma_wait3A_29 : memref<100000x32xf32, #tpu.memory_space<hbm>>) dst(%arg10 : memref<1000x32xf32, #tpu.memory_space<vmem>>)
      %parallel_loop3A = arith.constant 0 : i32
      %parallel_loop3A_30 = arith.constant 250 : i32
      %parallel_loop3A_31 = arith.constant 1 : i32
      scf.for %parallel_loop3A_48 = %parallel_loop3A to %parallel_loop3A_30 step %parallel_loop3A_31  : i32 {
        %parallel_loop3A_49 = arith.constant 4 : i32
        %parallel_loop3A_50 = arith.muli %parallel_loop3A_48, %parallel_loop3A_49 : i32
        %parallel_loop3A_51 = arith.constant 0 : i32
        %parallel_loop3A_52 = arith.addi %parallel_loop3A_50, %parallel_loop3A_51 : i32
        %parallel_loop3A_53 = arith.index_cast %parallel_loop3A_52 : i32 to index
        %parallel_loop3A_54 = arith.constant 0 : index
        %parallel_loop3A_55 = tpu.vector_load %arg9[%parallel_loop3A_53, %parallel_loop3A_54] {strides = array<i32>} : memref<1000x32xf32, #tpu.memory_space<vmem>>, vector<1x16xf32>,
        %parallel_loop3A_56 = vector.shape_cast %parallel_loop3A_55 : vector<1x16xf32> to vector<16xf32>
        %parallel_loop3A_57 = arith.constant 4 : i32
        %parallel_loop3A_58 = arith.muli %parallel_loop3A_48, %parallel_loop3A_57 : i32
        %parallel_loop3A_59 = arith.constant 0 : i32
        %parallel_loop3A_60 = arith.addi %parallel_loop3A_58, %parallel_loop3A_59 : i32
        %parallel_loop3A_61 = arith.index_cast %parallel_loop3A_60 : i32 to index
        %parallel_loop3A_62 = arith.constant 0 : index
        %parallel_loop3A_63 = tpu.vector_load %arg10[%parallel_loop3A_61, %parallel_loop3A_62] {strides = array<i32>} : memref<1000x32xf32, #tpu.memory_space<vmem>>, vector<1x16xf32>,
        %parallel_loop3A_64 = vector.shape_cast %parallel_loop3A_63 : vector<1x16xf32> to vector<16xf32>
        %parallel_loop3A_65 = arith.subf %parallel_loop3A_56, %parallel_loop3A_64 : vector<16xf32>
        %parallel_loop3A_66 = arith.constant 0.000000e+00 : f32
        %parallel_loop3A_67 = vector.broadcast %parallel_loop3A_66 : f32 to vector<16xf32>
        %parallel_loop3A_68 = arith.maximumf %parallel_loop3A_65, %parallel_loop3A_67 : vector<16xf32>
        %parallel_loop3A_69 = arith.index_cast %parallel_loop3A_48 : i32 to index
        %parallel_loop3A_70 = arith.constant 0 : index
        %parallel_loop3A_71 = tpu.vector_load %arg11[%parallel_loop3A_69, %parallel_loop3A_70] {strides = array<i32>} : memref<250x128xf32, #tpu.memory_space<vmem>>, vector<1x16xf32>,
        %parallel_loop3A_72 = vector.shape_cast %parallel_loop3A_71 : vector<1x16xf32> to vector<16xf32>
        %parallel_loop3A_73 = vector.shape_cast %parallel_loop3A_68 : vector<16xf32> to vector<1x16xf32>
        tpu.vector_store %arg11[%parallel_loop3A_69, %parallel_loop3A_70], %parallel_loop3A_73 {strides = array<i32>} : memref<250x128xf32, #tpu.memory_space<vmem>>, vector<1x16xf32>,
        %parallel_loop3A_74 = arith.constant 4 : i32
        %parallel_loop3A_75 = arith.muli %parallel_loop3A_48, %parallel_loop3A_74 : i32
        %parallel_loop3A_76 = arith.constant 0 : i32
        %parallel_loop3A_77 = arith.addi %parallel_loop3A_75, %parallel_loop3A_76 : i32
        %parallel_loop3A_78 = arith.index_cast %parallel_loop3A_77 : i32 to index
        %parallel_loop3A_79 = arith.constant 16 : index
        %parallel_loop3A_80 = tpu.vector_load %arg9[%parallel_loop3A_78, %parallel_loop3A_79] {strides = array<i32>} : memref<1000x32xf32, #tpu.memory_space<vmem>>, vector<1x16xf32>,
        %parallel_loop3A_81 = vector.shape_cast %parallel_loop3A_80 : vector<1x16xf32> to vector<16xf32>
        %parallel_loop3A_82 = arith.constant 4 : i32
        %parallel_loop3A_83 = arith.muli %parallel_loop3A_48, %parallel_loop3A_82 : i32
        %parallel_loop3A_84 = arith.constant 0 : i32
        %parallel_loop3A_85 = arith.addi %parallel_loop3A_83, %parallel_loop3A_84 : i32
        %parallel_loop3A_86 = arith.index_cast %parallel_loop3A_85 : i32 to index
        %parallel_loop3A_87 = arith.constant 16 : index
        %parallel_loop3A_88 = tpu.vector_load %arg10[%parallel_loop3A_86, %parallel_loop3A_87] {strides = array<i32>} : memref<1000x32xf32, #tpu.memory_space<vmem>>, vector<1x16xf32>,
        %parallel_loop3A_89 = vector.shape_cast %parallel_loop3A_88 : vector<1x16xf32> to vector<16xf32>
        %parallel_loop3A_90 = arith.subf %parallel_loop3A_81, %parallel_loop3A_89 : vector<16xf32>
        %parallel_loop3A_91 = arith.constant 0.000000e+00 : f32
        %parallel_loop3A_92 = vector.broadcast %parallel_loop3A_91 : f32 to vector<16xf32>
        %parallel_loop3A_93 = arith.maximumf %parallel_loop3A_90, %parallel_loop3A_92 : vector<16xf32>
        %parallel_loop3A_94 = arith.index_cast %parallel_loop3A_48 : i32 to index
        %parallel_loop3A_95 = arith.constant 16 : index
        %parallel_loop3A_96 = tpu.vector_load %arg11[%parallel_loop3A_94, %parallel_loop3A_95] {strides = array<i32>} : memref<250x128xf32, #tpu.memory_space<vmem>>, vector<1x16xf32>,
        %parallel_loop3A_97 = vector.shape_cast %parallel_loop3A_96 : vector<1x16xf32> to vector<16xf32>
        %parallel_loop3A_98 = vector.shape_cast %parallel_loop3A_93 : vector<16xf32> to vector<1x16xf32>
        tpu.vector_store %arg11[%parallel_loop3A_94, %parallel_loop3A_95], %parallel_loop3A_98 {strides = array<i32>} : memref<250x128xf32, #tpu.memory_space<vmem>>, vector<1x16xf32>,
        %parallel_loop3A_99 = arith.constant 4 : i32
        %parallel_loop3A_100 = arith.muli %parallel_loop3A_48, %parallel_loop3A_99 : i32
        %parallel_loop3A_101 = arith.constant 1 : i32
        %parallel_loop3A_102 = arith.addi %parallel_loop3A_100, %parallel_loop3A_101 : i32
        %parallel_loop3A_103 = arith.index_cast %parallel_loop3A_102 : i32 to index
        %parallel_loop3A_104 = arith.constant 0 : index
        %parallel_loop3A_105 = tpu.vector_load %arg9[%parallel_loop3A_103, %parallel_loop3A_104] {strides = array<i32>} : memref<1000x32xf32, #tpu.memory_space<vmem>>, vector<1x16xf32>,
        %parallel_loop3A_106 = vector.shape_cast %parallel_loop3A_105 : vector<1x16xf32> to vector<16xf32>
        %parallel_loop3A_107 = arith.constant 4 : i32
        %parallel_loop3A_108 = arith.muli %parallel_loop3A_48, %parallel_loop3A_107 : i32
        %parallel_loop3A_109 = arith.constant 1 : i32
        %parallel_loop3A_110 = arith.addi %parallel_loop3A_108, %parallel_loop3A_109 : i32
        %parallel_loop3A_111 = arith.index_cast %parallel_loop3A_110 : i32 to index
        %parallel_loop3A_112 = arith.constant 0 : index
        %parallel_loop3A_113 = tpu.vector_load %arg10[%parallel_loop3A_111, %parallel_loop3A_112] {strides = array<i32>} : memref<1000x32xf32, #tpu.memory_space<vmem>>, vector<1x16xf32>,
        %parallel_loop3A_114 = vector.shape_cast %parallel_loop3A_113 : vector<1x16xf32> to vector<16xf32>
        %parallel_loop3A_115 = arith.subf %parallel_loop3A_106, %parallel_loop3A_114 : vector<16xf32>
        %parallel_loop3A_116 = arith.constant 0.000000e+00 : f32
        %parallel_loop3A_117 = vector.broadcast %parallel_loop3A_116 : f32 to vector<16xf32>
        %parallel_loop3A_118 = arith.maximumf %parallel_loop3A_115, %parallel_loop3A_117 : vector<16xf32>
        %parallel_loop3A_119 = arith.index_cast %parallel_loop3A_48 : i32 to index
        %parallel_loop3A_120 = arith.constant 32 : index
        %parallel_loop3A_121 = tpu.vector_load %arg11[%parallel_loop3A_119, %parallel_loop3A_120] {strides = array<i32>} : memref<250x128xf32, #tpu.memory_space<vmem>>, vector<1x16xf32>,
        %parallel_loop3A_122 = vector.shape_cast %parallel_loop3A_121 : vector<1x16xf32> to vector<16xf32>
        %parallel_loop3A_123 = vector.shape_cast %parallel_loop3A_118 : vector<16xf32> to vector<1x16xf32>
        tpu.vector_store %arg11[%parallel_loop3A_119, %parallel_loop3A_120], %parallel_loop3A_123 {strides = array<i32>} : memref<250x128xf32, #tpu.memory_space<vmem>>, vector<1x16xf32>,
        %parallel_loop3A_124 = arith.constant 4 : i32
        %parallel_loop3A_125 = arith.muli %parallel_loop3A_48, %parallel_loop3A_124 : i32
        %parallel_loop3A_126 = arith.constant 1 : i32
        %parallel_loop3A_127 = arith.addi %parallel_loop3A_125, %parallel_loop3A_126 : i32
        %parallel_loop3A_128 = arith.index_cast %parallel_loop3A_127 : i32 to index
        %parallel_loop3A_129 = arith.constant 16 : index
        %parallel_loop3A_130 = tpu.vector_load %arg9[%parallel_loop3A_128, %parallel_loop3A_129] {strides = array<i32>} : memref<1000x32xf32, #tpu.memory_space<vmem>>, vector<1x16xf32>,
        %parallel_loop3A_131 = vector.shape_cast %parallel_loop3A_130 : vector<1x16xf32> to vector<16xf32>
        %parallel_loop3A_132 = arith.constant 4 : i32
        %parallel_loop3A_133 = arith.muli %parallel_loop3A_48, %parallel_loop3A_132 : i32
        %parallel_loop3A_134 = arith.constant 1 : i32
        %parallel_loop3A_135 = arith.addi %parallel_loop3A_133, %parallel_loop3A_134 : i32
        %parallel_loop3A_136 = arith.index_cast %parallel_loop3A_135 : i32 to index
        %parallel_loop3A_137 = arith.constant 16 : index
        %parallel_loop3A_138 = tpu.vector_load %arg10[%parallel_loop3A_136, %parallel_loop3A_137] {strides = array<i32>} : memref<1000x32xf32, #tpu.memory_space<vmem>>, vector<1x16xf32>,
        %parallel_loop3A_139 = vector.shape_cast %parallel_loop3A_138 : vector<1x16xf32> to vector<16xf32>
        %parallel_loop3A_140 = arith.subf %parallel_loop3A_131, %parallel_loop3A_139 : vector<16xf32>
        %parallel_loop3A_141 = arith.constant 0.000000e+00 : f32
        %parallel_loop3A_142 = vector.broadcast %parallel_loop3A_141 : f32 to vector<16xf32>
        %parallel_loop3A_143 = arith.maximumf %parallel_loop3A_140, %parallel_loop3A_142 : vector<16xf32>
        %parallel_loop3A_144 = arith.index_cast %parallel_loop3A_48 : i32 to index
        %parallel_loop3A_145 = arith.constant 48 : index
        %parallel_loop3A_146 = tpu.vector_load %arg11[%parallel_loop3A_144, %parallel_loop3A_145] {strides = array<i32>} : memref<250x128xf32, #tpu.memory_space<vmem>>, vector<1x16xf32>,
        %parallel_loop3A_147 = vector.shape_cast %parallel_loop3A_146 : vector<1x16xf32> to vector<16xf32>
        %parallel_loop3A_148 = vector.shape_cast %parallel_loop3A_143 : vector<16xf32> to vector<1x16xf32>
        tpu.vector_store %arg11[%parallel_loop3A_144, %parallel_loop3A_145], %parallel_loop3A_148 {strides = array<i32>} : memref<250x128xf32, #tpu.memory_space<vmem>>, vector<1x16xf32>,
        %parallel_loop3A_149 = arith.constant 4 : i32
        %parallel_loop3A_150 = arith.muli %parallel_loop3A_48, %parallel_loop3A_149 : i32
        %parallel_loop3A_151 = arith.constant 2 : i32
        %parallel_loop3A_152 = arith.addi %parallel_loop3A_150, %parallel_loop3A_151 : i32
        %parallel_loop3A_153 = arith.index_cast %parallel_loop3A_152 : i32 to index
        %parallel_loop3A_154 = arith.constant 0 : index
        %parallel_loop3A_155 = tpu.vector_load %arg9[%parallel_loop3A_153, %parallel_loop3A_154] {strides = array<i32>} : memref<1000x32xf32, #tpu.memory_space<vmem>>, vector<1x16xf32>,
        %parallel_loop3A_156 = vector.shape_cast %parallel_loop3A_155 : vector<1x16xf32> to vector<16xf32>
        %parallel_loop3A_157 = arith.constant 4 : i32
        %parallel_loop3A_158 = arith.muli %parallel_loop3A_48, %parallel_loop3A_157 : i32
        %parallel_loop3A_159 = arith.constant 2 : i32
        %parallel_loop3A_160 = arith.addi %parallel_loop3A_158, %parallel_loop3A_159 : i32
        %parallel_loop3A_161 = arith.index_cast %parallel_loop3A_160 : i32 to index
        %parallel_loop3A_162 = arith.constant 0 : index
        %parallel_loop3A_163 = tpu.vector_load %arg10[%parallel_loop3A_161, %parallel_loop3A_162] {strides = array<i32>} : memref<1000x32xf32, #tpu.memory_space<vmem>>, vector<1x16xf32>,
        %parallel_loop3A_164 = vector.shape_cast %parallel_loop3A_163 : vector<1x16xf32> to vector<16xf32>
        %parallel_loop3A_165 = arith.subf %parallel_loop3A_156, %parallel_loop3A_164 : vector<16xf32>
        %parallel_loop3A_166 = arith.constant 0.000000e+00 : f32
        %parallel_loop3A_167 = vector.broadcast %parallel_loop3A_166 : f32 to vector<16xf32>
        %parallel_loop3A_168 = arith.maximumf %parallel_loop3A_165, %parallel_loop3A_167 : vector<16xf32>
        %parallel_loop3A_169 = arith.index_cast %parallel_loop3A_48 : i32 to index
        %parallel_loop3A_170 = arith.constant 64 : index
        %parallel_loop3A_171 = tpu.vector_load %arg11[%parallel_loop3A_169, %parallel_loop3A_170] {strides = array<i32>} : memref<250x128xf32, #tpu.memory_space<vmem>>, vector<1x16xf32>,
        %parallel_loop3A_172 = vector.shape_cast %parallel_loop3A_171 : vector<1x16xf32> to vector<16xf32>
        %parallel_loop3A_173 = vector.shape_cast %parallel_loop3A_168 : vector<16xf32> to vector<1x16xf32>
        tpu.vector_store %arg11[%parallel_loop3A_169, %parallel_loop3A_170], %parallel_loop3A_173 {strides = array<i32>} : memref<250x128xf32, #tpu.memory_space<vmem>>, vector<1x16xf32>,
        %parallel_loop3A_174 = arith.constant 4 : i32
        %parallel_loop3A_175 = arith.muli %parallel_loop3A_48, %parallel_loop3A_174 : i32
        %parallel_loop3A_176 = arith.constant 2 : i32
        %parallel_loop3A_177 = arith.addi %parallel_loop3A_175, %parallel_loop3A_176 : i32
        %parallel_loop3A_178 = arith.index_cast %parallel_loop3A_177 : i32 to index
        %parallel_loop3A_179 = arith.constant 16 : index
        %parallel_loop3A_180 = tpu.vector_load %arg9[%parallel_loop3A_178, %parallel_loop3A_179] {strides = array<i32>} : memref<1000x32xf32, #tpu.memory_space<vmem>>, vector<1x16xf32>,
        %parallel_loop3A_181 = vector.shape_cast %parallel_loop3A_180 : vector<1x16xf32> to vector<16xf32>
        %parallel_loop3A_182 = arith.constant 4 : i32
        %parallel_loop3A_183 = arith.muli %parallel_loop3A_48, %parallel_loop3A_182 : i32
        %parallel_loop3A_184 = arith.constant 2 : i32
        %parallel_loop3A_185 = arith.addi %parallel_loop3A_183, %parallel_loop3A_184 : i32
        %parallel_loop3A_186 = arith.index_cast %parallel_loop3A_185 : i32 to index
        %parallel_loop3A_187 = arith.constant 16 : index
        %parallel_loop3A_188 = tpu.vector_load %arg10[%parallel_loop3A_186, %parallel_loop3A_187] {strides = array<i32>} : memref<1000x32xf32, #tpu.memory_space<vmem>>, vector<1x16xf32>,
        %parallel_loop3A_189 = vector.shape_cast %parallel_loop3A_188 : vector<1x16xf32> to vector<16xf32>
        %parallel_loop3A_190 = arith.subf %parallel_loop3A_181, %parallel_loop3A_189 : vector<16xf32>
        %parallel_loop3A_191 = arith.constant 0.000000e+00 : f32
        %parallel_loop3A_192 = vector.broadcast %parallel_loop3A_191 : f32 to vector<16xf32>
        %parallel_loop3A_193 = arith.maximumf %parallel_loop3A_190, %parallel_loop3A_192 : vector<16xf32>
        %parallel_loop3A_194 = arith.index_cast %parallel_loop3A_48 : i32 to index
        %parallel_loop3A_195 = arith.constant 80 : index
        %parallel_loop3A_196 = tpu.vector_load %arg11[%parallel_loop3A_194, %parallel_loop3A_195] {strides = array<i32>} : memref<250x128xf32, #tpu.memory_space<vmem>>, vector<1x16xf32>,
        %parallel_loop3A_197 = vector.shape_cast %parallel_loop3A_196 : vector<1x16xf32> to vector<16xf32>
        %parallel_loop3A_198 = vector.shape_cast %parallel_loop3A_193 : vector<16xf32> to vector<1x16xf32>
        tpu.vector_store %arg11[%parallel_loop3A_194, %parallel_loop3A_195], %parallel_loop3A_198 {strides = array<i32>} : memref<250x128xf32, #tpu.memory_space<vmem>>, vector<1x16xf32>,
        %parallel_loop3A_199 = arith.constant 4 : i32
        %parallel_loop3A_200 = arith.muli %parallel_loop3A_48, %parallel_loop3A_199 : i32
        %parallel_loop3A_201 = arith.constant 3 : i32
        %parallel_loop3A_202 = arith.addi %parallel_loop3A_200, %parallel_loop3A_201 : i32
        %parallel_loop3A_203 = arith.index_cast %parallel_loop3A_202 : i32 to index
        %parallel_loop3A_204 = arith.constant 0 : index
        %parallel_loop3A_205 = tpu.vector_load %arg9[%parallel_loop3A_203, %parallel_loop3A_204] {strides = array<i32>} : memref<1000x32xf32, #tpu.memory_space<vmem>>, vector<1x16xf32>,
        %parallel_loop3A_206 = vector.shape_cast %parallel_loop3A_205 : vector<1x16xf32> to vector<16xf32>
        %parallel_loop3A_207 = arith.constant 4 : i32
        %parallel_loop3A_208 = arith.muli %parallel_loop3A_48, %parallel_loop3A_207 : i32
        %parallel_loop3A_209 = arith.constant 3 : i32
        %parallel_loop3A_210 = arith.addi %parallel_loop3A_208, %parallel_loop3A_209 : i32
        %parallel_loop3A_211 = arith.index_cast %parallel_loop3A_210 : i32 to index
        %parallel_loop3A_212 = arith.constant 0 : index
        %parallel_loop3A_213 = tpu.vector_load %arg10[%parallel_loop3A_211, %parallel_loop3A_212] {strides = array<i32>} : memref<1000x32xf32, #tpu.memory_space<vmem>>, vector<1x16xf32>,
        %parallel_loop3A_214 = vector.shape_cast %parallel_loop3A_213 : vector<1x16xf32> to vector<16xf32>
        %parallel_loop3A_215 = arith.subf %parallel_loop3A_206, %parallel_loop3A_214 : vector<16xf32>
        %parallel_loop3A_216 = arith.constant 0.000000e+00 : f32
        %parallel_loop3A_217 = vector.broadcast %parallel_loop3A_216 : f32 to vector<16xf32>
        %parallel_loop3A_218 = arith.maximumf %parallel_loop3A_215, %parallel_loop3A_217 : vector<16xf32>
        %parallel_loop3A_219 = arith.index_cast %parallel_loop3A_48 : i32 to index
        %parallel_loop3A_220 = arith.constant 96 : index
        %parallel_loop3A_221 = tpu.vector_load %arg11[%parallel_loop3A_219, %parallel_loop3A_220] {strides = array<i32>} : memref<250x128xf32, #tpu.memory_space<vmem>>, vector<1x16xf32>,
        %parallel_loop3A_222 = vector.shape_cast %parallel_loop3A_221 : vector<1x16xf32> to vector<16xf32>
        %parallel_loop3A_223 = vector.shape_cast %parallel_loop3A_218 : vector<16xf32> to vector<1x16xf32>
        tpu.vector_store %arg11[%parallel_loop3A_219, %parallel_loop3A_220], %parallel_loop3A_223 {strides = array<i32>} : memref<250x128xf32, #tpu.memory_space<vmem>>, vector<1x16xf32>,
        %parallel_loop3A_224 = arith.constant 4 : i32
        %parallel_loop3A_225 = arith.muli %parallel_loop3A_48, %parallel_loop3A_224 : i32
        %parallel_loop3A_226 = arith.constant 3 : i32
        %parallel_loop3A_227 = arith.addi %parallel_loop3A_225, %parallel_loop3A_226 : i32
        %parallel_loop3A_228 = arith.index_cast %parallel_loop3A_227 : i32 to index
        %parallel_loop3A_229 = arith.constant 16 : index
        %parallel_loop3A_230 = tpu.vector_load %arg9[%parallel_loop3A_228, %parallel_loop3A_229] {strides = array<i32>} : memref<1000x32xf32, #tpu.memory_space<vmem>>, vector<1x16xf32>,
        %parallel_loop3A_231 = vector.shape_cast %parallel_loop3A_230 : vector<1x16xf32> to vector<16xf32>
        %parallel_loop3A_232 = arith.constant 4 : i32
        %parallel_loop3A_233 = arith.muli %parallel_loop3A_48, %parallel_loop3A_232 : i32
        %parallel_loop3A_234 = arith.constant 3 : i32
        %parallel_loop3A_235 = arith.addi %parallel_loop3A_233, %parallel_loop3A_234 : i32
        %parallel_loop3A_236 = arith.index_cast %parallel_loop3A_235 : i32 to index
        %parallel_loop3A_237 = arith.constant 16 : index
        %parallel_loop3A_238 = tpu.vector_load %arg10[%parallel_loop3A_236, %parallel_loop3A_237] {strides = array<i32>} : memref<1000x32xf32, #tpu.memory_space<vmem>>, vector<1x16xf32>,
        %parallel_loop3A_239 = vector.shape_cast %parallel_loop3A_238 : vector<1x16xf32> to vector<16xf32>
        %parallel_loop3A_240 = arith.subf %parallel_loop3A_231, %parallel_loop3A_239 : vector<16xf32>
        %parallel_loop3A_241 = arith.constant 0.000000e+00 : f32
        %parallel_loop3A_242 = vector.broadcast %parallel_loop3A_241 : f32 to vector<16xf32>
        %parallel_loop3A_243 = arith.maximumf %parallel_loop3A_240, %parallel_loop3A_242 : vector<16xf32>
        %parallel_loop3A_244 = arith.index_cast %parallel_loop3A_48 : i32 to index
        %parallel_loop3A_245 = arith.constant 112 : index
        %parallel_loop3A_246 = tpu.vector_load %arg11[%parallel_loop3A_244, %parallel_loop3A_245] {strides = array<i32>} : memref<250x128xf32, #tpu.memory_space<vmem>>, vector<1x16xf32>,
        %parallel_loop3A_247 = vector.shape_cast %parallel_loop3A_246 : vector<1x16xf32> to vector<16xf32>
        %parallel_loop3A_248 = vector.shape_cast %parallel_loop3A_243 : vector<16xf32> to vector<1x16xf32>
        tpu.vector_store %arg11[%parallel_loop3A_244, %parallel_loop3A_245], %parallel_loop3A_248 {strides = array<i32>} : memref<250x128xf32, #tpu.memory_space<vmem>>, vector<1x16xf32>,
      } {sc.loop_unroll_factor = 4 : i64, sc.parallel_access}
      %jit3A = arith.constant 4 : i32
      %div3A = arith.divsi %add3A_11, %jit3A : i32
      %sign3A = arith.constant 0 : i32
      %sign3A_32 = arith.cmpi sgt, %add3A_11, %sign3A : i32
      %sign3A_33 = arith.extui %sign3A_32 : i1 to i32
      %sign3A_34 = arith.constant 0 : i32
      %sign3A_35 = arith.cmpi slt, %add3A_11, %sign3A_34 : i32
      %sign3A_36 = arith.extui %sign3A_35 : i1 to i32
      %sign3A_37 = arith.subi %sign3A_33, %sign3A_36 : i32
      %sign3A_38 = arith.constant 0 : i32
      %sign3A_39 = arith.cmpi sgt, %jit3A, %sign3A_38 : i32
      %sign3A_40 = arith.extui %sign3A_39 : i1 to i32
      %sign3A_41 = arith.constant 0 : i32
      %sign3A_42 = arith.cmpi slt, %jit3A, %sign3A_41 : i32
      %sign3A_43 = arith.extui %sign3A_42 : i1 to i32
      %sign3A_44 = arith.subi %sign3A_40, %sign3A_43 : i32
      %ne3A = arith.cmpi ne, %sign3A_37, %sign3A_44 : i32
      %rem3A = arith.remsi %add3A_11, %jit3A : i32
      %ne3A_45 = arith.constant 0 : i32
      %ne3A_46 = arith.cmpi ne, %rem3A, %ne3A_45 : i32
      %and3A = arith.andi %ne3A, %ne3A_46 : i1
      %sub3A = arith.constant 1 : i32
      %sub3A_47 = arith.subi %div3A, %sub3A : i32
      %select_n3A = arith.select %and3A, %sub3A_47, %div3A : i32
      "tpu.region"() ({
        %run_scoped3A = tpu.sem_alloc : memref<!tpu.dma_semaphore, #tpu.memory_space<semaphore_mem>>
        %dma_start3A_48 = arith.constant 0 : i32
        %dma_start3A_49 = tpu.memref_slice %arg6[%select_n3A, %dma_start3A_48] : memref<400000x128xf32, #tpu.memory_space<hbm>> -> memref<250x128xf32, #tpu.memory_space<hbm>>
        %dma_start3A_50 = arith.constant 0 : i32
        %dma_start3A_51 = tpu.memref_slice %arg6[%select_n3A, %dma_start3A_50] : memref<400000x128xf32, #tpu.memory_space<hbm>> -> memref<250x128xf32, #tpu.memory_space<hbm>>
        tpu.enqueue_dma source(%arg11 : memref<250x128xf32, #tpu.memory_space<vmem>>) target(%dma_start3A_51 : memref<250x128xf32, #tpu.memory_space<hbm>>) target_semaphore(%run_scoped3A : memref<!tpu.dma_semaphore, #tpu.memory_space<semaphore_mem>>)
        %dma_wait3A_52 = arith.constant 0 : i32
        %dma_wait3A_53 = tpu.memref_slice %arg6[%select_n3A, %dma_wait3A_52] : memref<400000x128xf32, #tpu.memory_space<hbm>> -> memref<250x128xf32, #tpu.memory_space<hbm>>
        %dma_wait3A_54 = arith.constant 0 : i32
        %dma_wait3A_55 = tpu.memref_slice %arg6[%select_n3A, %dma_wait3A_54] : memref<400000x128xf32, #tpu.memory_space<hbm>> -> memref<250x128xf32, #tpu.memory_space<hbm>>
        tpu.wait_dma2 semaphore(%run_scoped3A : memref<!tpu.dma_semaphore, #tpu.memory_space<semaphore_mem>>) src(%arg11 : memref<250x128xf32, #tpu.memory_space<vmem>>) dst(%dma_wait3A_55 : memref<250x128xf32, #tpu.memory_space<hbm>>)
        tpu.yield
      }) : () -> ()
    }
    %scan3A_7 = arith.constant 50 : i32
    return
  }
}

#map = affine_map<(d0, d1) -> (0, 0)>
#map1 = affine_map<(d0, d1) -> (0)>
module attributes {stable_mosaic.version = 14 : i64} {
  func.func @k(%arg0: i32, %arg1: i32, %arg2: memref<100000x32xf32, #tpu.memory_space<hbm>>, %arg3: memref<100000x32xf32, #tpu.memory_space<hbm>>, %arg4: memref<1600000xi32, #tpu.memory_space<hbm>>, %arg5: memref<1600000xi32, #tpu.memory_space<hbm>>, %arg6: memref<400000x128xf32, #tpu.memory_space<hbm>>, %arg7: memref<1000xi32, #tpu.memory_space<vmem>>, %arg8: memref<1000xi32, #tpu.memory_space<vmem>>, %arg9: memref<1000x32xf32, #tpu.memory_space<vmem>>, %arg10: memref<1000x32xf32, #tpu.memory_space<vmem>>, %arg11: memref<250x128xf32, #tpu.memory_space<vmem>>, %arg12: memref<!tpu.dma_semaphore, #tpu.memory_space<semaphore_mem>>, %arg13: memref<!tpu.dma_semaphore, #tpu.memory_space<semaphore_mem>>) attributes {dimension_semantics = [#tpu.dimension_semantics<core_parallel>, #tpu.dimension_semantics<subcore_parallel>], iteration_bounds = array<i64: 2, 16>, scalar_prefetch = 0 : i64, scratch_operands = 7 : i64, tpu.core_type = #tpu.core_type<sc_vector_subcore>, window_params = [{transform_indices = #map}, {transform_indices = #map}, {transform_indices = #map1}, {transform_indices = #map1}, {transform_indices = #map}]} {
    %mul3A = arith.constant 2 : i32
    %mul3A_0 = arith.muli %arg1, %mul3A : i32
    %add3A = arith.addi %mul3A_0, %arg0 : i32
    %mul3A_1 = arith.constant 50000 : i32
    %mul3A_2 = arith.muli %add3A, %mul3A_1 : i32
    %scan3A = arith.constant 0 : i32
    %scan3A_3 = arith.constant 0 : i32
    %scan3A_4 = arith.constant 50 : i32
    %scan3A_5 = arith.addi %scan3A_3, %scan3A_4 : i32
    %scan3A_6 = arith.constant 1 : i32
    scf.for %scan3A_8 = %scan3A_3 to %scan3A_5 step %scan3A_6  : i32 {
      %mul3A_9 = arith.constant 1000 : i32
      %mul3A_10 = arith.muli %scan3A_8, %mul3A_9 : i32
      %add3A_11 = arith.addi %mul3A_2, %mul3A_10 : i32
      %dma_start3A = tpu.memref_slice %arg4[%add3A_11] : memref<1600000xi32, #tpu.memory_space<hbm>> -> memref<1000xi32, #tpu.memory_space<hbm>>
      %dma_start3A_12 = tpu.memref_slice %arg4[%add3A_11] : memref<1600000xi32, #tpu.memory_space<hbm>> -> memref<1000xi32, #tpu.memory_space<hbm>>
      tpu.enqueue_dma source(%dma_start3A_12 : memref<1000xi32, #tpu.memory_space<hbm>>) target(%arg7 : memref<1000xi32, #tpu.memory_space<vmem>>) target_semaphore(%arg12 : memref<!tpu.dma_semaphore, #tpu.memory_space<semaphore_mem>>)
      %dma_start3A_13 = tpu.memref_slice %arg5[%add3A_11] : memref<1600000xi32, #tpu.memory_space<hbm>> -> memref<1000xi32, #tpu.memory_space<hbm>>
      %dma_start3A_14 = tpu.memref_slice %arg5[%add3A_11] : memref<1600000xi32, #tpu.memory_space<hbm>> -> memref<1000xi32, #tpu.memory_space<hbm>>
      tpu.enqueue_dma source(%dma_start3A_14 : memref<1000xi32, #tpu.memory_space<hbm>>) target(%arg8 : memref<1000xi32, #tpu.memory_space<vmem>>) target_semaphore(%arg13 : memref<!tpu.dma_semaphore, #tpu.memory_space<semaphore_mem>>)
      %dma_wait3A = tpu.memref_slice %arg4[%add3A_11] : memref<1600000xi32, #tpu.memory_space<hbm>> -> memref<1000xi32, #tpu.memory_space<hbm>>
      %dma_wait3A_15 = tpu.memref_slice %arg4[%add3A_11] : memref<1600000xi32, #tpu.memory_space<hbm>> -> memref<1000xi32, #tpu.memory_space<hbm>>
      tpu.wait_dma2 semaphore(%arg12 : memref<!tpu.dma_semaphore, #tpu.memory_space<semaphore_mem>>) src(%dma_wait3A_15 : memref<1000xi32, #tpu.memory_space<hbm>>) dst(%arg7 : memref<1000xi32, #tpu.memory_space<vmem>>)
      %dma_wait3A_16 = tpu.memref_slice %arg5[%add3A_11] : memref<1600000xi32, #tpu.memory_space<hbm>> -> memref<1000xi32, #tpu.memory_space<hbm>>
      %dma_wait3A_17 = tpu.memref_slice %arg5[%add3A_11] : memref<1600000xi32, #tpu.memory_space<hbm>> -> memref<1000xi32, #tpu.memory_space<hbm>>
      tpu.wait_dma2 semaphore(%arg13 : memref<!tpu.dma_semaphore, #tpu.memory_space<semaphore_mem>>) src(%dma_wait3A_17 : memref<1000xi32, #tpu.memory_space<hbm>>) dst(%arg8 : memref<1000xi32, #tpu.memory_space<vmem>>)
      %dma_start3A_18 = arith.constant 0 : i32
      %dma_start3A_19 = arith.constant 0 : i32
      %dma_start3A_20 = tpu.memref_slice %arg2[%dma_start3A_18, %dma_start3A_19] : memref<100000x32xf32, #tpu.memory_space<hbm>> -> memref<100000x32xf32, #tpu.memory_space<hbm>>
      tpu.enqueue_indirect_dma source(%dma_start3A_20 : memref<100000x32xf32, #tpu.memory_space<hbm>>) target(%arg9 : memref<1000x32xf32, #tpu.memory_space<vmem>>) offsets(%arg7 : memref<1000xi32, #tpu.memory_space<vmem>>) semaphore(%arg12 : memref<!tpu.dma_semaphore, #tpu.memory_space<semaphore_mem>>)
      %dma_start3A_21 = arith.constant 0 : i32
      %dma_start3A_22 = arith.constant 0 : i32
      %dma_start3A_23 = tpu.memref_slice %arg3[%dma_start3A_21, %dma_start3A_22] : memref<100000x32xf32, #tpu.memory_space<hbm>> -> memref<100000x32xf32, #tpu.memory_space<hbm>>
      tpu.enqueue_indirect_dma source(%dma_start3A_23 : memref<100000x32xf32, #tpu.memory_space<hbm>>) target(%arg10 : memref<1000x32xf32, #tpu.memory_space<vmem>>) offsets(%arg8 : memref<1000xi32, #tpu.memory_space<vmem>>) semaphore(%arg13 : memref<!tpu.dma_semaphore, #tpu.memory_space<semaphore_mem>>)
      %dma_wait3A_24 = arith.constant 0 : i32
      %dma_wait3A_25 = arith.constant 0 : i32
      %dma_wait3A_26 = tpu.memref_slice %arg2[%dma_wait3A_24, %dma_wait3A_25] : memref<100000x32xf32, #tpu.memory_space<hbm>> -> memref<100000x32xf32, #tpu.memory_space<hbm>>
      tpu.wait_indirect_dma semaphore(%arg12 : memref<!tpu.dma_semaphore, #tpu.memory_space<semaphore_mem>>) src(%dma_wait3A_26 : memref<100000x32xf32, #tpu.memory_space<hbm>>) dst(%arg9 : memref<1000x32xf32, #tpu.memory_space<vmem>>)
      %dma_wait3A_27 = arith.constant 0 : i32
      %dma_wait3A_28 = arith.constant 0 : i32
      %dma_wait3A_29 = tpu.memref_slice %arg3[%dma_wait3A_27, %dma_wait3A_28] : memref<100000x32xf32, #tpu.memory_space<hbm>> -> memref<100000x32xf32, #tpu.memory_space<hbm>>
      tpu.wait_indirect_dma semaphore(%arg13 : memref<!tpu.dma_semaphore, #tpu.memory_space<semaphore_mem>>) src(%dma_wait3A_29 : memref<100000x32xf32, #tpu.memory_space<hbm>>) dst(%arg10 : memref<1000x32xf32, #tpu.memory_space<vmem>>)
      %parallel_loop3A = arith.constant 0 : i32
      %parallel_loop3A_30 = arith.constant 250 : i32
      %parallel_loop3A_31 = arith.constant 1 : i32
      scf.for %parallel_loop3A_48 = %parallel_loop3A to %parallel_loop3A_30 step %parallel_loop3A_31  : i32 {
        %parallel_loop3A_49 = arith.constant 4 : i32
        %parallel_loop3A_50 = arith.muli %parallel_loop3A_48, %parallel_loop3A_49 : i32
        %parallel_loop3A_51 = arith.constant 0 : i32
        %parallel_loop3A_52 = arith.addi %parallel_loop3A_50, %parallel_loop3A_51 : i32
        %parallel_loop3A_53 = arith.index_cast %parallel_loop3A_52 : i32 to index
        %parallel_loop3A_54 = arith.constant 0 : index
        %parallel_loop3A_55 = tpu.vector_load %arg9[%parallel_loop3A_53, %parallel_loop3A_54] {strides = array<i32>} : memref<1000x32xf32, #tpu.memory_space<vmem>>, vector<1x16xf32>,
        %parallel_loop3A_56 = vector.shape_cast %parallel_loop3A_55 : vector<1x16xf32> to vector<16xf32>
        %parallel_loop3A_57 = arith.constant 4 : i32
        %parallel_loop3A_58 = arith.muli %parallel_loop3A_48, %parallel_loop3A_57 : i32
        %parallel_loop3A_59 = arith.constant 0 : i32
        %parallel_loop3A_60 = arith.addi %parallel_loop3A_58, %parallel_loop3A_59 : i32
        %parallel_loop3A_61 = arith.index_cast %parallel_loop3A_60 : i32 to index
        %parallel_loop3A_62 = arith.constant 0 : index
        %parallel_loop3A_63 = tpu.vector_load %arg10[%parallel_loop3A_61, %parallel_loop3A_62] {strides = array<i32>} : memref<1000x32xf32, #tpu.memory_space<vmem>>, vector<1x16xf32>,
        %parallel_loop3A_64 = vector.shape_cast %parallel_loop3A_63 : vector<1x16xf32> to vector<16xf32>
        %parallel_loop3A_65 = arith.subf %parallel_loop3A_56, %parallel_loop3A_64 : vector<16xf32>
        %parallel_loop3A_66 = arith.constant 0.000000e+00 : f32
        %parallel_loop3A_67 = vector.broadcast %parallel_loop3A_66 : f32 to vector<16xf32>
        %parallel_loop3A_68 = arith.maximumf %parallel_loop3A_65, %parallel_loop3A_67 : vector<16xf32>
        %parallel_loop3A_69 = arith.index_cast %parallel_loop3A_48 : i32 to index
        %parallel_loop3A_70 = arith.constant 0 : index
        %parallel_loop3A_71 = tpu.vector_load %arg11[%parallel_loop3A_69, %parallel_loop3A_70] {strides = array<i32>} : memref<250x128xf32, #tpu.memory_space<vmem>>, vector<1x16xf32>,
        %parallel_loop3A_72 = vector.shape_cast %parallel_loop3A_71 : vector<1x16xf32> to vector<16xf32>
        %parallel_loop3A_73 = vector.shape_cast %parallel_loop3A_68 : vector<16xf32> to vector<1x16xf32>
        tpu.vector_store %arg11[%parallel_loop3A_69, %parallel_loop3A_70], %parallel_loop3A_73 {strides = array<i32>} : memref<250x128xf32, #tpu.memory_space<vmem>>, vector<1x16xf32>,
        %parallel_loop3A_74 = arith.constant 4 : i32
        %parallel_loop3A_75 = arith.muli %parallel_loop3A_48, %parallel_loop3A_74 : i32
        %parallel_loop3A_76 = arith.constant 0 : i32
        %parallel_loop3A_77 = arith.addi %parallel_loop3A_75, %parallel_loop3A_76 : i32
        %parallel_loop3A_78 = arith.index_cast %parallel_loop3A_77 : i32 to index
        %parallel_loop3A_79 = arith.constant 16 : index
        %parallel_loop3A_80 = tpu.vector_load %arg9[%parallel_loop3A_78, %parallel_loop3A_79] {strides = array<i32>} : memref<1000x32xf32, #tpu.memory_space<vmem>>, vector<1x16xf32>,
        %parallel_loop3A_81 = vector.shape_cast %parallel_loop3A_80 : vector<1x16xf32> to vector<16xf32>
        %parallel_loop3A_82 = arith.constant 4 : i32
        %parallel_loop3A_83 = arith.muli %parallel_loop3A_48, %parallel_loop3A_82 : i32
        %parallel_loop3A_84 = arith.constant 0 : i32
        %parallel_loop3A_85 = arith.addi %parallel_loop3A_83, %parallel_loop3A_84 : i32
        %parallel_loop3A_86 = arith.index_cast %parallel_loop3A_85 : i32 to index
        %parallel_loop3A_87 = arith.constant 16 : index
        %parallel_loop3A_88 = tpu.vector_load %arg10[%parallel_loop3A_86, %parallel_loop3A_87] {strides = array<i32>} : memref<1000x32xf32, #tpu.memory_space<vmem>>, vector<1x16xf32>,
        %parallel_loop3A_89 = vector.shape_cast %parallel_loop3A_88 : vector<1x16xf32> to vector<16xf32>
        %parallel_loop3A_90 = arith.subf %parallel_loop3A_81, %parallel_loop3A_89 : vector<16xf32>
        %parallel_loop3A_91 = arith.constant 0.000000e+00 : f32
        %parallel_loop3A_92 = vector.broadcast %parallel_loop3A_91 : f32 to vector<16xf32>
        %parallel_loop3A_93 = arith.maximumf %parallel_loop3A_90, %parallel_loop3A_92 : vector<16xf32>
        %parallel_loop3A_94 = arith.index_cast %parallel_loop3A_48 : i32 to index
        %parallel_loop3A_95 = arith.constant 16 : index
        %parallel_loop3A_96 = tpu.vector_load %arg11[%parallel_loop3A_94, %parallel_loop3A_95] {strides = array<i32>} : memref<250x128xf32, #tpu.memory_space<vmem>>, vector<1x16xf32>,
        %parallel_loop3A_97 = vector.shape_cast %parallel_loop3A_96 : vector<1x16xf32> to vector<16xf32>
        %parallel_loop3A_98 = vector.shape_cast %parallel_loop3A_93 : vector<16xf32> to vector<1x16xf32>
        tpu.vector_store %arg11[%parallel_loop3A_94, %parallel_loop3A_95], %parallel_loop3A_98 {strides = array<i32>} : memref<250x128xf32, #tpu.memory_space<vmem>>, vector<1x16xf32>,
        %parallel_loop3A_99 = arith.constant 4 : i32
        %parallel_loop3A_100 = arith.muli %parallel_loop3A_48, %parallel_loop3A_99 : i32
        %parallel_loop3A_101 = arith.constant 1 : i32
        %parallel_loop3A_102 = arith.addi %parallel_loop3A_100, %parallel_loop3A_101 : i32
        %parallel_loop3A_103 = arith.index_cast %parallel_loop3A_102 : i32 to index
        %parallel_loop3A_104 = arith.constant 0 : index
        %parallel_loop3A_105 = tpu.vector_load %arg9[%parallel_loop3A_103, %parallel_loop3A_104] {strides = array<i32>} : memref<1000x32xf32, #tpu.memory_space<vmem>>, vector<1x16xf32>,
        %parallel_loop3A_106 = vector.shape_cast %parallel_loop3A_105 : vector<1x16xf32> to vector<16xf32>
        %parallel_loop3A_107 = arith.constant 4 : i32
        %parallel_loop3A_108 = arith.muli %parallel_loop3A_48, %parallel_loop3A_107 : i32
        %parallel_loop3A_109 = arith.constant 1 : i32
        %parallel_loop3A_110 = arith.addi %parallel_loop3A_108, %parallel_loop3A_109 : i32
        %parallel_loop3A_111 = arith.index_cast %parallel_loop3A_110 : i32 to index
        %parallel_loop3A_112 = arith.constant 0 : index
        %parallel_loop3A_113 = tpu.vector_load %arg10[%parallel_loop3A_111, %parallel_loop3A_112] {strides = array<i32>} : memref<1000x32xf32, #tpu.memory_space<vmem>>, vector<1x16xf32>,
        %parallel_loop3A_114 = vector.shape_cast %parallel_loop3A_113 : vector<1x16xf32> to vector<16xf32>
        %parallel_loop3A_115 = arith.subf %parallel_loop3A_106, %parallel_loop3A_114 : vector<16xf32>
        %parallel_loop3A_116 = arith.constant 0.000000e+00 : f32
        %parallel_loop3A_117 = vector.broadcast %parallel_loop3A_116 : f32 to vector<16xf32>
        %parallel_loop3A_118 = arith.maximumf %parallel_loop3A_115, %parallel_loop3A_117 : vector<16xf32>
        %parallel_loop3A_119 = arith.index_cast %parallel_loop3A_48 : i32 to index
        %parallel_loop3A_120 = arith.constant 32 : index
        %parallel_loop3A_121 = tpu.vector_load %arg11[%parallel_loop3A_119, %parallel_loop3A_120] {strides = array<i32>} : memref<250x128xf32, #tpu.memory_space<vmem>>, vector<1x16xf32>,
        %parallel_loop3A_122 = vector.shape_cast %parallel_loop3A_121 : vector<1x16xf32> to vector<16xf32>
        %parallel_loop3A_123 = vector.shape_cast %parallel_loop3A_118 : vector<16xf32> to vector<1x16xf32>
        tpu.vector_store %arg11[%parallel_loop3A_119, %parallel_loop3A_120], %parallel_loop3A_123 {strides = array<i32>} : memref<250x128xf32, #tpu.memory_space<vmem>>, vector<1x16xf32>,
        %parallel_loop3A_124 = arith.constant 4 : i32
        %parallel_loop3A_125 = arith.muli %parallel_loop3A_48, %parallel_loop3A_124 : i32
        %parallel_loop3A_126 = arith.constant 1 : i32
        %parallel_loop3A_127 = arith.addi %parallel_loop3A_125, %parallel_loop3A_126 : i32
        %parallel_loop3A_128 = arith.index_cast %parallel_loop3A_127 : i32 to index
        %parallel_loop3A_129 = arith.constant 16 : index
        %parallel_loop3A_130 = tpu.vector_load %arg9[%parallel_loop3A_128, %parallel_loop3A_129] {strides = array<i32>} : memref<1000x32xf32, #tpu.memory_space<vmem>>, vector<1x16xf32>,
        %parallel_loop3A_131 = vector.shape_cast %parallel_loop3A_130 : vector<1x16xf32> to vector<16xf32>
        %parallel_loop3A_132 = arith.constant 4 : i32
        %parallel_loop3A_133 = arith.muli %parallel_loop3A_48, %parallel_loop3A_132 : i32
        %parallel_loop3A_134 = arith.constant 1 : i32
        %parallel_loop3A_135 = arith.addi %parallel_loop3A_133, %parallel_loop3A_134 : i32
        %parallel_loop3A_136 = arith.index_cast %parallel_loop3A_135 : i32 to index
        %parallel_loop3A_137 = arith.constant 16 : index
        %parallel_loop3A_138 = tpu.vector_load %arg10[%parallel_loop3A_136, %parallel_loop3A_137] {strides = array<i32>} : memref<1000x32xf32, #tpu.memory_space<vmem>>, vector<1x16xf32>,
        %parallel_loop3A_139 = vector.shape_cast %parallel_loop3A_138 : vector<1x16xf32> to vector<16xf32>
        %parallel_loop3A_140 = arith.subf %parallel_loop3A_131, %parallel_loop3A_139 : vector<16xf32>
        %parallel_loop3A_141 = arith.constant 0.000000e+00 : f32
        %parallel_loop3A_142 = vector.broadcast %parallel_loop3A_141 : f32 to vector<16xf32>
        %parallel_loop3A_143 = arith.maximumf %parallel_loop3A_140, %parallel_loop3A_142 : vector<16xf32>
        %parallel_loop3A_144 = arith.index_cast %parallel_loop3A_48 : i32 to index
        %parallel_loop3A_145 = arith.constant 48 : index
        %parallel_loop3A_146 = tpu.vector_load %arg11[%parallel_loop3A_144, %parallel_loop3A_145] {strides = array<i32>} : memref<250x128xf32, #tpu.memory_space<vmem>>, vector<1x16xf32>,
        %parallel_loop3A_147 = vector.shape_cast %parallel_loop3A_146 : vector<1x16xf32> to vector<16xf32>
        %parallel_loop3A_148 = vector.shape_cast %parallel_loop3A_143 : vector<16xf32> to vector<1x16xf32>
        tpu.vector_store %arg11[%parallel_loop3A_144, %parallel_loop3A_145], %parallel_loop3A_148 {strides = array<i32>} : memref<250x128xf32, #tpu.memory_space<vmem>>, vector<1x16xf32>,
        %parallel_loop3A_149 = arith.constant 4 : i32
        %parallel_loop3A_150 = arith.muli %parallel_loop3A_48, %parallel_loop3A_149 : i32
        %parallel_loop3A_151 = arith.constant 2 : i32
        %parallel_loop3A_152 = arith.addi %parallel_loop3A_150, %parallel_loop3A_151 : i32
        %parallel_loop3A_153 = arith.index_cast %parallel_loop3A_152 : i32 to index
        %parallel_loop3A_154 = arith.constant 0 : index
        %parallel_loop3A_155 = tpu.vector_load %arg9[%parallel_loop3A_153, %parallel_loop3A_154] {strides = array<i32>} : memref<1000x32xf32, #tpu.memory_space<vmem>>, vector<1x16xf32>,
        %parallel_loop3A_156 = vector.shape_cast %parallel_loop3A_155 : vector<1x16xf32> to vector<16xf32>
        %parallel_loop3A_157 = arith.constant 4 : i32
        %parallel_loop3A_158 = arith.muli %parallel_loop3A_48, %parallel_loop3A_157 : i32
        %parallel_loop3A_159 = arith.constant 2 : i32
        %parallel_loop3A_160 = arith.addi %parallel_loop3A_158, %parallel_loop3A_159 : i32
        %parallel_loop3A_161 = arith.index_cast %parallel_loop3A_160 : i32 to index
        %parallel_loop3A_162 = arith.constant 0 : index
        %parallel_loop3A_163 = tpu.vector_load %arg10[%parallel_loop3A_161, %parallel_loop3A_162] {strides = array<i32>} : memref<1000x32xf32, #tpu.memory_space<vmem>>, vector<1x16xf32>,
        %parallel_loop3A_164 = vector.shape_cast %parallel_loop3A_163 : vector<1x16xf32> to vector<16xf32>
        %parallel_loop3A_165 = arith.subf %parallel_loop3A_156, %parallel_loop3A_164 : vector<16xf32>
        %parallel_loop3A_166 = arith.constant 0.000000e+00 : f32
        %parallel_loop3A_167 = vector.broadcast %parallel_loop3A_166 : f32 to vector<16xf32>
        %parallel_loop3A_168 = arith.maximumf %parallel_loop3A_165, %parallel_loop3A_167 : vector<16xf32>
        %parallel_loop3A_169 = arith.index_cast %parallel_loop3A_48 : i32 to index
        %parallel_loop3A_170 = arith.constant 64 : index
        %parallel_loop3A_171 = tpu.vector_load %arg11[%parallel_loop3A_169, %parallel_loop3A_170] {strides = array<i32>} : memref<250x128xf32, #tpu.memory_space<vmem>>, vector<1x16xf32>,
        %parallel_loop3A_172 = vector.shape_cast %parallel_loop3A_171 : vector<1x16xf32> to vector<16xf32>
        %parallel_loop3A_173 = vector.shape_cast %parallel_loop3A_168 : vector<16xf32> to vector<1x16xf32>
        tpu.vector_store %arg11[%parallel_loop3A_169, %parallel_loop3A_170], %parallel_loop3A_173 {strides = array<i32>} : memref<250x128xf32, #tpu.memory_space<vmem>>, vector<1x16xf32>,
        %parallel_loop3A_174 = arith.constant 4 : i32
        %parallel_loop3A_175 = arith.muli %parallel_loop3A_48, %parallel_loop3A_174 : i32
        %parallel_loop3A_176 = arith.constant 2 : i32
        %parallel_loop3A_177 = arith.addi %parallel_loop3A_175, %parallel_loop3A_176 : i32
        %parallel_loop3A_178 = arith.index_cast %parallel_loop3A_177 : i32 to index
        %parallel_loop3A_179 = arith.constant 16 : index
        %parallel_loop3A_180 = tpu.vector_load %arg9[%parallel_loop3A_178, %parallel_loop3A_179] {strides = array<i32>} : memref<1000x32xf32, #tpu.memory_space<vmem>>, vector<1x16xf32>,
        %parallel_loop3A_181 = vector.shape_cast %parallel_loop3A_180 : vector<1x16xf32> to vector<16xf32>
        %parallel_loop3A_182 = arith.constant 4 : i32
        %parallel_loop3A_183 = arith.muli %parallel_loop3A_48, %parallel_loop3A_182 : i32
        %parallel_loop3A_184 = arith.constant 2 : i32
        %parallel_loop3A_185 = arith.addi %parallel_loop3A_183, %parallel_loop3A_184 : i32
        %parallel_loop3A_186 = arith.index_cast %parallel_loop3A_185 : i32 to index
        %parallel_loop3A_187 = arith.constant 16 : index
        %parallel_loop3A_188 = tpu.vector_load %arg10[%parallel_loop3A_186, %parallel_loop3A_187] {strides = array<i32>} : memref<1000x32xf32, #tpu.memory_space<vmem>>, vector<1x16xf32>,
        %parallel_loop3A_189 = vector.shape_cast %parallel_loop3A_188 : vector<1x16xf32> to vector<16xf32>
        %parallel_loop3A_190 = arith.subf %parallel_loop3A_181, %parallel_loop3A_189 : vector<16xf32>
        %parallel_loop3A_191 = arith.constant 0.000000e+00 : f32
        %parallel_loop3A_192 = vector.broadcast %parallel_loop3A_191 : f32 to vector<16xf32>
        %parallel_loop3A_193 = arith.maximumf %parallel_loop3A_190, %parallel_loop3A_192 : vector<16xf32>
        %parallel_loop3A_194 = arith.index_cast %parallel_loop3A_48 : i32 to index
        %parallel_loop3A_195 = arith.constant 80 : index
        %parallel_loop3A_196 = tpu.vector_load %arg11[%parallel_loop3A_194, %parallel_loop3A_195] {strides = array<i32>} : memref<250x128xf32, #tpu.memory_space<vmem>>, vector<1x16xf32>,
        %parallel_loop3A_197 = vector.shape_cast %parallel_loop3A_196 : vector<1x16xf32> to vector<16xf32>
        %parallel_loop3A_198 = vector.shape_cast %parallel_loop3A_193 : vector<16xf32> to vector<1x16xf32>
        tpu.vector_store %arg11[%parallel_loop3A_194, %parallel_loop3A_195], %parallel_loop3A_198 {strides = array<i32>} : memref<250x128xf32, #tpu.memory_space<vmem>>, vector<1x16xf32>,
        %parallel_loop3A_199 = arith.constant 4 : i32
        %parallel_loop3A_200 = arith.muli %parallel_loop3A_48, %parallel_loop3A_199 : i32
        %parallel_loop3A_201 = arith.constant 3 : i32
        %parallel_loop3A_202 = arith.addi %parallel_loop3A_200, %parallel_loop3A_201 : i32
        %parallel_loop3A_203 = arith.index_cast %parallel_loop3A_202 : i32 to index
        %parallel_loop3A_204 = arith.constant 0 : index
        %parallel_loop3A_205 = tpu.vector_load %arg9[%parallel_loop3A_203, %parallel_loop3A_204] {strides = array<i32>} : memref<1000x32xf32, #tpu.memory_space<vmem>>, vector<1x16xf32>,
        %parallel_loop3A_206 = vector.shape_cast %parallel_loop3A_205 : vector<1x16xf32> to vector<16xf32>
        %parallel_loop3A_207 = arith.constant 4 : i32
        %parallel_loop3A_208 = arith.muli %parallel_loop3A_48, %parallel_loop3A_207 : i32
        %parallel_loop3A_209 = arith.constant 3 : i32
        %parallel_loop3A_210 = arith.addi %parallel_loop3A_208, %parallel_loop3A_209 : i32
        %parallel_loop3A_211 = arith.index_cast %parallel_loop3A_210 : i32 to index
        %parallel_loop3A_212 = arith.constant 0 : index
        %parallel_loop3A_213 = tpu.vector_load %arg10[%parallel_loop3A_211, %parallel_loop3A_212] {strides = array<i32>} : memref<1000x32xf32, #tpu.memory_space<vmem>>, vector<1x16xf32>,
        %parallel_loop3A_214 = vector.shape_cast %parallel_loop3A_213 : vector<1x16xf32> to vector<16xf32>
        %parallel_loop3A_215 = arith.subf %parallel_loop3A_206, %parallel_loop3A_214 : vector<16xf32>
        %parallel_loop3A_216 = arith.constant 0.000000e+00 : f32
        %parallel_loop3A_217 = vector.broadcast %parallel_loop3A_216 : f32 to vector<16xf32>
        %parallel_loop3A_218 = arith.maximumf %parallel_loop3A_215, %parallel_loop3A_217 : vector<16xf32>
        %parallel_loop3A_219 = arith.index_cast %parallel_loop3A_48 : i32 to index
        %parallel_loop3A_220 = arith.constant 96 : index
        %parallel_loop3A_221 = tpu.vector_load %arg11[%parallel_loop3A_219, %parallel_loop3A_220] {strides = array<i32>} : memref<250x128xf32, #tpu.memory_space<vmem>>, vector<1x16xf32>,
        %parallel_loop3A_222 = vector.shape_cast %parallel_loop3A_221 : vector<1x16xf32> to vector<16xf32>
        %parallel_loop3A_223 = vector.shape_cast %parallel_loop3A_218 : vector<16xf32> to vector<1x16xf32>
        tpu.vector_store %arg11[%parallel_loop3A_219, %parallel_loop3A_220], %parallel_loop3A_223 {strides = array<i32>} : memref<250x128xf32, #tpu.memory_space<vmem>>, vector<1x16xf32>,
        %parallel_loop3A_224 = arith.constant 4 : i32
        %parallel_loop3A_225 = arith.muli %parallel_loop3A_48, %parallel_loop3A_224 : i32
        %parallel_loop3A_226 = arith.constant 3 : i32
        %parallel_loop3A_227 = arith.addi %parallel_loop3A_225, %parallel_loop3A_226 : i32
        %parallel_loop3A_228 = arith.index_cast %parallel_loop3A_227 : i32 to index
        %parallel_loop3A_229 = arith.constant 16 : index
        %parallel_loop3A_230 = tpu.vector_load %arg9[%parallel_loop3A_228, %parallel_loop3A_229] {strides = array<i32>} : memref<1000x32xf32, #tpu.memory_space<vmem>>, vector<1x16xf32>,
        %parallel_loop3A_231 = vector.shape_cast %parallel_loop3A_230 : vector<1x16xf32> to vector<16xf32>
        %parallel_loop3A_232 = arith.constant 4 : i32
        %parallel_loop3A_233 = arith.muli %parallel_loop3A_48, %parallel_loop3A_232 : i32
        %parallel_loop3A_234 = arith.constant 3 : i32
        %parallel_loop3A_235 = arith.addi %parallel_loop3A_233, %parallel_loop3A_234 : i32
        %parallel_loop3A_236 = arith.index_cast %parallel_loop3A_235 : i32 to index
        %parallel_loop3A_237 = arith.constant 16 : index
        %parallel_loop3A_238 = tpu.vector_load %arg10[%parallel_loop3A_236, %parallel_loop3A_237] {strides = array<i32>} : memref<1000x32xf32, #tpu.memory_space<vmem>>, vector<1x16xf32>,
        %parallel_loop3A_239 = vector.shape_cast %parallel_loop3A_238 : vector<1x16xf32> to vector<16xf32>
        %parallel_loop3A_240 = arith.subf %parallel_loop3A_231, %parallel_loop3A_239 : vector<16xf32>
        %parallel_loop3A_241 = arith.constant 0.000000e+00 : f32
        %parallel_loop3A_242 = vector.broadcast %parallel_loop3A_241 : f32 to vector<16xf32>
        %parallel_loop3A_243 = arith.maximumf %parallel_loop3A_240, %parallel_loop3A_242 : vector<16xf32>
        %parallel_loop3A_244 = arith.index_cast %parallel_loop3A_48 : i32 to index
        %parallel_loop3A_245 = arith.constant 112 : index
        %parallel_loop3A_246 = tpu.vector_load %arg11[%parallel_loop3A_244, %parallel_loop3A_245] {strides = array<i32>} : memref<250x128xf32, #tpu.memory_space<vmem>>, vector<1x16xf32>,
        %parallel_loop3A_247 = vector.shape_cast %parallel_loop3A_246 : vector<1x16xf32> to vector<16xf32>
        %parallel_loop3A_248 = vector.shape_cast %parallel_loop3A_243 : vector<16xf32> to vector<1x16xf32>
        tpu.vector_store %arg11[%parallel_loop3A_244, %parallel_loop3A_245], %parallel_loop3A_248 {strides = array<i32>} : memref<250x128xf32, #tpu.memory_space<vmem>>, vector<1x16xf32>,
      } {sc.loop_unroll_factor = 4 : i64, sc.parallel_access}
      %jit3A = arith.constant 4 : i32
      %div3A = arith.divsi %add3A_11, %jit3A : i32
      %sign3A = arith.constant 0 : i32
      %sign3A_32 = arith.cmpi sgt, %add3A_11, %sign3A : i32
      %sign3A_33 = arith.extui %sign3A_32 : i1 to i32
      %sign3A_34 = arith.constant 0 : i32
      %sign3A_35 = arith.cmpi slt, %add3A_11, %sign3A_34 : i32
      %sign3A_36 = arith.extui %sign3A_35 : i1 to i32
      %sign3A_37 = arith.subi %sign3A_33, %sign3A_36 : i32
      %sign3A_38 = arith.constant 0 : i32
      %sign3A_39 = arith.cmpi sgt, %jit3A, %sign3A_38 : i32
      %sign3A_40 = arith.extui %sign3A_39 : i1 to i32
      %sign3A_41 = arith.constant 0 : i32
      %sign3A_42 = arith.cmpi slt, %jit3A, %sign3A_41 : i32
      %sign3A_43 = arith.extui %sign3A_42 : i1 to i32
      %sign3A_44 = arith.subi %sign3A_40, %sign3A_43 : i32
      %ne3A = arith.cmpi ne, %sign3A_37, %sign3A_44 : i32
      %rem3A = arith.remsi %add3A_11, %jit3A : i32
      %ne3A_45 = arith.constant 0 : i32
      %ne3A_46 = arith.cmpi ne, %rem3A, %ne3A_45 : i32
      %and3A = arith.andi %ne3A, %ne3A_46 : i1
      %sub3A = arith.constant 1 : i32
      %sub3A_47 = arith.subi %div3A, %sub3A : i32
      %select_n3A = arith.select %and3A, %sub3A_47, %div3A : i32
      "tpu.region"() ({
        %run_scoped3A = tpu.sem_alloc : memref<!tpu.dma_semaphore, #tpu.memory_space<semaphore_mem>>
        %dma_start3A_48 = arith.constant 0 : i32
        %dma_start3A_49 = tpu.memref_slice %arg6[%select_n3A, %dma_start3A_48] : memref<400000x128xf32, #tpu.memory_space<hbm>> -> memref<250x128xf32, #tpu.memory_space<hbm>>
        %dma_start3A_50 = arith.constant 0 : i32
        %dma_start3A_51 = tpu.memref_slice %arg6[%select_n3A, %dma_start3A_50] : memref<400000x128xf32, #tpu.memory_space<hbm>> -> memref<250x128xf32, #tpu.memory_space<hbm>>
        tpu.enqueue_dma source(%arg11 : memref<250x128xf32, #tpu.memory_space<vmem>>) target(%dma_start3A_51 : memref<250x128xf32, #tpu.memory_space<hbm>>) target_semaphore(%run_scoped3A : memref<!tpu.dma_semaphore, #tpu.memory_space<semaphore_mem>>)
        %dma_wait3A_52 = arith.constant 0 : i32
        %dma_wait3A_53 = tpu.memref_slice %arg6[%select_n3A, %dma_wait3A_52] : memref<400000x128xf32, #tpu.memory_space<hbm>> -> memref<250x128xf32, #tpu.memory_space<hbm>>
        %dma_wait3A_54 = arith.constant 0 : i32
        %dma_wait3A_55 = tpu.memref_slice %arg6[%select_n3A, %dma_wait3A_54] : memref<400000x128xf32, #tpu.memory_space<hbm>> -> memref<250x128xf32, #tpu.memory_space<hbm>>
        tpu.wait_dma2 semaphore(%run_scoped3A : memref<!tpu.dma_semaphore, #tpu.memory_space<semaphore_mem>>) src(%arg11 : memref<250x128xf32, #tpu.memory_space<vmem>>) dst(%dma_wait3A_55 : memref<250x128xf32, #tpu.memory_space<hbm>>)
        tpu.yield
      }) : () -> ()
    }
    %scan3A_7 = arith.constant 50 : i32
    return
  }
}

module attributes {stable_mosaic.version = 14 : i64} {
  func.func @_node_tables_body(%arg0: i32, %arg1: memref<2000x3xf32, #tpu.memory_space<vmem>>, %arg2: memref<2000x3xf32, #tpu.memory_space<vmem>>, %arg3: memref<3x32xf32, #tpu.memory_space<vmem>>, %arg4: memref<3x32xf32, #tpu.memory_space<vmem>>, %arg5: memref<1x32xf32, #tpu.memory_space<vmem>>, %arg6: memref<2000x32xf32, #tpu.memory_space<vmem>>, %arg7: memref<2000x32xf32, #tpu.memory_space<vmem>>) attributes {dimension_semantics = [#tpu.dimension_semantics<arbitrary>], iteration_bounds = array<i64: 50>, scalar_prefetch = 0 : i64, scratch_operands = 0 : i64, tpu.core_type = #tpu.core_type<tc>, window_params = [{transform_indices = @transform_0, window_bounds = array<i64: 2000, 3>}, {transform_indices = @transform_1, window_bounds = array<i64: 2000, 3>}, {pipeline_mode = #tpu.pipeline_mode<synchronous>, transform_indices = @transform_2, window_bounds = array<i64: 3, 32>}, {pipeline_mode = #tpu.pipeline_mode<synchronous>, transform_indices = @transform_3, window_bounds = array<i64: 3, 32>}, {pipeline_mode = #tpu.pipeline_mode<synchronous>, transform_indices = @transform_4, window_bounds = array<i64: 1, 32>}, {transform_indices = @transform_5, window_bounds = array<i64: 2000, 32>}, {transform_indices = @transform_6, window_bounds = array<i64: 2000, 32>}]} {
    %get3A = arith.constant 0 : index
    %get3A_0 = arith.constant 0 : index
    %get3A_1 = vector.load %arg2[%get3A, %get3A_0] : memref<2000x3xf32, #tpu.memory_space<vmem>>, vector<2000x3xf32>
    %get3A_2 = arith.constant 0 : index
    %get3A_3 = arith.constant 0 : index
    %get3A_4 = vector.load %arg4[%get3A_2, %get3A_3] : memref<3x32xf32, #tpu.memory_space<vmem>>, vector<3x32xf32>
    %dot_general3A = arith.constant dense<0.000000e+00> : vector<2000x32xf32>
    %dot_general3A_5 = tpu.matmul %get3A_1, %get3A_4, %dot_general3A {dimension_numbers = #tpu.dot_dimension_numbers<[1], [0], [0], [1], [0, 0, 1, 1], [], []>, transpose_lhs_hint = false} : vector<2000x3xf32>, vector<3x32xf32>, vector<2000x32xf32> -> vector<2000x32xf32>
    %get3A_6 = arith.constant 0 : index
    %get3A_7 = arith.constant 0 : index
    %get3A_8 = vector.load %arg1[%get3A_6, %get3A_7] : memref<2000x3xf32, #tpu.memory_space<vmem>>, vector<2000x3xf32>
    %get3A_9 = arith.constant 0 : index
    %get3A_10 = arith.constant 0 : index
    %get3A_11 = vector.load %arg3[%get3A_9, %get3A_10] : memref<3x32xf32, #tpu.memory_space<vmem>>, vector<3x32xf32>
    %dot_general3A_12 = arith.constant dense<0.000000e+00> : vector<2000x32xf32>
    %dot_general3A_13 = tpu.matmul %get3A_8, %get3A_11, %dot_general3A_12 {dimension_numbers = #tpu.dot_dimension_numbers<[1], [0], [0], [1], [0, 0, 1, 1], [], []>, transpose_lhs_hint = false} : vector<2000x3xf32>, vector<3x32xf32>, vector<2000x32xf32> -> vector<2000x32xf32>
    %add3A = arith.addf %dot_general3A_13, %dot_general3A_5 : vector<2000x32xf32>
    %get3A_14 = arith.constant 0 : index
    %get3A_15 = arith.constant 0 : index
    %get3A_16 = vector.load %arg5[%get3A_14, %get3A_15] : memref<1x32xf32, #tpu.memory_space<vmem>>, vector<1x32xf32>
    %add3A_17 = vector.broadcast %get3A_16 : vector<1x32xf32> to vector<2000x32xf32>
    %add3A_18 = arith.addf %add3A, %add3A_17 : vector<2000x32xf32>
    %swap3A = arith.constant 0 : index
    %swap3A_19 = arith.constant 0 : index
    %swap3A_20 = vector.load %arg6[%swap3A, %swap3A_19] : memref<2000x32xf32, #tpu.memory_space<vmem>>, vector<2000x32xf32>
    tpu.vector_store %arg6[%swap3A, %swap3A_19], %add3A_18 {strides = array<i32>} : memref<2000x32xf32, #tpu.memory_space<vmem>>, vector<2000x32xf32>,
    %swap3A_21 = arith.constant 0 : index
    %swap3A_22 = arith.constant 0 : index
    %swap3A_23 = vector.load %arg7[%swap3A_21, %swap3A_22] : memref<2000x32xf32, #tpu.memory_space<vmem>>, vector<2000x32xf32>
    tpu.vector_store %arg7[%swap3A_21, %swap3A_22], %dot_general3A_5 {strides = array<i32>} : memref<2000x32xf32, #tpu.memory_space<vmem>>, vector<2000x32xf32>,
    return
  }
  func.func @transform_0(%arg0: i32) -> (i32, i32) {
    %c0_i32 = arith.constant 0 : i32
    %c0_i32_0 = arith.constant 0 : i32
    return %arg0, %c0_i32 : i32, i32
  }
  func.func @transform_1(%arg0: i32) -> (i32, i32) {
    %c0_i32 = arith.constant 0 : i32
    %c0_i32_0 = arith.constant 0 : i32
    return %arg0, %c0_i32 : i32, i32
  }
  func.func @transform_2(%arg0: i32) -> (i32, i32) {
    %c0_i32 = arith.constant 0 : i32
    %c0_i32_0 = arith.constant 0 : i32
    %c0_i32_1 = arith.constant 0 : i32
    return %c0_i32, %c0_i32_0 : i32, i32
  }
  func.func @transform_3(%arg0: i32) -> (i32, i32) {
    %c0_i32 = arith.constant 0 : i32
    %c0_i32_0 = arith.constant 0 : i32
    %c0_i32_1 = arith.constant 0 : i32
    return %c0_i32, %c0_i32_0 : i32, i32
  }
  func.func @transform_4(%arg0: i32) -> (i32, i32) {
    %c0_i32 = arith.constant 0 : i32
    %c0_i32_0 = arith.constant 0 : i32
    %c0_i32_1 = arith.constant 0 : i32
    return %c0_i32, %c0_i32_0 : i32, i32
  }
  func.func @transform_5(%arg0: i32) -> (i32, i32) {
    %c0_i32 = arith.constant 0 : i32
    %c0_i32_0 = arith.constant 0 : i32
    return %arg0, %c0_i32 : i32, i32
  }
  func.func @transform_6(%arg0: i32) -> (i32, i32) {
    %c0_i32 = arith.constant 0 : i32
    %c0_i32_0 = arith.constant 0 : i32
    return %arg0, %c0_i32 : i32, i32
  }
}

module attributes {stable_mosaic.version = 14 : i64} {
  func.func @_edge_mlp_body(%arg0: i32, %arg1: memref<3200x128xf32, #tpu.memory_space<vmem>>, %arg2: memref<128x128xf32, #tpu.memory_space<vmem>>, %arg3: memref<1x128xf32, #tpu.memory_space<vmem>>, %arg4: memref<3200x128xf32, #tpu.memory_space<vmem>>) attributes {dimension_semantics = [#tpu.dimension_semantics<arbitrary>], iteration_bounds = array<i64: 125>, scalar_prefetch = 0 : i64, scratch_operands = 0 : i64, tpu.core_type = #tpu.core_type<tc>, window_params = [{transform_indices = @transform_0, window_bounds = array<i64: 3200, 128>}, {pipeline_mode = #tpu.pipeline_mode<synchronous>, transform_indices = @transform_1, window_bounds = array<i64: 128, 128>}, {pipeline_mode = #tpu.pipeline_mode<synchronous>, transform_indices = @transform_2, window_bounds = array<i64: 1, 128>}, {transform_indices = @transform_3, window_bounds = array<i64: 3200, 128>}]} {
    %get3A = arith.constant 0 : index
    %get3A_0 = arith.constant 0 : index
    %get3A_1 = vector.load %arg1[%get3A, %get3A_0] : memref<3200x128xf32, #tpu.memory_space<vmem>>, vector<3200x128xf32>
    %get3A_2 = arith.constant 0 : index
    %get3A_3 = arith.constant 0 : index
    %get3A_4 = vector.load %arg2[%get3A_2, %get3A_3] : memref<128x128xf32, #tpu.memory_space<vmem>>, vector<128x128xf32>
    %dot_general3A = arith.constant dense<0.000000e+00> : vector<3200x128xf32>
    %dot_general3A_5 = tpu.matmul %get3A_1, %get3A_4, %dot_general3A {dimension_numbers = #tpu.dot_dimension_numbers<[1], [0], [0], [1], [0, 0, 1, 1], [], []>, transpose_lhs_hint = false} : vector<3200x128xf32>, vector<128x128xf32>, vector<3200x128xf32> -> vector<3200x128xf32>
    %get3A_6 = arith.constant 0 : index
    %get3A_7 = arith.constant 0 : index
    %get3A_8 = vector.load %arg3[%get3A_6, %get3A_7] : memref<1x128xf32, #tpu.memory_space<vmem>>, vector<1x128xf32>
    %add3A = vector.broadcast %get3A_8 : vector<1x128xf32> to vector<3200x128xf32>
    %add3A_9 = arith.addf %dot_general3A_5, %add3A : vector<3200x128xf32>
    %swap3A = arith.constant 0 : index
    %swap3A_10 = arith.constant 0 : index
    %swap3A_11 = vector.load %arg4[%swap3A, %swap3A_10] : memref<3200x128xf32, #tpu.memory_space<vmem>>, vector<3200x128xf32>
    tpu.vector_store %arg4[%swap3A, %swap3A_10], %add3A_9 {strides = array<i32>} : memref<3200x128xf32, #tpu.memory_space<vmem>>, vector<3200x128xf32>,
    return
  }
  func.func @transform_0(%arg0: i32) -> (i32, i32) {
    %c0_i32 = arith.constant 0 : i32
    %c0_i32_0 = arith.constant 0 : i32
    return %arg0, %c0_i32 : i32, i32
  }
  func.func @transform_1(%arg0: i32) -> (i32, i32) {
    %c0_i32 = arith.constant 0 : i32
    %c0_i32_0 = arith.constant 0 : i32
    %c0_i32_1 = arith.constant 0 : i32
    return %c0_i32, %c0_i32_0 : i32, i32
  }
  func.func @transform_2(%arg0: i32) -> (i32, i32) {
    %c0_i32 = arith.constant 0 : i32
    %c0_i32_0 = arith.constant 0 : i32
    %c0_i32_1 = arith.constant 0 : i32
    return %c0_i32, %c0_i32_0 : i32, i32
  }
  func.func @transform_3(%arg0: i32) -> (i32, i32) {
    %c0_i32 = arith.constant 0 : i32
    %c0_i32_0 = arith.constant 0 : i32
    return %arg0, %c0_i32 : i32, i32
  }
}

module attributes {stable_mosaic.version = 14 : i64} {
  func.func @_node_tables_body(%arg0: i32, %arg1: memref<2000x32xf32, #tpu.memory_space<vmem>>, %arg2: memref<2000x3xf32, #tpu.memory_space<vmem>>, %arg3: memref<32x32xf32, #tpu.memory_space<vmem>>, %arg4: memref<3x32xf32, #tpu.memory_space<vmem>>, %arg5: memref<1x32xf32, #tpu.memory_space<vmem>>, %arg6: memref<2000x32xf32, #tpu.memory_space<vmem>>, %arg7: memref<2000x32xf32, #tpu.memory_space<vmem>>) attributes {dimension_semantics = [#tpu.dimension_semantics<arbitrary>], iteration_bounds = array<i64: 50>, scalar_prefetch = 0 : i64, scratch_operands = 0 : i64, tpu.core_type = #tpu.core_type<tc>, window_params = [{transform_indices = @transform_0, window_bounds = array<i64: 2000, 32>}, {transform_indices = @transform_1, window_bounds = array<i64: 2000, 3>}, {pipeline_mode = #tpu.pipeline_mode<synchronous>, transform_indices = @transform_2, window_bounds = array<i64: 32, 32>}, {pipeline_mode = #tpu.pipeline_mode<synchronous>, transform_indices = @transform_3, window_bounds = array<i64: 3, 32>}, {pipeline_mode = #tpu.pipeline_mode<synchronous>, transform_indices = @transform_4, window_bounds = array<i64: 1, 32>}, {transform_indices = @transform_5, window_bounds = array<i64: 2000, 32>}, {transform_indices = @transform_6, window_bounds = array<i64: 2000, 32>}]} {
    %get3A = arith.constant 0 : index
    %get3A_0 = arith.constant 0 : index
    %get3A_1 = vector.load %arg2[%get3A, %get3A_0] : memref<2000x3xf32, #tpu.memory_space<vmem>>, vector<2000x3xf32>
    %get3A_2 = arith.constant 0 : index
    %get3A_3 = arith.constant 0 : index
    %get3A_4 = vector.load %arg4[%get3A_2, %get3A_3] : memref<3x32xf32, #tpu.memory_space<vmem>>, vector<3x32xf32>
    %dot_general3A = arith.constant dense<0.000000e+00> : vector<2000x32xf32>
    %dot_general3A_5 = tpu.matmul %get3A_1, %get3A_4, %dot_general3A {dimension_numbers = #tpu.dot_dimension_numbers<[1], [0], [0], [1], [0, 0, 1, 1], [], []>, transpose_lhs_hint = false} : vector<2000x3xf32>, vector<3x32xf32>, vector<2000x32xf32> -> vector<2000x32xf32>
    %get3A_6 = arith.constant 0 : index
    %get3A_7 = arith.constant 0 : index
    %get3A_8 = vector.load %arg1[%get3A_6, %get3A_7] : memref<2000x32xf32, #tpu.memory_space<vmem>>, vector<2000x32xf32>
    %get3A_9 = arith.constant 0 : index
    %get3A_10 = arith.constant 0 : index
    %get3A_11 = vector.load %arg3[%get3A_9, %get3A_10] : memref<32x32xf32, #tpu.memory_space<vmem>>, vector<32x32xf32>
    %dot_general3A_12 = arith.constant dense<0.000000e+00> : vector<2000x32xf32>
    %dot_general3A_13 = tpu.matmul %get3A_8, %get3A_11, %dot_general3A_12 {dimension_numbers = #tpu.dot_dimension_numbers<[1], [0], [0], [1], [0, 0, 1, 1], [], []>, transpose_lhs_hint = false} : vector<2000x32xf32>, vector<32x32xf32>, vector<2000x32xf32> -> vector<2000x32xf32>
    %add3A = arith.addf %dot_general3A_13, %dot_general3A_5 : vector<2000x32xf32>
    %get3A_14 = arith.constant 0 : index
    %get3A_15 = arith.constant 0 : index
    %get3A_16 = vector.load %arg5[%get3A_14, %get3A_15] : memref<1x32xf32, #tpu.memory_space<vmem>>, vector<1x32xf32>
    %add3A_17 = vector.broadcast %get3A_16 : vector<1x32xf32> to vector<2000x32xf32>
    %add3A_18 = arith.addf %add3A, %add3A_17 : vector<2000x32xf32>
    %swap3A = arith.constant 0 : index
    %swap3A_19 = arith.constant 0 : index
    %swap3A_20 = vector.load %arg6[%swap3A, %swap3A_19] : memref<2000x32xf32, #tpu.memory_space<vmem>>, vector<2000x32xf32>
    tpu.vector_store %arg6[%swap3A, %swap3A_19], %add3A_18 {strides = array<i32>} : memref<2000x32xf32, #tpu.memory_space<vmem>>, vector<2000x32xf32>,
    %swap3A_21 = arith.constant 0 : index
    %swap3A_22 = arith.constant 0 : index
    %swap3A_23 = vector.load %arg7[%swap3A_21, %swap3A_22] : memref<2000x32xf32, #tpu.memory_space<vmem>>, vector<2000x32xf32>
    tpu.vector_store %arg7[%swap3A_21, %swap3A_22], %dot_general3A_5 {strides = array<i32>} : memref<2000x32xf32, #tpu.memory_space<vmem>>, vector<2000x32xf32>,
    return
  }
  func.func @transform_0(%arg0: i32) -> (i32, i32) {
    %c0_i32 = arith.constant 0 : i32
    %c0_i32_0 = arith.constant 0 : i32
    return %arg0, %c0_i32 : i32, i32
  }
  func.func @transform_1(%arg0: i32) -> (i32, i32) {
    %c0_i32 = arith.constant 0 : i32
    %c0_i32_0 = arith.constant 0 : i32
    return %arg0, %c0_i32 : i32, i32
  }
  func.func @transform_2(%arg0: i32) -> (i32, i32) {
    %c0_i32 = arith.constant 0 : i32
    %c0_i32_0 = arith.constant 0 : i32
    %c0_i32_1 = arith.constant 0 : i32
    return %c0_i32, %c0_i32_0 : i32, i32
  }
  func.func @transform_3(%arg0: i32) -> (i32, i32) {
    %c0_i32 = arith.constant 0 : i32
    %c0_i32_0 = arith.constant 0 : i32
    %c0_i32_1 = arith.constant 0 : i32
    return %c0_i32, %c0_i32_0 : i32, i32
  }
  func.func @transform_4(%arg0: i32) -> (i32, i32) {
    %c0_i32 = arith.constant 0 : i32
    %c0_i32_0 = arith.constant 0 : i32
    %c0_i32_1 = arith.constant 0 : i32
    return %c0_i32, %c0_i32_0 : i32, i32
  }
  func.func @transform_5(%arg0: i32) -> (i32, i32) {
    %c0_i32 = arith.constant 0 : i32
    %c0_i32_0 = arith.constant 0 : i32
    return %arg0, %c0_i32 : i32, i32
  }
  func.func @transform_6(%arg0: i32) -> (i32, i32) {
    %c0_i32 = arith.constant 0 : i32
    %c0_i32_0 = arith.constant 0 : i32
    return %arg0, %c0_i32 : i32, i32
  }
}

module attributes {stable_mosaic.version = 14 : i64} {
  func.func @_pool_classify_body(%arg0: memref<64x32xf32, #tpu.memory_space<vmem>>, %arg1: memref<32x40xf32, #tpu.memory_space<vmem>>, %arg2: memref<1x40xf32, #tpu.memory_space<vmem>>, %arg3: memref<64x40xf32, #tpu.memory_space<vmem>>) attributes {dimension_semantics = [], scalar_prefetch = 0 : i64, scratch_operands = 0 : i64, tpu.core_type = #tpu.core_type<tc>} {
    %get3A = arith.constant 0 : index
    %get3A_0 = arith.constant 0 : index
    %get3A_1 = vector.load %arg0[%get3A, %get3A_0] : memref<64x32xf32, #tpu.memory_space<vmem>>, vector<64x32xf32>
    %get3A_2 = arith.constant 0 : index
    %get3A_3 = arith.constant 0 : index
    %get3A_4 = vector.load %arg1[%get3A_2, %get3A_3] : memref<32x40xf32, #tpu.memory_space<vmem>>, vector<32x40xf32>
    %dot_general3A = arith.constant dense<0.000000e+00> : vector<64x40xf32>
    %dot_general3A_5 = tpu.matmul %get3A_1, %get3A_4, %dot_general3A {dimension_numbers = #tpu.dot_dimension_numbers<[1], [0], [0], [1], [0, 0, 1, 1], [], []>, transpose_lhs_hint = false} : vector<64x32xf32>, vector<32x40xf32>, vector<64x40xf32> -> vector<64x40xf32>
    %get3A_6 = arith.constant 0 : index
    %get3A_7 = arith.constant 0 : index
    %get3A_8 = vector.load %arg2[%get3A_6, %get3A_7] : memref<1x40xf32, #tpu.memory_space<vmem>>, vector<1x40xf32>
    %add3A = vector.broadcast %get3A_8 : vector<1x40xf32> to vector<64x40xf32>
    %add3A_9 = arith.addf %dot_general3A_5, %add3A : vector<64x40xf32>
    %swap3A = arith.constant 0 : index
    %swap3A_10 = arith.constant 0 : index
    %swap3A_11 = vector.load %arg3[%swap3A, %swap3A_10] : memref<64x40xf32, #tpu.memory_space<vmem>>, vector<64x40xf32>
    tpu.vector_store %arg3[%swap3A, %swap3A_10], %add3A_9 {strides = array<i32>} : memref<64x40xf32, #tpu.memory_space<vmem>>, vector<64x40xf32>,
    return
  }
}

</mosaic_0001>

<sc_bundles>
// kernel: kernel.12.cloned.1.call-start
scs
__scs_entry_jumppad:
0x0: {  	(pc) =	sbr.rel $0x88, $3  }
0x1: {  	(tag) =	ssettag $0x0;
	lr =	simm.s32 $0x1  }
0x2: {  	[smem:$0x3F94] =	sst lr;
	_ =	strace $0xD0000000  }
0x3: {  	_ = 	snop  }
0x4: {  	_ = 	snop  }
0x5: {  	_ = 	snop  }
0x6: {  	_ = 	snop  }
0x7: {  	_ = 	snop  }
__scs_overlays_trampoline_lowered:
0x8: {  	[smem:$0x3FA3] =	sst s0  }
0x9: {  	[smem:$0x3FA4] =	sst s1  }
0xa: {  	[smem:$0x3FA5] =	sst s2  }
0xb: {  	[smem:$0x3FA6] =	sst s3  }
0xc: {  	[smem:$0x3FA7] =	sst s4  }
0xd: {  	[smem:$0x3FA8] =	sst s5  }
0xe: {  	[smem:$0x3FA9] =	sst s6  }
0xf: {  	[smem:$0x3FAA] =	sst s7  }
0x10: {  	[smem:$0x3FAB] =	sst s8  }
0x11: {  	[smem:$0x3FAC] =	sst s9;
	s0 =	simm.s32 @!p0 $0x0  }
0x12: {  	s1 =	sld [smem:$0x3F92];
	s0 =	simm.s32 @p0 $0x1  }
0x13: {  	[smem:$0x3FAD] =	sst s0;
	s0 =	simm.s32 @!p1 $0x0  }
0x14: {  	s2 =	sld [smem:$0x3F91];
	s0 =	simm.s32 @p1 $0x1  }
0x15: {  	[smem:$0x3FAE] =	sst s0;
	s0 =	simm.s32 @!p2 $0x0  }
0x16: {  	s3 =	sld [smem:$0x3FDB];
	s0 =	simm.s32 @p2 $0x1  }
0x17: {  	s4 =	simm.s32 $0x1BF5;
	[smem:$0x3FB0] =	sst s0  }
0x18: {  	s0 =	sld [smem:$0x3F93];
	_ =	swait.ge [sflag:s4], $0x0  }
0x19: {  	s7 =	sld [smem:$0x3F94]  }
0x1a: {  	s8 =	sadd.s32 $0xFFFFE003, lr  }
0x1b: {  	s9 =	sadd.s32 $0xFFFFFEF7, lr;
	s5 =	simm.s32 $0xFFFFFFFF;
	p2 =	slt.u32 s8, $0xFFFFF086  }
0x1c: {  	p1 =	slt.u32 s9, $0xF7A;
	s5 =	simm.s32 @!p2 $0x0  }
0x1d: {  	s5 =	simm.s32 @p1 $0x1;
	p0 =	seq.s32 s7, s2  }
0x1e: {  	s7 =	smul.u32 @!p0 $0xF7A, s2;
	p2 =	seq.s32 @!p0 s5, $0x0  }
0x1f: {  	s9 =	smul.u32 $0xF7A, s1;
	s8 =	simm.s32 @!p0 $0x1BF5;
	p2 =	por !p2, p0  }
0x20: {  	[sflag:s8] =	ssyncset.s32 @!p0 $0xFFFFF086;
	s6 =	sadd.s32 @!p0 s3, s7;
	s7 =	simm.s32 @!p0 $0x108  }
0x21: {  	s3 =	sadd.s32 s3, s9;
	s6 =	sadd.s32 @!p0 $0x88, s6;
	s7 =	simm.s32 @p2 $0x1082  }
0x22: {  	[simem:s7], [sflag:s8] =	dma.local @!p0 [hbm:s6], $0xF7A  }
0x23: {  	s9 =	sor.u32 $0xD0000000, s2;
	s6 =	simm.s32 $0x108;
	_ =	swait.ge @!p0 [sflag:s8], $0x0  }
0x24: {  	s3 =	sadd.s32 $0x88, s3;
	s6 =	simm.s32 @!p1 $0x1082;
	[sflag:s4] =	ssyncset.s32 $0xFFFFF086  }
0x25: {  	[simem:s6], [sflag:s4] =	dma.local [hbm:s3], $0xF7A  }
0x26: {  	[smem:$0x3F94] =	sst s1;
	(tag) =	ssettag s2;
	_ =	strace s9  }
0x27: {  	s1 =	sld [smem:$0x3FA4]  }
0x28: {  	s2 =	sld [smem:$0x3FA5]  }
0x29: {  	s4 =	sld [smem:$0x3FA7]  }
0x2a: {  	p0 =	seq.s32 s5, $0x0;
	s5 =	sld [smem:$0x3FA8]  }
0x2b: {  	s6 =	sld [smem:$0x3FA9]  }
0x2c: {  	s7 =	sld [smem:$0x3FAA]  }
0x2d: {  	s3 =	simm.s32 $0x108;
	s8 =	sld [smem:$0x3FAB]  }
0x2e: {  	s3 =	simm.s32 @!p0 $0x1082;
	s9 =	sld [smem:$0x3FAC]  }
0x2f: {  	lr =	sadd.s32 s0, s3;
	s0 =	sld [smem:$0x3FA3]  }
0x30: {  	s3 =	sld [smem:$0x3FA6]  }
0x31: {  	[smem:$0x3FAF] =	sst s10  }
0x32: {  	s10 =	sld [smem:$0x3FAD];
	_ =	sdelay $0x3  }
0x33: {  	p0 =	seq.s32 s10, $0x1;
	s10 =	sld [smem:$0x3FAF];
	_ =	sdelay $0x3  }
0x34: {  	[smem:$0x3FAF] =	sst s10  }
0x35: {  	s10 =	sld [smem:$0x3FAE];
	_ =	sdelay $0x3  }
0x36: {  	p1 =	seq.s32 s10, $0x1;
	s10 =	sld [smem:$0x3FAF];
	_ =	sdelay $0x3  }
0x37: {  	[smem:$0x3FAF] =	sst s10  }
0x38: {  	s10 =	sld [smem:$0x3FB0]  }
0x39: {  	_ = 	snop;
	(pc) =	sbr.ind lr, $3  }
0x3a: {  	_ = 	snop  }
0x3b: {  	_ = 	snop  }
0x3c: {  	p2 =	seq.s32 s10, $0x1;
	s10 =	sld [smem:$0x3FAF]  }
0x3d: {  	_ =	shalt  }
0x3e: {  	_ =	shalt  }
0x3f: {  	_ =	shalt  }
0x40: {  	_ =	shalt  }
0x41: {  	_ =	shalt  }
0x42: {  	_ =	shalt  }
0x43: {  	_ =	shalt  }
0x44: {  	_ =	shalt  }
0x45: {  	_ =	shalt  }
0x46: {  	_ =	shalt  }
0x47: {  	_ =	shalt  }
0x48: {  	_ =	shalt  }
0x49: {  	_ =	shalt  }
0x4a: {  	_ =	shalt  }
0x4b: {  	_ =	shalt  }
0x4c: {  	_ =	shalt  }
0x4d: {  	_ =	shalt  }
0x4e: {  	_ =	shalt  }
0x4f: {  	_ =	shalt  }
0x50: {  	_ =	shalt  }
0x51: {  	_ =	shalt  }
0x52: {  	_ =	shalt  }
0x53: {  	_ =	shalt  }
0x54: {  	_ =	shalt  }
0x55: {  	_ =	shalt  }
0x56: {  	_ =	shalt  }
0x57: {  	_ =	shalt  }
0x58: {  	_ =	shalt  }
0x59: {  	_ =	shalt  }
0x5a: {  	_ =	shalt  }
0x5b: {  	_ =	shalt  }
0x5c: {  	_ =	shalt  }
0x5d: {  	_ =	shalt  }
0x5e: {  	_ =	shalt  }
0x5f: {  	_ =	shalt  }
0x60: {  	_ =	shalt  }
0x61: {  	_ =	shalt  }
0x62: {  	_ =	shalt  }
0x63: {  	_ =	shalt  }
0x64: {  	_ =	shalt  }
0x65: {  	_ =	shalt  }
0x66: {  	_ =	shalt  }
0x67: {  	_ =	shalt  }
0x68: {  	_ =	shalt  }
0x69: {  	_ =	shalt  }
0x6a: {  	_ =	shalt  }
0x6b: {  	_ =	shalt  }
0x6c: {  	_ =	shalt  }
0x6d: {  	_ =	shalt  }
0x6e: {  	_ =	shalt  }
0x6f: {  	_ =	shalt  }
0x70: {  	_ =	shalt  }
0x71: {  	_ =	shalt  }
0x72: {  	_ =	shalt  }
0x73: {  	_ =	shalt  }
0x74: {  	_ =	shalt  }
0x75: {  	_ =	shalt  }
0x76: {  	_ =	shalt  }
0x77: {  	_ =	shalt  }
0x78: {  	_ =	shalt  }
0x79: {  	_ =	shalt  }
0x7a: {  	_ =	shalt  }
0x7b: {  	_ =	shalt  }
0x7c: {  	_ =	shalt  }
0x7d: {  	_ =	shalt  }
0x7e: {  	_ =	shalt  }
0x7f: {  	_ =	shalt  }
0x80: {  	_ =	shalt  }
0x81: {  	_ =	shalt  }
0x82: {  	_ =	shalt  }
0x83: {  	_ =	shalt  }
0x84: {  	_ =	shalt  }
0x85: {  	_ =	shalt  }
0x86: {  	_ =	shalt  }
0x87: {  	_ =	shalt  }
.Lfunc_end0:
.L_simem_size_0:
called_computation.4_lowered:
.L_overlay_start_0:
0x88: {  	s2 =	sld [smem:$0x3FD9]  }
0x89: {  	s3 =	sld [smem:$0x3FFE];
	_ =	sdelay $0x1  }
0x8a: {  	s1 =	srdreg.scid  }
0x8b: {  	s0 =	sand.u32 $0x1, s1  }
0x8c: {  	s16 =	sshll.u32 s0, $0xA;
	s2 =	sadd.s32 s3, s2  }
0x8d: {  	s2 =	sadd.s32 s2, s16  }
0x8e: {  	[smem:$0x3FBB] =	sst s2  }
0x8f: {  	_ = 	snop  }
0x90: {  	(tm) =	ssettm $0x1  }
0x91: {  	s17 =	sld [smem:$0x3FFB];
	_ =	sdelay $0x3  }
0x92: {  	_ =	strace s17  }
0x93: {  	s2 =	sld [smem:$0x3FFC];
	_ =	sdelay $0x3  }
0x94: {  	_ =	strace s2  }
0x95: {  	s2 =	sld [smem:$0x3FFD];
	_ =	sdelay $0x3  }
0x96: {  	_ =	strace s2  }
0x97: {  	_ =	strace $0x8FFFFFFF  }
0x98: {  	s18 =	sld [smem:$0x3FDB];
	_ =	sdelay $0x1  }
0x99: {  	s19 =	simm.s32 $_scs_section_size  }
0x9a: {  	s4 =	simm.s32 $_size__tile_overlayer_lowered;
	s5 =	simm.s32 $_tile_overlayer_lowered  }
0x9b: {  	s22 =	simm.s32 $0x1BFF;
	s21 =	sshll.u32 s5, $0x1;
	s2 =	sadd.s32 s19, s18  }
0x9c: {  	s6 =	simm.s32 $0x0;
	s20 =	sshll.u32 s4, $0x1;
	s4 =	sadd.s32 s21, s2  }
0x9d: {  	[timem:s6], [sflag:s22] =	dma.local [hbm:s4], s20  }
0x9e: {  	_ =	swait.ge [sflag:s22], s20  }
0x9f: {  	s3 =	ssub.s32 $0x0, s20;
	[sflag:s22] =	ssyncset.done $0x0  }
0xa0: {  	[sflag:s22] =	ssyncadd.s32 s3;
	_ =	sdelay $0x1  }
0xa1: {  	s23 =	simm.s32 $0x1B8B  }
0xa2: {  	_ =	swait.ge [sflag:s23], $0x1  }
0xa3: {  	[sflag:s23] =	ssyncset.done $0x0  }
0xa4: {  	s25 =	simm.s32 $0x1B8E;
	s24 =	sld [smem:$0x3FFE];
	[sflag:s23] =	ssyncadd.s32 $0xFFFFFFFF  }
0xa5: {  	s26 =	simm.s32 $execute0_lowered;
	[smem:$0x3FD2] =	sst s25  }
0xa6: {  	s4 =	sshll.u32 s26, $0x1;
	_ =	strace $0x8000004F;
	[dreg:$0x1] =	wrdreg $0xFFFFFFFF  }
0xa7: {  	s28 =	simm.s32 $_size_execute0_lowered;
	s2 =	sadd.s32 s2, s4;
	[dreg:$0x0] =	wrdreg $0x0  }
0xa8: {  	s4 =	sshll.u32 s28, $0x1;
	[dreg:$0x2] =	wrdreg s2  }
0xa9: {  	[dreg:$0x3] =	wrdreg s4  }
0xaa: {  	[dreg:$0x4] =	wrdreg $0xC0  }
0xab: {  	_ =	task [dreg:s6], $0x5FFFF  }
0xac: {  	[dreg:$0x1] =	wrdreg $0xFFFFFFFF  }
0xad: {  	[dreg:$0x0] =	wrdreg $0x60  }
0xae: {  	[dreg:$0x2] =	wrdreg s24  }
0xaf: {  	[dreg:$0x3] =	wrdreg $0x9  }
0xb0: {  	_ =	task.clear_ibuf [dreg:s6], $0x4FFFF;
	_ =	strace $0x9000004F  }
0xb1: {  	s29 =	simm.s32 $0x9;
	_ =	strace $0x80000051  }
0xb2: {  	_ =	swait.ge [sflag:s29], $0x1  }
0xb3: {  	[sflag:s29] =	ssyncadd.s32 $0xFFFFFFFF  }
0xb4: {  	_ =	strace $0x90000051  }
0xb5: {  	_ =	sfence  }
0xb6: {  	s30 =	sld [smem:$0x0];
	_ =	sdelay $0x2  }
0xb7: {  	s31 =	sshll.u32 s1, $0xD;
	s1 =	sshrl.u32 s1, $0x2  }
0xb8: {  	s3 =	sand.u32 $0x4000, s31;
	s1 =	sadd.s32 s1, s30  }
0xb9: {  	s0 =	sor.u32 s3, s0;
	s1 =	sshll.u32 s1, $0x11  }
0xba: {  	s0 =	sor.u32 s1, s0  }
0xbb: {  	s0 =	sadd.s32 $0x8F2B, s0  }
0xbc: {  	[sflag:s0] =	ssyncadd.remote.s32 $0x1  }
0xbd: {  	_ =	sfence.sel $0xFFFF  }
0xbe: {  	[dreg:$0x0] =	wrdreg $0xFFFFFFFF;
	(pc) =	sbr.abs _section_cstart, $3  }
0xbf: {  	[dreg:$0x1] =	wrdreg $0xFFFFFFFF  }
0xc0: {  	_ =	task.clear_ibuf [dreg:s6], $0x2FFFF;
	_ =	strace $0x9FFFFFFF  }
0xc1: {  	(tm) =	ssettm $0x7FFFFFFF  }
tec
execute0_lowered:
.L_overlay_start_1:
0x0: {  	(tag) =	ssettag $0x1  }
0x1: {  	s7 =	rddreg [dreg:$0x0]  }
0x2: {  	s0 =	rddreg [dreg:$0x1];
	s1 =	simm.s32 $0x0;
	s5 =	srdreg.scid  }
0x3: {  	s2 =	stileid.u32;
	s12 =	simm.s32 $0x2;
	s13 =	simm.s32 $0x7D0  }
0x4: {  	s14 =	simm.s32 $0x84D0;
	s15 =	simm.s32 $0x101D0;
	s16 =	simm.s32 $0x3  }
0x5: {  	s17 =	simm.s32 $0x0;
	[smem:$0x7FF] =	sst s1;
	s3 =	sadd.s32 $0x61DE00, s7  }
0x6: {  	s4 =	sadd.s32 $0x5BC200, s7;
	s8 =	sand.u32 $0x1, s5;
	s5 =	sadd.s32 $0x1E9600, s7  }
0x7: {  	s10 =	sshll.u32 s2, $0x1;
	s6 =	sadd.s32 $0x21A400, s7;
	s9 =	ssub.s32 $0x2, s8  }
0x8: {  	s7 =	sadd.s32 $0x67FA00, s7;
	_ =	strace $0x80000050;
	s11 =	sshrl.u32 s9, $0x1  }
0x9: {  	s8 =	sor.u32 s8, s10;
	s10 =	simm.s32 $0x3E8;
	s9 =	ssub.s32 s9, s11  }
0xa: {  	s8 =	smul.u32 $0xC350, s8;
	s11 =	simm.s32 $0x1;
	s9 =	smax.u32 s9, $0x1  }
.LBB2_1:
0xb: {  	s18 =	simm.s32 $0x0  }
.LBB2_2:
0xc: {  	s19 =	smul.u32 $0x3E8, s18;
	_ =	sdelay $0x1  }
0xd: {  	s19 =	sadd.s32 s8, s19  }
0xe: {  	s20 =	sshrl.u32 s19, $0x3  }
0xf: {  	s21 =	sadd.s32 s5, s20  }
0x10: {  	[tilespmem:s1], [sflag:$0x1] =	stream.linear.gather [hbm4b:s21+s1], $0x3E8, $0x38;
	[tilespmem:$0x17ED0] =	vst v63  }
0x11: {  	s20 =	sadd.s32 s6, s20  }
0x12: {  	[tilespmem:s10], [sflag:$0x2] =	stream.linear.gather [hbm4b:s20+s1], $0x3E8, $0x38;
	[tilespmem:$0x17ED0] =	vst v63  }
0x13: {  	_ =	swait.ge [sflag:s11], $0x3E8  }
0x14: {  	[sflag:s11] =	ssyncset.done $0x0  }
0x15: {  	[sflag:s11] =	ssyncadd.s32 $0xFFFFFC18  }
0x16: {  	_ =	swait.ge [sflag:s12], $0x3E8  }
0x17: {  	[sflag:s12] =	ssyncset.done $0x0  }
0x18: {  	[sflag:s12] =	ssyncadd.s32 $0xFFFFFC18  }
0x19: {  	[tilespmem:s13], [sflag:$0x1] =	stream.indirect.gather [hbm4b:s3+s10], $0x20, s1, s10, $0xb8;
	[tilespmem:$0x17ED0] =	vst v63  }
0x1a: {  	_ = 	snop  }
0x1b: {  	[tilespmem:s14], [sflag:$0x2] =	stream.indirect.gather [hbm4b:s4+s10], $0x20, s10, s10, $0xb8;
	[tilespmem:$0x17ED0] =	vst v63  }
0x1c: {  	_ =	swait.ge [sflag:s11], $0x7D00  }
0x1d: {  	[sflag:s11] =	ssyncset.done $0x0  }
0x1e: {  	[sflag:s11] =	ssyncadd.s32 $0xFFFF8300  }
0x1f: {  	_ =	swait.ge [sflag:s12], $0x7D00  }
0x20: {  	[sflag:s12] =	ssyncset.done $0x0  }
0x21: {  	s25 =	simm.s32 $0x8D0;
	[sflag:s12] =	ssyncadd.s32 $0xFFFF8300  }
0x22: {  	s24 =	simm.s32 $0x85D0;
	v0 =	vld [tilespmem:s25+$0x80]  }
0x23: {  	v1 =	vld [tilespmem:s24+$0x80];
	_ =	sdelay $0x4  }
0x24: {  	v2 =	vld [tilespmem:s25+$0xFFFFFF80];
	v0 =	vsub.f32 v0, v1  }
0x25: {  	v1 =	vld [tilespmem:s24+$0xFFFFFF80]  }
0x26: {  	s20 =	simm.s32 $0x102D0;
	v3 =	vld [tilespmem:s24+$0xFFFFFF00];
	v0 =	vmax.f32 v0, $0.0e+00  }
0x27: {  	v4 =	vld [tilespmem:s25+$0xFFFFFF00];
	[tilespmem:s20+$0x80] =	vst v0  }
0x28: {  	v0 =	vld [tilespmem:s25+$0x90]  }
0x29: {  	v5 =	vld [tilespmem:s24+$0x90]  }
0x2a: {  	v6 =	vld [tilespmem:s25+$0x0];
	v1 =	vsub.f32 v2, v1  }
0x2b: {  	v2 =	vld [tilespmem:s24+$0x0]  }
0x2c: {  	v3 =	vsub.f32 v4, v3;
	v1 =	vmax.f32 v1, $0.0e+00  }
0x2d: {  	[tilespmem:s20+$0xFFFFFF80] =	vst v1  }
0x2e: {  	v3 =	vmax.f32 v3, $0.0e+00;
	v1 =	vld [tilespmem:s25+$0xFFFFFF90];
	v0 =	vsub.f32 v0, v5  }
0x2f: {  	[tilespmem:s20+$0xFFFFFF00] =	vst v3;
	v4 =	vld [tilespmem:s24+$0xFFFFFF90]  }
0x30: {  	v3 =	vld [tilespmem:s25+$0xFFFFFF10];
	v2 =	vsub.f32 v6, v2;
	v0 =	vmax.f32 v0, $0.0e+00  }
0x31: {  	v5 =	vld [tilespmem:s24+$0xFFFFFF10];
	[tilespmem:s20+$0x90] =	vst v0  }
0x32: {  	v0 =	vmax.f32 v2, $0.0e+00;
	v2 =	vld [tilespmem:s25+$0xA0]  }
0x33: {  	[tilespmem:s20+$0x0] =	vst v0;
	v0 =	vld [tilespmem:s24+$0xA0]  }
0x34: {  	v6 =	vld [tilespmem:s25+$0x10];
	v1 =	vsub.f32 v1, v4  }
0x35: {  	v4 =	vld [tilespmem:s24+$0x10]  }
0x36: {  	v1 =	vmax.f32 v1, $0.0e+00  }
0x37: {  	v3 =	vsub.f32 v3, v5;
	[tilespmem:s20+$0xFFFFFF90] =	vst v1  }
0x38: {  	v1 =	vld [tilespmem:s25+$0xFFFFFFA0];
	v0 =	vsub.f32 v2, v0  }
0x39: {  	v3 =	vmax.f32 v3, $0.0e+00;
	v2 =	vld [tilespmem:s24+$0xFFFFFFA0]  }
0x3a: {  	[tilespmem:s20+$0xFFFFFF10] =	vst v3;
	v3 =	vsub.f32 v6, v4;
	v0 =	vmax.f32 v0, $0.0e+00  }
0x3b: {  	[tilespmem:s20+$0xA0] =	vst v0  }
0x3c: {  	v0 =	vmax.f32 v3, $0.0e+00;
	v3 =	vld [tilespmem:s25+$0xB0]  }
0x3d: {  	[tilespmem:s20+$0x10] =	vst v0;
	v0 =	vld [tilespmem:s24+$0xB0]  }
0x3e: {  	v1 =	vsub.f32 v1, v2;
	v2 =	vld [tilespmem:s25+$0x20]  }
0x3f: {  	v6 =	vld [tilespmem:s24+$0x20]  }
0x40: {  	v5 =	vld [tilespmem:s24+$0xFFFFFF20];
	v1 =	vmax.f32 v1, $0.0e+00  }
0x41: {  	v4 =	vld [tilespmem:s25+$0xFFFFFF20];
	[tilespmem:s20+$0xFFFFFFA0] =	vst v1  }
0x42: {  	v1 =	vld [tilespmem:s25+$0xFFFFFFB0];
	v0 =	vsub.f32 v3, v0  }
0x43: {  	v3 =	vld [tilespmem:s24+$0xFFFFFFB0]  }
0x44: {  	v2 =	vsub.f32 v2, v6;
	v0 =	vmax.f32 v0, $0.0e+00  }
0x45: {  	[tilespmem:s20+$0xB0] =	vst v0  }
0x46: {  	v4 =	vsub.f32 v4, v5;
	v0 =	vmax.f32 v2, $0.0e+00;
	v2 =	vld [tilespmem:s25+$0xC0]  }
0x47: {  	[tilespmem:s20+$0x20] =	vst v0;
	v0 =	vld [tilespmem:s24+$0xC0]  }
0x48: {  	v4 =	vmax.f32 v4, $0.0e+00;
	v1 =	vsub.f32 v1, v3;
	v3 =	vld [tilespmem:s25+$0x30]  }
0x49: {  	[tilespmem:s20+$0xFFFFFF20] =	vst v4;
	v6 =	vld [tilespmem:s24+$0x30]  }
0x4a: {  	v4 =	vld [tilespmem:s25+$0xFFFFFF30];
	v1 =	vmax.f32 v1, $0.0e+00  }
0x4b: {  	v5 =	vld [tilespmem:s24+$0xFFFFFF30];
	[tilespmem:s20+$0xFFFFFFB0] =	vst v1  }
0x4c: {  	v1 =	vld [tilespmem:s25+$0xFFFFFFC0];
	v0 =	vsub.f32 v2, v0  }
0x4d: {  	v2 =	vld [tilespmem:s24+$0xFFFFFFC0]  }
0x4e: {  	s23 =	simm.s32 $0x87D0;
	v3 =	vsub.f32 v3, v6;
	v0 =	vmax.f32 v0, $0.0e+00  }
0x4f: {  	v10 =	vld [tilespmem:s23+$0xFFFFFF00];
	[tilespmem:s20+$0xC0] =	vst v0  }
0x50: {  	v0 =	vmax.f32 v3, $0.0e+00;
	v3 =	vld [tilespmem:s25+$0xD0]  }
0x51: {  	v4 =	vsub.f32 v4, v5;
	[tilespmem:s20+$0x30] =	vst v0;
	v0 =	vld [tilespmem:s24+$0xD0]  }
0x52: {  	v1 =	vsub.f32 v1, v2;
	v2 =	vld [tilespmem:s25+$0x40]  }
0x53: {  	s21 =	simm.s32 $0xAD0;
	v4 =	vmax.f32 v4, $0.0e+00;
	v6 =	vld [tilespmem:s24+$0x40]  }
0x54: {  	v53 =	vld [tilespmem:s21+$0xFFFFFF00];
	[tilespmem:s20+$0xFFFFFF30] =	vst v4  }
0x55: {  	v4 =	vld [tilespmem:s25+$0xFFFFFF40]  }
0x56: {  	v5 =	vld [tilespmem:s24+$0xFFFFFF40];
	v0 =	vsub.f32 v3, v0  }
0x57: {  	v8 =	vld [tilespmem:s21+$0x80]  }
0x58: {  	v9 =	vld [tilespmem:s23+$0x80];
	v2 =	vsub.f32 v2, v6;
	v0 =	vmax.f32 v0, $0.0e+00  }
0x59: {  	v11 =	vld [tilespmem:s23+$0xFFFFFF80];
	v10 =	vsub.f32 v53, v10;
	[tilespmem:s20+$0xD0] =	vst v0  }
0x5a: {  	v0 =	vmax.f32 v2, $0.0e+00;
	v2 =	vld [tilespmem:s25+$0xE0]  }
0x5b: {  	s22 =	simm.s32 $0x104D0;
	v10 =	vmax.f32 v10, $0.0e+00;
	v4 =	vsub.f32 v4, v5;
	[tilespmem:s20+$0x40] =	vst v0;
	v0 =	vld [tilespmem:s24+$0xE0]  }
0x5c: {  	v12 =	vld [tilespmem:s21+$0x0];
	[tilespmem:s22+$0xFFFFFF00] =	vst v10;
	v1 =	vmax.f32 v1, $0.0e+00  }
0x5d: {  	v10 =	vld [tilespmem:s21+$0xFFFFFF10];
	[tilespmem:s20+$0xFFFFFFC0] =	vst v1;
	v4 =	vmax.f32 v4, $0.0e+00  }
0x5e: {  	v1 =	vld [tilespmem:s25+$0xFFFFFFD0];
	[tilespmem:s20+$0xFFFFFF40] =	vst v4  }
0x5f: {  	v4 =	vld [tilespmem:s25+$0xFFFFFF50]  }
0x60: {  	v5 =	vld [tilespmem:s24+$0xFFFFFF50];
	v0 =	vsub.f32 v2, v0  }
0x61: {  	v2 =	vld [tilespmem:s21+$0xFFFFFF80]  }
0x62: {  	v3 =	vld [tilespmem:s24+$0xFFFFFFD0];
	v0 =	vmax.f32 v0, $0.0e+00  }
0x63: {  	v6 =	vld [tilespmem:s25+$0x50];
	[tilespmem:s20+$0xE0] =	vst v0;
	v0 =	vsub.f32 v8, v9  }
0x64: {  	v7 =	vld [tilespmem:s24+$0x50]  }
0x65: {  	v4 =	vsub.f32 v4, v5;
	v5 =	vld [tilespmem:s23+$0x0];
	v0 =	vmax.f32 v0, $0.0e+00  }
0x66: {  	v55 =	vld [tilespmem:s23+$0xFFFFFF10];
	v2 =	vsub.f32 v2, v11;
	[tilespmem:s22+$0x80] =	vst v0  }
0x67: {  	v0 =	vmax.f32 v4, $0.0e+00;
	v4 =	vld [tilespmem:s21+$0x90]  }
0x68: {  	v1 =	vsub.f32 v1, v3;
	[tilespmem:s20+$0xFFFFFF50] =	vst v0;
	v0 =	vmax.f32 v2, $0.0e+00;
	v2 =	vld [tilespmem:s23+$0x90]  }
0x69: {  	v6 =	vsub.f32 v6, v7;
	v8 =	vld [tilespmem:s25+$0xF0]  }
0x6a: {  	v1 =	vmax.f32 v1, $0.0e+00;
	v5 =	vsub.f32 v12, v5;
	v52 =	vld [tilespmem:s24+$0xF0];
	[tilespmem:s22+$0xFFFFFF80] =	vst v0  }
0x6b: {  	[tilespmem:s20+$0xFFFFFFD0] =	vst v1;
	v6 =	vmax.f32 v6, $0.0e+00;
	v3 =	vld [tilespmem:s21+$0xFFFFFF90]  }
0x6c: {  	v1 =	vmax.f32 v5, $0.0e+00;
	[tilespmem:s20+$0x50] =	vst v6;
	v54 =	vld [tilespmem:s23+$0xFFFFFF90]  }
0x6d: {  	v6 =	vld [tilespmem:s24+$0xFFFFFFE0];
	[tilespmem:s22+$0x0] =	vst v1;
	v1 =	vsub.f32 v4, v2  }
0x6e: {  	v58 =	vld [tilespmem:s25+$0x60]  }
0x6f: {  	v59 =	vld [tilespmem:s24+$0x60];
	v1 =	vmax.f32 v1, $0.0e+00  }
0x70: {  	v0 =	vld [tilespmem:s25+$0xFFFFFF60];
	[tilespmem:s22+$0x90] =	vst v1  }
0x71: {  	v3 =	vsub.f32 v3, v54;
	v1 =	vld [tilespmem:s21+$0xA0]  }
0x72: {  	v56 =	vld [tilespmem:s23+$0xA0]  }
0x73: {  	v4 =	vld [tilespmem:s21+$0x10];
	v3 =	vmax.f32 v3, $0.0e+00  }
0x74: {  	[tilespmem:s22+$0xFFFFFF90] =	vst v3;
	v3 =	vld [tilespmem:s23+$0x10]  }
0x75: {  	v10 =	vsub.f32 v10, v55;
	v7 =	vld [tilespmem:s21+$0xFFFFFFA0]  }
0x76: {  	v57 =	vld [tilespmem:s23+$0xFFFFFFA0]  }
0x77: {  	v10 =	vmax.f32 v10, $0.0e+00;
	v5 =	vld [tilespmem:s24+$0xFFFFFF60];
	v1 =	vsub.f32 v1, v56  }
0x78: {  	[tilespmem:s22+$0xFFFFFF10] =	vst v10;
	v2 =	vld [tilespmem:s25+$0xFFFFFFE0]  }
0x79: {  	v3 =	vsub.f32 v4, v3;
	v4 =	vld [tilespmem:s21+$0xFFFFFF20];
	v1 =	vmax.f32 v1, $0.0e+00  }
0x7a: {  	[tilespmem:s22+$0xA0] =	vst v1;
	v1 =	vld [tilespmem:s23+$0xFFFFFF20]  }
0x7b: {  	v7 =	vsub.f32 v7, v57;
	v3 =	vmax.f32 v3, $0.0e+00;
	v60 =	vld [tilespmem:s21+$0xB0]  }
0x7c: {  	v0 =	vsub.f32 v0, v5;
	[tilespmem:s22+$0x10] =	vst v3;
	v3 =	vld [tilespmem:s23+$0xB0]  }
0x7d: {  	v5 =	vmax.f32 v7, $0.0e+00;
	v7 =	vld [tilespmem:s21+$0x20]  }
0x7e: {  	v0 =	vmax.f32 v0, $0.0e+00;
	[tilespmem:s22+$0xFFFFFFA0] =	vst v5;
	v5 =	vld [tilespmem:s23+$0x20]  }
0x7f: {  	[tilespmem:s20+$0xFFFFFF60] =	vst v0;
	v0 =	vld [tilespmem:s23+$0xFFFFFFB0];
	v1 =	vsub.f32 v4, v1  }
0x80: {  	v4 =	vld [tilespmem:s21+$0xFFFFFFB0]  }
0x81: {  	v61 =	vld [tilespmem:s25+$0xFFFFFF70];
	v3 =	vsub.f32 v60, v3;
	v1 =	vmax.f32 v1, $0.0e+00  }
0x82: {  	[tilespmem:s22+$0xFFFFFF20] =	vst v1;
	v1 =	vld [tilespmem:s24+$0xFFFFFF70]  }
0x83: {  	v5 =	vsub.f32 v7, v5;
	v3 =	vmax.f32 v3, $0.0e+00;
	v7 =	vld [tilespmem:s21+$0xFFFFFF30]  }
0x84: {  	[tilespmem:s22+$0xB0] =	vst v3;
	v3 =	vld [tilespmem:s23+$0xFFFFFF30]  }
0x85: {  	v0 =	vsub.f32 v4, v0;
	v4 =	vmax.f32 v5, $0.0e+00;
	v5 =	vld [tilespmem:s21+$0xC0]  }
0x86: {  	[tilespmem:s22+$0x20] =	vst v4;
	v4 =	vld [tilespmem:s23+$0xC0]  }
0x87: {  	v2 =	vsub.f32 v2, v6;
	v0 =	vmax.f32 v0, $0.0e+00;
	v6 =	vld [tilespmem:s21+$0x30]  }
0x88: {  	[tilespmem:s22+$0xFFFFFFB0] =	vst v0;
	v0 =	vld [tilespmem:s23+$0x30]  }
0x89: {  	v2 =	vmax.f32 v2, $0.0e+00;
	v3 =	vsub.f32 v7, v3;
	v7 =	vld [tilespmem:s21+$0xFFFFFFC0]  }
0x8a: {  	[tilespmem:s20+$0xFFFFFFE0] =	vst v2;
	v2 =	vld [tilespmem:s23+$0xFFFFFFC0]  }
0x8b: {  	v3 =	vmax.f32 v3, $0.0e+00;
	v4 =	vsub.f32 v5, v4;
	v5 =	vld [tilespmem:s25+$0xFFFFFFF0]  }
0x8c: {  	[tilespmem:s22+$0xFFFFFF30] =	vst v3;
	v3 =	vld [tilespmem:s24+$0xFFFFFFF0]  }
0x8d: {  	v0 =	vsub.f32 v6, v0;
	v6 =	vld [tilespmem:s21+$0xFFFFFF40];
	v4 =	vmax.f32 v4, $0.0e+00  }
0x8e: {  	[tilespmem:s22+$0xC0] =	vst v4;
	v4 =	vld [tilespmem:s23+$0xFFFFFF40]  }
0x8f: {  	v2 =	vsub.f32 v7, v2;
	v0 =	vmax.f32 v0, $0.0e+00;
	v7 =	vld [tilespmem:s21+$0xD0]  }
0x90: {  	[tilespmem:s22+$0x30] =	vst v0;
	v0 =	vld [tilespmem:s23+$0xD0]  }
0x91: {  	v10 =	vsub.f32 v58, v59;
	v2 =	vmax.f32 v2, $0.0e+00;
	v62 =	vld [tilespmem:s21+$0x40]  }
0x92: {  	[tilespmem:s22+$0xFFFFFFC0] =	vst v2;
	v2 =	vld [tilespmem:s23+$0x40]  }
0x93: {  	v10 =	vmax.f32 v10, $0.0e+00;
	v63 =	vld [tilespmem:s23+$0xFFFFFFD0];
	v4 =	vsub.f32 v6, v4  }
0x94: {  	v8 =	vsub.f32 v8, v52;
	[tilespmem:s20+$0x60] =	vst v10;
	v6 =	vld [tilespmem:s21+$0xFFFFFFD0]  }
0x95: {  	v10 =	vld [tilespmem:s24+$0x70];
	v4 =	vmax.f32 v4, $0.0e+00;
	v0 =	vsub.f32 v7, v0  }
0x96: {  	v8 =	vmax.f32 v8, $0.0e+00;
	v1 =	vsub.f32 v61, v1;
	v7 =	vld [tilespmem:s25+$0x70];
	[tilespmem:s22+$0xFFFFFF40] =	vst v4  }
0x97: {  	[tilespmem:s20+$0xF0] =	vst v8;
	v8 =	vsub.f32 v62, v2;
	v2 =	vld [tilespmem:s21+$0xFFFFFF50];
	v0 =	vmax.f32 v0, $0.0e+00  }
0x98: {  	v1 =	vmax.f32 v1, $0.0e+00;
	v3 =	vsub.f32 v5, v3;
	v4 =	vld [tilespmem:s23+$0xFFFFFF50];
	[tilespmem:s22+$0xD0] =	vst v0  }
0x99: {  	[tilespmem:s20+$0xFFFFFF70] =	vst v1;
	v0 =	vsub.f32 v6, v63;
	v5 =	vmax.f32 v8, $0.0e+00;
	v1 =	vld [tilespmem:s21+$0xE0]  }
0x9a: {  	v6 =	vmax.f32 v3, $0.0e+00;
	[tilespmem:s22+$0x40] =	vst v5;
	v3 =	vld [tilespmem:s23+$0xE0]  }
0x9b: {  	[tilespmem:s20+$0xFFFFFFF0] =	vst v6;
	v6 =	vmax.f32 v0, $0.0e+00;
	v5 =	vld [tilespmem:s21+$0x50];
	v0 =	vsub.f32 v7, v10  }
0x9c: {  	s26 =	simm.s32 $0xCD0;
	s24 =	simm.s32 $0x87D0;
	s25 =	simm.s32 $0x4;
	[tilespmem:s22+$0xFFFFFFD0] =	vst v6;
	v6 =	vld [tilespmem:s23+$0x50]  }
.LBB2_3:
0x9d: {  	v7 =	vld [tilespmem:s26+$0x80];
	v2 =	vsub.f32 v2, v4;
	s23 =	sadd.s32 $0x200, s23;
	v0 =	vmax.f32 v0, $0.0e+00  }
0x9e: {  	v4 =	vld [tilespmem:s23+$0x80];
	[tilespmem:s20+$0x70] =	vst v0;
	s20 =	smov.u32 s22  }
0x9f: {  	v0 =	vld [tilespmem:s23+$0xFFFFFF00];
	v2 =	vmax.f32 v2, $0.0e+00;
	v1 =	vsub.f32 v1, v3  }
0xa0: {  	v3 =	vld [tilespmem:s26+$0xFFFFFF80];
	[tilespmem:s22+$0xFFFFFF50] =	vst v2  }
0xa1: {  	v2 =	vld [tilespmem:s23+$0xFFFFFF80];
	v5 =	vsub.f32 v5, v6;
	v1 =	vmax.f32 v1, $0.0e+00  }
0xa2: {  	v6 =	vld [tilespmem:s26+$0x0];
	[tilespmem:s22+$0xE0] =	vst v1  }
0xa3: {  	v1 =	vsub.f32 v7, v4;
	v4 =	vmax.f32 v5, $0.0e+00;
	v5 =	vld [tilespmem:s21+$0xF0]  }
0xa4: {  	[tilespmem:s22+$0x50] =	vst v4;
	v4 =	vld [tilespmem:s24+$0xF0]  }
0xa5: {  	s25 =	sadd.s32 $0x4, s25;
	s22 =	sadd.s32 $0x200, s22;
	v7 =	vld [tilespmem:s23+$0x0];
	v1 =	vmax.f32 v1, $0.0e+00  }
0xa6: {  	p0 =	slt.u32 s25, $0xF4;
	v8 =	vld [tilespmem:s26+$0xFFFFFF00];
	v2 =	vsub.f32 v3, v2;
	[tilespmem:s22+$0x80] =	vst v1  }
0xa7: {  	v1 =	vld [tilespmem:s26+$0x90]  }
0xa8: {  	v2 =	vmax.f32 v2, $0.0e+00;
	v3 =	vld [tilespmem:s23+$0x90]  }
0xa9: {  	[tilespmem:s22+$0xFFFFFF80] =	vst v2;
	v2 =	vld [tilespmem:s21+$0xFFFFFF60];
	v4 =	vsub.f32 v5, v4  }
0xaa: {  	v5 =	vld [tilespmem:s26+$0xFFFFFF90];
	v6 =	vsub.f32 v6, v7  }
0xab: {  	v0 =	vsub.f32 v8, v0;
	v7 =	vld [tilespmem:s23+$0xFFFFFF90];
	v4 =	vmax.f32 v4, $0.0e+00  }
0xac: {  	v6 =	vmax.f32 v6, $0.0e+00;
	v8 =	vld [tilespmem:s24+$0xFFFFFF60];
	[tilespmem:s20+$0xF0] =	vst v4  }
0xad: {  	v0 =	vmax.f32 v0, $0.0e+00;
	[tilespmem:s22+$0x0] =	vst v6;
	v1 =	vsub.f32 v1, v3;
	v3 =	vld [tilespmem:s21+$0xFFFFFFE0]  }
0xae: {  	[tilespmem:s22+$0xFFFFFF00] =	vst v0;
	v0 =	vld [tilespmem:s26+$0x10]  }
0xaf: {  	v4 =	vld [tilespmem:s26+$0xFFFFFF10];
	v1 =	vmax.f32 v1, $0.0e+00  }
0xb0: {  	v6 =	vld [tilespmem:s23+$0xFFFFFF10];
	v5 =	vsub.f32 v5, v7;
	[tilespmem:s22+$0x90] =	vst v1  }
0xb1: {  	v1 =	vld [tilespmem:s26+$0xA0];
	v2 =	vsub.f32 v2, v8  }
0xb2: {  	v5 =	vmax.f32 v5, $0.0e+00;
	v7 =	vld [tilespmem:s23+$0xA0]  }
0xb3: {  	[tilespmem:s22+$0xFFFFFF90] =	vst v5;
	v5 =	vld [tilespmem:s23+$0x10];
	v2 =	vmax.f32 v2, $0.0e+00  }
0xb4: {  	v8 =	vld [tilespmem:s26+$0xFFFFFFA0];
	[tilespmem:s20+$0xFFFFFF60] =	vst v2  }
0xb5: {  	v2 =	vsub.f32 v4, v6;
	v4 =	vld [tilespmem:s23+$0xFFFFFFA0]  }
0xb6: {  	v6 =	vld [tilespmem:s24+$0xFFFFFFE0]  }
0xb7: {  	v2 =	vmax.f32 v2, $0.0e+00;
	v1 =	vsub.f32 v1, v7;
	v7 =	vld [tilespmem:s21+$0x60]  }
0xb8: {  	[tilespmem:s22+$0xFFFFFF10] =	vst v2;
	v0 =	vsub.f32 v0, v5;
	v2 =	vld [tilespmem:s24+$0x60]  }
0xb9: {  	v5 =	vld [tilespmem:s26+$0xFFFFFF20];
	v1 =	vmax.f32 v1, $0.0e+00  }
0xba: {  	v9 =	vld [tilespmem:s23+$0xFFFFFF20];
	v4 =	vsub.f32 v8, v4;
	v0 =	vmax.f32 v0, $0.0e+00;
	[tilespmem:s22+$0xA0] =	vst v1  }
0xbb: {  	[tilespmem:s22+$0x10] =	vst v0;
	v0 =	vld [tilespmem:s26+$0xB0];
	v1 =	vsub.f32 v3, v6  }
0xbc: {  	v3 =	vmax.f32 v4, $0.0e+00;
	v4 =	vld [tilespmem:s23+$0xB0]  }
0xbd: {  	[tilespmem:s22+$0xFFFFFFA0] =	vst v3;
	v3 =	vld [tilespmem:s26+$0x20];
	v1 =	vmax.f32 v1, $0.0e+00;
	v2 =	vsub.f32 v7, v2  }
0xbe: {  	v6 =	vld [tilespmem:s23+$0x20];
	[tilespmem:s20+$0xFFFFFFE0] =	vst v1  }
0xbf: {  	v1 =	vsub.f32 v5, v9;
	v5 =	vld [tilespmem:s26+$0xFFFFFFB0];
	v2 =	vmax.f32 v2, $0.0e+00  }
0xc0: {  	v7 =	vld [tilespmem:s23+$0xFFFFFFB0];
	[tilespmem:s20+$0x60] =	vst v2  }
0xc1: {  	v1 =	vmax.f32 v1, $0.0e+00;
	v0 =	vsub.f32 v0, v4;
	v2 =	vld [tilespmem:s21+$0xFFFFFF70]  }
0xc2: {  	[tilespmem:s22+$0xFFFFFF20] =	vst v1;
	v1 =	vld [tilespmem:s24+$0xFFFFFF70]  }
0xc3: {  	v4 =	vld [tilespmem:s26+$0xFFFFFF30];
	v3 =	vsub.f32 v3, v6;
	v0 =	vmax.f32 v0, $0.0e+00  }
0xc4: {  	v6 =	vld [tilespmem:s23+$0xFFFFFF30];
	[tilespmem:s22+$0xB0] =	vst v0  }
0xc5: {  	v0 =	vsub.f32 v5, v7;
	v3 =	vmax.f32 v3, $0.0e+00;
	v5 =	vld [tilespmem:s26+$0xC0]  }
0xc6: {  	[tilespmem:s22+$0x20] =	vst v3;
	v3 =	vld [tilespmem:s23+$0xC0]  }
0xc7: {  	v0 =	vmax.f32 v0, $0.0e+00;
	v7 =	vld [tilespmem:s26+$0x30];
	v1 =	vsub.f32 v2, v1  }
0xc8: {  	[tilespmem:s22+$0xFFFFFFB0] =	vst v0;
	v0 =	vld [tilespmem:s23+$0x30]  }
0xc9: {  	v2 =	vsub.f32 v4, v6;
	v4 =	vld [tilespmem:s26+$0xFFFFFFC0];
	v1 =	vmax.f32 v1, $0.0e+00  }
0xca: {  	v6 =	vld [tilespmem:s23+$0xFFFFFFC0];
	[tilespmem:s20+$0xFFFFFF70] =	vst v1  }
0xcb: {  	v1 =	vmax.f32 v2, $0.0e+00;
	v2 =	vsub.f32 v5, v3;
	v3 =	vld [tilespmem:s21+$0xFFFFFFF0]  }
0xcc: {  	[tilespmem:s22+$0xFFFFFF30] =	vst v1;
	v1 =	vld [tilespmem:s24+$0xFFFFFFF0]  }
0xcd: {  	v5 =	vld [tilespmem:s26+$0xFFFFFF40];
	v0 =	vsub.f32 v7, v0;
	v2 =	vmax.f32 v2, $0.0e+00  }
0xce: {  	v7 =	vld [tilespmem:s23+$0xFFFFFF40];
	[tilespmem:s22+$0xC0] =	vst v2  }
0xcf: {  	v2 =	vsub.f32 v4, v6;
	v0 =	vmax.f32 v0, $0.0e+00;
	v4 =	vld [tilespmem:s26+$0xD0]  }
0xd0: {  	[tilespmem:s22+$0x30] =	vst v0;
	v0 =	vld [tilespmem:s23+$0xD0]  }
0xd1: {  	v2 =	vmax.f32 v2, $0.0e+00;
	v6 =	vld [tilespmem:s26+$0x40];
	v1 =	vsub.f32 v3, v1  }
0xd2: {  	[tilespmem:s22+$0xFFFFFFC0] =	vst v2;
	v3 =	vld [tilespmem:s23+$0x40]  }
0xd3: {  	v2 =	vsub.f32 v5, v7;
	v5 =	vld [tilespmem:s26+$0xFFFFFFD0];
	v1 =	vmax.f32 v1, $0.0e+00  }
0xd4: {  	v7 =	vld [tilespmem:s23+$0xFFFFFFD0];
	[tilespmem:s20+$0xFFFFFFF0] =	vst v1  }
0xd5: {  	v1 =	vmax.f32 v2, $0.0e+00;
	v0 =	vsub.f32 v4, v0;
	v8 =	vld [tilespmem:s21+$0x70];
	s21 =	smov.u32 s26  }
0xd6: {  	[tilespmem:s22+$0xFFFFFF40] =	vst v1;
	v9 =	vld [tilespmem:s24+$0x70];
	s24 =	smov.u32 s23  }
0xd7: {  	v2 =	vld [tilespmem:s26+$0xFFFFFF50];
	v1 =	vsub.f32 v6, v3;
	v0 =	vmax.f32 v0, $0.0e+00  }
.Ltmp0:
0xd8: {  	v4 =	vld [tilespmem:s23+$0xFFFFFF50];
	[tilespmem:s22+$0xD0] =	vst v0;
	(pc) =	sbr.rel @p0 .LBB2_3-.Ltmp0, $4  }
0xd9: {  	v0 =	vsub.f32 v5, v7;
	v3 =	vmax.f32 v1, $0.0e+00;
	v1 =	vld [tilespmem:s26+$0xE0]  }
0xda: {  	[tilespmem:s22+$0x40] =	vst v3;
	v3 =	vld [tilespmem:s23+$0xE0]  }
0xdb: {  	v6 =	vmax.f32 v0, $0.0e+00;
	v5 =	vld [tilespmem:s26+$0x50];
	v0 =	vsub.f32 v8, v9  }
0xdc: {  	s26 =	sadd.s32 $0x200, s26;
	[tilespmem:s22+$0xFFFFFFD0] =	vst v6;
	v6 =	vld [tilespmem:s23+$0x50]  }
0xdd: {  	_ =	sdelay $0x1  }
0xde: {  	v2 =	vsub.f32 v2, v4;
	_ =	sdelay $0x1  }
0xdf: {  	v50 =	vld [tilespmem:s21+$0xFFFFFFE0];
	v2 =	vmax.f32 v2, $0.0e+00;
	v47 =	vsub.f32 v5, v6  }
0xe0: {  	v51 =	vld [tilespmem:s24+$0xFFFFFFE0];
	[tilespmem:s22+$0xFFFFFF50] =	vst v2  }
0xe1: {  	v48 =	vld [tilespmem:s21+$0xFFFFFF60];
	v2 =	vmax.f32 v47, $0.0e+00  }
0xe2: {  	v49 =	vld [tilespmem:s24+$0xFFFFFF60];
	[tilespmem:s22+$0x50] =	vst v2  }
0xe3: {  	v1 =	vsub.f32 v1, v3;
	v52 =	vld [tilespmem:s21+$0x60]  }
0xe4: {  	v7 =	vld [tilespmem:s24+$0x60]  }
0xe5: {  	v1 =	vmax.f32 v1, $0.0e+00;
	v2 =	vsub.f32 v50, v51  }
0xe6: {  	[tilespmem:s22+$0xE0] =	vst v1  }
0xe7: {  	v1 =	vld [tilespmem:s21+$0xF0];
	v4 =	vsub.f32 v48, v49;
	v2 =	vmax.f32 v2, $0.0e+00  }
0xe8: {  	v53 =	vld [tilespmem:s24+$0xF0];
	[tilespmem:s22+$0xFFFFFFE0] =	vst v2  }
0xe9: {  	v4 =	vmax.f32 v4, $0.0e+00;
	v55 =	vld [tilespmem:s21+$0xFFFFFFF0];
	v3 =	vsub.f32 v52, v7  }
0xea: {  	v56 =	vld [tilespmem:s24+$0xFFFFFFF0];
	[tilespmem:s22+$0xFFFFFF60] =	vst v4  }
0xeb: {  	v4 =	vld [tilespmem:s21+$0xFFFFFF70];
	v3 =	vmax.f32 v3, $0.0e+00  }
0xec: {  	v54 =	vld [tilespmem:s24+$0xFFFFFF70];
	[tilespmem:s22+$0x60] =	vst v3  }
0xed: {  	v57 =	vld [tilespmem:s21+$0x70]  }
0xee: {  	v8 =	vld [tilespmem:s24+$0x70];
	_ =	sdelay $0x1  }
0xef: {  	v1 =	vsub.f32 v1, v53  }
0xf0: {  	v0 =	vmax.f32 v0, $0.0e+00;
	v59 =	vsub.f32 v55, v56  }
0xf1: {  	[tilespmem:s20+$0x70] =	vst v0;
	v58 =	vmax.f32 v1, $0.0e+00;
	v2 =	vsub.f32 v4, v54  }
0xf2: {  	[tilespmem:s22+$0xF0] =	vst v58;
	v62 =	vmax.f32 v59, $0.0e+00;
	v61 =	vsub.f32 v57, v8  }
0xf3: {  	[tilespmem:s22+$0xFFFFFFF0] =	vst v62;
	v60 =	vmax.f32 v2, $0.0e+00  }
0xf4: {  	[tilespmem:s22+$0xFFFFFF70] =	vst v60;
	v63 =	vmax.f32 v61, $0.0e+00  }
0xf5: {  	s20 =	simm.s32 $0x0;
	[tilespmem:s22+$0x70] =	vst v63  }
.LBB2_5:
0xf6: {  	s21 =	sshra.s32 s20, $0x2  }
0xf7: {  	v0 =	vld [tilespmem:s21+$0x83D0]  }
0xf8: {  	v1 =	vld [tilespmem:s21+$0x100D0]  }
0xf9: {  	v2 =	vld [tilespmem:s21+$0x83E0]  }
0xfa: {  	v3 =	vld [tilespmem:s21+$0x100E0]  }
0xfb: {  	v4 =	vld [tilespmem:s21+$0x83F0]  }
0xfc: {  	v5 =	vld [tilespmem:s21+$0x100F0]  }
0xfd: {  	v6 =	vld [tilespmem:s21+$0x8400]  }
0xfe: {  	v7 =	vld [tilespmem:s21+$0x10100]  }
0xff: {  	v8 =	vld [tilespmem:s21+$0x8410]  }
0x100: {  	v9 =	vld [tilespmem:s21+$0x10110]  }
0x101: {  	v10 =	vld [tilespmem:s21+$0x8420]  }
0x102: {  	v11 =	vld [tilespmem:s21+$0x10120]  }
0x103: {  	v54 =	vld [tilespmem:s21+$0x8440]  }
0x104: {  	v55 =	vld [tilespmem:s21+$0x10140];
	v0 =	vsub.f32 v0, v1  }
0x105: {  	v12 =	vld [tilespmem:s21+$0x8430];
	v2 =	vsub.f32 v2, v3  }
0x106: {  	v53 =	vld [tilespmem:s21+$0x10130];
	v4 =	vsub.f32 v4, v5;
	v0 =	vmax.f32 v0, $0.0e+00  }
0x107: {  	v57 =	vsub.f32 v8, v9;
	v2 =	vmax.f32 v2, $0.0e+00;
	[tilespmem:s21+$0x17DD0] =	vst v0  }
0x108: {  	v58 =	vsub.f32 v10, v11;
	v4 =	vmax.f32 v4, $0.0e+00;
	[tilespmem:s21+$0x17DE0] =	vst v2  }
0x109: {  	p0 =	sne.s32 s20, $0x200;
	v61 =	vsub.f32 v54, v55;
	v60 =	vmax.f32 v57, $0.0e+00;
	[tilespmem:s21+$0x17DF0] =	vst v4  }
.Ltmp1:
0x10a: {  	v56 =	vsub.f32 v6, v7;
	v62 =	vmax.f32 v58, $0.0e+00;
	[tilespmem:s21+$0x17E10] =	vst v60;
	(pc) =	sbr.rel @p0 .LBB2_5-.Ltmp1, $4  }
0x10b: {  	v59 =	vsub.f32 v12, v53;
	v63 =	vmax.f32 v61, $0.0e+00;
	[tilespmem:s21+$0x17E20] =	vst v62  }
0x10c: {  	v0 =	vmax.f32 v56, $0.0e+00;
	[tilespmem:s21+$0x17E40] =	vst v63  }
0x10d: {  	[tilespmem:s21+$0x17E00] =	vst v0;
	v0 =	vmax.f32 v59, $0.0e+00  }
0x10e: {  	s20 =	sadd.s32 $0x200, s20;
	[tilespmem:s21+$0x17E30] =	vst v0  }
0x10f: {  	s18 =	sadd.s32 $0x1, s18  }
0x110: {  	s19 =	sshll.u32 s19, $0x2;
	p0 =	sne.s32 s18, $0x32  }
.Ltmp2:
0x111: {  	s19 =	sadd.s32 s7, s19;
	(pc) =	sbr.rel @p0 .LBB2_2-.Ltmp2, $4  }
0x112: {  	[hbm4b:s19+s1] =	stream.linear.scatter [tilespmem:s15], [sflag:$0x3], $0x7D00, $0x38;
	[tilespmem:$0x17ED0] =	vst v63  }
0x113: {  	_ =	swait.ge [sflag:s16], $0x7D00  }
0x114: {  	[sflag:s16] =	ssyncset.done $0x0  }
0x115: {  	[sflag:s16] =	ssyncadd.s32 $0xFFFF8300  }
0x116: {  	s17 =	sadd.s32 $0x1, s17  }
0x117: {  	p0 =	sne.s32 s17, s9  }
.Ltmp3:
0x118: {  	_ = 	snop;
	(pc) =	sbr.rel @p0 .LBB2_1-.Ltmp3, $1  }
0x119: {  	_ =	sdelay $0x3  }
0x11a: {  	_ =	sfence.sel $0x180000  }
0x11b: {  	[bflag:$0x0] =	sbarrier.arrive $0xFFFF  }
0x11c: {  	p0 =	sne.s32 s2, $0x0;
	_ =	strace $0x90000050  }
0x11d: {  	s0 =	sadd.s32 @!p0 $0x100000, s0;
	[bflag:$0x2] =	sbarrier.arrive $0xFFFF  }
0x11e: {  	[sflag:s0] =	ssyncadd.tile.s32 @!p0 $0x1;
	_ =	shalt  }
.Lfunc_end2:
_tile_overlayer_lowered:
.L_overlay_start_2:
0x11f: {  	(tag) =	ssettag $0x2  }
0x120: {  	s0 =	rddreg [dreg:$0x0];
	s2 =	stileid.u32  }
0x121: {  	s1 =	rddreg [dreg:$0x1];
	p0 =	sne.s32 s2, $0x0  }
0x122: {  	s3 =	rddreg [dreg:$0x2];
	[bflag:$0x3] =	sbarrier.arrive $0xFFFF;
	s2 =	simm.s32 @!p0 $0x1C03  }
0x123: {  	[timem:s3], [sflag:s2] =	dma.local @!p0 [hbm:s0], s1  }
0x124: {  	s0 =	simm.s32 @!p0 $0x3  }
0x125: {  	_ =	swait.ge @!p0 [sflag:s0], s1  }
0x126: {  	s1 =	ssub.s32 @!p0 $0x0, s1;
	[sflag:s0] =	ssyncset.done @!p0 $0x0  }
0x127: {  	[sflag:s0] =	ssyncadd.s32 @!p0 s1  }
0x128: {  	[bflag:$0x3] =	sbarrier.arrive $0xFFFF  }
0x129: {  	_ =	shalt  }

// kernel: kernel.9.cloned.1.call-start
scs
__scs_entry_jumppad:
0x0: {  	(pc) =	sbr.rel $0x88, $3  }
0x1: {  	(tag) =	ssettag $0x0;
	lr =	simm.s32 $0x1  }
0x2: {  	[smem:$0x3F94] =	sst lr;
	_ =	strace $0xD0000000  }
0x3: {  	_ = 	snop  }
0x4: {  	_ = 	snop  }
0x5: {  	_ = 	snop  }
0x6: {  	_ = 	snop  }
0x7: {  	_ = 	snop  }
__scs_overlays_trampoline_lowered:
0x8: {  	[smem:$0x3FA3] =	sst s0  }
0x9: {  	[smem:$0x3FA4] =	sst s1  }
0xa: {  	[smem:$0x3FA5] =	sst s2  }
0xb: {  	[smem:$0x3FA6] =	sst s3  }
0xc: {  	[smem:$0x3FA7] =	sst s4  }
0xd: {  	[smem:$0x3FA8] =	sst s5  }
0xe: {  	[smem:$0x3FA9] =	sst s6  }
0xf: {  	[smem:$0x3FAA] =	sst s7  }
0x10: {  	[smem:$0x3FAB] =	sst s8  }
0x11: {  	[smem:$0x3FAC] =	sst s9;
	s0 =	simm.s32 @!p0 $0x0  }
0x12: {  	s1 =	sld [smem:$0x3F92];
	s0 =	simm.s32 @p0 $0x1  }
0x13: {  	[smem:$0x3FAD] =	sst s0;
	s0 =	simm.s32 @!p1 $0x0  }
0x14: {  	s2 =	sld [smem:$0x3F91];
	s0 =	simm.s32 @p1 $0x1  }
0x15: {  	[smem:$0x3FAE] =	sst s0;
	s0 =	simm.s32 @!p2 $0x0  }
0x16: {  	s3 =	sld [smem:$0x3FDB];
	s0 =	simm.s32 @p2 $0x1  }
0x17: {  	s4 =	simm.s32 $0x1BF5;
	[smem:$0x3FB0] =	sst s0  }
0x18: {  	s0 =	sld [smem:$0x3F93];
	_ =	swait.ge [sflag:s4], $0x0  }
0x19: {  	s7 =	sld [smem:$0x3F94]  }
0x1a: {  	s8 =	sadd.s32 $0xFFFFE003, lr  }
0x1b: {  	s9 =	sadd.s32 $0xFFFFFEF7, lr;
	s5 =	simm.s32 $0xFFFFFFFF;
	p2 =	slt.u32 s8, $0xFFFFF086  }
0x1c: {  	p1 =	slt.u32 s9, $0xF7A;
	s5 =	simm.s32 @!p2 $0x0  }
0x1d: {  	s5 =	simm.s32 @p1 $0x1;
	p0 =	seq.s32 s7, s2  }
0x1e: {  	s7 =	smul.u32 @!p0 $0xF7A, s2;
	p2 =	seq.s32 @!p0 s5, $0x0  }
0x1f: {  	s9 =	smul.u32 $0xF7A, s1;
	s8 =	simm.s32 @!p0 $0x1BF5;
	p2 =	por !p2, p0  }
0x20: {  	[sflag:s8] =	ssyncset.s32 @!p0 $0xFFFFF086;
	s6 =	sadd.s32 @!p0 s3, s7;
	s7 =	simm.s32 @!p0 $0x108  }
0x21: {  	s3 =	sadd.s32 s3, s9;
	s6 =	sadd.s32 @!p0 $0x88, s6;
	s7 =	simm.s32 @p2 $0x1082  }
0x22: {  	[simem:s7], [sflag:s8] =	dma.local @!p0 [hbm:s6], $0xF7A  }
0x23: {  	s9 =	sor.u32 $0xD0000000, s2;
	s6 =	simm.s32 $0x108;
	_ =	swait.ge @!p0 [sflag:s8], $0x0  }
0x24: {  	s3 =	sadd.s32 $0x88, s3;
	s6 =	simm.s32 @!p1 $0x1082;
	[sflag:s4] =	ssyncset.s32 $0xFFFFF086  }
0x25: {  	[simem:s6], [sflag:s4] =	dma.local [hbm:s3], $0xF7A  }
0x26: {  	[smem:$0x3F94] =	sst s1;
	(tag) =	ssettag s2;
	_ =	strace s9  }
0x27: {  	s1 =	sld [smem:$0x3FA4]  }
0x28: {  	s2 =	sld [smem:$0x3FA5]  }
0x29: {  	s4 =	sld [smem:$0x3FA7]  }
0x2a: {  	p0 =	seq.s32 s5, $0x0;
	s5 =	sld [smem:$0x3FA8]  }
0x2b: {  	s6 =	sld [smem:$0x3FA9]  }
0x2c: {  	s7 =	sld [smem:$0x3FAA]  }
0x2d: {  	s3 =	simm.s32 $0x108;
	s8 =	sld [smem:$0x3FAB]  }
0x2e: {  	s3 =	simm.s32 @!p0 $0x1082;
	s9 =	sld [smem:$0x3FAC]  }
0x2f: {  	lr =	sadd.s32 s0, s3;
	s0 =	sld [smem:$0x3FA3]  }
0x30: {  	s3 =	sld [smem:$0x3FA6]  }
0x31: {  	[smem:$0x3FAF] =	sst s10  }
0x32: {  	s10 =	sld [smem:$0x3FAD];
	_ =	sdelay $0x3  }
0x33: {  	p0 =	seq.s32 s10, $0x1;
	s10 =	sld [smem:$0x3FAF];
	_ =	sdelay $0x3  }
0x34: {  	[smem:$0x3FAF] =	sst s10  }
0x35: {  	s10 =	sld [smem:$0x3FAE];
	_ =	sdelay $0x3  }
0x36: {  	p1 =	seq.s32 s10, $0x1;
	s10 =	sld [smem:$0x3FAF];
	_ =	sdelay $0x3  }
0x37: {  	[smem:$0x3FAF] =	sst s10  }
0x38: {  	s10 =	sld [smem:$0x3FB0]  }
0x39: {  	_ = 	snop;
	(pc) =	sbr.ind lr, $3  }
0x3a: {  	_ = 	snop  }
0x3b: {  	_ = 	snop  }
0x3c: {  	p2 =	seq.s32 s10, $0x1;
	s10 =	sld [smem:$0x3FAF]  }
0x3d: {  	_ =	shalt  }
0x3e: {  	_ =	shalt  }
0x3f: {  	_ =	shalt  }
0x40: {  	_ =	shalt  }
0x41: {  	_ =	shalt  }
0x42: {  	_ =	shalt  }
0x43: {  	_ =	shalt  }
0x44: {  	_ =	shalt  }
0x45: {  	_ =	shalt  }
0x46: {  	_ =	shalt  }
0x47: {  	_ =	shalt  }
0x48: {  	_ =	shalt  }
0x49: {  	_ =	shalt  }
0x4a: {  	_ =	shalt  }
0x4b: {  	_ =	shalt  }
0x4c: {  	_ =	shalt  }
0x4d: {  	_ =	shalt  }
0x4e: {  	_ =	shalt  }
0x4f: {  	_ =	shalt  }
0x50: {  	_ =	shalt  }
0x51: {  	_ =	shalt  }
0x52: {  	_ =	shalt  }
0x53: {  	_ =	shalt  }
0x54: {  	_ =	shalt  }
0x55: {  	_ =	shalt  }
0x56: {  	_ =	shalt  }
0x57: {  	_ =	shalt  }
0x58: {  	_ =	shalt  }
0x59: {  	_ =	shalt  }
0x5a: {  	_ =	shalt  }
0x5b: {  	_ =	shalt  }
0x5c: {  	_ =	shalt  }
0x5d: {  	_ =	shalt  }
0x5e: {  	_ =	shalt  }
0x5f: {  	_ =	shalt  }
0x60: {  	_ =	shalt  }
0x61: {  	_ =	shalt  }
0x62: {  	_ =	shalt  }
0x63: {  	_ =	shalt  }
0x64: {  	_ =	shalt  }
0x65: {  	_ =	shalt  }
0x66: {  	_ =	shalt  }
0x67: {  	_ =	shalt  }
0x68: {  	_ =	shalt  }
0x69: {  	_ =	shalt  }
0x6a: {  	_ =	shalt  }
0x6b: {  	_ =	shalt  }
0x6c: {  	_ =	shalt  }
0x6d: {  	_ =	shalt  }
0x6e: {  	_ =	shalt  }
0x6f: {  	_ =	shalt  }
0x70: {  	_ =	shalt  }
0x71: {  	_ =	shalt  }
0x72: {  	_ =	shalt  }
0x73: {  	_ =	shalt  }
0x74: {  	_ =	shalt  }
0x75: {  	_ =	shalt  }
0x76: {  	_ =	shalt  }
0x77: {  	_ =	shalt  }
0x78: {  	_ =	shalt  }
0x79: {  	_ =	shalt  }
0x7a: {  	_ =	shalt  }
0x7b: {  	_ =	shalt  }
0x7c: {  	_ =	shalt  }
0x7d: {  	_ =	shalt  }
0x7e: {  	_ =	shalt  }
0x7f: {  	_ =	shalt  }
0x80: {  	_ =	shalt  }
0x81: {  	_ =	shalt  }
0x82: {  	_ =	shalt  }
0x83: {  	_ =	shalt  }
0x84: {  	_ =	shalt  }
0x85: {  	_ =	shalt  }
0x86: {  	_ =	shalt  }
0x87: {  	_ =	shalt  }
.Lfunc_end0:
.L_simem_size_0:
called_computation.3_lowered:
.L_overlay_start_0:
0x88: {  	s2 =	sld [smem:$0x3FD9]  }
0x89: {  	s3 =	sld [smem:$0x3FFE];
	_ =	sdelay $0x1  }
0x8a: {  	s1 =	srdreg.scid  }
0x8b: {  	s0 =	sand.u32 $0x1, s1  }
0x8c: {  	s16 =	sshll.u32 s0, $0xA;
	s2 =	sadd.s32 s3, s2  }
0x8d: {  	s2 =	sadd.s32 s2, s16  }
0x8e: {  	[smem:$0x3FBB] =	sst s2  }
0x8f: {  	_ = 	snop  }
0x90: {  	(tm) =	ssettm $0x1  }
0x91: {  	s17 =	sld [smem:$0x3FFB];
	_ =	sdelay $0x3  }
0x92: {  	_ =	strace s17  }
0x93: {  	s2 =	sld [smem:$0x3FFC];
	_ =	sdelay $0x3  }
0x94: {  	_ =	strace s2  }
0x95: {  	s2 =	sld [smem:$0x3FFD];
	_ =	sdelay $0x3  }
0x96: {  	_ =	strace s2  }
0x97: {  	_ =	strace $0x8FFFFFFF  }
0x98: {  	s18 =	sld [smem:$0x3FDB];
	_ =	sdelay $0x1  }
0x99: {  	s19 =	simm.s32 $_scs_section_size  }
0x9a: {  	s4 =	simm.s32 $_size__tile_overlayer_lowered;
	s5 =	simm.s32 $_tile_overlayer_lowered  }
0x9b: {  	s22 =	simm.s32 $0x1BFF;
	s21 =	sshll.u32 s5, $0x1;
	s2 =	sadd.s32 s19, s18  }
0x9c: {  	s6 =	simm.s32 $0x0;
	s20 =	sshll.u32 s4, $0x1;
	s4 =	sadd.s32 s21, s2  }
0x9d: {  	[timem:s6], [sflag:s22] =	dma.local [hbm:s4], s20  }
0x9e: {  	_ =	swait.ge [sflag:s22], s20  }
0x9f: {  	s3 =	ssub.s32 $0x0, s20;
	[sflag:s22] =	ssyncset.done $0x0  }
0xa0: {  	[sflag:s22] =	ssyncadd.s32 s3;
	_ =	sdelay $0x1  }
0xa1: {  	s23 =	simm.s32 $0x1B8B  }
0xa2: {  	_ =	swait.ge [sflag:s23], $0x1  }
0xa3: {  	[sflag:s23] =	ssyncset.done $0x0  }
0xa4: {  	s25 =	simm.s32 $0x1B8E;
	s24 =	sld [smem:$0x3FFE];
	[sflag:s23] =	ssyncadd.s32 $0xFFFFFFFF  }
0xa5: {  	s26 =	simm.s32 $execute0_lowered;
	[smem:$0x3FD2] =	sst s25  }
0xa6: {  	s4 =	sshll.u32 s26, $0x1;
	_ =	strace $0x80000046;
	[dreg:$0x1] =	wrdreg $0xFFFFFFFF  }
0xa7: {  	s28 =	simm.s32 $_size_execute0_lowered;
	s2 =	sadd.s32 s2, s4;
	[dreg:$0x0] =	wrdreg $0x0  }
0xa8: {  	s4 =	sshll.u32 s28, $0x1;
	[dreg:$0x2] =	wrdreg s2  }
0xa9: {  	[dreg:$0x3] =	wrdreg s4  }
0xaa: {  	[dreg:$0x4] =	wrdreg $0xC0  }
0xab: {  	_ =	task [dreg:s6], $0x5FFFF  }
0xac: {  	[dreg:$0x1] =	wrdreg $0xFFFFFFFF  }
0xad: {  	[dreg:$0x0] =	wrdreg $0x60  }
0xae: {  	[dreg:$0x2] =	wrdreg s24  }
0xaf: {  	[dreg:$0x3] =	wrdreg $0x9  }
0xb0: {  	_ =	task.clear_ibuf [dreg:s6], $0x4FFFF;
	_ =	strace $0x90000046  }
0xb1: {  	s29 =	simm.s32 $0x9;
	_ =	strace $0x80000048  }
0xb2: {  	_ =	swait.ge [sflag:s29], $0x1  }
0xb3: {  	[sflag:s29] =	ssyncadd.s32 $0xFFFFFFFF  }
0xb4: {  	_ =	strace $0x90000048  }
0xb5: {  	_ =	sfence  }
0xb6: {  	s30 =	sld [smem:$0x0];
	_ =	sdelay $0x2  }
0xb7: {  	s31 =	sshll.u32 s1, $0xD;
	s1 =	sshrl.u32 s1, $0x2  }
0xb8: {  	s3 =	sand.u32 $0x4000, s31;
	s1 =	sadd.s32 s1, s30  }
0xb9: {  	s0 =	sor.u32 s3, s0;
	s1 =	sshll.u32 s1, $0x11  }
0xba: {  	s0 =	sor.u32 s1, s0  }
0xbb: {  	s0 =	sadd.s32 $0x8F2B, s0  }
0xbc: {  	[sflag:s0] =	ssyncadd.remote.s32 $0x1  }
0xbd: {  	_ =	sfence.sel $0xFFFF  }
0xbe: {  	[dreg:$0x0] =	wrdreg $0xFFFFFFFF;
	(pc) =	sbr.abs _section_cstart, $3  }
0xbf: {  	[dreg:$0x1] =	wrdreg $0xFFFFFFFF  }
0xc0: {  	_ =	task.clear_ibuf [dreg:s6], $0x2FFFF;
	_ =	strace $0x9FFFFFFF  }
0xc1: {  	(tm) =	ssettm $0x7FFFFFFF  }
tec
execute0_lowered:
.L_overlay_start_1:
0x0: {  	(tag) =	ssettag $0x1  }
0x1: {  	s7 =	rddreg [dreg:$0x0]  }
0x2: {  	s0 =	rddreg [dreg:$0x1];
	s1 =	simm.s32 $0x0;
	s5 =	srdreg.scid  }
0x3: {  	s2 =	stileid.u32;
	s12 =	simm.s32 $0x2;
	s13 =	simm.s32 $0x7D0  }
0x4: {  	s14 =	simm.s32 $0x84D0;
	s15 =	simm.s32 $0x101D0;
	s16 =	simm.s32 $0x3  }
0x5: {  	s17 =	simm.s32 $0x0;
	[smem:$0x7FF] =	sst s1;
	s3 =	sadd.s32 $0x187A00, s7  }
0x6: {  	s4 =	sadd.s32 $0x494E00, s7;
	s8 =	sand.u32 $0x1, s5;
	s5 =	sadd.s32 $0x1E9600, s7  }
0x7: {  	s10 =	sshll.u32 s2, $0x1;
	s6 =	sadd.s32 $0x21A400, s7;
	s9 =	ssub.s32 $0x2, s8  }
0x8: {  	s7 =	sadd.s32 $0x4F6A00, s7;
	_ =	strace $0x80000047;
	s11 =	sshrl.u32 s9, $0x1  }
0x9: {  	s8 =	sor.u32 s8, s10;
	s10 =	simm.s32 $0x3E8;
	s9 =	ssub.s32 s9, s11  }
0xa: {  	s8 =	smul.u32 $0xC350, s8;
	s11 =	simm.s32 $0x1;
	s9 =	smax.u32 s9, $0x1  }
.LBB2_1:
0xb: {  	s18 =	simm.s32 $0x0  }
.LBB2_2:
0xc: {  	s19 =	smul.u32 $0x3E8, s18;
	_ =	sdelay $0x1  }
0xd: {  	s19 =	sadd.s32 s8, s19  }
0xe: {  	s20 =	sshrl.u32 s19, $0x3  }
0xf: {  	s21 =	sadd.s32 s5, s20  }
0x10: {  	[tilespmem:s1], [sflag:$0x1] =	stream.linear.gather [hbm4b:s21+s1], $0x3E8, $0x38;
	[tilespmem:$0x17ED0] =	vst v63  }
0x11: {  	s20 =	sadd.s32 s6, s20  }
0x12: {  	[tilespmem:s10], [sflag:$0x2] =	stream.linear.gather [hbm4b:s20+s1], $0x3E8, $0x38;
	[tilespmem:$0x17ED0] =	vst v63  }
0x13: {  	_ =	swait.ge [sflag:s11], $0x3E8  }
0x14: {  	[sflag:s11] =	ssyncset.done $0x0  }
0x15: {  	[sflag:s11] =	ssyncadd.s32 $0xFFFFFC18  }
0x16: {  	_ =	swait.ge [sflag:s12], $0x3E8  }
0x17: {  	[sflag:s12] =	ssyncset.done $0x0  }
0x18: {  	[sflag:s12] =	ssyncadd.s32 $0xFFFFFC18  }
0x19: {  	[tilespmem:s13], [sflag:$0x1] =	stream.indirect.gather [hbm4b:s3+s10], $0x20, s1, s10, $0xb8;
	[tilespmem:$0x17ED0] =	vst v63  }
0x1a: {  	_ = 	snop  }
0x1b: {  	[tilespmem:s14], [sflag:$0x2] =	stream.indirect.gather [hbm4b:s4+s10], $0x20, s10, s10, $0xb8;
	[tilespmem:$0x17ED0] =	vst v63  }
0x1c: {  	_ =	swait.ge [sflag:s11], $0x7D00  }
0x1d: {  	[sflag:s11] =	ssyncset.done $0x0  }
0x1e: {  	[sflag:s11] =	ssyncadd.s32 $0xFFFF8300  }
0x1f: {  	_ =	swait.ge [sflag:s12], $0x7D00  }
0x20: {  	[sflag:s12] =	ssyncset.done $0x0  }
0x21: {  	s25 =	simm.s32 $0x8D0;
	[sflag:s12] =	ssyncadd.s32 $0xFFFF8300  }
0x22: {  	s24 =	simm.s32 $0x85D0;
	v0 =	vld [tilespmem:s25+$0x80]  }
0x23: {  	v1 =	vld [tilespmem:s24+$0x80];
	_ =	sdelay $0x4  }
0x24: {  	v2 =	vld [tilespmem:s25+$0xFFFFFF80];
	v0 =	vsub.f32 v0, v1  }
0x25: {  	v1 =	vld [tilespmem:s24+$0xFFFFFF80]  }
0x26: {  	s20 =	simm.s32 $0x102D0;
	v3 =	vld [tilespmem:s24+$0xFFFFFF00];
	v0 =	vmax.f32 v0, $0.0e+00  }
0x27: {  	v4 =	vld [tilespmem:s25+$0xFFFFFF00];
	[tilespmem:s20+$0x80] =	vst v0  }
0x28: {  	v0 =	vld [tilespmem:s25+$0x90]  }
0x29: {  	v5 =	vld [tilespmem:s24+$0x90]  }
0x2a: {  	v6 =	vld [tilespmem:s25+$0x0];
	v1 =	vsub.f32 v2, v1  }
0x2b: {  	v2 =	vld [tilespmem:s24+$0x0]  }
0x2c: {  	v3 =	vsub.f32 v4, v3;
	v1 =	vmax.f32 v1, $0.0e+00  }
0x2d: {  	[tilespmem:s20+$0xFFFFFF80] =	vst v1  }
0x2e: {  	v3 =	vmax.f32 v3, $0.0e+00;
	v1 =	vld [tilespmem:s25+$0xFFFFFF90];
	v0 =	vsub.f32 v0, v5  }
0x2f: {  	[tilespmem:s20+$0xFFFFFF00] =	vst v3;
	v4 =	vld [tilespmem:s24+$0xFFFFFF90]  }
0x30: {  	v3 =	vld [tilespmem:s25+$0xFFFFFF10];
	v2 =	vsub.f32 v6, v2;
	v0 =	vmax.f32 v0, $0.0e+00  }
0x31: {  	v5 =	vld [tilespmem:s24+$0xFFFFFF10];
	[tilespmem:s20+$0x90] =	vst v0  }
0x32: {  	v0 =	vmax.f32 v2, $0.0e+00;
	v2 =	vld [tilespmem:s25+$0xA0]  }
0x33: {  	[tilespmem:s20+$0x0] =	vst v0;
	v0 =	vld [tilespmem:s24+$0xA0]  }
0x34: {  	v6 =	vld [tilespmem:s25+$0x10];
	v1 =	vsub.f32 v1, v4  }
0x35: {  	v4 =	vld [tilespmem:s24+$0x10]  }
0x36: {  	v1 =	vmax.f32 v1, $0.0e+00  }
0x37: {  	v3 =	vsub.f32 v3, v5;
	[tilespmem:s20+$0xFFFFFF90] =	vst v1  }
0x38: {  	v1 =	vld [tilespmem:s25+$0xFFFFFFA0];
	v0 =	vsub.f32 v2, v0  }
0x39: {  	v3 =	vmax.f32 v3, $0.0e+00;
	v2 =	vld [tilespmem:s24+$0xFFFFFFA0]  }
0x3a: {  	[tilespmem:s20+$0xFFFFFF10] =	vst v3;
	v3 =	vsub.f32 v6, v4;
	v0 =	vmax.f32 v0, $0.0e+00  }
0x3b: {  	[tilespmem:s20+$0xA0] =	vst v0  }
0x3c: {  	v0 =	vmax.f32 v3, $0.0e+00;
	v3 =	vld [tilespmem:s25+$0xB0]  }
0x3d: {  	[tilespmem:s20+$0x10] =	vst v0;
	v0 =	vld [tilespmem:s24+$0xB0]  }
0x3e: {  	v1 =	vsub.f32 v1, v2;
	v2 =	vld [tilespmem:s25+$0x20]  }
0x3f: {  	v6 =	vld [tilespmem:s24+$0x20]  }
0x40: {  	v5 =	vld [tilespmem:s24+$0xFFFFFF20];
	v1 =	vmax.f32 v1, $0.0e+00  }
0x41: {  	v4 =	vld [tilespmem:s25+$0xFFFFFF20];
	[tilespmem:s20+$0xFFFFFFA0] =	vst v1  }
0x42: {  	v1 =	vld [tilespmem:s25+$0xFFFFFFB0];
	v0 =	vsub.f32 v3, v0  }
0x43: {  	v3 =	vld [tilespmem:s24+$0xFFFFFFB0]  }
0x44: {  	v2 =	vsub.f32 v2, v6;
	v0 =	vmax.f32 v0, $0.0e+00  }
0x45: {  	[tilespmem:s20+$0xB0] =	vst v0  }
0x46: {  	v4 =	vsub.f32 v4, v5;
	v0 =	vmax.f32 v2, $0.0e+00;
	v2 =	vld [tilespmem:s25+$0xC0]  }
0x47: {  	[tilespmem:s20+$0x20] =	vst v0;
	v0 =	vld [tilespmem:s24+$0xC0]  }
0x48: {  	v4 =	vmax.f32 v4, $0.0e+00;
	v1 =	vsub.f32 v1, v3;
	v3 =	vld [tilespmem:s25+$0x30]  }
0x49: {  	[tilespmem:s20+$0xFFFFFF20] =	vst v4;
	v6 =	vld [tilespmem:s24+$0x30]  }
0x4a: {  	v4 =	vld [tilespmem:s25+$0xFFFFFF30];
	v1 =	vmax.f32 v1, $0.0e+00  }
0x4b: {  	v5 =	vld [tilespmem:s24+$0xFFFFFF30];
	[tilespmem:s20+$0xFFFFFFB0] =	vst v1  }
0x4c: {  	v1 =	vld [tilespmem:s25+$0xFFFFFFC0];
	v0 =	vsub.f32 v2, v0  }
0x4d: {  	v2 =	vld [tilespmem:s24+$0xFFFFFFC0]  }
0x4e: {  	s23 =	simm.s32 $0x87D0;
	v3 =	vsub.f32 v3, v6;
	v0 =	vmax.f32 v0, $0.0e+00  }
0x4f: {  	v10 =	vld [tilespmem:s23+$0xFFFFFF00];
	[tilespmem:s20+$0xC0] =	vst v0  }
0x50: {  	v0 =	vmax.f32 v3, $0.0e+00;
	v3 =	vld [tilespmem:s25+$0xD0]  }
0x51: {  	v4 =	vsub.f32 v4, v5;
	[tilespmem:s20+$0x30] =	vst v0;
	v0 =	vld [tilespmem:s24+$0xD0]  }
0x52: {  	v1 =	vsub.f32 v1, v2;
	v2 =	vld [tilespmem:s25+$0x40]  }
0x53: {  	s21 =	simm.s32 $0xAD0;
	v4 =	vmax.f32 v4, $0.0e+00;
	v6 =	vld [tilespmem:s24+$0x40]  }
0x54: {  	v53 =	vld [tilespmem:s21+$0xFFFFFF00];
	[tilespmem:s20+$0xFFFFFF30] =	vst v4  }
0x55: {  	v4 =	vld [tilespmem:s25+$0xFFFFFF40]  }
0x56: {  	v5 =	vld [tilespmem:s24+$0xFFFFFF40];
	v0 =	vsub.f32 v3, v0  }
0x57: {  	v8 =	vld [tilespmem:s21+$0x80]  }
0x58: {  	v9 =	vld [tilespmem:s23+$0x80];
	v2 =	vsub.f32 v2, v6;
	v0 =	vmax.f32 v0, $0.0e+00  }
0x59: {  	v11 =	vld [tilespmem:s23+$0xFFFFFF80];
	v10 =	vsub.f32 v53, v10;
	[tilespmem:s20+$0xD0] =	vst v0  }
0x5a: {  	v0 =	vmax.f32 v2, $0.0e+00;
	v2 =	vld [tilespmem:s25+$0xE0]  }
0x5b: {  	s22 =	simm.s32 $0x104D0;
	v10 =	vmax.f32 v10, $0.0e+00;
	v4 =	vsub.f32 v4, v5;
	[tilespmem:s20+$0x40] =	vst v0;
	v0 =	vld [tilespmem:s24+$0xE0]  }
0x5c: {  	v12 =	vld [tilespmem:s21+$0x0];
	[tilespmem:s22+$0xFFFFFF00] =	vst v10;
	v1 =	vmax.f32 v1, $0.0e+00  }
0x5d: {  	v10 =	vld [tilespmem:s21+$0xFFFFFF10];
	[tilespmem:s20+$0xFFFFFFC0] =	vst v1;
	v4 =	vmax.f32 v4, $0.0e+00  }
0x5e: {  	v1 =	vld [tilespmem:s25+$0xFFFFFFD0];
	[tilespmem:s20+$0xFFFFFF40] =	vst v4  }
0x5f: {  	v4 =	vld [tilespmem:s25+$0xFFFFFF50]  }
0x60: {  	v5 =	vld [tilespmem:s24+$0xFFFFFF50];
	v0 =	vsub.f32 v2, v0  }
0x61: {  	v2 =	vld [tilespmem:s21+$0xFFFFFF80]  }
0x62: {  	v3 =	vld [tilespmem:s24+$0xFFFFFFD0];
	v0 =	vmax.f32 v0, $0.0e+00  }
0x63: {  	v6 =	vld [tilespmem:s25+$0x50];
	[tilespmem:s20+$0xE0] =	vst v0;
	v0 =	vsub.f32 v8, v9  }
0x64: {  	v7 =	vld [tilespmem:s24+$0x50]  }
0x65: {  	v4 =	vsub.f32 v4, v5;
	v5 =	vld [tilespmem:s23+$0x0];
	v0 =	vmax.f32 v0, $0.0e+00  }
0x66: {  	v55 =	vld [tilespmem:s23+$0xFFFFFF10];
	v2 =	vsub.f32 v2, v11;
	[tilespmem:s22+$0x80] =	vst v0  }
0x67: {  	v0 =	vmax.f32 v4, $0.0e+00;
	v4 =	vld [tilespmem:s21+$0x90]  }
0x68: {  	v1 =	vsub.f32 v1, v3;
	[tilespmem:s20+$0xFFFFFF50] =	vst v0;
	v0 =	vmax.f32 v2, $0.0e+00;
	v2 =	vld [tilespmem:s23+$0x90]  }
0x69: {  	v6 =	vsub.f32 v6, v7;
	v8 =	vld [tilespmem:s25+$0xF0]  }
0x6a: {  	v1 =	vmax.f32 v1, $0.0e+00;
	v5 =	vsub.f32 v12, v5;
	v52 =	vld [tilespmem:s24+$0xF0];
	[tilespmem:s22+$0xFFFFFF80] =	vst v0  }
0x6b: {  	[tilespmem:s20+$0xFFFFFFD0] =	vst v1;
	v6 =	vmax.f32 v6, $0.0e+00;
	v3 =	vld [tilespmem:s21+$0xFFFFFF90]  }
0x6c: {  	v1 =	vmax.f32 v5, $0.0e+00;
	[tilespmem:s20+$0x50] =	vst v6;
	v54 =	vld [tilespmem:s23+$0xFFFFFF90]  }
0x6d: {  	v6 =	vld [tilespmem:s24+$0xFFFFFFE0];
	[tilespmem:s22+$0x0] =	vst v1;
	v1 =	vsub.f32 v4, v2  }
0x6e: {  	v58 =	vld [tilespmem:s25+$0x60]  }
0x6f: {  	v59 =	vld [tilespmem:s24+$0x60];
	v1 =	vmax.f32 v1, $0.0e+00  }
0x70: {  	v0 =	vld [tilespmem:s25+$0xFFFFFF60];
	[tilespmem:s22+$0x90] =	vst v1  }
0x71: {  	v3 =	vsub.f32 v3, v54;
	v1 =	vld [tilespmem:s21+$0xA0]  }
0x72: {  	v56 =	vld [tilespmem:s23+$0xA0]  }
0x73: {  	v4 =	vld [tilespmem:s21+$0x10];
	v3 =	vmax.f32 v3, $0.0e+00  }
0x74: {  	[tilespmem:s22+$0xFFFFFF90] =	vst v3;
	v3 =	vld [tilespmem:s23+$0x10]  }
0x75: {  	v10 =	vsub.f32 v10, v55;
	v7 =	vld [tilespmem:s21+$0xFFFFFFA0]  }
0x76: {  	v57 =	vld [tilespmem:s23+$0xFFFFFFA0]  }
0x77: {  	v10 =	vmax.f32 v10, $0.0e+00;
	v5 =	vld [tilespmem:s24+$0xFFFFFF60];
	v1 =	vsub.f32 v1, v56  }
0x78: {  	[tilespmem:s22+$0xFFFFFF10] =	vst v10;
	v2 =	vld [tilespmem:s25+$0xFFFFFFE0]  }
0x79: {  	v3 =	vsub.f32 v4, v3;
	v4 =	vld [tilespmem:s21+$0xFFFFFF20];
	v1 =	vmax.f32 v1, $0.0e+00  }
0x7a: {  	[tilespmem:s22+$0xA0] =	vst v1;
	v1 =	vld [tilespmem:s23+$0xFFFFFF20]  }
0x7b: {  	v7 =	vsub.f32 v7, v57;
	v3 =	vmax.f32 v3, $0.0e+00;
	v60 =	vld [tilespmem:s21+$0xB0]  }
0x7c: {  	v0 =	vsub.f32 v0, v5;
	[tilespmem:s22+$0x10] =	vst v3;
	v3 =	vld [tilespmem:s23+$0xB0]  }
0x7d: {  	v5 =	vmax.f32 v7, $0.0e+00;
	v7 =	vld [tilespmem:s21+$0x20]  }
0x7e: {  	v0 =	vmax.f32 v0, $0.0e+00;
	[tilespmem:s22+$0xFFFFFFA0] =	vst v5;
	v5 =	vld [tilespmem:s23+$0x20]  }
0x7f: {  	[tilespmem:s20+$0xFFFFFF60] =	vst v0;
	v0 =	vld [tilespmem:s23+$0xFFFFFFB0];
	v1 =	vsub.f32 v4, v1  }
0x80: {  	v4 =	vld [tilespmem:s21+$0xFFFFFFB0]  }
0x81: {  	v61 =	vld [tilespmem:s25+$0xFFFFFF70];
	v3 =	vsub.f32 v60, v3;
	v1 =	vmax.f32 v1, $0.0e+00  }
0x82: {  	[tilespmem:s22+$0xFFFFFF20] =	vst v1;
	v1 =	vld [tilespmem:s24+$0xFFFFFF70]  }
0x83: {  	v5 =	vsub.f32 v7, v5;
	v3 =	vmax.f32 v3, $0.0e+00;
	v7 =	vld [tilespmem:s21+$0xFFFFFF30]  }
0x84: {  	[tilespmem:s22+$0xB0] =	vst v3;
	v3 =	vld [tilespmem:s23+$0xFFFFFF30]  }
0x85: {  	v0 =	vsub.f32 v4, v0;
	v4 =	vmax.f32 v5, $0.0e+00;
	v5 =	vld [tilespmem:s21+$0xC0]  }
0x86: {  	[tilespmem:s22+$0x20] =	vst v4;
	v4 =	vld [tilespmem:s23+$0xC0]  }
0x87: {  	v2 =	vsub.f32 v2, v6;
	v0 =	vmax.f32 v0, $0.0e+00;
	v6 =	vld [tilespmem:s21+$0x30]  }
0x88: {  	[tilespmem:s22+$0xFFFFFFB0] =	vst v0;
	v0 =	vld [tilespmem:s23+$0x30]  }
0x89: {  	v2 =	vmax.f32 v2, $0.0e+00;
	v3 =	vsub.f32 v7, v3;
	v7 =	vld [tilespmem:s21+$0xFFFFFFC0]  }
0x8a: {  	[tilespmem:s20+$0xFFFFFFE0] =	vst v2;
	v2 =	vld [tilespmem:s23+$0xFFFFFFC0]  }
0x8b: {  	v3 =	vmax.f32 v3, $0.0e+00;
	v4 =	vsub.f32 v5, v4;
	v5 =	vld [tilespmem:s25+$0xFFFFFFF0]  }
0x8c: {  	[tilespmem:s22+$0xFFFFFF30] =	vst v3;
	v3 =	vld [tilespmem:s24+$0xFFFFFFF0]  }
0x8d: {  	v0 =	vsub.f32 v6, v0;
	v6 =	vld [tilespmem:s21+$0xFFFFFF40];
	v4 =	vmax.f32 v4, $0.0e+00  }
0x8e: {  	[tilespmem:s22+$0xC0] =	vst v4;
	v4 =	vld [tilespmem:s23+$0xFFFFFF40]  }
0x8f: {  	v2 =	vsub.f32 v7, v2;
	v0 =	vmax.f32 v0, $0.0e+00;
	v7 =	vld [tilespmem:s21+$0xD0]  }
0x90: {  	[tilespmem:s22+$0x30] =	vst v0;
	v0 =	vld [tilespmem:s23+$0xD0]  }
0x91: {  	v10 =	vsub.f32 v58, v59;
	v2 =	vmax.f32 v2, $0.0e+00;
	v62 =	vld [tilespmem:s21+$0x40]  }
0x92: {  	[tilespmem:s22+$0xFFFFFFC0] =	vst v2;
	v2 =	vld [tilespmem:s23+$0x40]  }
0x93: {  	v10 =	vmax.f32 v10, $0.0e+00;
	v63 =	vld [tilespmem:s23+$0xFFFFFFD0];
	v4 =	vsub.f32 v6, v4  }
0x94: {  	v8 =	vsub.f32 v8, v52;
	[tilespmem:s20+$0x60] =	vst v10;
	v6 =	vld [tilespmem:s21+$0xFFFFFFD0]  }
0x95: {  	v10 =	vld [tilespmem:s24+$0x70];
	v4 =	vmax.f32 v4, $0.0e+00;
	v0 =	vsub.f32 v7, v0  }
0x96: {  	v8 =	vmax.f32 v8, $0.0e+00;
	v1 =	vsub.f32 v61, v1;
	v7 =	vld [tilespmem:s25+$0x70];
	[tilespmem:s22+$0xFFFFFF40] =	vst v4  }
0x97: {  	[tilespmem:s20+$0xF0] =	vst v8;
	v8 =	vsub.f32 v62, v2;
	v2 =	vld [tilespmem:s21+$0xFFFFFF50];
	v0 =	vmax.f32 v0, $0.0e+00  }
0x98: {  	v1 =	vmax.f32 v1, $0.0e+00;
	v3 =	vsub.f32 v5, v3;
	v4 =	vld [tilespmem:s23+$0xFFFFFF50];
	[tilespmem:s22+$0xD0] =	vst v0  }
0x99: {  	[tilespmem:s20+$0xFFFFFF70] =	vst v1;
	v0 =	vsub.f32 v6, v63;
	v5 =	vmax.f32 v8, $0.0e+00;
	v1 =	vld [tilespmem:s21+$0xE0]  }
0x9a: {  	v6 =	vmax.f32 v3, $0.0e+00;
	[tilespmem:s22+$0x40] =	vst v5;
	v3 =	vld [tilespmem:s23+$0xE0]  }
0x9b: {  	[tilespmem:s20+$0xFFFFFFF0] =	vst v6;
	v6 =	vmax.f32 v0, $0.0e+00;
	v5 =	vld [tilespmem:s21+$0x50];
	v0 =	vsub.f32 v7, v10  }
0x9c: {  	s26 =	simm.s32 $0xCD0;
	s24 =	simm.s32 $0x87D0;
	s25 =	simm.s32 $0x4;
	[tilespmem:s22+$0xFFFFFFD0] =	vst v6;
	v6 =	vld [tilespmem:s23+$0x50]  }
.LBB2_3:
0x9d: {  	v7 =	vld [tilespmem:s26+$0x80];
	v2 =	vsub.f32 v2, v4;
	s23 =	sadd.s32 $0x200, s23;
	v0 =	vmax.f32 v0, $0.0e+00  }
0x9e: {  	v4 =	vld [tilespmem:s23+$0x80];
	[tilespmem:s20+$0x70] =	vst v0;
	s20 =	smov.u32 s22  }
0x9f: {  	v0 =	vld [tilespmem:s23+$0xFFFFFF00];
	v2 =	vmax.f32 v2, $0.0e+00;
	v1 =	vsub.f32 v1, v3  }
0xa0: {  	v3 =	vld [tilespmem:s26+$0xFFFFFF80];
	[tilespmem:s22+$0xFFFFFF50] =	vst v2  }
0xa1: {  	v2 =	vld [tilespmem:s23+$0xFFFFFF80];
	v5 =	vsub.f32 v5, v6;
	v1 =	vmax.f32 v1, $0.0e+00  }
0xa2: {  	v6 =	vld [tilespmem:s26+$0x0];
	[tilespmem:s22+$0xE0] =	vst v1  }
0xa3: {  	v1 =	vsub.f32 v7, v4;
	v4 =	vmax.f32 v5, $0.0e+00;
	v5 =	vld [tilespmem:s21+$0xF0]  }
0xa4: {  	[tilespmem:s22+$0x50] =	vst v4;
	v4 =	vld [tilespmem:s24+$0xF0]  }
0xa5: {  	s25 =	sadd.s32 $0x4, s25;
	s22 =	sadd.s32 $0x200, s22;
	v7 =	vld [tilespmem:s23+$0x0];
	v1 =	vmax.f32 v1, $0.0e+00  }
0xa6: {  	p0 =	slt.u32 s25, $0xF4;
	v8 =	vld [tilespmem:s26+$0xFFFFFF00];
	v2 =	vsub.f32 v3, v2;
	[tilespmem:s22+$0x80] =	vst v1  }
0xa7: {  	v1 =	vld [tilespmem:s26+$0x90]  }
0xa8: {  	v2 =	vmax.f32 v2, $0.0e+00;
	v3 =	vld [tilespmem:s23+$0x90]  }
0xa9: {  	[tilespmem:s22+$0xFFFFFF80] =	vst v2;
	v2 =	vld [tilespmem:s21+$0xFFFFFF60];
	v4 =	vsub.f32 v5, v4  }
0xaa: {  	v5 =	vld [tilespmem:s26+$0xFFFFFF90];
	v6 =	vsub.f32 v6, v7  }
0xab: {  	v0 =	vsub.f32 v8, v0;
	v7 =	vld [tilespmem:s23+$0xFFFFFF90];
	v4 =	vmax.f32 v4, $0.0e+00  }
0xac: {  	v6 =	vmax.f32 v6, $0.0e+00;
	v8 =	vld [tilespmem:s24+$0xFFFFFF60];
	[tilespmem:s20+$0xF0] =	vst v4  }
0xad: {  	v0 =	vmax.f32 v0, $0.0e+00;
	[tilespmem:s22+$0x0] =	vst v6;
	v1 =	vsub.f32 v1, v3;
	v3 =	vld [tilespmem:s21+$0xFFFFFFE0]  }
0xae: {  	[tilespmem:s22+$0xFFFFFF00] =	vst v0;
	v0 =	vld [tilespmem:s26+$0x10]  }
0xaf: {  	v4 =	vld [tilespmem:s26+$0xFFFFFF10];
	v1 =	vmax.f32 v1, $0.0e+00  }
0xb0: {  	v6 =	vld [tilespmem:s23+$0xFFFFFF10];
	v5 =	vsub.f32 v5, v7;
	[tilespmem:s22+$0x90] =	vst v1  }
0xb1: {  	v1 =	vld [tilespmem:s26+$0xA0];
	v2 =	vsub.f32 v2, v8  }
0xb2: {  	v5 =	vmax.f32 v5, $0.0e+00;
	v7 =	vld [tilespmem:s23+$0xA0]  }
0xb3: {  	[tilespmem:s22+$0xFFFFFF90] =	vst v5;
	v5 =	vld [tilespmem:s23+$0x10];
	v2 =	vmax.f32 v2, $0.0e+00  }
0xb4: {  	v8 =	vld [tilespmem:s26+$0xFFFFFFA0];
	[tilespmem:s20+$0xFFFFFF60] =	vst v2  }
0xb5: {  	v2 =	vsub.f32 v4, v6;
	v4 =	vld [tilespmem:s23+$0xFFFFFFA0]  }
0xb6: {  	v6 =	vld [tilespmem:s24+$0xFFFFFFE0]  }
0xb7: {  	v2 =	vmax.f32 v2, $0.0e+00;
	v1 =	vsub.f32 v1, v7;
	v7 =	vld [tilespmem:s21+$0x60]  }
0xb8: {  	[tilespmem:s22+$0xFFFFFF10] =	vst v2;
	v0 =	vsub.f32 v0, v5;
	v2 =	vld [tilespmem:s24+$0x60]  }
0xb9: {  	v5 =	vld [tilespmem:s26+$0xFFFFFF20];
	v1 =	vmax.f32 v1, $0.0e+00  }
0xba: {  	v9 =	vld [tilespmem:s23+$0xFFFFFF20];
	v4 =	vsub.f32 v8, v4;
	v0 =	vmax.f32 v0, $0.0e+00;
	[tilespmem:s22+$0xA0] =	vst v1  }
0xbb: {  	[tilespmem:s22+$0x10] =	vst v0;
	v0 =	vld [tilespmem:s26+$0xB0];
	v1 =	vsub.f32 v3, v6  }
0xbc: {  	v3 =	vmax.f32 v4, $0.0e+00;
	v4 =	vld [tilespmem:s23+$0xB0]  }
0xbd: {  	[tilespmem:s22+$0xFFFFFFA0] =	vst v3;
	v3 =	vld [tilespmem:s26+$0x20];
	v1 =	vmax.f32 v1, $0.0e+00;
	v2 =	vsub.f32 v7, v2  }
0xbe: {  	v6 =	vld [tilespmem:s23+$0x20];
	[tilespmem:s20+$0xFFFFFFE0] =	vst v1  }
0xbf: {  	v1 =	vsub.f32 v5, v9;
	v5 =	vld [tilespmem:s26+$0xFFFFFFB0];
	v2 =	vmax.f32 v2, $0.0e+00  }
0xc0: {  	v7 =	vld [tilespmem:s23+$0xFFFFFFB0];
	[tilespmem:s20+$0x60] =	vst v2  }
0xc1: {  	v1 =	vmax.f32 v1, $0.0e+00;
	v0 =	vsub.f32 v0, v4;
	v2 =	vld [tilespmem:s21+$0xFFFFFF70]  }
0xc2: {  	[tilespmem:s22+$0xFFFFFF20] =	vst v1;
	v1 =	vld [tilespmem:s24+$0xFFFFFF70]  }
0xc3: {  	v4 =	vld [tilespmem:s26+$0xFFFFFF30];
	v3 =	vsub.f32 v3, v6;
	v0 =	vmax.f32 v0, $0.0e+00  }
0xc4: {  	v6 =	vld [tilespmem:s23+$0xFFFFFF30];
	[tilespmem:s22+$0xB0] =	vst v0  }
0xc5: {  	v0 =	vsub.f32 v5, v7;
	v3 =	vmax.f32 v3, $0.0e+00;
	v5 =	vld [tilespmem:s26+$0xC0]  }
0xc6: {  	[tilespmem:s22+$0x20] =	vst v3;
	v3 =	vld [tilespmem:s23+$0xC0]  }
0xc7: {  	v0 =	vmax.f32 v0, $0.0e+00;
	v7 =	vld [tilespmem:s26+$0x30];
	v1 =	vsub.f32 v2, v1  }
0xc8: {  	[tilespmem:s22+$0xFFFFFFB0] =	vst v0;
	v0 =	vld [tilespmem:s23+$0x30]  }
0xc9: {  	v2 =	vsub.f32 v4, v6;
	v4 =	vld [tilespmem:s26+$0xFFFFFFC0];
	v1 =	vmax.f32 v1, $0.0e+00  }
0xca: {  	v6 =	vld [tilespmem:s23+$0xFFFFFFC0];
	[tilespmem:s20+$0xFFFFFF70] =	vst v1  }
0xcb: {  	v1 =	vmax.f32 v2, $0.0e+00;
	v2 =	vsub.f32 v5, v3;
	v3 =	vld [tilespmem:s21+$0xFFFFFFF0]  }
0xcc: {  	[tilespmem:s22+$0xFFFFFF30] =	vst v1;
	v1 =	vld [tilespmem:s24+$0xFFFFFFF0]  }
0xcd: {  	v5 =	vld [tilespmem:s26+$0xFFFFFF40];
	v0 =	vsub.f32 v7, v0;
	v2 =	vmax.f32 v2, $0.0e+00  }
0xce: {  	v7 =	vld [tilespmem:s23+$0xFFFFFF40];
	[tilespmem:s22+$0xC0] =	vst v2  }
0xcf: {  	v2 =	vsub.f32 v4, v6;
	v0 =	vmax.f32 v0, $0.0e+00;
	v4 =	vld [tilespmem:s26+$0xD0]  }
0xd0: {  	[tilespmem:s22+$0x30] =	vst v0;
	v0 =	vld [tilespmem:s23+$0xD0]  }
0xd1: {  	v2 =	vmax.f32 v2, $0.0e+00;
	v6 =	vld [tilespmem:s26+$0x40];
	v1 =	vsub.f32 v3, v1  }
0xd2: {  	[tilespmem:s22+$0xFFFFFFC0] =	vst v2;
	v3 =	vld [tilespmem:s23+$0x40]  }
0xd3: {  	v2 =	vsub.f32 v5, v7;
	v5 =	vld [tilespmem:s26+$0xFFFFFFD0];
	v1 =	vmax.f32 v1, $0.0e+00  }
0xd4: {  	v7 =	vld [tilespmem:s23+$0xFFFFFFD0];
	[tilespmem:s20+$0xFFFFFFF0] =	vst v1  }
0xd5: {  	v1 =	vmax.f32 v2, $0.0e+00;
	v0 =	vsub.f32 v4, v0;
	v8 =	vld [tilespmem:s21+$0x70];
	s21 =	smov.u32 s26  }
0xd6: {  	[tilespmem:s22+$0xFFFFFF40] =	vst v1;
	v9 =	vld [tilespmem:s24+$0x70];
	s24 =	smov.u32 s23  }
0xd7: {  	v2 =	vld [tilespmem:s26+$0xFFFFFF50];
	v1 =	vsub.f32 v6, v3;
	v0 =	vmax.f32 v0, $0.0e+00  }
.Ltmp0:
0xd8: {  	v4 =	vld [tilespmem:s23+$0xFFFFFF50];
	[tilespmem:s22+$0xD0] =	vst v0;
	(pc) =	sbr.rel @p0 .LBB2_3-.Ltmp0, $4  }
0xd9: {  	v0 =	vsub.f32 v5, v7;
	v3 =	vmax.f32 v1, $0.0e+00;
	v1 =	vld [tilespmem:s26+$0xE0]  }
0xda: {  	[tilespmem:s22+$0x40] =	vst v3;
	v3 =	vld [tilespmem:s23+$0xE0]  }
0xdb: {  	v6 =	vmax.f32 v0, $0.0e+00;
	v5 =	vld [tilespmem:s26+$0x50];
	v0 =	vsub.f32 v8, v9  }
0xdc: {  	s26 =	sadd.s32 $0x200, s26;
	[tilespmem:s22+$0xFFFFFFD0] =	vst v6;
	v6 =	vld [tilespmem:s23+$0x50]  }
0xdd: {  	_ =	sdelay $0x1  }
0xde: {  	v2 =	vsub.f32 v2, v4;
	_ =	sdelay $0x1  }
0xdf: {  	v50 =	vld [tilespmem:s21+$0xFFFFFFE0];
	v2 =	vmax.f32 v2, $0.0e+00;
	v47 =	vsub.f32 v5, v6  }
0xe0: {  	v51 =	vld [tilespmem:s24+$0xFFFFFFE0];
	[tilespmem:s22+$0xFFFFFF50] =	vst v2  }
0xe1: {  	v48 =	vld [tilespmem:s21+$0xFFFFFF60];
	v2 =	vmax.f32 v47, $0.0e+00  }
0xe2: {  	v49 =	vld [tilespmem:s24+$0xFFFFFF60];
	[tilespmem:s22+$0x50] =	vst v2  }
0xe3: {  	v1 =	vsub.f32 v1, v3;
	v52 =	vld [tilespmem:s21+$0x60]  }
0xe4: {  	v7 =	vld [tilespmem:s24+$0x60]  }
0xe5: {  	v1 =	vmax.f32 v1, $0.0e+00;
	v2 =	vsub.f32 v50, v51  }
0xe6: {  	[tilespmem:s22+$0xE0] =	vst v1  }
0xe7: {  	v1 =	vld [tilespmem:s21+$0xF0];
	v4 =	vsub.f32 v48, v49;
	v2 =	vmax.f32 v2, $0.0e+00  }
0xe8: {  	v53 =	vld [tilespmem:s24+$0xF0];
	[tilespmem:s22+$0xFFFFFFE0] =	vst v2  }
0xe9: {  	v4 =	vmax.f32 v4, $0.0e+00;
	v55 =	vld [tilespmem:s21+$0xFFFFFFF0];
	v3 =	vsub.f32 v52, v7  }
0xea: {  	v56 =	vld [tilespmem:s24+$0xFFFFFFF0];
	[tilespmem:s22+$0xFFFFFF60] =	vst v4  }
0xeb: {  	v4 =	vld [tilespmem:s21+$0xFFFFFF70];
	v3 =	vmax.f32 v3, $0.0e+00  }
0xec: {  	v54 =	vld [tilespmem:s24+$0xFFFFFF70];
	[tilespmem:s22+$0x60] =	vst v3  }
0xed: {  	v57 =	vld [tilespmem:s21+$0x70]  }
0xee: {  	v8 =	vld [tilespmem:s24+$0x70];
	_ =	sdelay $0x1  }
0xef: {  	v1 =	vsub.f32 v1, v53  }
0xf0: {  	v0 =	vmax.f32 v0, $0.0e+00;
	v59 =	vsub.f32 v55, v56  }
0xf1: {  	[tilespmem:s20+$0x70] =	vst v0;
	v58 =	vmax.f32 v1, $0.0e+00;
	v2 =	vsub.f32 v4, v54  }
0xf2: {  	[tilespmem:s22+$0xF0] =	vst v58;
	v62 =	vmax.f32 v59, $0.0e+00;
	v61 =	vsub.f32 v57, v8  }
0xf3: {  	[tilespmem:s22+$0xFFFFFFF0] =	vst v62;
	v60 =	vmax.f32 v2, $0.0e+00  }
0xf4: {  	[tilespmem:s22+$0xFFFFFF70] =	vst v60;
	v63 =	vmax.f32 v61, $0.0e+00  }
0xf5: {  	s20 =	simm.s32 $0x0;
	[tilespmem:s22+$0x70] =	vst v63  }
.LBB2_5:
0xf6: {  	s21 =	sshra.s32 s20, $0x2  }
0xf7: {  	v0 =	vld [tilespmem:s21+$0x83D0]  }
0xf8: {  	v1 =	vld [tilespmem:s21+$0x100D0]  }
0xf9: {  	v2 =	vld [tilespmem:s21+$0x83E0]  }
0xfa: {  	v3 =	vld [tilespmem:s21+$0x100E0]  }
0xfb: {  	v4 =	vld [tilespmem:s21+$0x83F0]  }
0xfc: {  	v5 =	vld [tilespmem:s21+$0x100F0]  }
0xfd: {  	v6 =	vld [tilespmem:s21+$0x8400]  }
0xfe: {  	v7 =	vld [tilespmem:s21+$0x10100]  }
0xff: {  	v8 =	vld [tilespmem:s21+$0x8410]  }
0x100: {  	v9 =	vld [tilespmem:s21+$0x10110]  }
0x101: {  	v10 =	vld [tilespmem:s21+$0x8420]  }
0x102: {  	v11 =	vld [tilespmem:s21+$0x10120]  }
0x103: {  	v54 =	vld [tilespmem:s21+$0x8440]  }
0x104: {  	v55 =	vld [tilespmem:s21+$0x10140];
	v0 =	vsub.f32 v0, v1  }
0x105: {  	v12 =	vld [tilespmem:s21+$0x8430];
	v2 =	vsub.f32 v2, v3  }
0x106: {  	v53 =	vld [tilespmem:s21+$0x10130];
	v4 =	vsub.f32 v4, v5;
	v0 =	vmax.f32 v0, $0.0e+00  }
0x107: {  	v57 =	vsub.f32 v8, v9;
	v2 =	vmax.f32 v2, $0.0e+00;
	[tilespmem:s21+$0x17DD0] =	vst v0  }
0x108: {  	v58 =	vsub.f32 v10, v11;
	v4 =	vmax.f32 v4, $0.0e+00;
	[tilespmem:s21+$0x17DE0] =	vst v2  }
0x109: {  	p0 =	sne.s32 s20, $0x200;
	v61 =	vsub.f32 v54, v55;
	v60 =	vmax.f32 v57, $0.0e+00;
	[tilespmem:s21+$0x17DF0] =	vst v4  }
.Ltmp1:
0x10a: {  	v56 =	vsub.f32 v6, v7;
	v62 =	vmax.f32 v58, $0.0e+00;
	[tilespmem:s21+$0x17E10] =	vst v60;
	(pc) =	sbr.rel @p0 .LBB2_5-.Ltmp1, $4  }
0x10b: {  	v59 =	vsub.f32 v12, v53;
	v63 =	vmax.f32 v61, $0.0e+00;
	[tilespmem:s21+$0x17E20] =	vst v62  }
0x10c: {  	v0 =	vmax.f32 v56, $0.0e+00;
	[tilespmem:s21+$0x17E40] =	vst v63  }
0x10d: {  	[tilespmem:s21+$0x17E00] =	vst v0;
	v0 =	vmax.f32 v59, $0.0e+00  }
0x10e: {  	s20 =	sadd.s32 $0x200, s20;
	[tilespmem:s21+$0x17E30] =	vst v0  }
0x10f: {  	s18 =	sadd.s32 $0x1, s18  }
0x110: {  	s19 =	sshll.u32 s19, $0x2;
	p0 =	sne.s32 s18, $0x32  }
.Ltmp2:
0x111: {  	s19 =	sadd.s32 s7, s19;
	(pc) =	sbr.rel @p0 .LBB2_2-.Ltmp2, $4  }
0x112: {  	[hbm4b:s19+s1] =	stream.linear.scatter [tilespmem:s15], [sflag:$0x3], $0x7D00, $0x38;
	[tilespmem:$0x17ED0] =	vst v63  }
0x113: {  	_ =	swait.ge [sflag:s16], $0x7D00  }
0x114: {  	[sflag:s16] =	ssyncset.done $0x0  }
0x115: {  	[sflag:s16] =	ssyncadd.s32 $0xFFFF8300  }
0x116: {  	s17 =	sadd.s32 $0x1, s17  }
0x117: {  	p0 =	sne.s32 s17, s9  }
.Ltmp3:
0x118: {  	_ = 	snop;
	(pc) =	sbr.rel @p0 .LBB2_1-.Ltmp3, $1  }
0x119: {  	_ =	sdelay $0x3  }
0x11a: {  	_ =	sfence.sel $0x180000  }
0x11b: {  	[bflag:$0x0] =	sbarrier.arrive $0xFFFF  }
0x11c: {  	p0 =	sne.s32 s2, $0x0;
	_ =	strace $0x90000047  }
0x11d: {  	s0 =	sadd.s32 @!p0 $0x100000, s0;
	[bflag:$0x2] =	sbarrier.arrive $0xFFFF  }
0x11e: {  	[sflag:s0] =	ssyncadd.tile.s32 @!p0 $0x1;
	_ =	shalt  }
.Lfunc_end2:
_tile_overlayer_lowered:
.L_overlay_start_2:
0x11f: {  	(tag) =	ssettag $0x2  }
0x120: {  	s0 =	rddreg [dreg:$0x0];
	s2 =	stileid.u32  }
0x121: {  	s1 =	rddreg [dreg:$0x1];
	p0 =	sne.s32 s2, $0x0  }
0x122: {  	s3 =	rddreg [dreg:$0x2];
	[bflag:$0x3] =	sbarrier.arrive $0xFFFF;
	s2 =	simm.s32 @!p0 $0x1C03  }
0x123: {  	[timem:s3], [sflag:s2] =	dma.local @!p0 [hbm:s0], s1  }
0x124: {  	s0 =	simm.s32 @!p0 $0x3  }
0x125: {  	_ =	swait.ge @!p0 [sflag:s0], s1  }
0x126: {  	s1 =	ssub.s32 @!p0 $0x0, s1;
	[sflag:s0] =	ssyncset.done @!p0 $0x0  }
0x127: {  	[sflag:s0] =	ssyncadd.s32 @!p0 s1  }
0x128: {  	[bflag:$0x3] =	sbarrier.arrive $0xFFFF  }
0x129: {  	_ =	shalt  }

// kernel: scatter_offload_async_start.1
scs
__scs_entry_jumppad:
0x0: {  	(pc) =	sbr.rel $0x88, $3  }
0x1: {  	(tag) =	ssettag $0x0;
	lr =	simm.s32 $0x1  }
0x2: {  	[smem:$0x3F94] =	sst lr;
	_ =	strace $0xD0000000  }
0x3: {  	_ = 	snop  }
0x4: {  	_ = 	snop  }
0x5: {  	_ = 	snop  }
0x6: {  	_ = 	snop  }
0x7: {  	_ = 	snop  }
__scs_overlays_trampoline_lowered:
0x8: {  	[smem:$0x3FA3] =	sst s0  }
0x9: {  	[smem:$0x3FA4] =	sst s1  }
0xa: {  	[smem:$0x3FA5] =	sst s2  }
0xb: {  	[smem:$0x3FA6] =	sst s3  }
0xc: {  	[smem:$0x3FA7] =	sst s4  }
0xd: {  	[smem:$0x3FA8] =	sst s5  }
0xe: {  	[smem:$0x3FA9] =	sst s6  }
0xf: {  	[smem:$0x3FAA] =	sst s7  }
0x10: {  	[smem:$0x3FAB] =	sst s8  }
0x11: {  	[smem:$0x3FAC] =	sst s9;
	s0 =	simm.s32 @!p0 $0x0  }
0x12: {  	s1 =	sld [smem:$0x3F92];
	s0 =	simm.s32 @p0 $0x1  }
0x13: {  	[smem:$0x3FAD] =	sst s0;
	s0 =	simm.s32 @!p1 $0x0  }
0x14: {  	s2 =	sld [smem:$0x3F91];
	s0 =	simm.s32 @p1 $0x1  }
0x15: {  	[smem:$0x3FAE] =	sst s0;
	s0 =	simm.s32 @!p2 $0x0  }
0x16: {  	s3 =	sld [smem:$0x3FDB];
	s0 =	simm.s32 @p2 $0x1  }
0x17: {  	s4 =	simm.s32 $0x1BF5;
	[smem:$0x3FB0] =	sst s0  }
0x18: {  	s0 =	sld [smem:$0x3F93];
	_ =	swait.ge [sflag:s4], $0x0  }
0x19: {  	s7 =	sld [smem:$0x3F94]  }
0x1a: {  	s8 =	sadd.s32 $0xFFFFE003, lr  }
0x1b: {  	s9 =	sadd.s32 $0xFFFFFEF7, lr;
	s5 =	simm.s32 $0xFFFFFFFF;
	p2 =	slt.u32 s8, $0xFFFFF086  }
0x1c: {  	p1 =	slt.u32 s9, $0xF7A;
	s5 =	simm.s32 @!p2 $0x0  }
0x1d: {  	s5 =	simm.s32 @p1 $0x1;
	p0 =	seq.s32 s7, s2  }
0x1e: {  	s7 =	smul.u32 @!p0 $0xF7A, s2;
	p2 =	seq.s32 @!p0 s5, $0x0  }
0x1f: {  	s9 =	smul.u32 $0xF7A, s1;
	s8 =	simm.s32 @!p0 $0x1BF5;
	p2 =	por !p2, p0  }
0x20: {  	[sflag:s8] =	ssyncset.s32 @!p0 $0xFFFFF086;
	s6 =	sadd.s32 @!p0 s3, s7;
	s7 =	simm.s32 @!p0 $0x108  }
0x21: {  	s3 =	sadd.s32 s3, s9;
	s6 =	sadd.s32 @!p0 $0x88, s6;
	s7 =	simm.s32 @p2 $0x1082  }
0x22: {  	[simem:s7], [sflag:s8] =	dma.local @!p0 [hbm:s6], $0xF7A  }
0x23: {  	s9 =	sor.u32 $0xD0000000, s2;
	s6 =	simm.s32 $0x108;
	_ =	swait.ge @!p0 [sflag:s8], $0x0  }
0x24: {  	s3 =	sadd.s32 $0x88, s3;
	s6 =	simm.s32 @!p1 $0x1082;
	[sflag:s4] =	ssyncset.s32 $0xFFFFF086  }
0x25: {  	[simem:s6], [sflag:s4] =	dma.local [hbm:s3], $0xF7A  }
0x26: {  	[smem:$0x3F94] =	sst s1;
	(tag) =	ssettag s2;
	_ =	strace s9  }
0x27: {  	s1 =	sld [smem:$0x3FA4]  }
0x28: {  	s2 =	sld [smem:$0x3FA5]  }
0x29: {  	s4 =	sld [smem:$0x3FA7]  }
0x2a: {  	p0 =	seq.s32 s5, $0x0;
	s5 =	sld [smem:$0x3FA8]  }
0x2b: {  	s6 =	sld [smem:$0x3FA9]  }
0x2c: {  	s7 =	sld [smem:$0x3FAA]  }
0x2d: {  	s3 =	simm.s32 $0x108;
	s8 =	sld [smem:$0x3FAB]  }
0x2e: {  	s3 =	simm.s32 @!p0 $0x1082;
	s9 =	sld [smem:$0x3FAC]  }
0x2f: {  	lr =	sadd.s32 s0, s3;
	s0 =	sld [smem:$0x3FA3]  }
0x30: {  	s3 =	sld [smem:$0x3FA6]  }
0x31: {  	[smem:$0x3FAF] =	sst s10  }
0x32: {  	s10 =	sld [smem:$0x3FAD];
	_ =	sdelay $0x3  }
0x33: {  	p0 =	seq.s32 s10, $0x1;
	s10 =	sld [smem:$0x3FAF];
	_ =	sdelay $0x3  }
0x34: {  	[smem:$0x3FAF] =	sst s10  }
0x35: {  	s10 =	sld [smem:$0x3FAE];
	_ =	sdelay $0x3  }
0x36: {  	p1 =	seq.s32 s10, $0x1;
	s10 =	sld [smem:$0x3FAF];
	_ =	sdelay $0x3  }
0x37: {  	[smem:$0x3FAF] =	sst s10  }
0x38: {  	s10 =	sld [smem:$0x3FB0]  }
0x39: {  	_ = 	snop;
	(pc) =	sbr.ind lr, $3  }
0x3a: {  	_ = 	snop  }
0x3b: {  	_ = 	snop  }
0x3c: {  	p2 =	seq.s32 s10, $0x1;
	s10 =	sld [smem:$0x3FAF]  }
0x3d: {  	_ =	shalt  }
0x3e: {  	_ =	shalt  }
0x3f: {  	_ =	shalt  }
0x40: {  	_ =	shalt  }
0x41: {  	_ =	shalt  }
0x42: {  	_ =	shalt  }
0x43: {  	_ =	shalt  }
0x44: {  	_ =	shalt  }
0x45: {  	_ =	shalt  }
0x46: {  	_ =	shalt  }
0x47: {  	_ =	shalt  }
0x48: {  	_ =	shalt  }
0x49: {  	_ =	shalt  }
0x4a: {  	_ =	shalt  }
0x4b: {  	_ =	shalt  }
0x4c: {  	_ =	shalt  }
0x4d: {  	_ =	shalt  }
0x4e: {  	_ =	shalt  }
0x4f: {  	_ =	shalt  }
0x50: {  	_ =	shalt  }
0x51: {  	_ =	shalt  }
0x52: {  	_ =	shalt  }
0x53: {  	_ =	shalt  }
0x54: {  	_ =	shalt  }
0x55: {  	_ =	shalt  }
0x56: {  	_ =	shalt  }
0x57: {  	_ =	shalt  }
0x58: {  	_ =	shalt  }
0x59: {  	_ =	shalt  }
0x5a: {  	_ =	shalt  }
0x5b: {  	_ =	shalt  }
0x5c: {  	_ =	shalt  }
0x5d: {  	_ =	shalt  }
0x5e: {  	_ =	shalt  }
0x5f: {  	_ =	shalt  }
0x60: {  	_ =	shalt  }
0x61: {  	_ =	shalt  }
0x62: {  	_ =	shalt  }
0x63: {  	_ =	shalt  }
0x64: {  	_ =	shalt  }
0x65: {  	_ =	shalt  }
0x66: {  	_ =	shalt  }
0x67: {  	_ =	shalt  }
0x68: {  	_ =	shalt  }
0x69: {  	_ =	shalt  }
0x6a: {  	_ =	shalt  }
0x6b: {  	_ =	shalt  }
0x6c: {  	_ =	shalt  }
0x6d: {  	_ =	shalt  }
0x6e: {  	_ =	shalt  }
0x6f: {  	_ =	shalt  }
0x70: {  	_ =	shalt  }
0x71: {  	_ =	shalt  }
0x72: {  	_ =	shalt  }
0x73: {  	_ =	shalt  }
0x74: {  	_ =	shalt  }
0x75: {  	_ =	shalt  }
0x76: {  	_ =	shalt  }
0x77: {  	_ =	shalt  }
0x78: {  	_ =	shalt  }
0x79: {  	_ =	shalt  }
0x7a: {  	_ =	shalt  }
0x7b: {  	_ =	shalt  }
0x7c: {  	_ =	shalt  }
0x7d: {  	_ =	shalt  }
0x7e: {  	_ =	shalt  }
0x7f: {  	_ =	shalt  }
0x80: {  	_ =	shalt  }
0x81: {  	_ =	shalt  }
0x82: {  	_ =	shalt  }
0x83: {  	_ =	shalt  }
0x84: {  	_ =	shalt  }
0x85: {  	_ =	shalt  }
0x86: {  	_ =	shalt  }
0x87: {  	_ =	shalt  }
.Lfunc_end0:
.L_simem_size_0:
called_computation.1_lowered:
.L_overlay_start_0:
0x88: {  	s2 =	sld [smem:$0x3FD9]  }
0x89: {  	s3 =	sld [smem:$0x3FFE];
	_ =	sdelay $0x1  }
0x8a: {  	s1 =	srdreg.scid  }
0x8b: {  	s0 =	sand.u32 $0x1, s1  }
0x8c: {  	s15 =	sshll.u32 s0, $0xA;
	s2 =	sadd.s32 s3, s2  }
0x8d: {  	s2 =	sadd.s32 s2, s15  }
0x8e: {  	[smem:$0x3FBB] =	sst s2  }
0x8f: {  	_ = 	snop  }
0x90: {  	(tm) =	ssettm $0x1  }
0x91: {  	s16 =	sld [smem:$0x3FFB];
	_ =	sdelay $0x3  }
0x92: {  	_ =	strace s16  }
0x93: {  	s2 =	sld [smem:$0x3FFC];
	_ =	sdelay $0x3  }
0x94: {  	_ =	strace s2  }
0x95: {  	s2 =	sld [smem:$0x3FFD];
	_ =	sdelay $0x3  }
0x96: {  	_ =	strace s2  }
0x97: {  	_ =	strace $0x8FFFFFFF  }
0x98: {  	s17 =	sld [smem:$0x3FDB];
	_ =	sdelay $0x1  }
0x99: {  	s18 =	simm.s32 $_scs_section_size  }
0x9a: {  	s4 =	simm.s32 $_size__tile_overlayer_lowered;
	s5 =	simm.s32 $_tile_overlayer_lowered  }
0x9b: {  	s21 =	simm.s32 $0x1BFF;
	s20 =	sshll.u32 s5, $0x1;
	s2 =	sadd.s32 s18, s17  }
0x9c: {  	s6 =	simm.s32 $0x0;
	s19 =	sshll.u32 s4, $0x1;
	s4 =	sadd.s32 s20, s2  }
0x9d: {  	[timem:s6], [sflag:s21] =	dma.local [hbm:s4], s19  }
0x9e: {  	_ =	swait.ge [sflag:s21], s19  }
0x9f: {  	s3 =	ssub.s32 $0x0, s19;
	[sflag:s21] =	ssyncset.done $0x0  }
0xa0: {  	[sflag:s21] =	ssyncadd.s32 s3;
	_ =	sdelay $0x1  }
0xa1: {  	s22 =	simm.s32 $0x1B8B  }
0xa2: {  	_ =	swait.ge [sflag:s22], $0x1  }
0xa3: {  	[sflag:s22] =	ssyncset.done $0x0  }
0xa4: {  	s23 =	sld [smem:$0x3FFE];
	[sflag:s22] =	ssyncadd.s32 $0xFFFFFFFF  }
0xa5: {  	s25 =	simm.s32 $0x1B8E;
	s24 =	sld [smem:$0x0]  }
0xa6: {  	s26 =	simm.s32 $execute0_lowered;
	[smem:$0x3FD2] =	sst s25  }
0xa7: {  	s5 =	sshll.u32 s26, $0x1;
	_ =	strace $0x80000052;
	[dreg:$0x1] =	wrdreg $0xFFFFFFFF  }
0xa8: {  	s28 =	simm.s32 $_size_execute0_lowered;
	s2 =	sadd.s32 s2, s5;
	[dreg:$0x0] =	wrdreg $0x0  }
0xa9: {  	s5 =	sshll.u32 s28, $0x1;
	[dreg:$0x2] =	wrdreg s2  }
0xaa: {  	[dreg:$0x3] =	wrdreg s5  }
0xab: {  	[dreg:$0x4] =	wrdreg $0xC0  }
0xac: {  	_ =	task [dreg:s6], $0x5FFFF  }
0xad: {  	[dreg:$0x1] =	wrdreg $0xFFFFFFFF  }
0xae: {  	[dreg:$0x0] =	wrdreg $0x60  }
0xaf: {  	[dreg:$0x2] =	wrdreg s23  }
0xb0: {  	[dreg:$0x3] =	wrdreg s1  }
0xb1: {  	[dreg:$0x4] =	wrdreg s24  }
0xb2: {  	[dreg:$0x5] =	wrdreg $0x9  }
0xb3: {  	_ =	task.clear_ibuf [dreg:s6], $0x6FFFF;
	_ =	strace $0x90000052  }
0xb4: {  	s29 =	simm.s32 $0x9;
	_ =	strace $0x80000054  }
0xb5: {  	_ =	swait.ge [sflag:s29], $0x1  }
0xb6: {  	[sflag:s29] =	ssyncadd.s32 $0xFFFFFFFF  }
0xb7: {  	_ =	strace $0x90000054  }
0xb8: {  	_ =	sfence  }
0xb9: {  	s30 =	sld [smem:$0x0];
	_ =	sdelay $0x2  }
0xba: {  	s31 =	sshll.u32 s1, $0xD;
	s1 =	sshrl.u32 s1, $0x2  }
0xbb: {  	s3 =	sand.u32 $0x4000, s31;
	s1 =	sadd.s32 s1, s30  }
0xbc: {  	s0 =	sor.u32 s3, s0;
	s1 =	sshll.u32 s1, $0x11  }
0xbd: {  	s0 =	sor.u32 s1, s0  }
0xbe: {  	s0 =	sadd.s32 $0x8F2B, s0  }
0xbf: {  	[sflag:s0] =	ssyncadd.remote.s32 $0x1  }
0xc0: {  	_ =	sfence.sel $0xFFFF  }
0xc1: {  	[dreg:$0x0] =	wrdreg $0xFFFFFFFF;
	(pc) =	sbr.abs _section_cstart, $3  }
0xc2: {  	[dreg:$0x1] =	wrdreg $0xFFFFFFFF  }
0xc3: {  	_ =	task.clear_ibuf [dreg:s6], $0x2FFFF;
	_ =	strace $0x9FFFFFFF  }
0xc4: {  	(tm) =	ssettm $0x7FFFFFFF  }
0xc5: {  	_ =	shalt  }
tec
execute0_lowered:
.L_overlay_start_1:
0x0: {  	(tag) =	ssettag $0x1  }
0x1: {  	s7 =	rddreg [dreg:$0x0]  }
0x2: {  	s2 =	rddreg [dreg:$0x1];
	_ =	strace $0x80000053;
	s3 =	simm.s32 $0x1  }
0x3: {  	v0 =	vimm.s32 $0x0;
	[sflag:s3] =	ssyncpa.u1 $0x0  }
0x4: {  	[tilespmem:$0x48] =	vst v0  }
0x5: {  	[tilespmem:$0x58] =	vst v0  }
0x6: {  	[tilespmem:$0x68] =	vst v0  }
0x7: {  	[tilespmem:$0x78] =	vst v0  }
0x8: {  	[tilespmem:$0x88] =	vst v0  }
0x9: {  	[tilespmem:$0x98] =	vst v0  }
0xa: {  	[tilespmem:$0xA8] =	vst v0  }
0xb: {  	[tilespmem:$0xB8] =	vst v0  }
0xc: {  	[tilespmem:$0xC8] =	vst v0  }
0xd: {  	[tilespmem:$0xD8] =	vst v0  }
0xe: {  	[tilespmem:$0xE8] =	vst v0  }
0xf: {  	[tilespmem:$0xF8] =	vst v0  }
0x10: {  	[tilespmem:$0x108] =	vst v0  }
0x11: {  	[tilespmem:$0x118] =	vst v0  }
0x12: {  	[tilespmem:$0x128] =	vst v0  }
0x13: {  	[tilespmem:$0x138] =	vst v0  }
0x14: {  	[tilespmem:$0x148] =	vst v0  }
0x15: {  	[tilespmem:$0x158] =	vst v0  }
0x16: {  	[tilespmem:$0x168] =	vst v0  }
0x17: {  	[tilespmem:$0x178] =	vst v0  }
0x18: {  	[tilespmem:$0x188] =	vst v0  }
0x19: {  	[tilespmem:$0x198] =	vst v0  }
0x1a: {  	[tilespmem:$0x1A8] =	vst v0  }
0x1b: {  	[tilespmem:$0x1B8] =	vst v0  }
0x1c: {  	[tilespmem:$0x1C8] =	vst v0  }
0x1d: {  	[tilespmem:$0x1D8] =	vst v0  }
0x1e: {  	[tilespmem:$0x1E8] =	vst v0  }
0x1f: {  	[tilespmem:$0x1F8] =	vst v0  }
0x20: {  	[tilespmem:$0x208] =	vst v0  }
0x21: {  	[tilespmem:$0x218] =	vst v0  }
0x22: {  	[tilespmem:$0x228] =	vst v0  }
0x23: {  	[tilespmem:$0x238] =	vst v0  }
0x24: {  	[tilespmem:$0x248] =	vst v0  }
0x25: {  	[tilespmem:$0x258] =	vst v0  }
0x26: {  	[tilespmem:$0x268] =	vst v0  }
0x27: {  	[tilespmem:$0x278] =	vst v0  }
0x28: {  	[tilespmem:$0x288] =	vst v0  }
0x29: {  	[tilespmem:$0x298] =	vst v0  }
0x2a: {  	[tilespmem:$0x2A8] =	vst v0  }
0x2b: {  	[tilespmem:$0x2B8] =	vst v0  }
0x2c: {  	[tilespmem:$0x2C8] =	vst v0  }
0x2d: {  	[tilespmem:$0x2D8] =	vst v0  }
0x2e: {  	[tilespmem:$0x2E8] =	vst v0  }
0x2f: {  	[tilespmem:$0x2F8] =	vst v0  }
0x30: {  	[tilespmem:$0x308] =	vst v0  }
0x31: {  	[tilespmem:$0x318] =	vst v0  }
0x32: {  	[tilespmem:$0x328] =	vst v0  }
0x33: {  	[tilespmem:$0x338] =	vst v0  }
0x34: {  	[tilespmem:$0x348] =	vst v0  }
0x35: {  	[tilespmem:$0x358] =	vst v0  }
0x36: {  	[tilespmem:$0x368] =	vst v0  }
0x37: {  	[tilespmem:$0x378] =	vst v0  }
0x38: {  	[tilespmem:$0x388] =	vst v0  }
0x39: {  	[tilespmem:$0x398] =	vst v0  }
0x3a: {  	[tilespmem:$0x3A8] =	vst v0  }
0x3b: {  	[tilespmem:$0x3B8] =	vst v0  }
0x3c: {  	[tilespmem:$0x3C8] =	vst v0  }
0x3d: {  	[tilespmem:$0x3D8] =	vst v0  }
0x3e: {  	[tilespmem:$0x3E8] =	vst v0  }
0x3f: {  	[tilespmem:$0x3F8] =	vst v0  }
0x40: {  	[tilespmem:$0x408] =	vst v0  }
0x41: {  	[tilespmem:$0x418] =	vst v0  }
0x42: {  	[tilespmem:$0x428] =	vst v0  }
0x43: {  	[tilespmem:$0x438] =	vst v0  }
0x44: {  	[tilespmem:$0x448] =	vst v0  }
0x45: {  	[tilespmem:$0x458] =	vst v0  }
0x46: {  	[tilespmem:$0x468] =	vst v0  }
0x47: {  	[tilespmem:$0x478] =	vst v0  }
0x48: {  	[tilespmem:$0x488] =	vst v0  }
0x49: {  	[tilespmem:$0x498] =	vst v0  }
0x4a: {  	[tilespmem:$0x4A8] =	vst v0  }
0x4b: {  	[tilespmem:$0x4B8] =	vst v0  }
0x4c: {  	[tilespmem:$0x4C8] =	vst v0  }
0x4d: {  	[tilespmem:$0x4D8] =	vst v0  }
0x4e: {  	[tilespmem:$0x4E8] =	vst v0  }
0x4f: {  	[tilespmem:$0x4F8] =	vst v0  }
0x50: {  	[tilespmem:$0x508] =	vst v0  }
0x51: {  	[tilespmem:$0x518] =	vst v0  }
0x52: {  	[tilespmem:$0x528] =	vst v0  }
0x53: {  	[tilespmem:$0x538] =	vst v0  }
0x54: {  	[tilespmem:$0x548] =	vst v0  }
0x55: {  	[tilespmem:$0x558] =	vst v0  }
0x56: {  	[tilespmem:$0x568] =	vst v0  }
0x57: {  	[tilespmem:$0x578] =	vst v0  }
0x58: {  	[tilespmem:$0x588] =	vst v0  }
0x59: {  	[tilespmem:$0x598] =	vst v0  }
0x5a: {  	[tilespmem:$0x5A8] =	vst v0  }
0x5b: {  	[tilespmem:$0x5B8] =	vst v0  }
0x5c: {  	[tilespmem:$0x5C8] =	vst v0  }
0x5d: {  	[tilespmem:$0x5D8] =	vst v0  }
0x5e: {  	[tilespmem:$0x5E8] =	vst v0  }
0x5f: {  	[tilespmem:$0x5F8] =	vst v0  }
0x60: {  	[tilespmem:$0x608] =	vst v0  }
0x61: {  	[tilespmem:$0x618] =	vst v0  }
0x62: {  	[tilespmem:$0x628] =	vst v0  }
0x63: {  	[tilespmem:$0x638] =	vst v0  }
0x64: {  	[tilespmem:$0x648] =	vst v0  }
0x65: {  	[tilespmem:$0x658] =	vst v0  }
0x66: {  	[tilespmem:$0x668] =	vst v0  }
0x67: {  	[tilespmem:$0x678] =	vst v0  }
0x68: {  	[tilespmem:$0x688] =	vst v0  }
0x69: {  	[tilespmem:$0x698] =	vst v0  }
0x6a: {  	[tilespmem:$0x6A8] =	vst v0  }
0x6b: {  	[tilespmem:$0x6B8] =	vst v0  }
0x6c: {  	[tilespmem:$0x6C8] =	vst v0  }
0x6d: {  	[tilespmem:$0x6D8] =	vst v0  }
0x6e: {  	[tilespmem:$0x6E8] =	vst v0  }
0x6f: {  	[tilespmem:$0x6F8] =	vst v0  }
0x70: {  	[tilespmem:$0x708] =	vst v0  }
0x71: {  	[tilespmem:$0x718] =	vst v0  }
0x72: {  	[tilespmem:$0x728] =	vst v0  }
0x73: {  	[tilespmem:$0x738] =	vst v0  }
0x74: {  	[tilespmem:$0x748] =	vst v0  }
0x75: {  	[tilespmem:$0x758] =	vst v0  }
0x76: {  	[tilespmem:$0x768] =	vst v0  }
0x77: {  	[tilespmem:$0x778] =	vst v0  }
0x78: {  	[tilespmem:$0x788] =	vst v0  }
0x79: {  	[tilespmem:$0x798] =	vst v0  }
0x7a: {  	[tilespmem:$0x7A8] =	vst v0  }
0x7b: {  	[tilespmem:$0x7B8] =	vst v0  }
0x7c: {  	[tilespmem:$0x7C8] =	vst v0  }
0x7d: {  	[tilespmem:$0x7D8] =	vst v0  }
0x7e: {  	[tilespmem:$0x7E8] =	vst v0  }
0x7f: {  	[tilespmem:$0x7F8] =	vst v0  }
0x80: {  	[tilespmem:$0x808] =	vst v0  }
0x81: {  	[tilespmem:$0x818] =	vst v0  }
0x82: {  	[tilespmem:$0x828] =	vst v0  }
0x83: {  	[tilespmem:$0x838] =	vst v0  }
0x84: {  	[tilespmem:$0x848] =	vst v0  }
0x85: {  	[tilespmem:$0x858] =	vst v0  }
0x86: {  	[tilespmem:$0x868] =	vst v0  }
0x87: {  	[tilespmem:$0x878] =	vst v0  }
0x88: {  	[tilespmem:$0x888] =	vst v0  }
0x89: {  	[tilespmem:$0x898] =	vst v0  }
0x8a: {  	[tilespmem:$0x8A8] =	vst v0  }
0x8b: {  	[tilespmem:$0x8B8] =	vst v0  }
0x8c: {  	[tilespmem:$0x8C8] =	vst v0  }
0x8d: {  	[tilespmem:$0x8D8] =	vst v0  }
0x8e: {  	[tilespmem:$0x8E8] =	vst v0  }
0x8f: {  	[tilespmem:$0x8F8] =	vst v0  }
0x90: {  	[tilespmem:$0x908] =	vst v0  }
0x91: {  	[tilespmem:$0x918] =	vst v0  }
0x92: {  	[tilespmem:$0x928] =	vst v0  }
0x93: {  	[tilespmem:$0x938] =	vst v0  }
0x94: {  	[tilespmem:$0x948] =	vst v0  }
0x95: {  	[tilespmem:$0x958] =	vst v0  }
0x96: {  	[tilespmem:$0x968] =	vst v0  }
0x97: {  	[tilespmem:$0x978] =	vst v0  }
0x98: {  	[tilespmem:$0x988] =	vst v0  }
0x99: {  	[tilespmem:$0x998] =	vst v0  }
0x9a: {  	[tilespmem:$0x9A8] =	vst v0  }
0x9b: {  	[tilespmem:$0x9B8] =	vst v0  }
0x9c: {  	[tilespmem:$0x9C8] =	vst v0  }
0x9d: {  	[tilespmem:$0x9D8] =	vst v0  }
0x9e: {  	[tilespmem:$0x9E8] =	vst v0  }
0x9f: {  	[tilespmem:$0x9F8] =	vst v0  }
0xa0: {  	[tilespmem:$0xA08] =	vst v0  }
0xa1: {  	[tilespmem:$0xA18] =	vst v0  }
0xa2: {  	[tilespmem:$0xA28] =	vst v0  }
0xa3: {  	[tilespmem:$0xA38] =	vst v0  }
0xa4: {  	[tilespmem:$0xA48] =	vst v0  }
0xa5: {  	[tilespmem:$0xA58] =	vst v0  }
0xa6: {  	[tilespmem:$0xA68] =	vst v0  }
0xa7: {  	[tilespmem:$0xA78] =	vst v0  }
0xa8: {  	[tilespmem:$0xA88] =	vst v0  }
0xa9: {  	[tilespmem:$0xA98] =	vst v0  }
0xaa: {  	[tilespmem:$0xAA8] =	vst v0  }
0xab: {  	[tilespmem:$0xAB8] =	vst v0  }
0xac: {  	[tilespmem:$0xAC8] =	vst v0  }
0xad: {  	[tilespmem:$0xAD8] =	vst v0  }
0xae: {  	[tilespmem:$0xAE8] =	vst v0  }
0xaf: {  	[tilespmem:$0xAF8] =	vst v0  }
0xb0: {  	[tilespmem:$0xB08] =	vst v0  }
0xb1: {  	[tilespmem:$0xB18] =	vst v0  }
0xb2: {  	[tilespmem:$0xB28] =	vst v0  }
0xb3: {  	[tilespmem:$0xB38] =	vst v0  }
0xb4: {  	[tilespmem:$0xB48] =	vst v0  }
0xb5: {  	[tilespmem:$0xB58] =	vst v0  }
0xb6: {  	[tilespmem:$0xB68] =	vst v0  }
0xb7: {  	[tilespmem:$0xB78] =	vst v0  }
0xb8: {  	[tilespmem:$0xB88] =	vst v0  }
0xb9: {  	[tilespmem:$0xB98] =	vst v0  }
0xba: {  	[tilespmem:$0xBA8] =	vst v0  }
0xbb: {  	[tilespmem:$0xBB8] =	vst v0  }
0xbc: {  	[tilespmem:$0xBC8] =	vst v0  }
0xbd: {  	[tilespmem:$0xBD8] =	vst v0  }
0xbe: {  	[tilespmem:$0xBE8] =	vst v0  }
0xbf: {  	[tilespmem:$0xBF8] =	vst v0  }
0xc0: {  	[tilespmem:$0xC08] =	vst v0  }
0xc1: {  	[tilespmem:$0xC18] =	vst v0  }
0xc2: {  	[tilespmem:$0xC28] =	vst v0  }
0xc3: {  	[tilespmem:$0xC38] =	vst v0  }
0xc4: {  	[tilespmem:$0xC48] =	vst v0  }
0xc5: {  	[tilespmem:$0xC58] =	vst v0  }
0xc6: {  	[tilespmem:$0xC68] =	vst v0  }
0xc7: {  	[tilespmem:$0xC78] =	vst v0  }
0xc8: {  	[tilespmem:$0xC88] =	vst v0  }
0xc9: {  	[tilespmem:$0xC98] =	vst v0  }
0xca: {  	[tilespmem:$0xCA8] =	vst v0  }
0xcb: {  	[tilespmem:$0xCB8] =	vst v0  }
0xcc: {  	[tilespmem:$0xCC8] =	vst v0  }
0xcd: {  	[tilespmem:$0xCD8] =	vst v0  }
0xce: {  	[tilespmem:$0xCE8] =	vst v0  }
0xcf: {  	[tilespmem:$0xCF8] =	vst v0  }
0xd0: {  	[tilespmem:$0xD08] =	vst v0  }
0xd1: {  	[tilespmem:$0xD18] =	vst v0  }
0xd2: {  	[tilespmem:$0xD28] =	vst v0  }
0xd3: {  	[tilespmem:$0xD38] =	vst v0  }
0xd4: {  	[tilespmem:$0xD48] =	vst v0  }
0xd5: {  	[tilespmem:$0xD58] =	vst v0  }
0xd6: {  	[tilespmem:$0xD68] =	vst v0  }
0xd7: {  	[tilespmem:$0xD78] =	vst v0  }
0xd8: {  	[tilespmem:$0xD88] =	vst v0  }
0xd9: {  	[tilespmem:$0xD98] =	vst v0  }
0xda: {  	[tilespmem:$0xDA8] =	vst v0  }
0xdb: {  	[tilespmem:$0xDB8] =	vst v0  }
0xdc: {  	[tilespmem:$0xDC8] =	vst v0  }
0xdd: {  	[tilespmem:$0xDD8] =	vst v0  }
0xde: {  	[tilespmem:$0xDE8] =	vst v0  }
0xdf: {  	[tilespmem:$0xDF8] =	vst v0  }
0xe0: {  	[tilespmem:$0xE08] =	vst v0  }
0xe1: {  	[tilespmem:$0xE18] =	vst v0  }
0xe2: {  	[tilespmem:$0xE28] =	vst v0  }
0xe3: {  	[tilespmem:$0xE38] =	vst v0  }
0xe4: {  	[tilespmem:$0xE48] =	vst v0  }
0xe5: {  	[tilespmem:$0xE58] =	vst v0  }
0xe6: {  	[tilespmem:$0xE68] =	vst v0  }
0xe7: {  	[tilespmem:$0xE78] =	vst v0  }
0xe8: {  	[tilespmem:$0xE88] =	vst v0  }
0xe9: {  	[tilespmem:$0xE98] =	vst v0  }
0xea: {  	[tilespmem:$0xEA8] =	vst v0  }
0xeb: {  	[tilespmem:$0xEB8] =	vst v0  }
0xec: {  	[tilespmem:$0xEC8] =	vst v0  }
0xed: {  	[tilespmem:$0xED8] =	vst v0  }
0xee: {  	[tilespmem:$0xEE8] =	vst v0  }
0xef: {  	[tilespmem:$0xEF8] =	vst v0  }
0xf0: {  	[tilespmem:$0xF08] =	vst v0  }
0xf1: {  	[tilespmem:$0xF18] =	vst v0  }
0xf2: {  	[tilespmem:$0xF28] =	vst v0  }
0xf3: {  	[tilespmem:$0xF38] =	vst v0  }
0xf4: {  	[tilespmem:$0xF48] =	vst v0  }
0xf5: {  	[tilespmem:$0xF58] =	vst v0  }
0xf6: {  	[tilespmem:$0xF68] =	vst v0  }
0xf7: {  	[tilespmem:$0xF78] =	vst v0  }
0xf8: {  	[tilespmem:$0xF88] =	vst v0  }
0xf9: {  	[tilespmem:$0xF98] =	vst v0  }
0xfa: {  	[tilespmem:$0xFA8] =	vst v0  }
0xfb: {  	[tilespmem:$0xFB8] =	vst v0  }
0xfc: {  	[tilespmem:$0xFC8] =	vst v0  }
0xfd: {  	[tilespmem:$0xFD8] =	vst v0  }
0xfe: {  	[tilespmem:$0xFE8] =	vst v0  }
0xff: {  	[tilespmem:$0xFF8] =	vst v0  }
0x100: {  	[tilespmem:$0x1008] =	vst v0  }
0x101: {  	[tilespmem:$0x1018] =	vst v0  }
0x102: {  	[tilespmem:$0x1028] =	vst v0  }
0x103: {  	[tilespmem:$0x1168] =	vst v0  }
0x104: {  	[tilespmem:$0x1038] =	vst v0  }
0x105: {  	[tilespmem:$0x1048] =	vst v0  }
0x106: {  	[tilespmem:$0x1058] =	vst v0  }
0x107: {  	[tilespmem:$0x1068] =	vst v0  }
0x108: {  	[tilespmem:$0x1078] =	vst v0  }
0x109: {  	[tilespmem:$0x1088] =	vst v0  }
0x10a: {  	[tilespmem:$0x1098] =	vst v0  }
0x10b: {  	[tilespmem:$0x10A8] =	vst v0  }
0x10c: {  	[tilespmem:$0x10B8] =	vst v0  }
0x10d: {  	[tilespmem:$0x10C8] =	vst v0  }
0x10e: {  	[tilespmem:$0x10D8] =	vst v0  }
0x10f: {  	[tilespmem:$0x10E8] =	vst v0  }
0x110: {  	[tilespmem:$0x10F8] =	vst v0  }
0x111: {  	[tilespmem:$0x1108] =	vst v0  }
0x112: {  	[tilespmem:$0x1118] =	vst v0  }
0x113: {  	[tilespmem:$0x1128] =	vst v0  }
0x114: {  	[tilespmem:$0x1138] =	vst v0  }
0x115: {  	[tilespmem:$0x1148] =	vst v0  }
0x116: {  	[tilespmem:$0x1158] =	vst v0  }
0x117: {  	[tilespmem:$0x1178] =	vst v0  }
0x118: {  	[tilespmem:$0x1188] =	vst v0  }
0x119: {  	[tilespmem:$0x1198] =	vst v0  }
0x11a: {  	[tilespmem:$0x11A8] =	vst v0  }
0x11b: {  	[tilespmem:$0x11B8] =	vst v0  }
0x11c: {  	[tilespmem:$0x11C8] =	vst v0  }
0x11d: {  	[tilespmem:$0x11D8] =	vst v0  }
0x11e: {  	[tilespmem:$0x11E8] =	vst v0  }
0x11f: {  	[tilespmem:$0x11F8] =	vst v0  }
0x120: {  	[tilespmem:$0x1208] =	vst v0  }
0x121: {  	[tilespmem:$0x1218] =	vst v0  }
0x122: {  	[tilespmem:$0x1228] =	vst v0  }
0x123: {  	[tilespmem:$0x1238] =	vst v0  }
0x124: {  	[tilespmem:$0x1248] =	vst v0  }
0x125: {  	[tilespmem:$0x1258] =	vst v0  }
0x126: {  	[tilespmem:$0x1268] =	vst v0  }
0x127: {  	[tilespmem:$0x1278] =	vst v0  }
0x128: {  	[tilespmem:$0x1288] =	vst v0  }
0x129: {  	[tilespmem:$0x1298] =	vst v0  }
0x12a: {  	[tilespmem:$0x12A8] =	vst v0  }
0x12b: {  	[tilespmem:$0x12B8] =	vst v0  }
0x12c: {  	[tilespmem:$0x12C8] =	vst v0  }
0x12d: {  	[tilespmem:$0x12D8] =	vst v0  }
0x12e: {  	[tilespmem:$0x12E8] =	vst v0  }
0x12f: {  	[tilespmem:$0x12F8] =	vst v0  }
0x130: {  	[tilespmem:$0x1308] =	vst v0  }
0x131: {  	[tilespmem:$0x1318] =	vst v0  }
0x132: {  	[tilespmem:$0x1328] =	vst v0  }
0x133: {  	[tilespmem:$0x1338] =	vst v0  }
0x134: {  	[tilespmem:$0x1348] =	vst v0  }
0x135: {  	[tilespmem:$0x1358] =	vst v0  }
0x136: {  	[tilespmem:$0x1368] =	vst v0  }
0x137: {  	[tilespmem:$0x1378] =	vst v0  }
0x138: {  	[tilespmem:$0x1388] =	vst v0  }
0x139: {  	[tilespmem:$0x1398] =	vst v0  }
0x13a: {  	[tilespmem:$0x13A8] =	vst v0  }
0x13b: {  	[tilespmem:$0x13B8] =	vst v0  }
0x13c: {  	[tilespmem:$0x13C8] =	vst v0  }
0x13d: {  	[tilespmem:$0x13D8] =	vst v0  }
0x13e: {  	[tilespmem:$0x13E8] =	vst v0  }
0x13f: {  	[tilespmem:$0x13F8] =	vst v0  }
0x140: {  	[tilespmem:$0x1408] =	vst v0  }
0x141: {  	[tilespmem:$0x1418] =	vst v0  }
0x142: {  	[tilespmem:$0x1428] =	vst v0  }
0x143: {  	[tilespmem:$0x1438] =	vst v0  }
0x144: {  	[tilespmem:$0x1448] =	vst v0  }
0x145: {  	[tilespmem:$0x1458] =	vst v0  }
0x146: {  	[tilespmem:$0x1468] =	vst v0  }
0x147: {  	[tilespmem:$0x1478] =	vst v0  }
0x148: {  	[tilespmem:$0x1488] =	vst v0  }
0x149: {  	[tilespmem:$0x1498] =	vst v0  }
0x14a: {  	[tilespmem:$0x14A8] =	vst v0  }
0x14b: {  	[tilespmem:$0x14B8] =	vst v0  }
0x14c: {  	[tilespmem:$0x14C8] =	vst v0  }
0x14d: {  	[tilespmem:$0x14D8] =	vst v0  }
0x14e: {  	[tilespmem:$0x14E8] =	vst v0  }
0x14f: {  	[tilespmem:$0x14F8] =	vst v0  }
0x150: {  	[tilespmem:$0x1508] =	vst v0  }
0x151: {  	[tilespmem:$0x1518] =	vst v0  }
0x152: {  	[tilespmem:$0x1528] =	vst v0  }
0x153: {  	[tilespmem:$0x1538] =	vst v0  }
0x154: {  	[tilespmem:$0x1548] =	vst v0  }
0x155: {  	[tilespmem:$0x1558] =	vst v0  }
0x156: {  	[tilespmem:$0x1568] =	vst v0  }
0x157: {  	[tilespmem:$0x1578] =	vst v0  }
0x158: {  	[tilespmem:$0x1588] =	vst v0  }
0x159: {  	[tilespmem:$0x1598] =	vst v0  }
0x15a: {  	[tilespmem:$0x15A8] =	vst v0  }
0x15b: {  	[tilespmem:$0x15B8] =	vst v0  }
0x15c: {  	[tilespmem:$0x15C8] =	vst v0  }
0x15d: {  	[tilespmem:$0x15D8] =	vst v0  }
0x15e: {  	[tilespmem:$0x15E8] =	vst v0  }
0x15f: {  	[tilespmem:$0x15F8] =	vst v0  }
0x160: {  	[tilespmem:$0x1608] =	vst v0  }
0x161: {  	[tilespmem:$0x1618] =	vst v0  }
0x162: {  	[tilespmem:$0x1628] =	vst v0  }
0x163: {  	[tilespmem:$0x1638] =	vst v0  }
0x164: {  	[tilespmem:$0x1648] =	vst v0  }
0x165: {  	[tilespmem:$0x1658] =	vst v0  }
0x166: {  	[tilespmem:$0x1668] =	vst v0  }
0x167: {  	[tilespmem:$0x1678] =	vst v0  }
0x168: {  	[tilespmem:$0x1688] =	vst v0  }
0x169: {  	[tilespmem:$0x1698] =	vst v0  }
0x16a: {  	[tilespmem:$0x16A8] =	vst v0  }
0x16b: {  	[tilespmem:$0x16B8] =	vst v0  }
0x16c: {  	[tilespmem:$0x16C8] =	vst v0  }
0x16d: {  	[tilespmem:$0x16D8] =	vst v0  }
0x16e: {  	[tilespmem:$0x16E8] =	vst v0  }
0x16f: {  	[tilespmem:$0x16F8] =	vst v0  }
0x170: {  	[tilespmem:$0x1708] =	vst v0  }
0x171: {  	[tilespmem:$0x1718] =	vst v0  }
0x172: {  	[tilespmem:$0x1728] =	vst v0  }
0x173: {  	[tilespmem:$0x1738] =	vst v0  }
0x174: {  	[tilespmem:$0x1748] =	vst v0  }
0x175: {  	[tilespmem:$0x1758] =	vst v0  }
0x176: {  	[tilespmem:$0x1768] =	vst v0  }
0x177: {  	[tilespmem:$0x1778] =	vst v0  }
0x178: {  	[tilespmem:$0x1788] =	vst v0  }
0x179: {  	[tilespmem:$0x1798] =	vst v0  }
0x17a: {  	[tilespmem:$0x17A8] =	vst v0  }
0x17b: {  	[tilespmem:$0x17B8] =	vst v0  }
0x17c: {  	[tilespmem:$0x17C8] =	vst v0  }
0x17d: {  	[tilespmem:$0x17D8] =	vst v0  }
0x17e: {  	[tilespmem:$0x17E8] =	vst v0  }
0x17f: {  	[tilespmem:$0x17F8] =	vst v0  }
0x180: {  	[tilespmem:$0x1808] =	vst v0  }
0x181: {  	[tilespmem:$0x1818] =	vst v0  }
0x182: {  	[tilespmem:$0x1828] =	vst v0  }
0x183: {  	[tilespmem:$0x1838] =	vst v0  }
0x184: {  	[tilespmem:$0x1848] =	vst v0  }
0x185: {  	[tilespmem:$0x1858] =	vst v0  }
0x186: {  	[tilespmem:$0x1868] =	vst v0  }
0x187: {  	[tilespmem:$0x1878] =	vst v0  }
0x188: {  	[tilespmem:$0x1888] =	vst v0  }
0x189: {  	[tilespmem:$0x1898] =	vst v0  }
0x18a: {  	[tilespmem:$0x18A8] =	vst v0  }
0x18b: {  	[tilespmem:$0x18B8] =	vst v0  }
0x18c: {  	[tilespmem:$0x18C8] =	vst v0  }
0x18d: {  	[tilespmem:$0x18D8] =	vst v0  }
0x18e: {  	[tilespmem:$0x18E8] =	vst v0  }
0x18f: {  	[tilespmem:$0x18F8] =	vst v0  }
0x190: {  	[tilespmem:$0x1908] =	vst v0  }
0x191: {  	[tilespmem:$0x1918] =	vst v0  }
0x192: {  	[tilespmem:$0x1928] =	vst v0  }
0x193: {  	[tilespmem:$0x1938] =	vst v0  }
0x194: {  	[tilespmem:$0x1948] =	vst v0  }
0x195: {  	[tilespmem:$0x1958] =	vst v0  }
0x196: {  	[tilespmem:$0x1968] =	vst v0  }
0x197: {  	[tilespmem:$0x1978] =	vst v0  }
0x198: {  	[tilespmem:$0x1988] =	vst v0  }
0x199: {  	[tilespmem:$0x1998] =	vst v0  }
0x19a: {  	[tilespmem:$0x19A8] =	vst v0  }
0x19b: {  	[tilespmem:$0x19B8] =	vst v0  }
0x19c: {  	[tilespmem:$0x19C8] =	vst v0  }
0x19d: {  	[tilespmem:$0x19D8] =	vst v0  }
0x19e: {  	[tilespmem:$0x19E8] =	vst v0  }
0x19f: {  	[tilespmem:$0x19F8] =	vst v0  }
0x1a0: {  	[tilespmem:$0x1A08] =	vst v0  }
0x1a1: {  	[tilespmem:$0x1A18] =	vst v0  }
0x1a2: {  	[tilespmem:$0x1A28] =	vst v0  }
0x1a3: {  	[tilespmem:$0x1A38] =	vst v0  }
0x1a4: {  	[tilespmem:$0x1A48] =	vst v0  }
0x1a5: {  	[tilespmem:$0x1A58] =	vst v0  }
0x1a6: {  	[tilespmem:$0x1A68] =	vst v0  }
0x1a7: {  	[tilespmem:$0x1A78] =	vst v0  }
0x1a8: {  	[tilespmem:$0x1A88] =	vst v0  }
0x1a9: {  	[tilespmem:$0x1A98] =	vst v0  }
0x1aa: {  	[tilespmem:$0x1AA8] =	vst v0  }
0x1ab: {  	[tilespmem:$0x1AB8] =	vst v0  }
0x1ac: {  	[tilespmem:$0x1AC8] =	vst v0  }
0x1ad: {  	[tilespmem:$0x1AD8] =	vst v0  }
0x1ae: {  	[tilespmem:$0x1AE8] =	vst v0  }
0x1af: {  	[tilespmem:$0x1AF8] =	vst v0  }
0x1b0: {  	[tilespmem:$0x1B08] =	vst v0  }
0x1b1: {  	[tilespmem:$0x1B18] =	vst v0  }
0x1b2: {  	[tilespmem:$0x1B28] =	vst v0  }
0x1b3: {  	[tilespmem:$0x1B38] =	vst v0  }
0x1b4: {  	[tilespmem:$0x1B48] =	vst v0  }
0x1b5: {  	[tilespmem:$0x1B58] =	vst v0  }
0x1b6: {  	[tilespmem:$0x1B68] =	vst v0  }
0x1b7: {  	[tilespmem:$0x1B78] =	vst v0  }
0x1b8: {  	[tilespmem:$0x1B88] =	vst v0  }
0x1b9: {  	[tilespmem:$0x1B98] =	vst v0  }
0x1ba: {  	[tilespmem:$0x1BA8] =	vst v0  }
0x1bb: {  	[tilespmem:$0x1BB8] =	vst v0  }
0x1bc: {  	[tilespmem:$0x1BC8] =	vst v0  }
0x1bd: {  	[tilespmem:$0x1BD8] =	vst v0  }
0x1be: {  	[tilespmem:$0x1BE8] =	vst v0  }
0x1bf: {  	[tilespmem:$0x1BF8] =	vst v0  }
0x1c0: {  	[tilespmem:$0x1C08] =	vst v0  }
0x1c1: {  	[tilespmem:$0x1C18] =	vst v0  }
0x1c2: {  	[tilespmem:$0x1C28] =	vst v0  }
0x1c3: {  	[tilespmem:$0x1C38] =	vst v0  }
0x1c4: {  	[tilespmem:$0x1C48] =	vst v0  }
0x1c5: {  	[tilespmem:$0x1C58] =	vst v0  }
0x1c6: {  	[tilespmem:$0x1C68] =	vst v0  }
0x1c7: {  	[tilespmem:$0x1C78] =	vst v0  }
0x1c8: {  	[tilespmem:$0x1C88] =	vst v0  }
0x1c9: {  	[tilespmem:$0x1C98] =	vst v0  }
0x1ca: {  	[tilespmem:$0x1CA8] =	vst v0  }
0x1cb: {  	[tilespmem:$0x1CB8] =	vst v0  }
0x1cc: {  	[tilespmem:$0x1CC8] =	vst v0  }
0x1cd: {  	[tilespmem:$0x1CD8] =	vst v0  }
0x1ce: {  	[tilespmem:$0x1CE8] =	vst v0  }
0x1cf: {  	[tilespmem:$0x1CF8] =	vst v0  }
0x1d0: {  	[tilespmem:$0x1D08] =	vst v0  }
0x1d1: {  	[tilespmem:$0x1D18] =	vst v0  }
0x1d2: {  	[tilespmem:$0x1D28] =	vst v0  }
0x1d3: {  	[tilespmem:$0x1D38] =	vst v0  }
0x1d4: {  	[tilespmem:$0x1D48] =	vst v0  }
0x1d5: {  	[tilespmem:$0x1D58] =	vst v0  }
0x1d6: {  	[tilespmem:$0x1D68] =	vst v0  }
0x1d7: {  	[tilespmem:$0x1D78] =	vst v0  }
0x1d8: {  	[tilespmem:$0x1D88] =	vst v0  }
0x1d9: {  	[tilespmem:$0x1D98] =	vst v0  }
0x1da: {  	[tilespmem:$0x1DA8] =	vst v0  }
0x1db: {  	[tilespmem:$0x1DB8] =	vst v0  }
0x1dc: {  	[tilespmem:$0x1DC8] =	vst v0  }
0x1dd: {  	[tilespmem:$0x1DD8] =	vst v0  }
0x1de: {  	[tilespmem:$0x1DE8] =	vst v0  }
0x1df: {  	[tilespmem:$0x1DF8] =	vst v0  }
0x1e0: {  	[tilespmem:$0x1E08] =	vst v0  }
0x1e1: {  	[tilespmem:$0x1E18] =	vst v0  }
0x1e2: {  	[tilespmem:$0x1E28] =	vst v0  }
0x1e3: {  	[tilespmem:$0x1E38] =	vst v0  }
0x1e4: {  	[tilespmem:$0x1E48] =	vst v0  }
0x1e5: {  	[tilespmem:$0x1E58] =	vst v0  }
0x1e6: {  	[tilespmem:$0x1E68] =	vst v0  }
0x1e7: {  	[tilespmem:$0x1E78] =	vst v0  }
0x1e8: {  	[tilespmem:$0x1E88] =	vst v0  }
0x1e9: {  	[tilespmem:$0x1E98] =	vst v0  }
0x1ea: {  	[tilespmem:$0x1EA8] =	vst v0  }
0x1eb: {  	[tilespmem:$0x1EB8] =	vst v0  }
0x1ec: {  	[tilespmem:$0x1EC8] =	vst v0  }
0x1ed: {  	[tilespmem:$0x1ED8] =	vst v0  }
0x1ee: {  	[tilespmem:$0x1EE8] =	vst v0  }
0x1ef: {  	[tilespmem:$0x1EF8] =	vst v0  }
0x1f0: {  	[tilespmem:$0x1F08] =	vst v0  }
0x1f1: {  	[tilespmem:$0x1F18] =	vst v0  }
0x1f2: {  	[tilespmem:$0x1F28] =	vst v0  }
0x1f3: {  	[tilespmem:$0x1F38] =	vst v0  }
0x1f4: {  	[tilespmem:$0x1F48] =	vst v0  }
0x1f5: {  	[tilespmem:$0x1F58] =	vst v0  }
0x1f6: {  	[tilespmem:$0x1F68] =	vst v0  }
0x1f7: {  	[tilespmem:$0x1F78] =	vst v0  }
0x1f8: {  	[tilespmem:$0x1F88] =	vst v0  }
0x1f9: {  	[tilespmem:$0x1F98] =	vst v0  }
0x1fa: {  	[tilespmem:$0x1FA8] =	vst v0  }
0x1fb: {  	[tilespmem:$0x1FB8] =	vst v0  }
0x1fc: {  	[tilespmem:$0x1FC8] =	vst v0  }
0x1fd: {  	[tilespmem:$0x1FD8] =	vst v0  }
0x1fe: {  	[tilespmem:$0x1FE8] =	vst v0  }
0x1ff: {  	[tilespmem:$0x1FF8] =	vst v0  }
0x200: {  	[tilespmem:$0x2008] =	vst v0  }
0x201: {  	[tilespmem:$0x2018] =	vst v0  }
0x202: {  	[tilespmem:$0x2028] =	vst v0  }
0x203: {  	[tilespmem:$0x2038] =	vst v0  }
0x204: {  	[tilespmem:$0x2048] =	vst v0  }
0x205: {  	[tilespmem:$0x2058] =	vst v0  }
0x206: {  	[tilespmem:$0x2068] =	vst v0  }
0x207: {  	[tilespmem:$0x2078] =	vst v0  }
0x208: {  	[tilespmem:$0x2088] =	vst v0  }
0x209: {  	[tilespmem:$0x2098] =	vst v0  }
0x20a: {  	[tilespmem:$0x20A8] =	vst v0  }
0x20b: {  	[tilespmem:$0x20B8] =	vst v0  }
0x20c: {  	[tilespmem:$0x20C8] =	vst v0  }
0x20d: {  	[tilespmem:$0x20D8] =	vst v0  }
0x20e: {  	[tilespmem:$0x20E8] =	vst v0  }
0x20f: {  	[tilespmem:$0x20F8] =	vst v0  }
0x210: {  	[tilespmem:$0x2108] =	vst v0  }
0x211: {  	[tilespmem:$0x2118] =	vst v0  }
0x212: {  	[tilespmem:$0x2128] =	vst v0  }
0x213: {  	[tilespmem:$0x2138] =	vst v0  }
0x214: {  	[tilespmem:$0x2148] =	vst v0  }
0x215: {  	[tilespmem:$0x2158] =	vst v0  }
0x216: {  	[tilespmem:$0x2168] =	vst v0  }
0x217: {  	[tilespmem:$0x2218] =	vst v0  }
0x218: {  	[tilespmem:$0x3058] =	vst v0  }
0x219: {  	[tilespmem:$0x3048] =	vst v0  }
0x21a: {  	[tilespmem:$0x3038] =	vst v0  }
0x21b: {  	[tilespmem:$0x3028] =	vst v0  }
0x21c: {  	[tilespmem:$0x3018] =	vst v0  }
0x21d: {  	[tilespmem:$0x3008] =	vst v0  }
0x21e: {  	[tilespmem:$0x2FF8] =	vst v0  }
0x21f: {  	[tilespmem:$0x2FE8] =	vst v0  }
0x220: {  	[tilespmem:$0x2FD8] =	vst v0  }
0x221: {  	[tilespmem:$0x2FC8] =	vst v0  }
0x222: {  	[tilespmem:$0x2FB8] =	vst v0  }
0x223: {  	[tilespmem:$0x2FA8] =	vst v0  }
0x224: {  	[tilespmem:$0x2F98] =	vst v0  }
0x225: {  	[tilespmem:$0x2F88] =	vst v0  }
0x226: {  	[tilespmem:$0x2F78] =	vst v0  }
0x227: {  	[tilespmem:$0x2F68] =	vst v0  }
0x228: {  	[tilespmem:$0x2F58] =	vst v0  }
0x229: {  	[tilespmem:$0x2F48] =	vst v0  }
0x22a: {  	[tilespmem:$0x2F38] =	vst v0  }
0x22b: {  	[tilespmem:$0x2F28] =	vst v0  }
0x22c: {  	[tilespmem:$0x2F18] =	vst v0  }
0x22d: {  	[tilespmem:$0x2F08] =	vst v0  }
0x22e: {  	[tilespmem:$0x2EF8] =	vst v0  }
0x22f: {  	[tilespmem:$0x2EE8] =	vst v0  }
0x230: {  	[tilespmem:$0x2ED8] =	vst v0  }
0x231: {  	[tilespmem:$0x2EC8] =	vst v0  }
0x232: {  	[tilespmem:$0x2EB8] =	vst v0  }
0x233: {  	[tilespmem:$0x2EA8] =	vst v0  }
0x234: {  	[tilespmem:$0x2E98] =	vst v0  }
0x235: {  	[tilespmem:$0x2E88] =	vst v0  }
0x236: {  	[tilespmem:$0x2E78] =	vst v0  }
0x237: {  	[tilespmem:$0x2E68] =	vst v0  }
0x238: {  	[tilespmem:$0x2E58] =	vst v0  }
0x239: {  	[tilespmem:$0x2E48] =	vst v0  }
0x23a: {  	[tilespmem:$0x2E38] =	vst v0  }
0x23b: {  	[tilespmem:$0x2E28] =	vst v0  }
0x23c: {  	[tilespmem:$0x2E18] =	vst v0  }
0x23d: {  	[tilespmem:$0x2E08] =	vst v0  }
0x23e: {  	[tilespmem:$0x2DF8] =	vst v0  }
0x23f: {  	[tilespmem:$0x2DE8] =	vst v0  }
0x240: {  	[tilespmem:$0x2DD8] =	vst v0  }
0x241: {  	[tilespmem:$0x2DC8] =	vst v0  }
0x242: {  	[tilespmem:$0x2DB8] =	vst v0  }
0x243: {  	[tilespmem:$0x2DA8] =	vst v0  }
0x244: {  	[tilespmem:$0x2D98] =	vst v0  }
0x245: {  	[tilespmem:$0x2D88] =	vst v0  }
0x246: {  	[tilespmem:$0x2D78] =	vst v0  }
0x247: {  	[tilespmem:$0x2D68] =	vst v0  }
0x248: {  	[tilespmem:$0x2D58] =	vst v0  }
0x249: {  	[tilespmem:$0x2D48] =	vst v0  }
0x24a: {  	[tilespmem:$0x2D38] =	vst v0  }
0x24b: {  	[tilespmem:$0x2D28] =	vst v0  }
0x24c: {  	[tilespmem:$0x2D18] =	vst v0  }
0x24d: {  	[tilespmem:$0x2D08] =	vst v0  }
0x24e: {  	[tilespmem:$0x2CF8] =	vst v0  }
0x24f: {  	[tilespmem:$0x2CE8] =	vst v0  }
0x250: {  	[tilespmem:$0x2CD8] =	vst v0  }
0x251: {  	[tilespmem:$0x2CC8] =	vst v0  }
0x252: {  	[tilespmem:$0x2CB8] =	vst v0  }
0x253: {  	[tilespmem:$0x2CA8] =	vst v0  }
0x254: {  	[tilespmem:$0x2C98] =	vst v0  }
0x255: {  	[tilespmem:$0x2C88] =	vst v0  }
0x256: {  	[tilespmem:$0x2C78] =	vst v0  }
0x257: {  	[tilespmem:$0x2C68] =	vst v0  }
0x258: {  	[tilespmem:$0x2C58] =	vst v0  }
0x259: {  	[tilespmem:$0x2C48] =	vst v0  }
0x25a: {  	[tilespmem:$0x2C38] =	vst v0  }
0x25b: {  	[tilespmem:$0x2C28] =	vst v0  }
0x25c: {  	[tilespmem:$0x2C18] =	vst v0  }
0x25d: {  	[tilespmem:$0x2C08] =	vst v0  }
0x25e: {  	[tilespmem:$0x2BF8] =	vst v0  }
0x25f: {  	[tilespmem:$0x2BE8] =	vst v0  }
0x260: {  	[tilespmem:$0x2BD8] =	vst v0  }
0x261: {  	[tilespmem:$0x2BC8] =	vst v0  }
0x262: {  	[tilespmem:$0x2BB8] =	vst v0  }
0x263: {  	[tilespmem:$0x2BA8] =	vst v0  }
0x264: {  	[tilespmem:$0x2B98] =	vst v0  }
0x265: {  	[tilespmem:$0x2B88] =	vst v0  }
0x266: {  	[tilespmem:$0x2B78] =	vst v0  }
0x267: {  	[tilespmem:$0x2B68] =	vst v0  }
0x268: {  	[tilespmem:$0x2B58] =	vst v0  }
0x269: {  	[tilespmem:$0x2B48] =	vst v0  }
0x26a: {  	[tilespmem:$0x2B38] =	vst v0  }
0x26b: {  	[tilespmem:$0x2B28] =	vst v0  }
0x26c: {  	[tilespmem:$0x2B18] =	vst v0  }
0x26d: {  	[tilespmem:$0x2B08] =	vst v0  }
0x26e: {  	[tilespmem:$0x2AF8] =	vst v0  }
0x26f: {  	[tilespmem:$0x2AE8] =	vst v0  }
0x270: {  	[tilespmem:$0x2AD8] =	vst v0  }
0x271: {  	[tilespmem:$0x2AC8] =	vst v0  }
0x272: {  	[tilespmem:$0x2AB8] =	vst v0  }
0x273: {  	[tilespmem:$0x2AA8] =	vst v0  }
0x274: {  	[tilespmem:$0x2A98] =	vst v0  }
0x275: {  	[tilespmem:$0x2A88] =	vst v0  }
0x276: {  	[tilespmem:$0x2A78] =	vst v0  }
0x277: {  	[tilespmem:$0x2A68] =	vst v0  }
0x278: {  	[tilespmem:$0x2A58] =	vst v0  }
0x279: {  	[tilespmem:$0x2A48] =	vst v0  }
0x27a: {  	[tilespmem:$0x2A38] =	vst v0  }
0x27b: {  	[tilespmem:$0x2A28] =	vst v0  }
0x27c: {  	[tilespmem:$0x2A18] =	vst v0  }
0x27d: {  	[tilespmem:$0x2A08] =	vst v0  }
0x27e: {  	[tilespmem:$0x29F8] =	vst v0  }
0x27f: {  	[tilespmem:$0x29E8] =	vst v0  }
0x280: {  	[tilespmem:$0x29D8] =	vst v0  }
0x281: {  	[tilespmem:$0x29C8] =	vst v0  }
0x282: {  	[tilespmem:$0x29B8] =	vst v0  }
0x283: {  	[tilespmem:$0x29A8] =	vst v0  }
0x284: {  	[tilespmem:$0x2998] =	vst v0  }
0x285: {  	[tilespmem:$0x2988] =	vst v0  }
0x286: {  	[tilespmem:$0x2978] =	vst v0  }
0x287: {  	[tilespmem:$0x2968] =	vst v0  }
0x288: {  	[tilespmem:$0x2958] =	vst v0  }
0x289: {  	[tilespmem:$0x2948] =	vst v0  }
0x28a: {  	[tilespmem:$0x2938] =	vst v0  }
0x28b: {  	[tilespmem:$0x2928] =	vst v0  }
0x28c: {  	[tilespmem:$0x2918] =	vst v0  }
0x28d: {  	[tilespmem:$0x2908] =	vst v0  }
0x28e: {  	[tilespmem:$0x28F8] =	vst v0  }
0x28f: {  	[tilespmem:$0x28E8] =	vst v0  }
0x290: {  	[tilespmem:$0x28D8] =	vst v0  }
0x291: {  	[tilespmem:$0x28C8] =	vst v0  }
0x292: {  	[tilespmem:$0x28B8] =	vst v0  }
0x293: {  	[tilespmem:$0x28A8] =	vst v0  }
0x294: {  	[tilespmem:$0x2898] =	vst v0  }
0x295: {  	[tilespmem:$0x2888] =	vst v0  }
0x296: {  	[tilespmem:$0x2878] =	vst v0  }
0x297: {  	[tilespmem:$0x2868] =	vst v0  }
0x298: {  	[tilespmem:$0x2858] =	vst v0  }
0x299: {  	[tilespmem:$0x2848] =	vst v0  }
0x29a: {  	[tilespmem:$0x2838] =	vst v0  }
0x29b: {  	[tilespmem:$0x2828] =	vst v0  }
0x29c: {  	[tilespmem:$0x2818] =	vst v0  }
0x29d: {  	[tilespmem:$0x2808] =	vst v0  }
0x29e: {  	[tilespmem:$0x27F8] =	vst v0  }
0x29f: {  	[tilespmem:$0x27E8] =	vst v0  }
0x2a0: {  	[tilespmem:$0x27D8] =	vst v0  }
0x2a1: {  	[tilespmem:$0x27C8] =	vst v0  }
0x2a2: {  	[tilespmem:$0x27B8] =	vst v0  }
0x2a3: {  	[tilespmem:$0x27A8] =	vst v0  }
0x2a4: {  	[tilespmem:$0x2798] =	vst v0  }
0x2a5: {  	[tilespmem:$0x2788] =	vst v0  }
0x2a6: {  	[tilespmem:$0x2778] =	vst v0  }
0x2a7: {  	[tilespmem:$0x2768] =	vst v0  }
0x2a8: {  	[tilespmem:$0x2758] =	vst v0  }
0x2a9: {  	[tilespmem:$0x2748] =	vst v0  }
0x2aa: {  	[tilespmem:$0x2738] =	vst v0  }
0x2ab: {  	[tilespmem:$0x2728] =	vst v0  }
0x2ac: {  	[tilespmem:$0x2718] =	vst v0  }
0x2ad: {  	[tilespmem:$0x2708] =	vst v0  }
0x2ae: {  	[tilespmem:$0x26F8] =	vst v0  }
0x2af: {  	[tilespmem:$0x26E8] =	vst v0  }
0x2b0: {  	[tilespmem:$0x26D8] =	vst v0  }
0x2b1: {  	[tilespmem:$0x26C8] =	vst v0  }
0x2b2: {  	[tilespmem:$0x26B8] =	vst v0  }
0x2b3: {  	[tilespmem:$0x26A8] =	vst v0  }
0x2b4: {  	[tilespmem:$0x2698] =	vst v0  }
0x2b5: {  	[tilespmem:$0x2688] =	vst v0  }
0x2b6: {  	[tilespmem:$0x2678] =	vst v0  }
0x2b7: {  	[tilespmem:$0x2668] =	vst v0  }
0x2b8: {  	[tilespmem:$0x2658] =	vst v0  }
0x2b9: {  	[tilespmem:$0x2648] =	vst v0  }
0x2ba: {  	[tilespmem:$0x2638] =	vst v0  }
0x2bb: {  	[tilespmem:$0x2628] =	vst v0  }
0x2bc: {  	[tilespmem:$0x2618] =	vst v0  }
0x2bd: {  	[tilespmem:$0x2608] =	vst v0  }
0x2be: {  	[tilespmem:$0x25F8] =	vst v0  }
0x2bf: {  	[tilespmem:$0x25E8] =	vst v0  }
0x2c0: {  	[tilespmem:$0x25D8] =	vst v0  }
0x2c1: {  	[tilespmem:$0x25C8] =	vst v0  }
0x2c2: {  	[tilespmem:$0x25B8] =	vst v0  }
0x2c3: {  	[tilespmem:$0x25A8] =	vst v0  }
0x2c4: {  	[tilespmem:$0x2598] =	vst v0  }
0x2c5: {  	[tilespmem:$0x2588] =	vst v0  }
0x2c6: {  	[tilespmem:$0x2578] =	vst v0  }
0x2c7: {  	[tilespmem:$0x2568] =	vst v0  }
0x2c8: {  	[tilespmem:$0x2558] =	vst v0  }
0x2c9: {  	[tilespmem:$0x2548] =	vst v0  }
0x2ca: {  	[tilespmem:$0x2538] =	vst v0  }
0x2cb: {  	[tilespmem:$0x2528] =	vst v0  }
0x2cc: {  	[tilespmem:$0x2518] =	vst v0  }
0x2cd: {  	[tilespmem:$0x2508] =	vst v0  }
0x2ce: {  	[tilespmem:$0x24F8] =	vst v0  }
0x2cf: {  	[tilespmem:$0x24E8] =	vst v0  }
0x2d0: {  	[tilespmem:$0x24D8] =	vst v0  }
0x2d1: {  	[tilespmem:$0x24C8] =	vst v0  }
0x2d2: {  	[tilespmem:$0x24B8] =	vst v0  }
0x2d3: {  	[tilespmem:$0x24A8] =	vst v0  }
0x2d4: {  	[tilespmem:$0x2498] =	vst v0  }
0x2d5: {  	[tilespmem:$0x2488] =	vst v0  }
0x2d6: {  	[tilespmem:$0x2478] =	vst v0  }
0x2d7: {  	[tilespmem:$0x2468] =	vst v0  }
0x2d8: {  	[tilespmem:$0x2458] =	vst v0  }
0x2d9: {  	[tilespmem:$0x2448] =	vst v0  }
0x2da: {  	[tilespmem:$0x2438] =	vst v0  }
0x2db: {  	[tilespmem:$0x2428] =	vst v0  }
0x2dc: {  	[tilespmem:$0x2418] =	vst v0  }
0x2dd: {  	[tilespmem:$0x2408] =	vst v0  }
0x2de: {  	[tilespmem:$0x23F8] =	vst v0  }
0x2df: {  	[tilespmem:$0x23E8] =	vst v0  }
0x2e0: {  	[tilespmem:$0x23D8] =	vst v0  }
0x2e1: {  	[tilespmem:$0x23C8] =	vst v0  }
0x2e2: {  	[tilespmem:$0x23B8] =	vst v0  }
0x2e3: {  	[tilespmem:$0x23A8] =	vst v0  }
0x2e4: {  	[tilespmem:$0x2398] =	vst v0  }
0x2e5: {  	[tilespmem:$0x2388] =	vst v0  }
0x2e6: {  	[tilespmem:$0x2378] =	vst v0  }
0x2e7: {  	[tilespmem:$0x2368] =	vst v0  }
0x2e8: {  	[tilespmem:$0x2358] =	vst v0  }
0x2e9: {  	[tilespmem:$0x2348] =	vst v0  }
0x2ea: {  	[tilespmem:$0x2338] =	vst v0  }
0x2eb: {  	[tilespmem:$0x2328] =	vst v0  }
0x2ec: {  	[tilespmem:$0x2318] =	vst v0  }
0x2ed: {  	[tilespmem:$0x2308] =	vst v0  }
0x2ee: {  	[tilespmem:$0x22F8] =	vst v0  }
0x2ef: {  	[tilespmem:$0x22E8] =	vst v0  }
0x2f0: {  	[tilespmem:$0x22D8] =	vst v0  }
0x2f1: {  	[tilespmem:$0x22C8] =	vst v0  }
0x2f2: {  	[tilespmem:$0x22B8] =	vst v0  }
0x2f3: {  	[tilespmem:$0x22A8] =	vst v0  }
0x2f4: {  	[tilespmem:$0x2298] =	vst v0  }
0x2f5: {  	[tilespmem:$0x2288] =	vst v0  }
0x2f6: {  	[tilespmem:$0x2278] =	vst v0  }
0x2f7: {  	s10 =	stileid.u32;
	[tilespmem:$0x2268] =	vst v0  }
0x2f8: {  	s0 =	smul.u32 $0x82, s10;
	[tilespmem:$0x2258] =	vst v0  }
0x2f9: {  	s1 =	smin.u32 s10, $0x4;
	[tilespmem:$0x2248] =	vst v0  }
0x2fa: {  	[tilespmem:$0x2238] =	vst v0;
	s0 =	sadd.s32 s1, s0  }
0x2fb: {  	p0 =	slt.u32 s10, $0x4;
	[tilespmem:$0x2228] =	vst v0;
	s1 =	simm.s32 $0xC480;
	s8 =	smul.u32 $0x180, s0  }
0x2fc: {  	s1 =	simm.s32 @!p0 $0xC300;
	[tilespmem:$0x21F8] =	vst v0  }
0x2fd: {  	[tilespmem:$0x2208] =	vst v0;
	s0 =	sadd.s32 s1, s8  }
0x2fe: {  	s4 =	simm.s32 $0x2;
	[tilespmem:$0x21E8] =	vst v0;
	s9 =	smin.u32 s0, $0xC3500  }
0x2ff: {  	s31 =	simm.s32 $0x9;
	s5 =	simm.s32 $0xA;
	[tilespmem:$0x2188] =	vst v0;
	s0 =	ssub.s32 s9, s8  }
0x300: {  	s12 =	simm.s32 $0xB;
	s18 =	simm.s32 $0x0;
	[tilespmem:$0x21D8] =	vst v0;
	p0 =	sgt.s32 s0, $0x0  }
0x301: {  	p1 =	por $0x0, $0x0;
	s19 =	simm.s32 $0xC;
	[tilespmem:$0x21C8] =	vst v0;
	s0 =	simm.s32 @!p0 $0x0  }
0x302: {  	s23 =	simm.s32 $0x0;
	s20 =	simm.s32 $0x0;
	[tilespmem:$0x21B8] =	vst v0;
	s30 =	smulhi.u32 $0x2AAAAAAB, s0  }
0x303: {  	s22 =	simm.s32 $0x0;
	s2 =	sand.u32 $0x1, s2;
	s16 =	sshll.u32 s10, $0x6;
	[tilespmem:$0x21A8] =	vst v0  }
0x304: {  	s1 =	sshrl.u32 s30, $0x6;
	[tilespmem:$0x2198] =	vst v0;
	[dreg:$0x4] =	wrdreg s2;
	s2 =	smul.u32 $0x186A0, s2  }
0x305: {  	[tilespmem:$0x2178] =	vst v0;
	[sflag:s4] =	ssyncpa.u1 $0x0;
	v0 =	vimm.s32 $0xFFFFFFFF;
	s4 =	sadd.s32 $0x2AEE00, s7;
	s6 =	smul.u32 $0x180, s1  }
.Ltmp0:
0x306: {  	[tilespmem:$0x6088] =	vst v0;
	[sflag:s31] =	ssyncpa.u1 $0x0;
	s2 =	sadd.s32 s2, s7;
	(pc) =	sbr.rel .LBB2_1-.Ltmp0, $4  }
0x307: {  	[sflag:s5] =	ssyncpa.u1 $0x0;
	p0 =	sne.s32 s0, s6;
	s0 =	simm.s32 $0x1  }
0x308: {  	s7 =	sadd.s32 $0x12B4A00, s7;
	[sflag:s12] =	ssyncpa.u1 $0x0;
	s0 =	simm.s32 @!p0 $0x0  }
0x309: {  	s14 =	sadd.s32 $0x27E000, s2;
	s15 =	sadd.s32 $0x24D200, s2;
	s13 =	sadd.s32 s0, s1  }
0x30a: {  	v0 =	vlaneseq.u32;
	s21 =	smov.u32 s8;
	p0 =	por $0x1, $0x1;
	s17 =	sadd.s32 $0x1, s13  }
.LBB2_22:
0x30b: {  	s0 =	sshrl.u32 s0, $0x2  }
.LBB2_24:
0x30c: {  	_ =	swait.ge [sflag:s19], s0  }
0x30d: {  	s30 =	ssub.s32 $0x0, s0;
	v1 =	vmov s25;
	vm0 =	veq.s32 v0, $0x0;
	[sflag:s19] =	ssyncset.done $0x0  }
0x30e: {  	vm15 =	veq.s32 v0, $0x2;
	v1 =	vsel vm0, s31, v1;
	[sflag:s19] =	ssyncadd.s32 s30  }
0x30f: {  	v1 =	vsel vm15, s23, v1;
	[sflag:s19] =	ssyncpa.u1 $0x1  }
0x310: {  	[tilespmem:$0x6088] =	vst v1  }
.LBB2_25:
0x311: {  	s0 =	sadd.s32 $0x180, s21  }
0x312: {  	s1 =	smov.u32 s8;
	p2 =	slt.s32 s0, s9  }
0x313: {  	s1 =	smov.u32 @p2 s0;
	p2 =	sne.s32 s22, s17  }
.Ltmp1:
0x314: {  	_ = 	snop;
	(pc) =	sbr.rel @!p2 .LBB2_26-.Ltmp1, $4  }
0x315: {  	_ = 	snop  }
0x316: {  	s23 =	smov.u32 s20  }
0x317: {  	s31 =	sadd.s32 $0x1, s22;
	s20 =	smov.u32 s21;
	p0 =	por !p0, !p0  }
0x318: {  	p1 =	por !p1, !p1;
	s22 =	smov.u32 s31;
	s21 =	smov.u32 s1  }
.LBB2_1:
0x319: {  	p2 =	sge.u32 s22, s13  }
0x31a: {  	s0 =	smulhi.u32 @!p2 $0xAAAAAAAB, s22  }
0x31b: {  	s1 =	smov.u32 s21;
	p3 =	sgt.s32 @!p2 s21, $0xC3380  }
0x31c: {  	s2 =	sshra.s32 @!p2 s21, $0x1F;
	p3 =	por !p3, p2;
	s0 =	sshrl.u32 @!p2 s0, $0x1  }
0x31d: {  	s2 =	sand.u32 @!p2 s2, s21;
	s1 =	simm.s32 @p3 $0xC3380;
	s0 =	smul.u32 @!p2 $0x3, s0  }
0x31e: {  	s1 =	ssub.s32 @!p2 s1, s2  }
0x31f: {  	s1 =	sadd.s32 @!p2 $0xFFF3CC80, s1;
	s0 =	ssub.s32 @!p2 s22, s0  }
0x320: {  	s2 =	sshll.u32 @!p2 s1, $0x2;
	p3 =	sgt.s32 @!p2 s1, $0x17F;
	s0 =	smul.u32 @!p2 $0x600, s0  }
0x321: {  	s5 =	sand.u32 @!p2 $0x7, s21;
	s1 =	ssub.s32 @!p2 $0x600, s2;
	p3 =	por !p3, p2  }
0x322: {  	s2 =	sshrl.u32 @!p2 s21, $0x3;
	s1 =	sshrl.u32 @!p2 s1, $0x2;
	s0 =	sshrl.u32 @!p2 s0, $0x2  }
0x323: {  	s2 =	sadd.s32 @!p2 s2, s14;
	s1 =	simm.s32 @!p3 $0x0;
	s0 =	sadd.s32 @!p2 $0x64C8, s0  }
0x324: {  	[tilespmem:s0], [sflag:$0xA] =	stream.linear.gather @!p2 [hbm4b:s2+s5], s1, $0x38;
	[tilespmem:$0x1EC48] =	vst v63  }
0x325: {  	s1 =	sadd.s32 $0xFFFFFFFF, s22  }
0x326: {  	p2 =	sge.u32 s1, s13  }
0x327: {  	p3 =	sgt.s32 @!p2 s20, $0xC3380  }
0x328: {  	s0 =	smov.u32 s20;
	s2 =	sshra.s32 @!p2 s20, $0x1F;
	p3 =	por !p3, p2  }
0x329: {  	s2 =	sand.u32 @!p2 s2, s20;
	s0 =	simm.s32 @p3 $0xC3380  }
0x32a: {  	s0 =	ssub.s32 @!p2 s0, s2  }
0x32b: {  	s0 =	sadd.s32 @!p2 $0xFFF3CC80, s0  }
0x32c: {  	s2 =	sshll.u32 @!p2 s0, $0x2  }
0x32d: {  	p3 =	sgt.s32 @!p2 s0, $0x17F;
	s0 =	ssub.s32 @!p2 $0x600, s2  }
0x32e: {  	p3 =	por !p3, p2;
	s0 =	sshrl.u32 @!p2 s0, $0x2  }
0x32f: {  	s5 =	simm.s32 @!p2 $0xA;
	s2 =	sand.u32 @!p2 $0x1, s1;
	s0 =	simm.s32 @!p3 $0x0  }
0x330: {  	s2 =	smul.u32 @!p2 $0x600, s2;
	_ =	swait.ge @!p2 [sflag:s5], s0  }
0x331: {  	s6 =	ssub.s32 @!p2 $0x0, s0;
	[sflag:s5] =	ssyncset.done @!p2 $0x0  }
0x332: {  	s2 =	sshrl.u32 @!p2 s2, $0x2;
	[sflag:s5] =	ssyncadd.s32 @!p2 s6;
	s5 =	sshrl.u32 @!p2 s20, $0x3  }
0x333: {  	s2 =	sadd.s32 @!p2 $0x6948, s2;
	s6 =	sand.u32 @!p2 $0x7, s20;
	s5 =	sadd.s32 @!p2 s5, s15  }
0x334: {  	[tilespmem:s2], [sflag:$0xB] =	stream.linear.gather @!p2 [hbm4b:s5+s6], s0, $0x38;
	[tilespmem:$0x1EC48] =	vst v63  }
0x335: {  	s0 =	ssub.s32 @!p2 $0xC3500, s20  }
0x336: {  	p3 =	slt.s32 @!p2 s0, $0x1  }
0x337: {  	p3 =	por p2, p3  }
.Ltmp2:
0x338: {  	_ = 	snop;
	(pc) =	sbr.rel @p3 .LBB2_7-.Ltmp2, $1  }
0x339: {  	_ =	sdelay $0x3  }
0x33a: {  	s2 =	smulhi.u32 $0xAAAAAAAB, s1;
	_ =	sdelay $0x1  }
0x33b: {  	s2 =	sshrl.u32 s2, $0x1  }
0x33c: {  	s2 =	smul.u32 $0x3, s2;
	_ =	sdelay $0x1  }
0x33d: {  	s29 =	ssub.s32 s1, s2  }
0x33e: {  	s5 =	simm.s32 $0x1;
	s1 =	smul.u32 $0x600, s29  }
.Ltmp3:
0x33f: {  	s5 =	simm.s32 @!p0 $0x0;
	(pc) =	sbr.rel .LBB2_4-.Ltmp3, $4  }
0x340: {  	s30 =	smul.u32 $0x30000, s5  }
0x341: {  	p3 =	slt.s32 @!p2 s0, $0x180;
	s1 =	sshrl.u32 s1, $0x2  }
0x342: {  	p2 =	por !p3, p2;
	s2 =	sshrl.u32 s30, $0x2;
	s31 =	sadd.s32 $0x64C8, s1  }
0x343: {  	s24 =	simm.s32 $0x0;
	s0 =	simm.s32 @p2 $0x180;
	s1 =	sadd.s32 $0x6C48, s2;
	v1 =	vmov s31  }
.LBB2_3:
0x344: {  	p2 =	sge.s32 s24, s0  }
.Ltmp4:
0x345: {  	_ = 	snop;
	(pc) =	sbr.rel @p2 .LBB2_7-.Ltmp4, $2  }
0x346: {  	_ =	sdelay $0x2  }
0x347: {  	s1 =	sadd.s32 $0x800, s1  }
.LBB2_4:
0x348: {  	p2 =	sle.s32 s0, s24  }
.Ltmp5:
0x349: {  	_ = 	snop;
	(pc) =	sbr.rel @p2 .LBB2_3-.Ltmp5, $2  }
0x34a: {  	_ =	sdelay $0x2  }
0x34b: {  	s2 =	smov.u32 s24;
	s24 =	sadd.s32 $0x10, s24  }
0x34c: {  	s5 =	ssub.s32 s0, s2  }
0x34d: {  	p2 =	slt.s32 s5, $0x10  }
0x34e: {  	s5 =	simm.s32 @!p2 $0x10  }
0x34f: {  	v2 =	vmov s5  }
0x350: {  	vm0 =	vgt.s32 v2, v0;
	_ =	sdelay $0x5  }
0x351: {  	v2 =	vld.idx.msk [tilespmem:v1+s2+$0x0 ss:$0x1], vm0;
	_ =	sdelay $0x2  }
0x352: {  	s6 =	smov.u32 s0;
	p2 =	slt.s32 s24, s0  }
0x353: {  	s25 =	simm.s32 $0x0;
	s6 =	smov.u32 @p2 s24;
	s5 =	smov.u32 s1  }
.LBB2_6:
0x354: {  	(v2sf) =	vpush v2, s25;
	_ =	sdelay $0xc  }
0x355: {  	s25 =	sadd.s32 $0x1, s25  }
0x356: {  	s31 =	sadd.s32 s25, s2  }
0x357: {  	p2 =	slt.s32 s31, s6;
	s10 =	spop (v2sf)  }
.Ltmp6:
0x358: {  	s10 =	sshll.u32 s10, $0x4;
	(pc) =	sbr.rel @p2 .LBB2_6-.Ltmp6, $4  }
0x359: {  	s10 =	sand.u32 $0x1FFFFFF0, s10  }
0x35a: {  	s10 =	sadd.s32 s7, s10  }
0x35b: {  	[tilespmem:s5], [sflag:$0x9] =	stream.linear.gather [hbm4b:s10+s18], $0x20, $0x38;
	[tilespmem:$0x1EC48] =	vst v63  }
0x35c: {  	s5 =	sadd.s32 $0x80, s5  }
.Ltmp7:
0x35d: {  	_ = 	snop;
	(pc) =	sbr.rel .LBB2_3-.Ltmp7, $1  }
0x35e: {  	_ =	sdelay $0x3  }
.LBB2_7:
0x35f: {  	p2 =	slt.u32 s22, $0x2  }
.Ltmp8:
0x360: {  	_ = 	snop;
	(pc) =	sbr.rel @p2 .LBB2_25-.Ltmp8, $1  }
0x361: {  	_ =	sdelay $0x3  }
0x362: {  	p2 =	sgt.s32 s23, $0xC3380  }
0x363: {  	s0 =	smov.u32 s23;
	s1 =	sshra.s32 s23, $0x1F;
	s2 =	ssub.s32 $0xC3500, s23  }
0x364: {  	s0 =	simm.s32 @!p2 $0xC3380;
	s1 =	sand.u32 s1, s23;
	p2 =	slt.s32 s2, $0x180  }
0x365: {  	s0 =	ssub.s32 s0, s1;
	s2 =	simm.s32 @!p2 $0x180  }
0x366: {  	s0 =	sadd.s32 $0xFFF3CC80, s0;
	s11 =	sshll.u32 s2, $0x5  }
0x367: {  	s26 =	simm.s32 $0x9;
	s24 =	sshll.u32 s0, $0x2;
	s1 =	sand.u32 $0x3FFFFFE0, s11  }
0x368: {  	p2 =	sgt.s32 s0, $0x17F;
	s25 =	ssub.s32 $0x600, s24;
	_ =	swait.ge [sflag:s26], s1  }
0x369: {  	s1 =	ssub.s32 $0x0, s1;
	[sflag:s26] =	ssyncset.done $0x0;
	s0 =	sshrl.u32 s25, $0x2  }
0x36a: {  	[sflag:s26] =	ssyncadd.s32 s1;
	s0 =	simm.s32 @p2 $0x0  }
0x36b: {  	_ =	swait.ge [sflag:s12], s0  }
0x36c: {  	s0 =	ssub.s32 $0x0, s0;
	[sflag:s12] =	ssyncset.done $0x0  }
0x36d: {  	[sflag:s12] =	ssyncadd.s32 s0  }
0x36e: {  	v1 =	vld [tilespmem:$0x6088];
	_ =	sdelay $0x4  }
0x36f: {  	(v2sf) =	vpush v1, $0x0  }
0x370: {  	(v2sf) =	vpush v1, $0x1  }
0x371: {  	(v2sf) =	vpush v1, $0x2;
	_ =	sdelay $0x3  }
0x372: {  	s0 =	sadd.s32 $0x180, s23  }
0x373: {  	s1 =	ssub.s32 $0x186A00, s23;
	p2 =	slt.s32 s9, s0  }
0x374: {  	s0 =	smov.u32 @p2 s9;
	p2 =	sgt.s32 s1, $0x0  }
0x375: {  	s28 =	ssub.s32 s0, s23;
	s1 =	simm.s32 @!p2 $0x0  }
0x376: {  	p2 =	slt.s32 s1, s28  }
0x377: {  	s28 =	smov.u32 @p2 s1  }
0x378: {  	s26 =	simm.s32 $0x1;
	p2 =	slt.s32 s28, $0x1  }
.Ltmp9:
0x379: {  	s26 =	simm.s32 @!p1 $0x0;
	(pc) =	sbr.rel @p2 .LBB2_12-.Ltmp9, $4  }
0x37a: {  	s30 =	smul.u32 $0x600, s26  }
0x37b: {  	s0 =	spop (v2sf)  }
0x37c: {  	s31 =	sshrl.u32 s30, $0x2;
	s29 =	spop (v2sf)  }
0x37d: {  	s24 =	sadd.s32 $0x6948, s31;
	s23 =	spop (v2sf)  }
0x37e: {  	s1 =	smin.u32 s28, $0x10  }
0x37f: {  	v1 =	vmov s1  }
0x380: {  	p3 =	sgt.s32 s28, $0x10;
	vm1 =	vgt.u32 v1, v0  }
.Ltmp10:
0x381: {  	_ = 	snop;
	(pc) =	sbr.rel @!p3 .LBB2_11-.Ltmp10, $2  }
0x382: {  	_ =	sdelay $0x2  }
0x383: {  	s2 =	simm.s32 $0x10;
	s25 =	sadd.s32 $0xFFFFFFF0, s28;
	s1 =	smov.u32 s24;
	vm0 =	vmmov vm1  }
.LBB2_10:
0x384: {  	s5 =	smin.u32 s25, $0x10;
	s2 =	sadd.s32 $0x10, s2;
	v1 =	vld.msk [tilespmem:s1+$0x0 ss:$0x1], vm1  }
0x385: {  	v2 =	vmov s5;
	p3 =	slt.s32 s2, s28  }
0x386: {  	vm1 =	vgt.u32 v2, v0  }
.Ltmp11:
0x387: {  	(pc) =	sbr.rel @p3 .LBB2_10-.Ltmp11, $3  }
0x388: {  	_ =	sdelay $0x1  }
0x389: {  	v1 =	vshll.u32 v1, $0x4  }
0x38a: {  	s25 =	sadd.s32 $0xFFFFFFF0, s25;
	[tilespmem:s1+$0x0] =	vst.msk vm0, v1;
	s1 =	sadd.s32 $0x10, s1;
	vm0 =	vmmov vm1  }
.LBB2_11:
0x38b: {  	_ =	sdelay $0x4  }
0x38c: {  	v1 =	vld.msk [tilespmem:s1+$0x0 ss:$0x1], vm1;
	_ =	sdelay $0x4  }
0x38d: {  	v1 =	vshll.u32 v1, $0x4  }
0x38e: {  	[tilespmem:s1+$0x0] =	vst.msk vm0, v1  }
.LBB2_12:
0x38f: {  	s1 =	sand.u32 $0x1, s22  }
0x390: {  	s2 =	smul.u32 $0x180, s1  }
0x391: {  	p3 =	sne.s32 s29, $0xFFFFFFFF  }
0x392: {  	v1 =	vld.msk @!p3 [tilespmem:s2+$0x6948], $0x1;
	_ =	sdelay $0x4  }
0x393: {  	(v2sf) =	vpush @!p3 v1, $0x0;
	_ =	sdelay $0x3  }
0x394: {  	s1 =	smul.u32 $0xC000, s1;
	_ =	sdelay $0x1  }
0x395: {  	v1 =	vld @!p3 [tilespmem:s1+$0x6C48];
	_ =	sdelay $0x4  }
0x396: {  	[tilespmem:$0x48] =	vst @!p3 v1  }
0x397: {  	v1 =	vld @!p3 [tilespmem:s1+$0x6C58]  }
.Ltmp12:
0x398: {  	_ = 	snop;
	(pc) =	sbr.rel @p2 .LBB2_23-.Ltmp12, $4  }
0x399: {  	_ = 	snop  }
0x39a: {  	s30 =	spop @!p3 (v2sf)  }
0x39b: {  	s23 =	simm.s32 @!p3 $0x0;
	s25 =	smov.u32 s30  }
0x39c: {  	[tilespmem:$0x58] =	vst @!p3 v1;
	[sflag:s19] =	ssyncpa.u1 $0x0;
	s30 =	smov.u32 @p3 s0;
	s25 =	smov.u32 @p3 s29  }
0x39d: {  	v1 =	vld.msk [tilespmem:s24+$0x0], $0x1;
	_ =	sdelay $0x4  }
0x39e: {  	(v2sf) =	vpush v1, $0x0;
	_ =	sdelay $0xe  }
0x39f: {  	s0 =	smul.u32 $0x30000, s26;
	s1 =	spop (v2sf)  }
0x3a0: {  	s28 =	ssub.s32 $0x0, s28;
	p2 =	seq.s32 s30, s1  }
0x3a1: {  	s5 =	smov.u32 s30;
	s0 =	sshrl.u32 s0, $0x2;
	p3 =	sgt.s32 @!p2 s30, $0x0  }
0x3a2: {  	s26 =	sadd.s32 $0x6C58, s0;
	s0 =	sadd.s32 $0x1, s28;
	p3 =	por !p3, p2  }
0x3a3: {  	s5 =	simm.s32 @p3 $0x0;
	p3 =	seq.s32 s0, $0x0  }
.Ltmp13:
0x3a4: {  	_ = 	snop;
	(pc) =	sbr.rel @p3 .LBB2_15-.Ltmp13, $4  }
0x3a5: {  	_ = 	snop  }
0x3a6: {  	s29 =	simm.s32 $0x0;
	s31 =	sadd.s32 $0x1, s24;
	s5 =	smin.u32 @!p2 s5, $0x1869FC  }
0x3a7: {  	s2 =	simm.s32 @!p2 $0x1;
	s6 =	simm.s32 @!p2 $0x3068;
	s10 =	sand.u32 @!p2 $0x1FFFF8, s5  }
0x3a8: {  	s2 =	smov.u32 @p2 s29;
	s5 =	sand.u32 @!p2 $0x7, s5;
	s10 =	sadd.s32 @!p2 s4, s10  }
.LBB2_14:
0x3a9: {  	s11 =	smov.u32 s2  }
0x3aa: {  	[tilespmem:s6], [sflag:$0x2] =	stream.linear.gather @!p2 [hbm4b:s10+s5], $0x20, $0x38;
	[tilespmem:$0x1EC48] =	vst v63  }
0x3ab: {  	s0 =	sadd.s32 $0x1, s0;
	s5 =	smov.u32 s1;
	v1 =	vld.msk [tilespmem:s31+$0x0], $0x1  }
0x3ac: {  	p3 =	seq.s32 s0, $0x0;
	_ =	sdelay $0x3  }
0x3ad: {  	(v2sf) =	vpush v1, $0x0;
	_ =	sdelay $0xe  }
0x3ae: {  	s1 =	spop (v2sf)  }
0x3af: {  	p2 =	seq.s32 s5, s1  }
0x3b0: {  	p4 =	sgt.s32 @!p2 s5, $0x0;
	s6 =	sshll.u32 @!p2 s2, $0x7;
	s2 =	sadd.s32 @!p2 $0x1, s2  }
.Ltmp14:
0x3b1: {  	p4 =	por !p4, p2;
	s6 =	sshra.s32 @!p2 s6, $0x2;
	(pc) =	sbr.rel @!p3 .LBB2_14-.Ltmp14, $4  }
0x3b2: {  	s2 =	smov.u32 @p2 s11;
	s5 =	simm.s32 @p4 $0x0;
	s6 =	sadd.s32 @!p2 $0x3068, s6  }
0x3b3: {  	s5 =	smin.u32 @!p2 s5, $0x1869FC  }
0x3b4: {  	s10 =	sand.u32 @!p2 $0x1FFFF8, s5;
	s5 =	sand.u32 @!p2 $0x7, s5  }
0x3b5: {  	s31 =	sadd.s32 $0x1, s31;
	s10 =	sadd.s32 @!p2 s4, s10  }
.LBB2_15:
0x3b6: {  	[tilespmem:s6], [sflag:$0x2] =	stream.linear.gather @!p2 [hbm4b:s10+s5], $0x20, $0x38;
	[tilespmem:$0x1EC48] =	vst v63  }
.Ltmp15:
0x3b7: {  	s0 =	sshll.u32 s2, $0x5;
	(pc) =	sbr.rel .LBB2_16-.Ltmp15, $4  }
0x3b8: {  	s1 =	simm.s32 $0x2;
	s0 =	sand.u32 $0x3FFFFFE0, s0  }
0x3b9: {  	_ =	swait.ge [sflag:s1], s0  }
0x3ba: {  	s0 =	ssub.s32 $0x0, s0;
	[sflag:s1] =	ssyncset.done $0x0  }
0x3bb: {  	[sflag:s1] =	ssyncadd.s32 s0;
	s0 =	simm.s32 $0x0  }
.LBB2_17:
0x3bc: {  	v1 =	vld [tilespmem:s26+$0xFFFFFFF0]  }
0x3bd: {  	v2 =	vld [tilespmem:s1+$0x48];
	_ =	sdelay $0x4  }
0x3be: {  	v1 =	vmax.f32 v1, v2  }
0x3bf: {  	v2 =	vld [tilespmem:s1+$0x58];
	[tilespmem:s1+$0x48] =	vst v1  }
0x3c0: {  	v1 =	vld [tilespmem:s26+$0x0];
	_ =	sdelay $0x4  }
0x3c1: {  	v1 =	vmax.f32 v1, v2  }
0x3c2: {  	[tilespmem:s1+$0x58] =	vst v1  }
.LBB2_21:
0x3c3: {  	s28 =	sadd.s32 $0x1, s28  }
0x3c4: {  	p2 =	seq.s32 s28, $0x0  }
.Ltmp16:
0x3c5: {  	_ = 	snop;
	(pc) =	sbr.rel @p2 .LBB2_22-.Ltmp16, $2  }
0x3c6: {  	_ =	sdelay $0x2  }
0x3c7: {  	s26 =	sadd.s32 $0x80, s26;
	s24 =	sadd.s32 $0x1, s24;
	s30 =	smov.u32 s31  }
.LBB2_16:
0x3c8: {  	v1 =	vld.msk [tilespmem:s24+$0x0], $0x1;
	_ =	sdelay $0x4  }
0x3c9: {  	(v2sf) =	vpush v1, $0x0;
	_ =	sdelay $0xe  }
0x3ca: {  	s31 =	spop (v2sf)  }
0x3cb: {  	p2 =	sne.s32 s30, s31  }
.Ltmp17:
0x3cc: {  	_ = 	snop;
	(pc) =	sbr.rel @!p2 .LBB2_17-.Ltmp17, $3  }
0x3cd: {  	_ =	sdelay $0x1  }
0x3ce: {  	s1 =	sshll.u32 s23, $0x7  }
0x3cf: {  	s1 =	sshra.s32 s1, $0x2  }
0x3d0: {  	p2 =	seq.s32 s30, s25  }
.Ltmp18:
0x3d1: {  	_ = 	snop;
	(pc) =	sbr.rel @!p2 .LBB2_19-.Ltmp18, $1  }
0x3d2: {  	_ =	sdelay $0x3  }
.Ltmp19:
0x3d3: {  	s1 =	sadd.s32 $0x48, s1;
	(pc) =	sbr.rel .LBB2_20-.Ltmp19, $4  }
0x3d4: {  	[spmem:s16] =	stream.linear.scatter [tilespmem:s1], [sflag:$0x1], $0x20, $0x38;
	[tilespmem:$0x1EC48] =	vst v63  }
0x3d5: {  	_ =	swait.ge [sflag:s3], $0x20  }
0x3d6: {  	[sflag:s3] =	ssyncset.done $0x0  }
0x3d7: {  	[sflag:s3] =	ssyncadd.s32 $0xFFFFFFE0  }
.LBB2_19:
0x3d8: {  	s2 =	sshll.u32 s29, $0x7  }
0x3d9: {  	v2 =	vld [tilespmem:s1+$0x48];
	s2 =	sshra.s32 s2, $0x2  }
0x3da: {  	v1 =	vld [tilespmem:s2+$0x3068];
	_ =	sdelay $0x4  }
0x3db: {  	v1 =	vmax.f32 v1, v2  }
0x3dc: {  	v2 =	vld [tilespmem:s1+$0x58];
	[tilespmem:s1+$0x48] =	vst v1  }
0x3dd: {  	v1 =	vld [tilespmem:s2+$0x3078];
	_ =	sdelay $0x3  }
0x3de: {  	p2 =	sgt.u32 s30, $0x1869FC  }
0x3df: {  	s2 =	sand.u32 @!p2 $0x1FFFF8, s30;
	v1 =	vmax.f32 v1, v2  }
0x3e0: {  	s5 =	sadd.s32 $0x48, s1;
	[tilespmem:s1+$0x58] =	vst v1;
	s1 =	sadd.s32 @!p2 s4, s2;
	s2 =	sand.u32 @!p2 $0x7, s30  }
0x3e1: {  	[hbm4b:s1+s2] =	stream.linear.scatter @!p2 [tilespmem:s5], [sflag:$0xC], $0x20, $0x38;
	[tilespmem:$0x1EC48] =	vst v63  }
0x3e2: {  	s1 =	simm.s32 $0x0  }
0x3e3: {  	s1 =	simm.s32 @!p2 $0x80  }
0x3e4: {  	s0 =	sadd.s32 s1, s0  }
.LBB2_20:
0x3e5: {  	s1 =	sadd.s32 $0x1, s23  }
0x3e6: {  	s2 =	smulhi.u32 $0xAAAAAAAB, s1;
	_ =	sdelay $0x1  }
0x3e7: {  	v1 =	vld [tilespmem:s26+$0xFFFFFFF0];
	s2 =	sshrl.u32 s2, $0x8  }
0x3e8: {  	s2 =	smul.u32 $0x180, s2;
	_ =	sdelay $0x1  }
0x3e9: {  	s23 =	ssub.s32 s1, s2  }
0x3ea: {  	s1 =	sshll.u32 s23, $0x5  }
0x3eb: {  	[tilespmem:s1+$0x48] =	vst v1  }
0x3ec: {  	v1 =	vld [tilespmem:s26+$0x0]  }
.Ltmp20:
0x3ed: {  	_ = 	snop;
	(pc) =	sbr.rel .LBB2_21-.Ltmp20, $2  }
0x3ee: {  	_ =	sdelay $0x2  }
0x3ef: {  	s29 =	sadd.s32 $0x1, s29;
	[tilespmem:s1+$0x58] =	vst v1  }
.LBB2_23:
.Ltmp21:
0x3f0: {  	(pc) =	sbr.rel .LBB2_24-.Ltmp21, $4  }
0x3f1: {  	_ = 	snop  }
0x3f2: {  	s0 =	simm.s32 $0x2  }
0x3f3: {  	_ =	swait.ge [sflag:s0], $0x0  }
0x3f4: {  	s31 =	smov.u32 s30;
	[sflag:s0] =	ssyncset.done $0x0;
	s0 =	simm.s32 $0x0  }
.LBB2_26:
0x3f5: {  	_ =	sfence.sel $0x180000  }
0x3f6: {  	s0 =	simm.s32 $0x9;
	[bflag:$0x0] =	sbarrier.arrive $0xFFFF  }
0x3f7: {  	s24 =	simm.s32 $0xA;
	[sflag:s0] =	ssyncpa.u1 $0x1  }
0x3f8: {  	s25 =	simm.s32 $0xB;
	[sflag:s24] =	ssyncpa.u1 $0x1  }
0x3f9: {  	s26 =	simm.s32 $0x2;
	[sflag:s25] =	ssyncpa.u1 $0x1  }
0x3fa: {  	[sflag:s26] =	ssyncpa.u1 $0x1  }
0x3fb: {  	v0 =	vld [tilespmem:$0x6088];
	_ =	sdelay $0x4  }
0x3fc: {  	(v2sf) =	vpush v0, $0x0  }
0x3fd: {  	(v2sf) =	vpush v0, $0x1;
	_ =	sdelay $0x1  }
0x3fe: {  	(v2sf) =	vpush v0, $0x2;
	_ =	sdelay $0xb  }
0x3ff: {  	s0 =	spop (v2sf)  }
0x400: {  	s1 =	spop (v2sf)  }
0x401: {  	s2 =	smov.u32 s0;
	p0 =	sne.s32 s0, s1  }
0x402: {  	s3 =	spop (v2sf);
	s2 =	simm.s32 @!p0 $0xFFFFFFFF  }
0x403: {  	v2 =	vimm.s32 $0x1;
	v3 =	vlaneseq.u32;
	p0 =	seq.s32 s3, $0xFFFFFFFF;
	v1 =	vmov s2  }
0x404: {  	s14 =	stileid.u32;
	v0 =	vperm.xlane v0, v2;
	p1 =	sne.s32 @!p0 s0, s1;
	v1 =	vperm.xlane v1, v3  }
0x405: {  	vm0 =	vcmask $0x3F04;
	s6 =	simm.s32 $0x6088;
	s0 =	simm.s32 @!p0 $0x1;
	p1 =	por !p1, p0  }
0x406: {  	s2 =	sshll.u32 s14, $0x1;
	s1 =	sshll.u32 @!p0 s3, $0x7;
	s0 =	simm.s32 @p1 $0x0;
	v0 =	vsel vm0, v1, v0  }
0x407: {  	s5 =	sor.u32 $0x400, s2;
	s1 =	sshra.s32 @!p0 s1, $0x2;
	s0 =	sor.u32 @!p0 s0, s2;
	[tilespmem:$0x6088] =	vst v0  }
0x408: {  	[spmem:s5] =	stream.linear.scatter [tilespmem:s6], [sflag:$0x1], $0x2, $0x38;
	[tilespmem:$0x1EC48] =	vst v63  }
0x409: {  	s1 =	sadd.s32 @!p0 $0x48, s1;
	s0 =	sshll.u32 @!p0 s0, $0x5  }
0x40a: {  	[spmem:s0] =	stream.linear.scatter @!p0 [tilespmem:s1], [sflag:$0x1], $0x20, $0x38;
	[tilespmem:$0x1EC48] =	vst v63  }
0x40b: {  	s0 =	simm.s32 @!p0 $0x22  }
0x40c: {  	s28 =	simm.s32 $0x1;
	s0 =	simm.s32 @p0 $0x2  }
0x40d: {  	_ =	swait.ge [sflag:s28], s0  }
0x40e: {  	s0 =	ssub.s32 $0x0, s0;
	[sflag:s28] =	ssyncset.done $0x0  }
0x40f: {  	p0 =	sne.s32 s14, $0x0;
	[sflag:s28] =	ssyncadd.s32 s0  }
.Ltmp22:
0x410: {  	_ =	sfence.stream.spmem;
	(pc) =	sbr.rel @p0 .LBB2_43-.Ltmp22, $4  }
0x411: {  	s29 =	simm.s32 $0x3;
	[bflag:$0x0] =	sbarrier.arrive $0xFFFF  }
0x412: {  	s30 =	simm.s32 $0x4;
	[sflag:s29] =	ssyncpa.u1 $0x1  }
0x413: {  	s31 =	simm.s32 $0x3C;
	[sflag:s30] =	ssyncpa.u1 $0x1  }
0x414: {  	s15 =	rddreg [dreg:$0x4];
	[sflag:s31] =	ssyncpa.u1 $0x1  }
0x415: {  	_ =	sfence.stream.spmem;
	s0 =	simm.s32 $0x5  }
0x416: {  	s1 =	simm.s32 $0x400;
	s2 =	simm.s32 $0x6098;
	[sflag:s0] =	ssyncpa.u1 $0x0  }
0x417: {  	[tilespmem:s2], [sflag:$0x5] =	stream.linear.gather [spmem:s1], $0x20, $0x38;
	[tilespmem:$0x1EC48] =	vst v63  }
0x418: {  	s26 =	simm.s32 $0x0;
	s28 =	simm.s32 $0x60B8  }
0x419: {  	[tilespmem:s28], [sflag:$0x5] =	stream.linear.gather [spmem:s26], $0x400, $0x38;
	[tilespmem:$0x1EC48] =	vst v63  }
0x41a: {  	_ =	swait.ge [sflag:s0], $0x420  }
0x41b: {  	[sflag:s0] =	ssyncset.done $0x0  }
0x41c: {  	s29 =	simm.s32 $0x0;
	[sflag:s0] =	ssyncadd.s32 $0xFFFFFBE0  }
0x41d: {  	v0 =	vld.msk [tilespmem:s29+$0x6098], $0x1;
	_ =	sdelay $0x1  }
0x41e: {  	s30 =	simm.s32 $0x1  }
0x41f: {  	v1 =	vld.msk [tilespmem:s30+$0x6098], $0x1;
	_ =	sdelay $0x1  }
0x420: {  	(v2sf) =	vpush v0, $0x0;
	_ =	sdelay $0x2  }
0x421: {  	(v2sf) =	vpush v1, $0x0;
	_ =	sdelay $0x2  }
0x422: {  	s31 =	simm.s32 $0x2  }
0x423: {  	v0 =	vld.msk [tilespmem:s31+$0x6098], $0x1;
	_ =	sdelay $0x2  }
0x424: {  	s1 =	simm.s32 $0xFFFFFFFF;
	s2 =	simm.s32 $0xFFFFFFFF;
	s0 =	simm.s32 $0xC  }
.LBB2_28:
0x425: {  	s3 =	smov.u32 s2;
	s5 =	smov.u32 s1  }
0x426: {  	s1 =	sshra.s32 s0, $0x2;
	p1 =	sne.s32 s0, $0x7C;
	s0 =	sadd.s32 $0x4, s0;
	(v2sf) =	vpush v0, $0x0  }
0x427: {  	v0 =	vld.msk [tilespmem:s1+$0x6098], $0x1  }
.Ltmp23:
0x428: {  	(pc) =	sbr.rel @p1 .LBB2_28-.Ltmp23, $4  }
0x429: {  	s2 =	spop (v2sf)  }
0x42a: {  	p2 =	sne.s32 s5, $0xFFFFFFFF;
	s1 =	smov.u32 s2  }
0x42b: {  	p3 =	seq.s32 s2, $0xFFFFFFFF;
	s1 =	smov.u32 @p2 s5  }
0x42c: {  	s2 =	smov.u32 @p3 s3;
	s1 =	smov.u32 @p3 s5  }
0x42d: {  	(v2sf) =	vpush v0, $0x0;
	_ =	sdelay $0x8  }
0x42e: {  	s0 =	spop (v2sf)  }
0x42f: {  	p1 =	sne.s32 s1, $0xFFFFFFFF;
	s3 =	smov.u32 s0  }
0x430: {  	s9 =	simm.s32 $0x6;
	p2 =	seq.s32 s0, $0xFFFFFFFF;
	s3 =	smov.u32 @p1 s1  }
0x431: {  	s10 =	simm.s32 $0x6068;
	s3 =	smov.u32 @p2 s1;
	s1 =	spop (v2sf)  }
0x432: {  	s0 =	smov.u32 @p2 s2;
	p1 =	sne.s32 s3, $0xFFFFFFFF;
	s5 =	smov.u32 s1  }
.Ltmp24:
0x433: {  	p2 =	seq.s32 s1, $0xFFFFFFFF;
	s5 =	smov.u32 @p1 s3;
	(pc) =	sbr.rel .LBB2_30-.Ltmp24, $4  }
0x434: {  	s11 =	simm.s32 $0x0;
	s5 =	smov.u32 @p2 s3;
	s7 =	spop (v2sf)  }
0x435: {  	[sflag:s9] =	ssyncpa.u1 $0x0;
	p1 =	sne.s32 s5, $0xFFFFFFFF;
	s8 =	smov.u32 s7  }
0x436: {  	s1 =	smov.u32 @p2 s0;
	p2 =	seq.s32 s7, $0xFFFFFFFF;
	s8 =	smov.u32 @p1 s5  }
0x437: {  	s3 =	simm.s32 $0x0;
	s7 =	smov.u32 @p2 s1;
	s8 =	smov.u32 @p2 s5  }
.LBB2_36:
0x438: {  	p1 =	sgt.u32 s12, $0x1869FC  }
0x439: {  	p2 =	seq.s32 @!p1 s12, s8  }
0x43a: {  	p1 =	por p1, p2  }
0x43b: {  	p2 =	sne.s32 @!p1 s12, s7  }
0x43c: {  	p1 =	por p1, !p2  }
0x43d: {  	s0 =	sshll.u32 @p1 s11, $0x7  }
0x43e: {  	s0 =	sand.u32 @!p1 $0x1FFFF8, s12  }
0x43f: {  	s1 =	sand.u32 @!p1 $0x7, s12;
	s0 =	sadd.s32 @!p1 s4, s0  }
0x440: {  	[tilespmem:s10], [sflag:$0x6] =	stream.linear.gather @!p1 [hbm4b:s0+s1], $0x20, $0x38;
	[tilespmem:$0x1EC48] =	vst v63  }
0x441: {  	_ =	swait.ge @!p1 [sflag:s9], $0x20  }
0x442: {  	[sflag:s9] =	ssyncset.done @!p1 $0x0  }
0x443: {  	s0 =	sshll.u32 @!p1 s11, $0x7;
	[sflag:s9] =	ssyncadd.s32 @!p1 $0xFFFFFFE0  }
0x444: {  	s1 =	sshrl.u32 @!p1 s0, $0x2;
	v1 =	vld @!p1 [tilespmem:$0x6068]  }
0x445: {  	v2 =	vld @!p1 [tilespmem:s1+$0x60B8];
	_ =	sdelay $0x4  }
0x446: {  	v1 =	vmax.f32 @!p1 v1, v2  }
0x447: {  	v2 =	vld @!p1 [tilespmem:s1+$0x60C8];
	[tilespmem:s1+$0x60B8] =	vst @!p1 v1  }
0x448: {  	v1 =	vld @!p1 [tilespmem:$0x6078];
	_ =	sdelay $0x4  }
0x449: {  	v1 =	vmax.f32 @!p1 v1, v2  }
0x44a: {  	[tilespmem:s1+$0x60C8] =	vst @!p1 v1  }
0x44b: {  	s0 =	sshrl.u32 s0, $0x2;
	[tilespmem:s3+$0x6098] =	vst.msk $0x1, v0  }
0x44c: {  	v0 =	vld [tilespmem:s0+$0x60B8];
	_ =	sdelay $0x2  }
0x44d: {  	s31 =	sshll.u32 s3, $0x7  }
0x44e: {  	s1 =	sshra.s32 s31, $0x2  }
0x44f: {  	[tilespmem:s1+$0x60B8] =	vst v0  }
0x450: {  	v0 =	vld [tilespmem:s0+$0x60C8];
	_ =	sdelay $0x4  }
0x451: {  	s3 =	sadd.s32 $0x1, s3;
	[tilespmem:s1+$0x60C8] =	vst v0  }
.LBB2_37:
0x452: {  	s11 =	sadd.s32 $0x1, s11  }
0x453: {  	p1 =	sne.s32 s11, $0x20  }
.Ltmp25:
0x454: {  	_ = 	snop;
	(pc) =	sbr.rel @!p1 .LBB2_38-.Ltmp25, $1  }
0x455: {  	_ =	sdelay $0x3  }
.LBB2_30:
0x456: {  	v0 =	vld.msk [tilespmem:s11+$0x6098], $0x1;
	_ =	sdelay $0x4  }
0x457: {  	(v2sf) =	vpush v0, $0x0;
	_ =	sdelay $0xe  }
0x458: {  	s12 =	spop (v2sf)  }
0x459: {  	p1 =	seq.s32 s12, $0xFFFFFFFF  }
.Ltmp26:
0x45a: {  	_ = 	snop;
	(pc) =	sbr.rel @p1 .LBB2_37-.Ltmp26, $1  }
0x45b: {  	_ =	sdelay $0x3  }
0x45c: {  	p1 =	slt.s32 s3, $0x1  }
.Ltmp27:
0x45d: {  	_ = 	snop;
	(pc) =	sbr.rel @p1 .LBB2_36-.Ltmp27, $1  }
0x45e: {  	_ =	sdelay $0x3  }
0x45f: {  	s0 =	simm.s32 $0x6098;
	p1 =	por $0x0, $0x0  }
0x460: {  	v1 =	vld.msk @!p1 [tilespmem:s0+$0x0], $0x1;
	_ =	sdelay $0x4  }
0x461: {  	(v2sf) =	vpush @!p1 v1, $0x0;
	_ =	sdelay $0xd  }
0x462: {  	p3 =	sne.s32 s3, $0x1  }
.Ltmp28:
0x463: {  	s1 =	spop @!p1 (v2sf);
	(pc) =	sbr.rel @!p3 .LBB2_34-.Ltmp28, $4  }
0x464: {  	p2 =	seq.s32 @!p1 s12, s1  }
0x465: {  	s13 =	simm.s32 $0x0;
	p2 =	por !p2, p1  }
0x466: {  	s2 =	simm.s32 $0xFFFFFFFF;
	s13 =	simm.s32 @p2 $0xFFFFFFFF  }
0x467: {  	s1 =	simm.s32 $0x1;
	s13 =	smov.u32 @p1 s2  }
.LBB2_33:
0x468: {  	s2 =	smov.u32 s13;
	p1 =	sne.s32 s13, $0xFFFFFFFF  }
0x469: {  	s0 =	sadd.s32 $0x1, s0;
	s13 =	smov.u32 s1;
	s1 =	sadd.s32 $0x1, s1  }
0x46a: {  	p2 =	sne.s32 s3, s1;
	v1 =	vld.msk @!p1 [tilespmem:s0+$0x0], $0x1;
	_ =	sdelay $0x4  }
0x46b: {  	(v2sf) =	vpush @!p1 v1, $0x0;
	_ =	sdelay $0xe  }
.Ltmp29:
0x46c: {  	s5 =	spop @!p1 (v2sf);
	(pc) =	sbr.rel @p2 .LBB2_33-.Ltmp29, $4  }
0x46d: {  	p3 =	seq.s32 @!p1 s12, s5  }
0x46e: {  	p3 =	por !p3, p1  }
0x46f: {  	s13 =	simm.s32 @p3 $0xFFFFFFFF  }
0x470: {  	s13 =	smov.u32 @p1 s2  }
.LBB2_34:
0x471: {  	p1 =	seq.s32 s13, $0xFFFFFFFF  }
.Ltmp30:
0x472: {  	_ = 	snop;
	(pc) =	sbr.rel @p1 .LBB2_36-.Ltmp30, $1  }
0x473: {  	_ =	sdelay $0x3  }
0x474: {  	s0 =	sshll.u32 s11, $0x5  }
0x475: {  	s1 =	sshll.u32 s13, $0x7;
	s0 =	sand.u32 $0x3FFFFFE0, s0  }
0x476: {  	s1 =	sshra.s32 s1, $0x2;
	v0 =	vld [tilespmem:s0+$0x60B8]  }
0x477: {  	v1 =	vld [tilespmem:s1+$0x60B8];
	_ =	sdelay $0x4  }
0x478: {  	v0 =	vmax.f32 v0, v1  }
0x479: {  	v63 =	vld [tilespmem:s1+$0x60C8];
	[tilespmem:s1+$0x60B8] =	vst v0  }
0x47a: {  	v0 =	vld [tilespmem:s0+$0x60C8];
	_ =	sdelay $0x1  }
.Ltmp31:
0x47b: {  	_ = 	snop;
	(pc) =	sbr.rel .LBB2_37-.Ltmp31, $3  }
0x47c: {  	_ =	sdelay $0x1  }
0x47d: {  	v0 =	vmax.f32 v0, v63  }
0x47e: {  	[tilespmem:s1+$0x60C8] =	vst v0  }
.LBB2_38:
0x47f: {  	s0 =	simm.s32 $0x6;
	p1 =	seq.s32 s3, $0x0  }
0x480: {  	[sflag:s0] =	ssyncpa.u1 $0x1;
	v0 =	vimm.s32 @p1 $0xFFFFFFFF  }
0x481: {  	s0 =	sadd.s32 $0xFFFFFFFF, s3;
	[tilespmem:$0x64B8] =	vst @p1 v0  }
0x482: {  	v0 =	vld.msk @!p1 [tilespmem:s0+$0x6098], $0x1;
	_ =	sdelay $0x1  }
0x483: {  	v1 =	vld.msk @!p1 [tilespmem:$0x6098], $0x1;
	_ =	sdelay $0x2  }
0x484: {  	p2 =	seq.s32 @!p1 s0, $0x0;
	v0 =	vbroadcast @!p1 v0, $0x0  }
0x485: {  	vm0 =	vmmov @!p1 $0x1;
	p2 =	por !p2, p1  }
0x486: {  	v1 =	vnsel @!p1 vm0, $0xFFFFFFFF, v1;
	vm0 =	vcmask @!p1 $0x308;
	v0 =	vpsel !p2, $0xFFFFFFFF, v0  }
0x487: {  	p2 =	sne.s32 @!p1 s8, s7;
	v0 =	vsel @!p1 vm0, v1, v0  }
0x488: {  	s1 =	simm.s32 @!p1 $0x60B8;
	s2 =	simm.s32 @!p1 $0x0;
	p3 =	por !p2, p1;
	[tilespmem:$0x64B8] =	vst @!p1 v0  }
0x489: {  	[spmem:s2] =	stream.linear.scatter @!p1 [tilespmem:s1], [sflag:$0x1], $0x20, $0x38;
	[tilespmem:$0x1EC48] =	vst v63  }
0x48a: {  	s1 =	sshll.u32 @!p3 s0, $0x7  }
0x48b: {  	s1 =	sshra.s32 @!p3 s1, $0x2  }
0x48c: {  	s2 =	simm.s32 @!p3 $0x20;
	s1 =	sadd.s32 @!p3 $0x60B8, s1  }
0x48d: {  	[spmem:s2] =	stream.linear.scatter @!p3 [tilespmem:s1], [sflag:$0x1], $0x20, $0x38;
	[tilespmem:$0x1EC48] =	vst v63  }
0x48e: {  	s1 =	simm.s32 @!p3 $0x1  }
0x48f: {  	_ =	swait.ge @!p3 [sflag:s1], $0x40  }
0x490: {  	p1 =	por p2, p1;
	[sflag:s1] =	ssyncset.done @!p3 $0x0  }
0x491: {  	[sflag:s1] =	ssyncadd.s32 @!p3 $0xFFFFFFC0;
	s1 =	simm.s32 @!p1 $0x1  }
0x492: {  	_ =	swait.ge @!p1 [sflag:s1], $0x20  }
0x493: {  	s29 =	simm.s32 $0x64B8;
	[sflag:s1] =	ssyncset.done @!p1 $0x0  }
0x494: {  	s30 =	simm.s32 $0x400;
	s31 =	simm.s32 $0x1;
	[sflag:s1] =	ssyncadd.s32 @!p1 $0xFFFFFFE0  }
0x495: {  	[spmem:s30] =	stream.linear.scatter [tilespmem:s29], [sflag:$0x1], $0x10, $0x38;
	[tilespmem:$0x1EC48] =	vst v63  }
0x496: {  	_ =	swait.ge [sflag:s31], $0x10  }
0x497: {  	[sflag:s31] =	ssyncset.done $0x0  }
0x498: {  	p1 =	seq.s32 s15, $0x0;
	s9 =	rddreg [dreg:$0x1];
	[sflag:s31] =	ssyncadd.s32 $0xFFFFFFF0  }
0x499: {  	s2 =	sshll.u32 @p1 s9, $0xE;
	s8 =	rddreg [dreg:$0x2]  }
0x49a: {  	s1 =	sadd.s32 @p1 $0x15C3C, s2;
	s2 =	sshll.u32 @p1 s8, $0x11  }
0x49b: {  	_ =	sfence.stream.spmem;
	s1 =	sor.u32 @p1 s2, s1  }
0x49c: {  	[sflag:s1] =	ssyncadd.remote.s32 @p1 $0x1;
	s1 =	simm.s32 @p1 $0x4  }
0x49d: {  	s5 =	simm.s32 @!p1 $0x3C;
	s2 =	sand.u32 $0xFFFFFFFE, s9;
	_ =	swait.ge @p1 [sflag:s1], $0xA  }
0x49e: {  	s6 =	simm.s32 @!p1 $0x0;
	s2 =	sadd.s32 @!p1 $0x4, s2;
	[sflag:s1] =	ssyncset.done @p1 $0x0  }
0x49f: {  	s7 =	simm.s32 @!p1 $0x40;
	[sflag:s1] =	ssyncadd.s32 @p1 $0xFFFFFFF6;
	s1 =	sshll.u32 @!p1 s2, $0x1A  }
0x4a0: {  	s2 =	sshll.u32 @!p1 s2, $0xD;
	s1 =	sor.u32 @!p1 s1, s8;
	_ =	swait.eq @!p1 [sflag:s5], $0x1  }
0x4a1: {  	s2 =	sor.u32 @!p1 $0x1C04, s2;
	s5 =	simm.s32 @!p1 $0x1C03;
	s1 =	sor.u32 @!p1 $0x80004000, s1  }
0x4a2: {  	[spmem:s7], [sflag:s2] =	dma.general @!p1 [spmem:s6], [sflag:s5], length:$0x8, [dreg:$0x0], stride_count:$0x0, ici_dest:s1, dma_misc:DstOpCode:WRITE  }
0x4a3: {  	p2 =	slt.s32 s0, $0x2;
	s6 =	simm.s32 @!p1 $0x80;
	s7 =	simm.s32 @!p1 $0x82  }
0x4a4: {  	[spmem:s7], [sflag:s2] =	dma.general @!p1 [spmem:s6], [sflag:s5], length:$0x2, [dreg:$0x0], stride_count:$0x0, ici_dest:s1, dma_misc:DstOpCode:WRITE  }
.Ltmp32:
0x4a5: {  	s1 =	simm.s32 @!p1 $0x3;
	(pc) =	sbr.rel @p2 .LBB2_42-.Ltmp32, $4  }
0x4a6: {  	s2 =	sshll.u32 @!p1 s9, $0xE;
	_ =	swait.ge @!p1 [sflag:s1], $0xA  }
0x4a7: {  	s5 =	sshll.u32 @!p1 s8, $0x11;
	s2 =	sadd.s32 @!p1 $0x11C3C, s2;
	[sflag:s1] =	ssyncset.done @!p1 $0x0  }
0x4a8: {  	[sflag:s1] =	ssyncadd.s32 @!p1 $0xFFFFFFF6;
	s1 =	sor.u32 @!p1 s5, s2  }
0x4a9: {  	s0 =	simm.s32 $0x0;
	[sflag:s1] =	ssyncadd.remote.s32 @!p1 $0xFFFFFFFF  }
0x4aa: {  	s0 =	simm.s32 $0x6099  }
0x4ab: {  	v0 =	vld.msk [tilespmem:s0+$0x0], $0x1;
	_ =	sdelay $0x4  }
0x4ac: {  	(v2sf) =	vpush v0, $0x0;
	_ =	sdelay $0xc  }
0x4ad: {  	s1 =	sadd.s32 $0xFFFFFFFE, s3  }
0x4ae: {  	s1 =	sadd.s32 $0xFFFFFFFF, s1  }
0x4af: {  	p2 =	sne.s32 s1, $0x0;
	s2 =	spop (v2sf)  }
.Ltmp33:
0x4b0: {  	p1 =	sgt.u32 s2, $0x1869FC;
	(pc) =	sbr.rel @!p2 .LBB2_41-.Ltmp33, $4  }
0x4b1: {  	s6 =	simm.s32 $0x0;
	s3 =	sand.u32 @!p1 $0x1FFFF8, s2  }
0x4b2: {  	s0 =	simm.s32 $0x60D8;
	s2 =	sand.u32 @!p1 $0x7, s2;
	s3 =	sadd.s32 @!p1 s4, s3  }
0x4b3: {  	[hbm4b:s3+s2] =	stream.linear.scatter @!p1 [tilespmem:s0], [sflag:$0x5], $0x20, $0x38;
	[tilespmem:$0x1EC48] =	vst v63  }
0x4b4: {  	s6 =	simm.s32 @!p1 $0x80;
	s2 =	simm.s32 $0x0;
	s3 =	simm.s32 $0x609A  }
.LBB2_40:
0x4b5: {  	v0 =	vld.msk [tilespmem:s3+$0x0], $0x1;
	s1 =	sadd.s32 $0xFFFFFFFF, s1;
	s2 =	sadd.s32 s2, s6  }
0x4b6: {  	p1 =	sne.s32 s1, $0x0;
	_ =	sdelay $0x3  }
0x4b7: {  	(v2sf) =	vpush v0, $0x0;
	_ =	sdelay $0xe  }
.Ltmp34:
0x4b8: {  	s5 =	spop (v2sf);
	(pc) =	sbr.rel @p1 .LBB2_40-.Ltmp34, $4  }
0x4b9: {  	s6 =	simm.s32 $0x0;
	p2 =	sgt.u32 s5, $0x1869FC  }
0x4ba: {  	s0 =	sadd.s32 $0x20, s0;
	s6 =	simm.s32 @!p2 $0x80;
	s7 =	sand.u32 @!p2 $0x1FFFF8, s5  }
0x4bb: {  	s3 =	sadd.s32 $0x1, s3;
	s5 =	sand.u32 @!p2 $0x7, s5;
	s7 =	sadd.s32 @!p2 s4, s7  }
0x4bc: {  	[hbm4b:s7+s5] =	stream.linear.scatter @!p2 [tilespmem:s0], [sflag:$0x5], $0x20, $0x38;
	[tilespmem:$0x1EC48] =	vst v63  }
.LBB2_41:
0x4bd: {  	s0 =	sadd.s32 s2, s6  }
0x4be: {  	s0 =	sshrl.u32 s0, $0x2  }
.LBB2_42:
0x4bf: {  	s1 =	simm.s32 $0x5  }
0x4c0: {  	_ =	swait.ge [sflag:s1], s0  }
0x4c1: {  	s31 =	ssub.s32 $0x0, s0;
	[sflag:s1] =	ssyncset.done $0x0  }
0x4c2: {  	[sflag:s1] =	ssyncadd.s32 s31  }
0x4c3: {  	[sflag:s1] =	ssyncpa.u1 $0x1  }
.LBB2_43:
0x4c4: {  	s0 =	sor.u32 s15, s14  }
0x4c5: {  	p1 =	sne.s32 s0, $0x0  }
.Ltmp35:
0x4c6: {  	_ = 	snop;
	(pc) =	sbr.rel @p1 .LBB2_58-.Ltmp35, $3  }
0x4c7: {  	_ =	sdelay $0x1  }
0x4c8: {  	[bflag:$0x0] =	sbarrier.arrive $0xFFFF  }
0x4c9: {  	_ =	sfence  }
0x4ca: {  	s0 =	simm.s32 $0x7  }
0x4cb: {  	s1 =	simm.s32 $0x400;
	s2 =	simm.s32 $0x6098;
	[sflag:s0] =	ssyncpa.u1 $0x0  }
0x4cc: {  	[tilespmem:s2], [sflag:$0x7] =	stream.linear.gather [spmem:s1], $0x20, $0x38;
	[tilespmem:$0x1EC48] =	vst v63  }
0x4cd: {  	s30 =	simm.s32 $0x60B8;
	s1 =	simm.s32 $0x0  }
0x4ce: {  	[tilespmem:s30], [sflag:$0x7] =	stream.linear.gather [spmem:s1], $0x400, $0x38;
	[tilespmem:$0x1EC48] =	vst v63  }
.Ltmp36:
0x4cf: {  	_ = 	snop;
	(pc) =	sbr.rel .LBB2_45-.Ltmp36, $4  }
0x4d0: {  	_ =	swait.ge [sflag:s0], $0x420  }
0x4d1: {  	[sflag:s0] =	ssyncset.done $0x0  }
0x4d2: {  	s31 =	simm.s32 $0x8;
	[sflag:s0] =	ssyncadd.s32 $0xFFFFFBE0  }
0x4d3: {  	s2 =	simm.s32 $0x0;
	[sflag:s31] =	ssyncpa.u1 $0x0  }
.LBB2_51:
0x4d4: {  	p1 =	slt.u32 s0, $0x1869FD  }
0x4d5: {  	s3 =	sand.u32 @p1 $0x1FFFF8, s0  }
0x4d6: {  	s0 =	sand.u32 @p1 $0x7, s0;
	s5 =	simm.s32 @p1 $0x6068;
	s3 =	sadd.s32 @p1 s4, s3  }
0x4d7: {  	[tilespmem:s5], [sflag:$0x8] =	stream.linear.gather @p1 [hbm4b:s3+s0], $0x20, $0x38;
	[tilespmem:$0x1EC48] =	vst v63  }
0x4d8: {  	s0 =	simm.s32 @p1 $0x8  }
0x4d9: {  	_ =	swait.ge @p1 [sflag:s0], $0x20  }
0x4da: {  	[sflag:s0] =	ssyncset.done @p1 $0x0  }
0x4db: {  	[sflag:s0] =	ssyncadd.s32 @p1 $0xFFFFFFE0;
	s0 =	sshll.u32 @p1 s2, $0x7  }
0x4dc: {  	s3 =	sshrl.u32 @p1 s0, $0x2;
	v1 =	vld @p1 [tilespmem:$0x6068]  }
0x4dd: {  	v2 =	vld @p1 [tilespmem:s3+$0x60B8];
	_ =	sdelay $0x4  }
0x4de: {  	v1 =	vmax.f32 @p1 v1, v2  }
0x4df: {  	v2 =	vld @p1 [tilespmem:s3+$0x60C8];
	[tilespmem:s3+$0x60B8] =	vst @p1 v1  }
0x4e0: {  	v1 =	vld @p1 [tilespmem:$0x6078];
	_ =	sdelay $0x4  }
0x4e1: {  	s5 =	sshll.u32 @!p1 s2, $0x7;
	v1 =	vmax.f32 @p1 v1, v2  }
0x4e2: {  	s5 =	smov.u32 @p1 s0;
	[tilespmem:s3+$0x60C8] =	vst @p1 v1  }
0x4e3: {  	s0 =	sshrl.u32 s5, $0x2;
	[tilespmem:s1+$0x6098] =	vst.msk $0x1, v0  }
0x4e4: {  	v0 =	vld [tilespmem:s0+$0x60B8];
	_ =	sdelay $0x2  }
0x4e5: {  	s31 =	sshll.u32 s1, $0x7  }
0x4e6: {  	s3 =	sshra.s32 s31, $0x2  }
0x4e7: {  	[tilespmem:s3+$0x60B8] =	vst v0  }
0x4e8: {  	v0 =	vld [tilespmem:s0+$0x60C8];
	_ =	sdelay $0x4  }
0x4e9: {  	s1 =	sadd.s32 $0x1, s1;
	[tilespmem:s3+$0x60C8] =	vst v0  }
.LBB2_52:
0x4ea: {  	s2 =	sadd.s32 $0x1, s2  }
0x4eb: {  	p1 =	sne.s32 s2, $0x20  }
.Ltmp37:
0x4ec: {  	_ = 	snop;
	(pc) =	sbr.rel @!p1 .LBB2_53-.Ltmp37, $1  }
0x4ed: {  	_ =	sdelay $0x3  }
.LBB2_45:
0x4ee: {  	v0 =	vld.msk [tilespmem:s2+$0x6098], $0x1;
	_ =	sdelay $0x4  }
0x4ef: {  	(v2sf) =	vpush v0, $0x0;
	_ =	sdelay $0xe  }
0x4f0: {  	s0 =	spop (v2sf)  }
0x4f1: {  	p1 =	seq.s32 s0, $0xFFFFFFFF  }
.Ltmp38:
0x4f2: {  	_ = 	snop;
	(pc) =	sbr.rel @p1 .LBB2_52-.Ltmp38, $1  }
0x4f3: {  	_ =	sdelay $0x3  }
0x4f4: {  	p1 =	slt.s32 s1, $0x1  }
.Ltmp39:
0x4f5: {  	_ = 	snop;
	(pc) =	sbr.rel @p1 .LBB2_51-.Ltmp39, $1  }
0x4f6: {  	_ =	sdelay $0x3  }
0x4f7: {  	s3 =	simm.s32 $0x6098;
	p1 =	por $0x0, $0x0  }
0x4f8: {  	v1 =	vld.msk @!p1 [tilespmem:s3+$0x0], $0x1;
	_ =	sdelay $0x4  }
0x4f9: {  	(v2sf) =	vpush @!p1 v1, $0x0;
	_ =	sdelay $0xd  }
0x4fa: {  	p3 =	sne.s32 s1, $0x1  }
.Ltmp40:
0x4fb: {  	s5 =	spop @!p1 (v2sf);
	(pc) =	sbr.rel @!p3 .LBB2_49-.Ltmp40, $4  }
0x4fc: {  	p2 =	seq.s32 @!p1 s0, s5  }
0x4fd: {  	s5 =	simm.s32 $0x0;
	p2 =	por !p2, p1  }
0x4fe: {  	s7 =	simm.s32 $0xFFFFFFFF;
	s5 =	simm.s32 @p2 $0xFFFFFFFF  }
0x4ff: {  	s6 =	simm.s32 $0x1;
	s5 =	smov.u32 @p1 s7  }
.LBB2_48:
0x500: {  	s7 =	smov.u32 s5;
	p1 =	sne.s32 s5, $0xFFFFFFFF  }
0x501: {  	s3 =	sadd.s32 $0x1, s3;
	s5 =	smov.u32 s6;
	s6 =	sadd.s32 $0x1, s6  }
0x502: {  	p2 =	sne.s32 s1, s6;
	v1 =	vld.msk @!p1 [tilespmem:s3+$0x0], $0x1;
	_ =	sdelay $0x4  }
0x503: {  	(v2sf) =	vpush @!p1 v1, $0x0;
	_ =	sdelay $0xe  }
.Ltmp41:
0x504: {  	s8 =	spop @!p1 (v2sf);
	(pc) =	sbr.rel @p2 .LBB2_48-.Ltmp41, $4  }
0x505: {  	p3 =	seq.s32 @!p1 s0, s8  }
0x506: {  	p3 =	por !p3, p1  }
0x507: {  	s5 =	simm.s32 @p3 $0xFFFFFFFF  }
0x508: {  	s5 =	smov.u32 @p1 s7  }
.LBB2_49:
0x509: {  	p1 =	seq.s32 s5, $0xFFFFFFFF  }
.Ltmp42:
0x50a: {  	_ = 	snop;
	(pc) =	sbr.rel @p1 .LBB2_51-.Ltmp42, $1  }
0x50b: {  	_ =	sdelay $0x3  }
0x50c: {  	s0 =	sshll.u32 s2, $0x5  }
0x50d: {  	s3 =	sshll.u32 s5, $0x7;
	s0 =	sand.u32 $0x3FFFFFE0, s0  }
0x50e: {  	s3 =	sshra.s32 s3, $0x2;
	v0 =	vld [tilespmem:s0+$0x60B8]  }
0x50f: {  	v1 =	vld [tilespmem:s3+$0x60B8];
	_ =	sdelay $0x4  }
0x510: {  	v0 =	vmax.f32 v0, v1  }
0x511: {  	v63 =	vld [tilespmem:s3+$0x60C8];
	[tilespmem:s3+$0x60B8] =	vst v0  }
0x512: {  	v0 =	vld [tilespmem:s0+$0x60C8];
	_ =	sdelay $0x1  }
.Ltmp43:
0x513: {  	_ = 	snop;
	(pc) =	sbr.rel .LBB2_52-.Ltmp43, $3  }
0x514: {  	_ =	sdelay $0x1  }
0x515: {  	v0 =	vmax.f32 v0, v63  }
0x516: {  	[tilespmem:s3+$0x60C8] =	vst v0  }
.LBB2_53:
0x517: {  	p1 =	slt.s32 s1, $0x1  }
.Ltmp44:
0x518: {  	_ = 	snop;
	(pc) =	sbr.rel @p1 .LBB2_57-.Ltmp44, $3  }
0x519: {  	_ =	sdelay $0x1  }
0x51a: {  	s0 =	simm.s32 $0x8  }
0x51b: {  	[sflag:s0] =	ssyncpa.u1 $0x1;
	s0 =	simm.s32 $0x0  }
0x51c: {  	s2 =	simm.s32 $0x6098  }
0x51d: {  	v0 =	vld.msk [tilespmem:s2+$0x0], $0x1;
	_ =	sdelay $0x4  }
0x51e: {  	(v2sf) =	vpush v0, $0x0;
	_ =	sdelay $0xe  }
0x51f: {  	s1 =	sadd.s32 $0xFFFFFFFF, s1;
	s3 =	spop (v2sf)  }
0x520: {  	p2 =	sne.s32 s1, $0x0;
	p1 =	sgt.u32 s3, $0x1869FC  }
.Ltmp45:
0x521: {  	s5 =	sand.u32 @!p1 $0x1FFFF8, s3;
	(pc) =	sbr.rel @!p2 .LBB2_56-.Ltmp45, $4  }
0x522: {  	s2 =	simm.s32 $0x60B8;
	s3 =	sand.u32 @!p1 $0x7, s3;
	s5 =	sadd.s32 @!p1 s4, s5  }
0x523: {  	[hbm4b:s5+s3] =	stream.linear.scatter @!p1 [tilespmem:s2], [sflag:$0x7], $0x20, $0x38;
	[tilespmem:$0x1EC48] =	vst v63  }
0x524: {  	s5 =	simm.s32 $0x0  }
0x525: {  	s3 =	simm.s32 $0x6099;
	s5 =	simm.s32 @!p1 $0x80  }
.LBB2_55:
0x526: {  	v0 =	vld.msk [tilespmem:s3+$0x0], $0x1;
	s1 =	sadd.s32 $0xFFFFFFFF, s1;
	s0 =	sadd.s32 s0, s5  }
0x527: {  	p1 =	sne.s32 s1, $0x0;
	_ =	sdelay $0x3  }
0x528: {  	(v2sf) =	vpush v0, $0x0;
	_ =	sdelay $0xe  }
.Ltmp46:
0x529: {  	s6 =	spop (v2sf);
	(pc) =	sbr.rel @p1 .LBB2_55-.Ltmp46, $4  }
0x52a: {  	s5 =	simm.s32 $0x0;
	p2 =	sgt.u32 s6, $0x1869FC  }
0x52b: {  	s2 =	sadd.s32 $0x20, s2;
	s5 =	simm.s32 @!p2 $0x80;
	s7 =	sand.u32 @!p2 $0x1FFFF8, s6  }
0x52c: {  	s3 =	sadd.s32 $0x1, s3;
	s6 =	sand.u32 @!p2 $0x7, s6;
	s7 =	sadd.s32 @!p2 s4, s7  }
0x52d: {  	[hbm4b:s7+s6] =	stream.linear.scatter @!p2 [tilespmem:s2], [sflag:$0x7], $0x20, $0x38;
	[tilespmem:$0x1EC48] =	vst v63  }
.LBB2_56:
0x52e: {  	s0 =	sadd.s32 s0, s5  }
0x52f: {  	s0 =	sshrl.u32 s0, $0x2  }
.LBB2_57:
0x530: {  	s1 =	simm.s32 $0x7  }
0x531: {  	_ =	swait.ge [sflag:s1], s0  }
0x532: {  	s31 =	ssub.s32 $0x0, s0;
	[sflag:s1] =	ssyncset.done $0x0  }
0x533: {  	[sflag:s1] =	ssyncadd.s32 s31  }
0x534: {  	[sflag:s1] =	ssyncpa.u1 $0x1  }
.LBB2_58:
0x535: {  	_ =	sfence;
	s0 =	simm.s32 $0x1  }
0x536: {  	[sflag:s0] =	ssyncpa.u1 $0x1  }
0x537: {  	_ =	strace $0x90000053  }
0x538: {  	[bflag:$0x2] =	sbarrier.arrive $0xFFFF  }
0x539: {  	s0 =	rddreg [dreg:$0x3]  }
0x53a: {  	s0 =	sadd.s32 @!p0 $0x100000, s0  }
0x53b: {  	[sflag:s0] =	ssyncadd.tile.s32 @!p0 $0x1;
	_ =	shalt  }
.Lfunc_end2:
_tile_overlayer_lowered:
.L_overlay_start_2:
0x53c: {  	(tag) =	ssettag $0x2  }
0x53d: {  	s0 =	rddreg [dreg:$0x0];
	s2 =	stileid.u32  }
0x53e: {  	s1 =	rddreg [dreg:$0x1];
	p0 =	sne.s32 s2, $0x0  }
0x53f: {  	s3 =	rddreg [dreg:$0x2];
	[bflag:$0x3] =	sbarrier.arrive $0xFFFF;
	s2 =	simm.s32 @!p0 $0x1C01  }
0x540: {  	[timem:s3], [sflag:s2] =	dma.local @!p0 [hbm:s0], s1  }
0x541: {  	s0 =	simm.s32 @!p0 $0x1  }
0x542: {  	_ =	swait.ge @!p0 [sflag:s0], s1  }
0x543: {  	s1 =	ssub.s32 @!p0 $0x0, s1;
	[sflag:s0] =	ssyncset.done @!p0 $0x0  }
0x544: {  	[sflag:s0] =	ssyncadd.s32 @!p0 s1  }
0x545: {  	[bflag:$0x3] =	sbarrier.arrive $0xFFFF  }
0x546: {  	_ =	shalt  }

// kernel: scatter_offload_async_start.2
scs
__scs_entry_jumppad:
0x0: {  	(pc) =	sbr.rel $0x88, $3  }
0x1: {  	(tag) =	ssettag $0x0;
	lr =	simm.s32 $0x1  }
0x2: {  	[smem:$0x3F94] =	sst lr;
	_ =	strace $0xD0000000  }
0x3: {  	_ = 	snop  }
0x4: {  	_ = 	snop  }
0x5: {  	_ = 	snop  }
0x6: {  	_ = 	snop  }
0x7: {  	_ = 	snop  }
__scs_overlays_trampoline_lowered:
0x8: {  	[smem:$0x3FA3] =	sst s0  }
0x9: {  	[smem:$0x3FA4] =	sst s1  }
0xa: {  	[smem:$0x3FA5] =	sst s2  }
0xb: {  	[smem:$0x3FA6] =	sst s3  }
0xc: {  	[smem:$0x3FA7] =	sst s4  }
0xd: {  	[smem:$0x3FA8] =	sst s5  }
0xe: {  	[smem:$0x3FA9] =	sst s6  }
0xf: {  	[smem:$0x3FAA] =	sst s7  }
0x10: {  	[smem:$0x3FAB] =	sst s8  }
0x11: {  	[smem:$0x3FAC] =	sst s9;
	s0 =	simm.s32 @!p0 $0x0  }
0x12: {  	s1 =	sld [smem:$0x3F92];
	s0 =	simm.s32 @p0 $0x1  }
0x13: {  	[smem:$0x3FAD] =	sst s0;
	s0 =	simm.s32 @!p1 $0x0  }
0x14: {  	s2 =	sld [smem:$0x3F91];
	s0 =	simm.s32 @p1 $0x1  }
0x15: {  	[smem:$0x3FAE] =	sst s0;
	s0 =	simm.s32 @!p2 $0x0  }
0x16: {  	s3 =	sld [smem:$0x3FDB];
	s0 =	simm.s32 @p2 $0x1  }
0x17: {  	s4 =	simm.s32 $0x1BF5;
	[smem:$0x3FB0] =	sst s0  }
0x18: {  	s0 =	sld [smem:$0x3F93];
	_ =	swait.ge [sflag:s4], $0x0  }
0x19: {  	s7 =	sld [smem:$0x3F94]  }
0x1a: {  	s8 =	sadd.s32 $0xFFFFE003, lr  }
0x1b: {  	s9 =	sadd.s32 $0xFFFFFEF7, lr;
	s5 =	simm.s32 $0xFFFFFFFF;
	p2 =	slt.u32 s8, $0xFFFFF086  }
0x1c: {  	p1 =	slt.u32 s9, $0xF7A;
	s5 =	simm.s32 @!p2 $0x0  }
0x1d: {  	s5 =	simm.s32 @p1 $0x1;
	p0 =	seq.s32 s7, s2  }
0x1e: {  	s7 =	smul.u32 @!p0 $0xF7A, s2;
	p2 =	seq.s32 @!p0 s5, $0x0  }
0x1f: {  	s9 =	smul.u32 $0xF7A, s1;
	s8 =	simm.s32 @!p0 $0x1BF5;
	p2 =	por !p2, p0  }
0x20: {  	[sflag:s8] =	ssyncset.s32 @!p0 $0xFFFFF086;
	s6 =	sadd.s32 @!p0 s3, s7;
	s7 =	simm.s32 @!p0 $0x108  }
0x21: {  	s3 =	sadd.s32 s3, s9;
	s6 =	sadd.s32 @!p0 $0x88, s6;
	s7 =	simm.s32 @p2 $0x1082  }
0x22: {  	[simem:s7], [sflag:s8] =	dma.local @!p0 [hbm:s6], $0xF7A  }
0x23: {  	s9 =	sor.u32 $0xD0000000, s2;
	s6 =	simm.s32 $0x108;
	_ =	swait.ge @!p0 [sflag:s8], $0x0  }
0x24: {  	s3 =	sadd.s32 $0x88, s3;
	s6 =	simm.s32 @!p1 $0x1082;
	[sflag:s4] =	ssyncset.s32 $0xFFFFF086  }
0x25: {  	[simem:s6], [sflag:s4] =	dma.local [hbm:s3], $0xF7A  }
0x26: {  	[smem:$0x3F94] =	sst s1;
	(tag) =	ssettag s2;
	_ =	strace s9  }
0x27: {  	s1 =	sld [smem:$0x3FA4]  }
0x28: {  	s2 =	sld [smem:$0x3FA5]  }
0x29: {  	s4 =	sld [smem:$0x3FA7]  }
0x2a: {  	p0 =	seq.s32 s5, $0x0;
	s5 =	sld [smem:$0x3FA8]  }
0x2b: {  	s6 =	sld [smem:$0x3FA9]  }
0x2c: {  	s7 =	sld [smem:$0x3FAA]  }
0x2d: {  	s3 =	simm.s32 $0x108;
	s8 =	sld [smem:$0x3FAB]  }
0x2e: {  	s3 =	simm.s32 @!p0 $0x1082;
	s9 =	sld [smem:$0x3FAC]  }
0x2f: {  	lr =	sadd.s32 s0, s3;
	s0 =	sld [smem:$0x3FA3]  }
0x30: {  	s3 =	sld [smem:$0x3FA6]  }
0x31: {  	[smem:$0x3FAF] =	sst s10  }
0x32: {  	s10 =	sld [smem:$0x3FAD];
	_ =	sdelay $0x3  }
0x33: {  	p0 =	seq.s32 s10, $0x1;
	s10 =	sld [smem:$0x3FAF];
	_ =	sdelay $0x3  }
0x34: {  	[smem:$0x3FAF] =	sst s10  }
0x35: {  	s10 =	sld [smem:$0x3FAE];
	_ =	sdelay $0x3  }
0x36: {  	p1 =	seq.s32 s10, $0x1;
	s10 =	sld [smem:$0x3FAF];
	_ =	sdelay $0x3  }
0x37: {  	[smem:$0x3FAF] =	sst s10  }
0x38: {  	s10 =	sld [smem:$0x3FB0]  }
0x39: {  	_ = 	snop;
	(pc) =	sbr.ind lr, $3  }
0x3a: {  	_ = 	snop  }
0x3b: {  	_ = 	snop  }
0x3c: {  	p2 =	seq.s32 s10, $0x1;
	s10 =	sld [smem:$0x3FAF]  }
0x3d: {  	_ =	shalt  }
0x3e: {  	_ =	shalt  }
0x3f: {  	_ =	shalt  }
0x40: {  	_ =	shalt  }
0x41: {  	_ =	shalt  }
0x42: {  	_ =	shalt  }
0x43: {  	_ =	shalt  }
0x44: {  	_ =	shalt  }
0x45: {  	_ =	shalt  }
0x46: {  	_ =	shalt  }
0x47: {  	_ =	shalt  }
0x48: {  	_ =	shalt  }
0x49: {  	_ =	shalt  }
0x4a: {  	_ =	shalt  }
0x4b: {  	_ =	shalt  }
0x4c: {  	_ =	shalt  }
0x4d: {  	_ =	shalt  }
0x4e: {  	_ =	shalt  }
0x4f: {  	_ =	shalt  }
0x50: {  	_ =	shalt  }
0x51: {  	_ =	shalt  }
0x52: {  	_ =	shalt  }
0x53: {  	_ =	shalt  }
0x54: {  	_ =	shalt  }
0x55: {  	_ =	shalt  }
0x56: {  	_ =	shalt  }
0x57: {  	_ =	shalt  }
0x58: {  	_ =	shalt  }
0x59: {  	_ =	shalt  }
0x5a: {  	_ =	shalt  }
0x5b: {  	_ =	shalt  }
0x5c: {  	_ =	shalt  }
0x5d: {  	_ =	shalt  }
0x5e: {  	_ =	shalt  }
0x5f: {  	_ =	shalt  }
0x60: {  	_ =	shalt  }
0x61: {  	_ =	shalt  }
0x62: {  	_ =	shalt  }
0x63: {  	_ =	shalt  }
0x64: {  	_ =	shalt  }
0x65: {  	_ =	shalt  }
0x66: {  	_ =	shalt  }
0x67: {  	_ =	shalt  }
0x68: {  	_ =	shalt  }
0x69: {  	_ =	shalt  }
0x6a: {  	_ =	shalt  }
0x6b: {  	_ =	shalt  }
0x6c: {  	_ =	shalt  }
0x6d: {  	_ =	shalt  }
0x6e: {  	_ =	shalt  }
0x6f: {  	_ =	shalt  }
0x70: {  	_ =	shalt  }
0x71: {  	_ =	shalt  }
0x72: {  	_ =	shalt  }
0x73: {  	_ =	shalt  }
0x74: {  	_ =	shalt  }
0x75: {  	_ =	shalt  }
0x76: {  	_ =	shalt  }
0x77: {  	_ =	shalt  }
0x78: {  	_ =	shalt  }
0x79: {  	_ =	shalt  }
0x7a: {  	_ =	shalt  }
0x7b: {  	_ =	shalt  }
0x7c: {  	_ =	shalt  }
0x7d: {  	_ =	shalt  }
0x7e: {  	_ =	shalt  }
0x7f: {  	_ =	shalt  }
0x80: {  	_ =	shalt  }
0x81: {  	_ =	shalt  }
0x82: {  	_ =	shalt  }
0x83: {  	_ =	shalt  }
0x84: {  	_ =	shalt  }
0x85: {  	_ =	shalt  }
0x86: {  	_ =	shalt  }
0x87: {  	_ =	shalt  }
.Lfunc_end0:
.L_simem_size_0:
called_computation.2_lowered:
.L_overlay_start_0:
0x88: {  	s2 =	sld [smem:$0x3FD9]  }
0x89: {  	s3 =	sld [smem:$0x3FFE];
	_ =	sdelay $0x1  }
0x8a: {  	s1 =	srdreg.scid  }
0x8b: {  	s0 =	sand.u32 $0x1, s1  }
0x8c: {  	s15 =	sshll.u32 s0, $0xA;
	s2 =	sadd.s32 s3, s2  }
0x8d: {  	s2 =	sadd.s32 s2, s15  }
0x8e: {  	[smem:$0x3FBB] =	sst s2  }
0x8f: {  	_ = 	snop  }
0x90: {  	(tm) =	ssettm $0x1  }
0x91: {  	s16 =	sld [smem:$0x3FFB];
	_ =	sdelay $0x3  }
0x92: {  	_ =	strace s16  }
0x93: {  	s2 =	sld [smem:$0x3FFC];
	_ =	sdelay $0x3  }
0x94: {  	_ =	strace s2  }
0x95: {  	s2 =	sld [smem:$0x3FFD];
	_ =	sdelay $0x3  }
0x96: {  	_ =	strace s2  }
0x97: {  	_ =	strace $0x8FFFFFFF  }
0x98: {  	s17 =	sld [smem:$0x3FDB];
	_ =	sdelay $0x1  }
0x99: {  	s18 =	simm.s32 $_scs_section_size  }
0x9a: {  	s4 =	simm.s32 $_size__tile_overlayer_lowered;
	s5 =	simm.s32 $_tile_overlayer_lowered  }
0x9b: {  	s21 =	simm.s32 $0x1BFF;
	s20 =	sshll.u32 s5, $0x1;
	s2 =	sadd.s32 s18, s17  }
0x9c: {  	s6 =	simm.s32 $0x0;
	s19 =	sshll.u32 s4, $0x1;
	s4 =	sadd.s32 s20, s2  }
0x9d: {  	[timem:s6], [sflag:s21] =	dma.local [hbm:s4], s19  }
0x9e: {  	_ =	swait.ge [sflag:s21], s19  }
0x9f: {  	s3 =	ssub.s32 $0x0, s19;
	[sflag:s21] =	ssyncset.done $0x0  }
0xa0: {  	[sflag:s21] =	ssyncadd.s32 s3;
	_ =	sdelay $0x1  }
0xa1: {  	s22 =	simm.s32 $0x1B8B  }
0xa2: {  	_ =	swait.ge [sflag:s22], $0x1  }
0xa3: {  	[sflag:s22] =	ssyncset.done $0x0  }
0xa4: {  	s23 =	sld [smem:$0x3FFE];
	[sflag:s22] =	ssyncadd.s32 $0xFFFFFFFF  }
0xa5: {  	s25 =	simm.s32 $0x1B8E;
	s24 =	sld [smem:$0x0]  }
0xa6: {  	s26 =	simm.s32 $execute0_lowered;
	[smem:$0x3FD2] =	sst s25  }
0xa7: {  	s5 =	sshll.u32 s26, $0x1;
	_ =	strace $0x80000055;
	[dreg:$0x1] =	wrdreg $0xFFFFFFFF  }
0xa8: {  	s28 =	simm.s32 $_size_execute0_lowered;
	s2 =	sadd.s32 s2, s5;
	[dreg:$0x0] =	wrdreg $0x0  }
0xa9: {  	s5 =	sshll.u32 s28, $0x1;
	[dreg:$0x2] =	wrdreg s2  }
0xaa: {  	[dreg:$0x3] =	wrdreg s5  }
0xab: {  	[dreg:$0x4] =	wrdreg $0xC0  }
0xac: {  	_ =	task [dreg:s6], $0x5FFFF  }
0xad: {  	[dreg:$0x1] =	wrdreg $0xFFFFFFFF  }
0xae: {  	[dreg:$0x0] =	wrdreg $0x60  }
0xaf: {  	[dreg:$0x2] =	wrdreg s23  }
0xb0: {  	[dreg:$0x3] =	wrdreg s1  }
0xb1: {  	[dreg:$0x4] =	wrdreg s24  }
0xb2: {  	[dreg:$0x5] =	wrdreg $0x9  }
0xb3: {  	_ =	task.clear_ibuf [dreg:s6], $0x6FFFF;
	_ =	strace $0x90000055  }
0xb4: {  	s29 =	simm.s32 $0x9;
	_ =	strace $0x80000057  }
0xb5: {  	_ =	swait.ge [sflag:s29], $0x1  }
0xb6: {  	[sflag:s29] =	ssyncadd.s32 $0xFFFFFFFF  }
0xb7: {  	_ =	strace $0x90000057  }
0xb8: {  	_ =	sfence  }
0xb9: {  	s30 =	sld [smem:$0x0];
	_ =	sdelay $0x2  }
0xba: {  	s31 =	sshll.u32 s1, $0xD;
	s1 =	sshrl.u32 s1, $0x2  }
0xbb: {  	s3 =	sand.u32 $0x4000, s31;
	s1 =	sadd.s32 s1, s30  }
0xbc: {  	s0 =	sor.u32 s3, s0;
	s1 =	sshll.u32 s1, $0x11  }
0xbd: {  	s0 =	sor.u32 s1, s0  }
0xbe: {  	s0 =	sadd.s32 $0x8F2B, s0  }
0xbf: {  	[sflag:s0] =	ssyncadd.remote.s32 $0x1  }
0xc0: {  	_ =	sfence.sel $0xFFFF  }
0xc1: {  	[dreg:$0x0] =	wrdreg $0xFFFFFFFF;
	(pc) =	sbr.abs _section_cstart, $3  }
0xc2: {  	[dreg:$0x1] =	wrdreg $0xFFFFFFFF  }
0xc3: {  	_ =	task.clear_ibuf [dreg:s6], $0x2FFFF;
	_ =	strace $0x9FFFFFFF  }
0xc4: {  	(tm) =	ssettm $0x7FFFFFFF  }
0xc5: {  	_ =	shalt  }
tec
execute0_lowered:
.L_overlay_start_1:
0x0: {  	(tag) =	ssettag $0x1  }
0x1: {  	s7 =	rddreg [dreg:$0x0]  }
0x2: {  	s2 =	rddreg [dreg:$0x1];
	_ =	strace $0x80000056;
	s3 =	simm.s32 $0x1  }
0x3: {  	v0 =	vimm.s32 $0x0;
	[sflag:s3] =	ssyncpa.u1 $0x0  }
0x4: {  	[tilespmem:$0x48] =	vst v0  }
0x5: {  	[tilespmem:$0x58] =	vst v0  }
0x6: {  	[tilespmem:$0x68] =	vst v0  }
0x7: {  	[tilespmem:$0x78] =	vst v0  }
0x8: {  	[tilespmem:$0x88] =	vst v0  }
0x9: {  	[tilespmem:$0x98] =	vst v0  }
0xa: {  	[tilespmem:$0xA8] =	vst v0  }
0xb: {  	[tilespmem:$0xB8] =	vst v0  }
0xc: {  	[tilespmem:$0xC8] =	vst v0  }
0xd: {  	[tilespmem:$0xD8] =	vst v0  }
0xe: {  	[tilespmem:$0xE8] =	vst v0  }
0xf: {  	[tilespmem:$0xF8] =	vst v0  }
0x10: {  	[tilespmem:$0x108] =	vst v0  }
0x11: {  	[tilespmem:$0x118] =	vst v0  }
0x12: {  	[tilespmem:$0x128] =	vst v0  }
0x13: {  	[tilespmem:$0x138] =	vst v0  }
0x14: {  	[tilespmem:$0x148] =	vst v0  }
0x15: {  	[tilespmem:$0x158] =	vst v0  }
0x16: {  	[tilespmem:$0x168] =	vst v0  }
0x17: {  	[tilespmem:$0x178] =	vst v0  }
0x18: {  	[tilespmem:$0x188] =	vst v0  }
0x19: {  	[tilespmem:$0x198] =	vst v0  }
0x1a: {  	[tilespmem:$0x1A8] =	vst v0  }
0x1b: {  	[tilespmem:$0x1B8] =	vst v0  }
0x1c: {  	[tilespmem:$0x1C8] =	vst v0  }
0x1d: {  	[tilespmem:$0x1D8] =	vst v0  }
0x1e: {  	[tilespmem:$0x1E8] =	vst v0  }
0x1f: {  	[tilespmem:$0x1F8] =	vst v0  }
0x20: {  	[tilespmem:$0x208] =	vst v0  }
0x21: {  	[tilespmem:$0x218] =	vst v0  }
0x22: {  	[tilespmem:$0x228] =	vst v0  }
0x23: {  	[tilespmem:$0x238] =	vst v0  }
0x24: {  	[tilespmem:$0x248] =	vst v0  }
0x25: {  	[tilespmem:$0x258] =	vst v0  }
0x26: {  	[tilespmem:$0x268] =	vst v0  }
0x27: {  	[tilespmem:$0x278] =	vst v0  }
0x28: {  	[tilespmem:$0x288] =	vst v0  }
0x29: {  	[tilespmem:$0x298] =	vst v0  }
0x2a: {  	[tilespmem:$0x2A8] =	vst v0  }
0x2b: {  	[tilespmem:$0x2B8] =	vst v0  }
0x2c: {  	[tilespmem:$0x2C8] =	vst v0  }
0x2d: {  	[tilespmem:$0x2D8] =	vst v0  }
0x2e: {  	[tilespmem:$0x2E8] =	vst v0  }
0x2f: {  	[tilespmem:$0x2F8] =	vst v0  }
0x30: {  	[tilespmem:$0x308] =	vst v0  }
0x31: {  	[tilespmem:$0x318] =	vst v0  }
0x32: {  	[tilespmem:$0x328] =	vst v0  }
0x33: {  	[tilespmem:$0x338] =	vst v0  }
0x34: {  	[tilespmem:$0x348] =	vst v0  }
0x35: {  	[tilespmem:$0x358] =	vst v0  }
0x36: {  	[tilespmem:$0x368] =	vst v0  }
0x37: {  	[tilespmem:$0x378] =	vst v0  }
0x38: {  	[tilespmem:$0x388] =	vst v0  }
0x39: {  	[tilespmem:$0x398] =	vst v0  }
0x3a: {  	[tilespmem:$0x3A8] =	vst v0  }
0x3b: {  	[tilespmem:$0x3B8] =	vst v0  }
0x3c: {  	[tilespmem:$0x3C8] =	vst v0  }
0x3d: {  	[tilespmem:$0x3D8] =	vst v0  }
0x3e: {  	[tilespmem:$0x3E8] =	vst v0  }
0x3f: {  	[tilespmem:$0x3F8] =	vst v0  }
0x40: {  	[tilespmem:$0x408] =	vst v0  }
0x41: {  	[tilespmem:$0x418] =	vst v0  }
0x42: {  	[tilespmem:$0x428] =	vst v0  }
0x43: {  	[tilespmem:$0x438] =	vst v0  }
0x44: {  	[tilespmem:$0x448] =	vst v0  }
0x45: {  	[tilespmem:$0x458] =	vst v0  }
0x46: {  	[tilespmem:$0x468] =	vst v0  }
0x47: {  	[tilespmem:$0x478] =	vst v0  }
0x48: {  	[tilespmem:$0x488] =	vst v0  }
0x49: {  	[tilespmem:$0x498] =	vst v0  }
0x4a: {  	[tilespmem:$0x4A8] =	vst v0  }
0x4b: {  	[tilespmem:$0x4B8] =	vst v0  }
0x4c: {  	[tilespmem:$0x4C8] =	vst v0  }
0x4d: {  	[tilespmem:$0x4D8] =	vst v0  }
0x4e: {  	[tilespmem:$0x4E8] =	vst v0  }
0x4f: {  	[tilespmem:$0x4F8] =	vst v0  }
0x50: {  	[tilespmem:$0x508] =	vst v0  }
0x51: {  	[tilespmem:$0x518] =	vst v0  }
0x52: {  	[tilespmem:$0x528] =	vst v0  }
0x53: {  	[tilespmem:$0x538] =	vst v0  }
0x54: {  	[tilespmem:$0x548] =	vst v0  }
0x55: {  	[tilespmem:$0x558] =	vst v0  }
0x56: {  	[tilespmem:$0x568] =	vst v0  }
0x57: {  	[tilespmem:$0x578] =	vst v0  }
0x58: {  	[tilespmem:$0x588] =	vst v0  }
0x59: {  	[tilespmem:$0x598] =	vst v0  }
0x5a: {  	[tilespmem:$0x5A8] =	vst v0  }
0x5b: {  	[tilespmem:$0x5B8] =	vst v0  }
0x5c: {  	[tilespmem:$0x5C8] =	vst v0  }
0x5d: {  	[tilespmem:$0x5D8] =	vst v0  }
0x5e: {  	[tilespmem:$0x5E8] =	vst v0  }
0x5f: {  	[tilespmem:$0x5F8] =	vst v0  }
0x60: {  	[tilespmem:$0x608] =	vst v0  }
0x61: {  	[tilespmem:$0x618] =	vst v0  }
0x62: {  	[tilespmem:$0x628] =	vst v0  }
0x63: {  	[tilespmem:$0x638] =	vst v0  }
0x64: {  	[tilespmem:$0x648] =	vst v0  }
0x65: {  	[tilespmem:$0x658] =	vst v0  }
0x66: {  	[tilespmem:$0x668] =	vst v0  }
0x67: {  	[tilespmem:$0x678] =	vst v0  }
0x68: {  	[tilespmem:$0x688] =	vst v0  }
0x69: {  	[tilespmem:$0x698] =	vst v0  }
0x6a: {  	[tilespmem:$0x6A8] =	vst v0  }
0x6b: {  	[tilespmem:$0x6B8] =	vst v0  }
0x6c: {  	[tilespmem:$0x6C8] =	vst v0  }
0x6d: {  	[tilespmem:$0x6D8] =	vst v0  }
0x6e: {  	[tilespmem:$0x6E8] =	vst v0  }
0x6f: {  	[tilespmem:$0x6F8] =	vst v0  }
0x70: {  	[tilespmem:$0x708] =	vst v0  }
0x71: {  	[tilespmem:$0x718] =	vst v0  }
0x72: {  	[tilespmem:$0x728] =	vst v0  }
0x73: {  	[tilespmem:$0x738] =	vst v0  }
0x74: {  	[tilespmem:$0x748] =	vst v0  }
0x75: {  	[tilespmem:$0x758] =	vst v0  }
0x76: {  	[tilespmem:$0x768] =	vst v0  }
0x77: {  	[tilespmem:$0x778] =	vst v0  }
0x78: {  	[tilespmem:$0x788] =	vst v0  }
0x79: {  	[tilespmem:$0x798] =	vst v0  }
0x7a: {  	[tilespmem:$0x7A8] =	vst v0  }
0x7b: {  	[tilespmem:$0x7B8] =	vst v0  }
0x7c: {  	[tilespmem:$0x7C8] =	vst v0  }
0x7d: {  	[tilespmem:$0x7D8] =	vst v0  }
0x7e: {  	[tilespmem:$0x7E8] =	vst v0  }
0x7f: {  	[tilespmem:$0x7F8] =	vst v0  }
0x80: {  	[tilespmem:$0x808] =	vst v0  }
0x81: {  	[tilespmem:$0x818] =	vst v0  }
0x82: {  	[tilespmem:$0x828] =	vst v0  }
0x83: {  	[tilespmem:$0x838] =	vst v0  }
0x84: {  	[tilespmem:$0x848] =	vst v0  }
0x85: {  	[tilespmem:$0x858] =	vst v0  }
0x86: {  	[tilespmem:$0x868] =	vst v0  }
0x87: {  	[tilespmem:$0x878] =	vst v0  }
0x88: {  	[tilespmem:$0x888] =	vst v0  }
0x89: {  	[tilespmem:$0x898] =	vst v0  }
0x8a: {  	[tilespmem:$0x8A8] =	vst v0  }
0x8b: {  	[tilespmem:$0x8B8] =	vst v0  }
0x8c: {  	[tilespmem:$0x8C8] =	vst v0  }
0x8d: {  	[tilespmem:$0x8D8] =	vst v0  }
0x8e: {  	[tilespmem:$0x8E8] =	vst v0  }
0x8f: {  	[tilespmem:$0x8F8] =	vst v0  }
0x90: {  	[tilespmem:$0x908] =	vst v0  }
0x91: {  	[tilespmem:$0x918] =	vst v0  }
0x92: {  	[tilespmem:$0x928] =	vst v0  }
0x93: {  	[tilespmem:$0x938] =	vst v0  }
0x94: {  	[tilespmem:$0x948] =	vst v0  }
0x95: {  	[tilespmem:$0x958] =	vst v0  }
0x96: {  	[tilespmem:$0x968] =	vst v0  }
0x97: {  	[tilespmem:$0x978] =	vst v0  }
0x98: {  	[tilespmem:$0x988] =	vst v0  }
0x99: {  	[tilespmem:$0x998] =	vst v0  }
0x9a: {  	[tilespmem:$0x9A8] =	vst v0  }
0x9b: {  	[tilespmem:$0x9B8] =	vst v0  }
0x9c: {  	[tilespmem:$0x9C8] =	vst v0  }
0x9d: {  	[tilespmem:$0x9D8] =	vst v0  }
0x9e: {  	[tilespmem:$0x9E8] =	vst v0  }
0x9f: {  	[tilespmem:$0x9F8] =	vst v0  }
0xa0: {  	[tilespmem:$0xA08] =	vst v0  }
0xa1: {  	[tilespmem:$0xA18] =	vst v0  }
0xa2: {  	[tilespmem:$0xA28] =	vst v0  }
0xa3: {  	[tilespmem:$0xA38] =	vst v0  }
0xa4: {  	[tilespmem:$0xA48] =	vst v0  }
0xa5: {  	[tilespmem:$0xA58] =	vst v0  }
0xa6: {  	[tilespmem:$0xA68] =	vst v0  }
0xa7: {  	[tilespmem:$0xA78] =	vst v0  }
0xa8: {  	[tilespmem:$0xA88] =	vst v0  }
0xa9: {  	[tilespmem:$0xA98] =	vst v0  }
0xaa: {  	[tilespmem:$0xAA8] =	vst v0  }
0xab: {  	[tilespmem:$0xAB8] =	vst v0  }
0xac: {  	[tilespmem:$0xAC8] =	vst v0  }
0xad: {  	[tilespmem:$0xAD8] =	vst v0  }
0xae: {  	[tilespmem:$0xAE8] =	vst v0  }
0xaf: {  	[tilespmem:$0xAF8] =	vst v0  }
0xb0: {  	[tilespmem:$0xB08] =	vst v0  }
0xb1: {  	[tilespmem:$0xB18] =	vst v0  }
0xb2: {  	[tilespmem:$0xB28] =	vst v0  }
0xb3: {  	[tilespmem:$0xB38] =	vst v0  }
0xb4: {  	[tilespmem:$0xB48] =	vst v0  }
0xb5: {  	[tilespmem:$0xB58] =	vst v0  }
0xb6: {  	[tilespmem:$0xB68] =	vst v0  }
0xb7: {  	[tilespmem:$0xB78] =	vst v0  }
0xb8: {  	[tilespmem:$0xB88] =	vst v0  }
0xb9: {  	[tilespmem:$0xB98] =	vst v0  }
0xba: {  	[tilespmem:$0xBA8] =	vst v0  }
0xbb: {  	[tilespmem:$0xBB8] =	vst v0  }
0xbc: {  	[tilespmem:$0xBC8] =	vst v0  }
0xbd: {  	[tilespmem:$0xBD8] =	vst v0  }
0xbe: {  	[tilespmem:$0xBE8] =	vst v0  }
0xbf: {  	[tilespmem:$0xBF8] =	vst v0  }
0xc0: {  	[tilespmem:$0xC08] =	vst v0  }
0xc1: {  	[tilespmem:$0xC18] =	vst v0  }
0xc2: {  	[tilespmem:$0xC28] =	vst v0  }
0xc3: {  	[tilespmem:$0xC38] =	vst v0  }
0xc4: {  	[tilespmem:$0xC48] =	vst v0  }
0xc5: {  	[tilespmem:$0xC58] =	vst v0  }
0xc6: {  	[tilespmem:$0xC68] =	vst v0  }
0xc7: {  	[tilespmem:$0xC78] =	vst v0  }
0xc8: {  	[tilespmem:$0xC88] =	vst v0  }
0xc9: {  	[tilespmem:$0xC98] =	vst v0  }
0xca: {  	[tilespmem:$0xCA8] =	vst v0  }
0xcb: {  	[tilespmem:$0xCB8] =	vst v0  }
0xcc: {  	[tilespmem:$0xCC8] =	vst v0  }
0xcd: {  	[tilespmem:$0xCD8] =	vst v0  }
0xce: {  	[tilespmem:$0xCE8] =	vst v0  }
0xcf: {  	[tilespmem:$0xCF8] =	vst v0  }
0xd0: {  	[tilespmem:$0xD08] =	vst v0  }
0xd1: {  	[tilespmem:$0xD18] =	vst v0  }
0xd2: {  	[tilespmem:$0xD28] =	vst v0  }
0xd3: {  	[tilespmem:$0xD38] =	vst v0  }
0xd4: {  	[tilespmem:$0xD48] =	vst v0  }
0xd5: {  	[tilespmem:$0xD58] =	vst v0  }
0xd6: {  	[tilespmem:$0xD68] =	vst v0  }
0xd7: {  	[tilespmem:$0xD78] =	vst v0  }
0xd8: {  	[tilespmem:$0xD88] =	vst v0  }
0xd9: {  	[tilespmem:$0xD98] =	vst v0  }
0xda: {  	[tilespmem:$0xDA8] =	vst v0  }
0xdb: {  	[tilespmem:$0xDB8] =	vst v0  }
0xdc: {  	[tilespmem:$0xDC8] =	vst v0  }
0xdd: {  	[tilespmem:$0xDD8] =	vst v0  }
0xde: {  	[tilespmem:$0xDE8] =	vst v0  }
0xdf: {  	[tilespmem:$0xDF8] =	vst v0  }
0xe0: {  	[tilespmem:$0xE08] =	vst v0  }
0xe1: {  	[tilespmem:$0xE18] =	vst v0  }
0xe2: {  	[tilespmem:$0xE28] =	vst v0  }
0xe3: {  	[tilespmem:$0xE38] =	vst v0  }
0xe4: {  	[tilespmem:$0xE48] =	vst v0  }
0xe5: {  	[tilespmem:$0xE58] =	vst v0  }
0xe6: {  	[tilespmem:$0xE68] =	vst v0  }
0xe7: {  	[tilespmem:$0xE78] =	vst v0  }
0xe8: {  	[tilespmem:$0xE88] =	vst v0  }
0xe9: {  	[tilespmem:$0xE98] =	vst v0  }
0xea: {  	[tilespmem:$0xEA8] =	vst v0  }
0xeb: {  	[tilespmem:$0xEB8] =	vst v0  }
0xec: {  	[tilespmem:$0xEC8] =	vst v0  }
0xed: {  	[tilespmem:$0xED8] =	vst v0  }
0xee: {  	[tilespmem:$0xEE8] =	vst v0  }
0xef: {  	[tilespmem:$0xEF8] =	vst v0  }
0xf0: {  	[tilespmem:$0xF08] =	vst v0  }
0xf1: {  	[tilespmem:$0xF18] =	vst v0  }
0xf2: {  	[tilespmem:$0xF28] =	vst v0  }
0xf3: {  	[tilespmem:$0xF38] =	vst v0  }
0xf4: {  	[tilespmem:$0xF48] =	vst v0  }
0xf5: {  	[tilespmem:$0xF58] =	vst v0  }
0xf6: {  	[tilespmem:$0xF68] =	vst v0  }
0xf7: {  	[tilespmem:$0xF78] =	vst v0  }
0xf8: {  	[tilespmem:$0xF88] =	vst v0  }
0xf9: {  	[tilespmem:$0xF98] =	vst v0  }
0xfa: {  	[tilespmem:$0xFA8] =	vst v0  }
0xfb: {  	[tilespmem:$0xFB8] =	vst v0  }
0xfc: {  	[tilespmem:$0xFC8] =	vst v0  }
0xfd: {  	[tilespmem:$0xFD8] =	vst v0  }
0xfe: {  	[tilespmem:$0xFE8] =	vst v0  }
0xff: {  	[tilespmem:$0xFF8] =	vst v0  }
0x100: {  	[tilespmem:$0x1008] =	vst v0  }
0x101: {  	[tilespmem:$0x1018] =	vst v0  }
0x102: {  	[tilespmem:$0x1028] =	vst v0  }
0x103: {  	[tilespmem:$0x1168] =	vst v0  }
0x104: {  	[tilespmem:$0x1038] =	vst v0  }
0x105: {  	[tilespmem:$0x1048] =	vst v0  }
0x106: {  	[tilespmem:$0x1058] =	vst v0  }
0x107: {  	[tilespmem:$0x1068] =	vst v0  }
0x108: {  	[tilespmem:$0x1078] =	vst v0  }
0x109: {  	[tilespmem:$0x1088] =	vst v0  }
0x10a: {  	[tilespmem:$0x1098] =	vst v0  }
0x10b: {  	[tilespmem:$0x10A8] =	vst v0  }
0x10c: {  	[tilespmem:$0x10B8] =	vst v0  }
0x10d: {  	[tilespmem:$0x10C8] =	vst v0  }
0x10e: {  	[tilespmem:$0x10D8] =	vst v0  }
0x10f: {  	[tilespmem:$0x10E8] =	vst v0  }
0x110: {  	[tilespmem:$0x10F8] =	vst v0  }
0x111: {  	[tilespmem:$0x1108] =	vst v0  }
0x112: {  	[tilespmem:$0x1118] =	vst v0  }
0x113: {  	[tilespmem:$0x1128] =	vst v0  }
0x114: {  	[tilespmem:$0x1138] =	vst v0  }
0x115: {  	[tilespmem:$0x1148] =	vst v0  }
0x116: {  	[tilespmem:$0x1158] =	vst v0  }
0x117: {  	[tilespmem:$0x1178] =	vst v0  }
0x118: {  	[tilespmem:$0x1188] =	vst v0  }
0x119: {  	[tilespmem:$0x1198] =	vst v0  }
0x11a: {  	[tilespmem:$0x11A8] =	vst v0  }
0x11b: {  	[tilespmem:$0x11B8] =	vst v0  }
0x11c: {  	[tilespmem:$0x11C8] =	vst v0  }
0x11d: {  	[tilespmem:$0x11D8] =	vst v0  }
0x11e: {  	[tilespmem:$0x11E8] =	vst v0  }
0x11f: {  	[tilespmem:$0x11F8] =	vst v0  }
0x120: {  	[tilespmem:$0x1208] =	vst v0  }
0x121: {  	[tilespmem:$0x1218] =	vst v0  }
0x122: {  	[tilespmem:$0x1228] =	vst v0  }
0x123: {  	[tilespmem:$0x1238] =	vst v0  }
0x124: {  	[tilespmem:$0x1248] =	vst v0  }
0x125: {  	[tilespmem:$0x1258] =	vst v0  }
0x126: {  	[tilespmem:$0x1268] =	vst v0  }
0x127: {  	[tilespmem:$0x1278] =	vst v0  }
0x128: {  	[tilespmem:$0x1288] =	vst v0  }
0x129: {  	[tilespmem:$0x1298] =	vst v0  }
0x12a: {  	[tilespmem:$0x12A8] =	vst v0  }
0x12b: {  	[tilespmem:$0x12B8] =	vst v0  }
0x12c: {  	[tilespmem:$0x12C8] =	vst v0  }
0x12d: {  	[tilespmem:$0x12D8] =	vst v0  }
0x12e: {  	[tilespmem:$0x12E8] =	vst v0  }
0x12f: {  	[tilespmem:$0x12F8] =	vst v0  }
0x130: {  	[tilespmem:$0x1308] =	vst v0  }
0x131: {  	[tilespmem:$0x1318] =	vst v0  }
0x132: {  	[tilespmem:$0x1328] =	vst v0  }
0x133: {  	[tilespmem:$0x1338] =	vst v0  }
0x134: {  	[tilespmem:$0x1348] =	vst v0  }
0x135: {  	[tilespmem:$0x1358] =	vst v0  }
0x136: {  	[tilespmem:$0x1368] =	vst v0  }
0x137: {  	[tilespmem:$0x1378] =	vst v0  }
0x138: {  	[tilespmem:$0x1388] =	vst v0  }
0x139: {  	[tilespmem:$0x1398] =	vst v0  }
0x13a: {  	[tilespmem:$0x13A8] =	vst v0  }
0x13b: {  	[tilespmem:$0x13B8] =	vst v0  }
0x13c: {  	[tilespmem:$0x13C8] =	vst v0  }
0x13d: {  	[tilespmem:$0x13D8] =	vst v0  }
0x13e: {  	[tilespmem:$0x13E8] =	vst v0  }
0x13f: {  	[tilespmem:$0x13F8] =	vst v0  }
0x140: {  	[tilespmem:$0x1408] =	vst v0  }
0x141: {  	[tilespmem:$0x1418] =	vst v0  }
0x142: {  	[tilespmem:$0x1428] =	vst v0  }
0x143: {  	[tilespmem:$0x1438] =	vst v0  }
0x144: {  	[tilespmem:$0x1448] =	vst v0  }
0x145: {  	[tilespmem:$0x1458] =	vst v0  }
0x146: {  	[tilespmem:$0x1468] =	vst v0  }
0x147: {  	[tilespmem:$0x1478] =	vst v0  }
0x148: {  	[tilespmem:$0x1488] =	vst v0  }
0x149: {  	[tilespmem:$0x1498] =	vst v0  }
0x14a: {  	[tilespmem:$0x14A8] =	vst v0  }
0x14b: {  	[tilespmem:$0x14B8] =	vst v0  }
0x14c: {  	[tilespmem:$0x14C8] =	vst v0  }
0x14d: {  	[tilespmem:$0x14D8] =	vst v0  }
0x14e: {  	[tilespmem:$0x14E8] =	vst v0  }
0x14f: {  	[tilespmem:$0x14F8] =	vst v0  }
0x150: {  	[tilespmem:$0x1508] =	vst v0  }
0x151: {  	[tilespmem:$0x1518] =	vst v0  }
0x152: {  	[tilespmem:$0x1528] =	vst v0  }
0x153: {  	[tilespmem:$0x1538] =	vst v0  }
0x154: {  	[tilespmem:$0x1548] =	vst v0  }
0x155: {  	[tilespmem:$0x1558] =	vst v0  }
0x156: {  	[tilespmem:$0x1568] =	vst v0  }
0x157: {  	[tilespmem:$0x1578] =	vst v0  }
0x158: {  	[tilespmem:$0x1588] =	vst v0  }
0x159: {  	[tilespmem:$0x1598] =	vst v0  }
0x15a: {  	[tilespmem:$0x15A8] =	vst v0  }
0x15b: {  	[tilespmem:$0x15B8] =	vst v0  }
0x15c: {  	[tilespmem:$0x15C8] =	vst v0  }
0x15d: {  	[tilespmem:$0x15D8] =	vst v0  }
0x15e: {  	[tilespmem:$0x15E8] =	vst v0  }
0x15f: {  	[tilespmem:$0x15F8] =	vst v0  }
0x160: {  	[tilespmem:$0x1608] =	vst v0  }
0x161: {  	[tilespmem:$0x1618] =	vst v0  }
0x162: {  	[tilespmem:$0x1628] =	vst v0  }
0x163: {  	[tilespmem:$0x1638] =	vst v0  }
0x164: {  	[tilespmem:$0x1648] =	vst v0  }
0x165: {  	[tilespmem:$0x1658] =	vst v0  }
0x166: {  	[tilespmem:$0x1668] =	vst v0  }
0x167: {  	[tilespmem:$0x1678] =	vst v0  }
0x168: {  	[tilespmem:$0x1688] =	vst v0  }
0x169: {  	[tilespmem:$0x1698] =	vst v0  }
0x16a: {  	[tilespmem:$0x16A8] =	vst v0  }
0x16b: {  	[tilespmem:$0x16B8] =	vst v0  }
0x16c: {  	[tilespmem:$0x16C8] =	vst v0  }
0x16d: {  	[tilespmem:$0x16D8] =	vst v0  }
0x16e: {  	[tilespmem:$0x16E8] =	vst v0  }
0x16f: {  	[tilespmem:$0x16F8] =	vst v0  }
0x170: {  	[tilespmem:$0x1708] =	vst v0  }
0x171: {  	[tilespmem:$0x1718] =	vst v0  }
0x172: {  	[tilespmem:$0x1728] =	vst v0  }
0x173: {  	[tilespmem:$0x1738] =	vst v0  }
0x174: {  	[tilespmem:$0x1748] =	vst v0  }
0x175: {  	[tilespmem:$0x1758] =	vst v0  }
0x176: {  	[tilespmem:$0x1768] =	vst v0  }
0x177: {  	[tilespmem:$0x1778] =	vst v0  }
0x178: {  	[tilespmem:$0x1788] =	vst v0  }
0x179: {  	[tilespmem:$0x1798] =	vst v0  }
0x17a: {  	[tilespmem:$0x17A8] =	vst v0  }
0x17b: {  	[tilespmem:$0x17B8] =	vst v0  }
0x17c: {  	[tilespmem:$0x17C8] =	vst v0  }
0x17d: {  	[tilespmem:$0x17D8] =	vst v0  }
0x17e: {  	[tilespmem:$0x17E8] =	vst v0  }
0x17f: {  	[tilespmem:$0x17F8] =	vst v0  }
0x180: {  	[tilespmem:$0x1808] =	vst v0  }
0x181: {  	[tilespmem:$0x1818] =	vst v0  }
0x182: {  	[tilespmem:$0x1828] =	vst v0  }
0x183: {  	[tilespmem:$0x1838] =	vst v0  }
0x184: {  	[tilespmem:$0x1848] =	vst v0  }
0x185: {  	[tilespmem:$0x1858] =	vst v0  }
0x186: {  	[tilespmem:$0x1868] =	vst v0  }
0x187: {  	[tilespmem:$0x1878] =	vst v0  }
0x188: {  	[tilespmem:$0x1888] =	vst v0  }
0x189: {  	[tilespmem:$0x1898] =	vst v0  }
0x18a: {  	[tilespmem:$0x18A8] =	vst v0  }
0x18b: {  	[tilespmem:$0x18B8] =	vst v0  }
0x18c: {  	[tilespmem:$0x18C8] =	vst v0  }
0x18d: {  	[tilespmem:$0x18D8] =	vst v0  }
0x18e: {  	[tilespmem:$0x18E8] =	vst v0  }
0x18f: {  	[tilespmem:$0x18F8] =	vst v0  }
0x190: {  	[tilespmem:$0x1908] =	vst v0  }
0x191: {  	[tilespmem:$0x1918] =	vst v0  }
0x192: {  	[tilespmem:$0x1928] =	vst v0  }
0x193: {  	[tilespmem:$0x1938] =	vst v0  }
0x194: {  	[tilespmem:$0x1948] =	vst v0  }
0x195: {  	[tilespmem:$0x1958] =	vst v0  }
0x196: {  	[tilespmem:$0x1968] =	vst v0  }
0x197: {  	[tilespmem:$0x1978] =	vst v0  }
0x198: {  	[tilespmem:$0x1988] =	vst v0  }
0x199: {  	[tilespmem:$0x1998] =	vst v0  }
0x19a: {  	[tilespmem:$0x19A8] =	vst v0  }
0x19b: {  	[tilespmem:$0x19B8] =	vst v0  }
0x19c: {  	[tilespmem:$0x19C8] =	vst v0  }
0x19d: {  	[tilespmem:$0x19D8] =	vst v0  }
0x19e: {  	[tilespmem:$0x19E8] =	vst v0  }
0x19f: {  	[tilespmem:$0x19F8] =	vst v0  }
0x1a0: {  	[tilespmem:$0x1A08] =	vst v0  }
0x1a1: {  	[tilespmem:$0x1A18] =	vst v0  }
0x1a2: {  	[tilespmem:$0x1A28] =	vst v0  }
0x1a3: {  	[tilespmem:$0x1A38] =	vst v0  }
0x1a4: {  	[tilespmem:$0x1A48] =	vst v0  }
0x1a5: {  	[tilespmem:$0x1A58] =	vst v0  }
0x1a6: {  	[tilespmem:$0x1A68] =	vst v0  }
0x1a7: {  	[tilespmem:$0x1A78] =	vst v0  }
0x1a8: {  	[tilespmem:$0x1A88] =	vst v0  }
0x1a9: {  	[tilespmem:$0x1A98] =	vst v0  }
0x1aa: {  	[tilespmem:$0x1AA8] =	vst v0  }
0x1ab: {  	[tilespmem:$0x1AB8] =	vst v0  }
0x1ac: {  	[tilespmem:$0x1AC8] =	vst v0  }
0x1ad: {  	[tilespmem:$0x1AD8] =	vst v0  }
0x1ae: {  	[tilespmem:$0x1AE8] =	vst v0  }
0x1af: {  	[tilespmem:$0x1AF8] =	vst v0  }
0x1b0: {  	[tilespmem:$0x1B08] =	vst v0  }
0x1b1: {  	[tilespmem:$0x1B18] =	vst v0  }
0x1b2: {  	[tilespmem:$0x1B28] =	vst v0  }
0x1b3: {  	[tilespmem:$0x1B38] =	vst v0  }
0x1b4: {  	[tilespmem:$0x1B48] =	vst v0  }
0x1b5: {  	[tilespmem:$0x1B58] =	vst v0  }
0x1b6: {  	[tilespmem:$0x1B68] =	vst v0  }
0x1b7: {  	[tilespmem:$0x1B78] =	vst v0  }
0x1b8: {  	[tilespmem:$0x1B88] =	vst v0  }
0x1b9: {  	[tilespmem:$0x1B98] =	vst v0  }
0x1ba: {  	[tilespmem:$0x1BA8] =	vst v0  }
0x1bb: {  	[tilespmem:$0x1BB8] =	vst v0  }
0x1bc: {  	[tilespmem:$0x1BC8] =	vst v0  }
0x1bd: {  	[tilespmem:$0x1BD8] =	vst v0  }
0x1be: {  	[tilespmem:$0x1BE8] =	vst v0  }
0x1bf: {  	[tilespmem:$0x1BF8] =	vst v0  }
0x1c0: {  	[tilespmem:$0x1C08] =	vst v0  }
0x1c1: {  	[tilespmem:$0x1C18] =	vst v0  }
0x1c2: {  	[tilespmem:$0x1C28] =	vst v0  }
0x1c3: {  	[tilespmem:$0x1C38] =	vst v0  }
0x1c4: {  	[tilespmem:$0x1C48] =	vst v0  }
0x1c5: {  	[tilespmem:$0x1C58] =	vst v0  }
0x1c6: {  	[tilespmem:$0x1C68] =	vst v0  }
0x1c7: {  	[tilespmem:$0x1C78] =	vst v0  }
0x1c8: {  	[tilespmem:$0x1C88] =	vst v0  }
0x1c9: {  	[tilespmem:$0x1C98] =	vst v0  }
0x1ca: {  	[tilespmem:$0x1CA8] =	vst v0  }
0x1cb: {  	[tilespmem:$0x1CB8] =	vst v0  }
0x1cc: {  	[tilespmem:$0x1CC8] =	vst v0  }
0x1cd: {  	[tilespmem:$0x1CD8] =	vst v0  }
0x1ce: {  	[tilespmem:$0x1CE8] =	vst v0  }
0x1cf: {  	[tilespmem:$0x1CF8] =	vst v0  }
0x1d0: {  	[tilespmem:$0x1D08] =	vst v0  }
0x1d1: {  	[tilespmem:$0x1D18] =	vst v0  }
0x1d2: {  	[tilespmem:$0x1D28] =	vst v0  }
0x1d3: {  	[tilespmem:$0x1D38] =	vst v0  }
0x1d4: {  	[tilespmem:$0x1D48] =	vst v0  }
0x1d5: {  	[tilespmem:$0x1D58] =	vst v0  }
0x1d6: {  	[tilespmem:$0x1D68] =	vst v0  }
0x1d7: {  	[tilespmem:$0x1D78] =	vst v0  }
0x1d8: {  	[tilespmem:$0x1D88] =	vst v0  }
0x1d9: {  	[tilespmem:$0x1D98] =	vst v0  }
0x1da: {  	[tilespmem:$0x1DA8] =	vst v0  }
0x1db: {  	[tilespmem:$0x1DB8] =	vst v0  }
0x1dc: {  	[tilespmem:$0x1DC8] =	vst v0  }
0x1dd: {  	[tilespmem:$0x1DD8] =	vst v0  }
0x1de: {  	[tilespmem:$0x1DE8] =	vst v0  }
0x1df: {  	[tilespmem:$0x1DF8] =	vst v0  }
0x1e0: {  	[tilespmem:$0x1E08] =	vst v0  }
0x1e1: {  	[tilespmem:$0x1E18] =	vst v0  }
0x1e2: {  	[tilespmem:$0x1E28] =	vst v0  }
0x1e3: {  	[tilespmem:$0x1E38] =	vst v0  }
0x1e4: {  	[tilespmem:$0x1E48] =	vst v0  }
0x1e5: {  	[tilespmem:$0x1E58] =	vst v0  }
0x1e6: {  	[tilespmem:$0x1E68] =	vst v0  }
0x1e7: {  	[tilespmem:$0x1E78] =	vst v0  }
0x1e8: {  	[tilespmem:$0x1E88] =	vst v0  }
0x1e9: {  	[tilespmem:$0x1E98] =	vst v0  }
0x1ea: {  	[tilespmem:$0x1EA8] =	vst v0  }
0x1eb: {  	[tilespmem:$0x1EB8] =	vst v0  }
0x1ec: {  	[tilespmem:$0x1EC8] =	vst v0  }
0x1ed: {  	[tilespmem:$0x1ED8] =	vst v0  }
0x1ee: {  	[tilespmem:$0x1EE8] =	vst v0  }
0x1ef: {  	[tilespmem:$0x1EF8] =	vst v0  }
0x1f0: {  	[tilespmem:$0x1F08] =	vst v0  }
0x1f1: {  	[tilespmem:$0x1F18] =	vst v0  }
0x1f2: {  	[tilespmem:$0x1F28] =	vst v0  }
0x1f3: {  	[tilespmem:$0x1F38] =	vst v0  }
0x1f4: {  	[tilespmem:$0x1F48] =	vst v0  }
0x1f5: {  	[tilespmem:$0x1F58] =	vst v0  }
0x1f6: {  	[tilespmem:$0x1F68] =	vst v0  }
0x1f7: {  	[tilespmem:$0x1F78] =	vst v0  }
0x1f8: {  	[tilespmem:$0x1F88] =	vst v0  }
0x1f9: {  	[tilespmem:$0x1F98] =	vst v0  }
0x1fa: {  	[tilespmem:$0x1FA8] =	vst v0  }
0x1fb: {  	[tilespmem:$0x1FB8] =	vst v0  }
0x1fc: {  	[tilespmem:$0x1FC8] =	vst v0  }
0x1fd: {  	[tilespmem:$0x1FD8] =	vst v0  }
0x1fe: {  	[tilespmem:$0x1FE8] =	vst v0  }
0x1ff: {  	[tilespmem:$0x1FF8] =	vst v0  }
0x200: {  	[tilespmem:$0x2008] =	vst v0  }
0x201: {  	[tilespmem:$0x2018] =	vst v0  }
0x202: {  	[tilespmem:$0x2028] =	vst v0  }
0x203: {  	[tilespmem:$0x2038] =	vst v0  }
0x204: {  	[tilespmem:$0x2048] =	vst v0  }
0x205: {  	[tilespmem:$0x2058] =	vst v0  }
0x206: {  	[tilespmem:$0x2068] =	vst v0  }
0x207: {  	[tilespmem:$0x2078] =	vst v0  }
0x208: {  	[tilespmem:$0x2088] =	vst v0  }
0x209: {  	[tilespmem:$0x2098] =	vst v0  }
0x20a: {  	[tilespmem:$0x20A8] =	vst v0  }
0x20b: {  	[tilespmem:$0x20B8] =	vst v0  }
0x20c: {  	[tilespmem:$0x20C8] =	vst v0  }
0x20d: {  	[tilespmem:$0x20D8] =	vst v0  }
0x20e: {  	[tilespmem:$0x20E8] =	vst v0  }
0x20f: {  	[tilespmem:$0x20F8] =	vst v0  }
0x210: {  	[tilespmem:$0x2108] =	vst v0  }
0x211: {  	[tilespmem:$0x2118] =	vst v0  }
0x212: {  	[tilespmem:$0x2128] =	vst v0  }
0x213: {  	[tilespmem:$0x2138] =	vst v0  }
0x214: {  	[tilespmem:$0x2148] =	vst v0  }
0x215: {  	[tilespmem:$0x2158] =	vst v0  }
0x216: {  	[tilespmem:$0x2168] =	vst v0  }
0x217: {  	[tilespmem:$0x21F8] =	vst v0  }
0x218: {  	[tilespmem:$0x3058] =	vst v0  }
0x219: {  	[tilespmem:$0x3048] =	vst v0  }
0x21a: {  	[tilespmem:$0x3038] =	vst v0  }
0x21b: {  	[tilespmem:$0x3028] =	vst v0  }
0x21c: {  	[tilespmem:$0x3018] =	vst v0  }
0x21d: {  	[tilespmem:$0x3008] =	vst v0  }
0x21e: {  	[tilespmem:$0x2FF8] =	vst v0  }
0x21f: {  	[tilespmem:$0x2FE8] =	vst v0  }
0x220: {  	[tilespmem:$0x2FD8] =	vst v0  }
0x221: {  	[tilespmem:$0x2FC8] =	vst v0  }
0x222: {  	[tilespmem:$0x2FB8] =	vst v0  }
0x223: {  	[tilespmem:$0x2FA8] =	vst v0  }
0x224: {  	[tilespmem:$0x2F98] =	vst v0  }
0x225: {  	[tilespmem:$0x2F88] =	vst v0  }
0x226: {  	[tilespmem:$0x2F78] =	vst v0  }
0x227: {  	[tilespmem:$0x2F68] =	vst v0  }
0x228: {  	[tilespmem:$0x2F58] =	vst v0  }
0x229: {  	[tilespmem:$0x2F48] =	vst v0  }
0x22a: {  	[tilespmem:$0x2F38] =	vst v0  }
0x22b: {  	[tilespmem:$0x2F28] =	vst v0  }
0x22c: {  	[tilespmem:$0x2F18] =	vst v0  }
0x22d: {  	[tilespmem:$0x2F08] =	vst v0  }
0x22e: {  	[tilespmem:$0x2EF8] =	vst v0  }
0x22f: {  	[tilespmem:$0x2EE8] =	vst v0  }
0x230: {  	[tilespmem:$0x2ED8] =	vst v0  }
0x231: {  	[tilespmem:$0x2EC8] =	vst v0  }
0x232: {  	[tilespmem:$0x2EB8] =	vst v0  }
0x233: {  	[tilespmem:$0x2EA8] =	vst v0  }
0x234: {  	[tilespmem:$0x2E98] =	vst v0  }
0x235: {  	[tilespmem:$0x2E88] =	vst v0  }
0x236: {  	[tilespmem:$0x2E78] =	vst v0  }
0x237: {  	[tilespmem:$0x2E68] =	vst v0  }
0x238: {  	[tilespmem:$0x2E58] =	vst v0  }
0x239: {  	[tilespmem:$0x2E48] =	vst v0  }
0x23a: {  	[tilespmem:$0x2E38] =	vst v0  }
0x23b: {  	[tilespmem:$0x2E28] =	vst v0  }
0x23c: {  	[tilespmem:$0x2E18] =	vst v0  }
0x23d: {  	[tilespmem:$0x2E08] =	vst v0  }
0x23e: {  	[tilespmem:$0x2DF8] =	vst v0  }
0x23f: {  	[tilespmem:$0x2DE8] =	vst v0  }
0x240: {  	[tilespmem:$0x2DD8] =	vst v0  }
0x241: {  	[tilespmem:$0x2DC8] =	vst v0  }
0x242: {  	[tilespmem:$0x2DB8] =	vst v0  }
0x243: {  	[tilespmem:$0x2DA8] =	vst v0  }
0x244: {  	[tilespmem:$0x2D98] =	vst v0  }
0x245: {  	[tilespmem:$0x2D88] =	vst v0  }
0x246: {  	[tilespmem:$0x2D78] =	vst v0  }
0x247: {  	[tilespmem:$0x2D68] =	vst v0  }
0x248: {  	[tilespmem:$0x2D58] =	vst v0  }
0x249: {  	[tilespmem:$0x2D48] =	vst v0  }
0x24a: {  	[tilespmem:$0x2D38] =	vst v0  }
0x24b: {  	[tilespmem:$0x2D28] =	vst v0  }
0x24c: {  	[tilespmem:$0x2D18] =	vst v0  }
0x24d: {  	[tilespmem:$0x2D08] =	vst v0  }
0x24e: {  	[tilespmem:$0x2CF8] =	vst v0  }
0x24f: {  	[tilespmem:$0x2CE8] =	vst v0  }
0x250: {  	[tilespmem:$0x2CD8] =	vst v0  }
0x251: {  	[tilespmem:$0x2CC8] =	vst v0  }
0x252: {  	[tilespmem:$0x2CB8] =	vst v0  }
0x253: {  	[tilespmem:$0x2CA8] =	vst v0  }
0x254: {  	[tilespmem:$0x2C98] =	vst v0  }
0x255: {  	[tilespmem:$0x2C88] =	vst v0  }
0x256: {  	[tilespmem:$0x2C78] =	vst v0  }
0x257: {  	[tilespmem:$0x2C68] =	vst v0  }
0x258: {  	[tilespmem:$0x2C58] =	vst v0  }
0x259: {  	[tilespmem:$0x2C48] =	vst v0  }
0x25a: {  	[tilespmem:$0x2C38] =	vst v0  }
0x25b: {  	[tilespmem:$0x2C28] =	vst v0  }
0x25c: {  	[tilespmem:$0x2C18] =	vst v0  }
0x25d: {  	[tilespmem:$0x2C08] =	vst v0  }
0x25e: {  	[tilespmem:$0x2BF8] =	vst v0  }
0x25f: {  	[tilespmem:$0x2BE8] =	vst v0  }
0x260: {  	[tilespmem:$0x2BD8] =	vst v0  }
0x261: {  	[tilespmem:$0x2BC8] =	vst v0  }
0x262: {  	[tilespmem:$0x2BB8] =	vst v0  }
0x263: {  	[tilespmem:$0x2BA8] =	vst v0  }
0x264: {  	[tilespmem:$0x2B98] =	vst v0  }
0x265: {  	[tilespmem:$0x2B88] =	vst v0  }
0x266: {  	[tilespmem:$0x2B78] =	vst v0  }
0x267: {  	[tilespmem:$0x2B68] =	vst v0  }
0x268: {  	[tilespmem:$0x2B58] =	vst v0  }
0x269: {  	[tilespmem:$0x2B48] =	vst v0  }
0x26a: {  	[tilespmem:$0x2B38] =	vst v0  }
0x26b: {  	[tilespmem:$0x2B28] =	vst v0  }
0x26c: {  	[tilespmem:$0x2B18] =	vst v0  }
0x26d: {  	[tilespmem:$0x2B08] =	vst v0  }
0x26e: {  	[tilespmem:$0x2AF8] =	vst v0  }
0x26f: {  	[tilespmem:$0x2AE8] =	vst v0  }
0x270: {  	[tilespmem:$0x2AD8] =	vst v0  }
0x271: {  	[tilespmem:$0x2AC8] =	vst v0  }
0x272: {  	[tilespmem:$0x2AB8] =	vst v0  }
0x273: {  	[tilespmem:$0x2AA8] =	vst v0  }
0x274: {  	[tilespmem:$0x2A98] =	vst v0  }
0x275: {  	[tilespmem:$0x2A88] =	vst v0  }
0x276: {  	[tilespmem:$0x2A78] =	vst v0  }
0x277: {  	[tilespmem:$0x2A68] =	vst v0  }
0x278: {  	[tilespmem:$0x2A58] =	vst v0  }
0x279: {  	[tilespmem:$0x2A48] =	vst v0  }
0x27a: {  	[tilespmem:$0x2A38] =	vst v0  }
0x27b: {  	[tilespmem:$0x2A28] =	vst v0  }
0x27c: {  	[tilespmem:$0x2A18] =	vst v0  }
0x27d: {  	[tilespmem:$0x2A08] =	vst v0  }
0x27e: {  	[tilespmem:$0x29F8] =	vst v0  }
0x27f: {  	[tilespmem:$0x29E8] =	vst v0  }
0x280: {  	[tilespmem:$0x29D8] =	vst v0  }
0x281: {  	[tilespmem:$0x29C8] =	vst v0  }
0x282: {  	[tilespmem:$0x29B8] =	vst v0  }
0x283: {  	[tilespmem:$0x29A8] =	vst v0  }
0x284: {  	[tilespmem:$0x2998] =	vst v0  }
0x285: {  	[tilespmem:$0x2988] =	vst v0  }
0x286: {  	[tilespmem:$0x2978] =	vst v0  }
0x287: {  	[tilespmem:$0x2968] =	vst v0  }
0x288: {  	[tilespmem:$0x2958] =	vst v0  }
0x289: {  	[tilespmem:$0x2948] =	vst v0  }
0x28a: {  	[tilespmem:$0x2938] =	vst v0  }
0x28b: {  	[tilespmem:$0x2928] =	vst v0  }
0x28c: {  	[tilespmem:$0x2918] =	vst v0  }
0x28d: {  	[tilespmem:$0x2908] =	vst v0  }
0x28e: {  	[tilespmem:$0x28F8] =	vst v0  }
0x28f: {  	[tilespmem:$0x28E8] =	vst v0  }
0x290: {  	[tilespmem:$0x28D8] =	vst v0  }
0x291: {  	[tilespmem:$0x28C8] =	vst v0  }
0x292: {  	[tilespmem:$0x28B8] =	vst v0  }
0x293: {  	[tilespmem:$0x28A8] =	vst v0  }
0x294: {  	[tilespmem:$0x2898] =	vst v0  }
0x295: {  	[tilespmem:$0x2888] =	vst v0  }
0x296: {  	[tilespmem:$0x2878] =	vst v0  }
0x297: {  	[tilespmem:$0x2868] =	vst v0  }
0x298: {  	[tilespmem:$0x2858] =	vst v0  }
0x299: {  	[tilespmem:$0x2848] =	vst v0  }
0x29a: {  	[tilespmem:$0x2838] =	vst v0  }
0x29b: {  	[tilespmem:$0x2828] =	vst v0  }
0x29c: {  	[tilespmem:$0x2818] =	vst v0  }
0x29d: {  	[tilespmem:$0x2808] =	vst v0  }
0x29e: {  	[tilespmem:$0x27F8] =	vst v0  }
0x29f: {  	[tilespmem:$0x27E8] =	vst v0  }
0x2a0: {  	[tilespmem:$0x27D8] =	vst v0  }
0x2a1: {  	[tilespmem:$0x27C8] =	vst v0  }
0x2a2: {  	[tilespmem:$0x27B8] =	vst v0  }
0x2a3: {  	[tilespmem:$0x27A8] =	vst v0  }
0x2a4: {  	[tilespmem:$0x2798] =	vst v0  }
0x2a5: {  	[tilespmem:$0x2788] =	vst v0  }
0x2a6: {  	[tilespmem:$0x2778] =	vst v0  }
0x2a7: {  	[tilespmem:$0x2768] =	vst v0  }
0x2a8: {  	[tilespmem:$0x2758] =	vst v0  }
0x2a9: {  	[tilespmem:$0x2748] =	vst v0  }
0x2aa: {  	[tilespmem:$0x2738] =	vst v0  }
0x2ab: {  	[tilespmem:$0x2728] =	vst v0  }
0x2ac: {  	[tilespmem:$0x2718] =	vst v0  }
0x2ad: {  	[tilespmem:$0x2708] =	vst v0  }
0x2ae: {  	[tilespmem:$0x26F8] =	vst v0  }
0x2af: {  	[tilespmem:$0x26E8] =	vst v0  }
0x2b0: {  	[tilespmem:$0x26D8] =	vst v0  }
0x2b1: {  	[tilespmem:$0x26C8] =	vst v0  }
0x2b2: {  	[tilespmem:$0x26B8] =	vst v0  }
0x2b3: {  	[tilespmem:$0x26A8] =	vst v0  }
0x2b4: {  	[tilespmem:$0x2698] =	vst v0  }
0x2b5: {  	[tilespmem:$0x2688] =	vst v0  }
0x2b6: {  	[tilespmem:$0x2678] =	vst v0  }
0x2b7: {  	[tilespmem:$0x2668] =	vst v0  }
0x2b8: {  	[tilespmem:$0x2658] =	vst v0  }
0x2b9: {  	[tilespmem:$0x2648] =	vst v0  }
0x2ba: {  	[tilespmem:$0x2638] =	vst v0  }
0x2bb: {  	[tilespmem:$0x2628] =	vst v0  }
0x2bc: {  	[tilespmem:$0x2618] =	vst v0  }
0x2bd: {  	[tilespmem:$0x2608] =	vst v0  }
0x2be: {  	[tilespmem:$0x25F8] =	vst v0  }
0x2bf: {  	[tilespmem:$0x25E8] =	vst v0  }
0x2c0: {  	[tilespmem:$0x25D8] =	vst v0  }
0x2c1: {  	[tilespmem:$0x25C8] =	vst v0  }
0x2c2: {  	[tilespmem:$0x25B8] =	vst v0  }
0x2c3: {  	[tilespmem:$0x25A8] =	vst v0  }
0x2c4: {  	[tilespmem:$0x2598] =	vst v0  }
0x2c5: {  	[tilespmem:$0x2588] =	vst v0  }
0x2c6: {  	[tilespmem:$0x2578] =	vst v0  }
0x2c7: {  	[tilespmem:$0x2568] =	vst v0  }
0x2c8: {  	[tilespmem:$0x2558] =	vst v0  }
0x2c9: {  	[tilespmem:$0x2548] =	vst v0  }
0x2ca: {  	[tilespmem:$0x2538] =	vst v0  }
0x2cb: {  	[tilespmem:$0x2528] =	vst v0  }
0x2cc: {  	[tilespmem:$0x2518] =	vst v0  }
0x2cd: {  	[tilespmem:$0x2508] =	vst v0  }
0x2ce: {  	[tilespmem:$0x24F8] =	vst v0  }
0x2cf: {  	[tilespmem:$0x24E8] =	vst v0  }
0x2d0: {  	[tilespmem:$0x24D8] =	vst v0  }
0x2d1: {  	[tilespmem:$0x24C8] =	vst v0  }
0x2d2: {  	[tilespmem:$0x24B8] =	vst v0  }
0x2d3: {  	[tilespmem:$0x24A8] =	vst v0  }
0x2d4: {  	[tilespmem:$0x2498] =	vst v0  }
0x2d5: {  	[tilespmem:$0x2488] =	vst v0  }
0x2d6: {  	[tilespmem:$0x2478] =	vst v0  }
0x2d7: {  	[tilespmem:$0x2468] =	vst v0  }
0x2d8: {  	[tilespmem:$0x2458] =	vst v0  }
0x2d9: {  	[tilespmem:$0x2448] =	vst v0  }
0x2da: {  	[tilespmem:$0x2438] =	vst v0  }
0x2db: {  	[tilespmem:$0x2428] =	vst v0  }
0x2dc: {  	[tilespmem:$0x2418] =	vst v0  }
0x2dd: {  	[tilespmem:$0x2408] =	vst v0  }
0x2de: {  	[tilespmem:$0x23F8] =	vst v0  }
0x2df: {  	[tilespmem:$0x23E8] =	vst v0  }
0x2e0: {  	[tilespmem:$0x23D8] =	vst v0  }
0x2e1: {  	[tilespmem:$0x23C8] =	vst v0  }
0x2e2: {  	[tilespmem:$0x23B8] =	vst v0  }
0x2e3: {  	[tilespmem:$0x23A8] =	vst v0  }
0x2e4: {  	[tilespmem:$0x2398] =	vst v0  }
0x2e5: {  	[tilespmem:$0x2388] =	vst v0  }
0x2e6: {  	[tilespmem:$0x2378] =	vst v0  }
0x2e7: {  	[tilespmem:$0x2368] =	vst v0  }
0x2e8: {  	[tilespmem:$0x2358] =	vst v0  }
0x2e9: {  	[tilespmem:$0x2348] =	vst v0  }
0x2ea: {  	[tilespmem:$0x2338] =	vst v0  }
0x2eb: {  	[tilespmem:$0x2328] =	vst v0  }
0x2ec: {  	[tilespmem:$0x2318] =	vst v0  }
0x2ed: {  	[tilespmem:$0x2308] =	vst v0  }
0x2ee: {  	[tilespmem:$0x22F8] =	vst v0  }
0x2ef: {  	[tilespmem:$0x22E8] =	vst v0  }
0x2f0: {  	[tilespmem:$0x22D8] =	vst v0  }
0x2f1: {  	[tilespmem:$0x22C8] =	vst v0  }
0x2f2: {  	[tilespmem:$0x22B8] =	vst v0  }
0x2f3: {  	[tilespmem:$0x22A8] =	vst v0  }
0x2f4: {  	[tilespmem:$0x2298] =	vst v0  }
0x2f5: {  	[tilespmem:$0x2288] =	vst v0  }
0x2f6: {  	[tilespmem:$0x2278] =	vst v0  }
0x2f7: {  	[tilespmem:$0x2268] =	vst v0  }
0x2f8: {  	s10 =	stileid.u32;
	[tilespmem:$0x2258] =	vst v0  }
0x2f9: {  	s0 =	sshll.u32 s10, $0x3;
	s1 =	smin.u32 s10, $0x3;
	[tilespmem:$0x2248] =	vst v0  }
0x2fa: {  	[tilespmem:$0x2238] =	vst v0;
	s0 =	sor.u32 s1, s0  }
0x2fb: {  	p0 =	slt.u32 s10, $0x3;
	[tilespmem:$0x2228] =	vst v0;
	s1 =	simm.s32 $0xD80;
	s8 =	smul.u32 $0x180, s0  }
0x2fc: {  	s1 =	simm.s32 @!p0 $0xC00;
	[tilespmem:$0x2218] =	vst v0  }
0x2fd: {  	[tilespmem:$0x2208] =	vst v0;
	s0 =	sadd.s32 s1, s8  }
0x2fe: {  	s4 =	simm.s32 $0x2;
	[tilespmem:$0x21E8] =	vst v0;
	s9 =	smin.u32 s0, $0xC350  }
0x2ff: {  	s31 =	simm.s32 $0x9;
	s5 =	simm.s32 $0xA;
	[tilespmem:$0x2188] =	vst v0;
	s0 =	ssub.s32 s9, s8  }
0x300: {  	s12 =	simm.s32 $0xB;
	s18 =	simm.s32 $0x0;
	[tilespmem:$0x21D8] =	vst v0;
	p0 =	sgt.s32 s0, $0x0  }
0x301: {  	p1 =	por $0x0, $0x0;
	s19 =	simm.s32 $0xC;
	[tilespmem:$0x21C8] =	vst v0;
	s0 =	simm.s32 @!p0 $0x0  }
0x302: {  	s23 =	simm.s32 $0x0;
	s20 =	simm.s32 $0x0;
	[tilespmem:$0x21B8] =	vst v0;
	s30 =	smul.u32 $0xAAAB, s0  }
0x303: {  	s22 =	simm.s32 $0x0;
	s2 =	sand.u32 $0x1, s2;
	s16 =	sshll.u32 s10, $0x6;
	[tilespmem:$0x21A8] =	vst v0  }
0x304: {  	s1 =	sshrl.u32 s30, $0x18;
	[tilespmem:$0x2198] =	vst v0;
	[dreg:$0x4] =	wrdreg s2;
	s2 =	smul.u32 $0x186A, s2  }
0x305: {  	[tilespmem:$0x2178] =	vst v0;
	[sflag:s4] =	ssyncpa.u1 $0x0;
	v0 =	vimm.s32 $0xFFFFFFFF;
	s4 =	sadd.s32 $0x18DE00, s7;
	s6 =	smul.u32 $0x180, s1  }
.Ltmp0:
0x306: {  	[tilespmem:$0x6088] =	vst v0;
	[sflag:s31] =	ssyncpa.u1 $0x0;
	s2 =	sadd.s32 s2, s7;
	(pc) =	sbr.rel .LBB2_1-.Ltmp0, $4  }
0x307: {  	[sflag:s5] =	ssyncpa.u1 $0x0;
	p0 =	sne.s32 s0, s6;
	s0 =	simm.s32 $0x1  }
0x308: {  	s7 =	sadd.s32 $0x7400, s7;
	[sflag:s12] =	ssyncpa.u1 $0x0;
	s0 =	simm.s32 @!p0 $0x0  }
0x309: {  	s14 =	sadd.s32 $0x4200, s2;
	s15 =	sadd.s32 $0x1000, s2;
	s13 =	sadd.s32 s1, s0  }
0x30a: {  	v0 =	vlaneseq.u32;
	s21 =	smov.u32 s8;
	p0 =	por $0x1, $0x1;
	s17 =	sadd.s32 $0x1, s13  }
.LBB2_22:
0x30b: {  	s0 =	sshrl.u32 s0, $0x2  }
.LBB2_24:
0x30c: {  	_ =	swait.ge [sflag:s19], s0  }
0x30d: {  	s30 =	ssub.s32 $0x0, s0;
	v1 =	vmov s25;
	vm0 =	veq.s32 v0, $0x0;
	[sflag:s19] =	ssyncset.done $0x0  }
0x30e: {  	vm15 =	veq.s32 v0, $0x2;
	v1 =	vsel vm0, s31, v1;
	[sflag:s19] =	ssyncadd.s32 s30  }
0x30f: {  	v1 =	vsel vm15, s23, v1;
	[sflag:s19] =	ssyncpa.u1 $0x1  }
0x310: {  	[tilespmem:$0x6088] =	vst v1  }
.LBB2_25:
0x311: {  	s0 =	sadd.s32 $0x180, s21  }
0x312: {  	s1 =	smov.u32 s8;
	p2 =	slt.s32 s0, s9  }
0x313: {  	s1 =	smov.u32 @p2 s0;
	p2 =	sne.s32 s22, s17  }
.Ltmp1:
0x314: {  	_ = 	snop;
	(pc) =	sbr.rel @!p2 .LBB2_26-.Ltmp1, $4  }
0x315: {  	_ = 	snop  }
0x316: {  	s23 =	smov.u32 s20  }
0x317: {  	s31 =	sadd.s32 $0x1, s22;
	s20 =	smov.u32 s21;
	p0 =	por !p0, !p0  }
0x318: {  	p1 =	por !p1, !p1;
	s22 =	smov.u32 s31;
	s21 =	smov.u32 s1  }
.LBB2_1:
0x319: {  	p2 =	sge.u32 s22, s13  }
0x31a: {  	s0 =	smulhi.u32 @!p2 $0xAAAAAAAB, s22  }
0x31b: {  	s1 =	smov.u32 s21;
	p3 =	sgt.s32 @!p2 s21, $0xC1D0  }
0x31c: {  	s2 =	sshra.s32 @!p2 s21, $0x1F;
	p3 =	por !p3, p2;
	s0 =	sshrl.u32 @!p2 s0, $0x1  }
0x31d: {  	s2 =	sand.u32 @!p2 s2, s21;
	s1 =	simm.s32 @p3 $0xC1D0;
	s0 =	smul.u32 @!p2 $0x3, s0  }
0x31e: {  	s1 =	ssub.s32 @!p2 s1, s2  }
0x31f: {  	s1 =	sadd.s32 @!p2 $0xFFFF3E30, s1;
	s0 =	ssub.s32 @!p2 s22, s0  }
0x320: {  	s2 =	sshll.u32 @!p2 s1, $0x2;
	p3 =	sgt.s32 @!p2 s1, $0x17F;
	s0 =	smul.u32 @!p2 $0x600, s0  }
0x321: {  	s5 =	sand.u32 @!p2 $0x7, s21;
	s1 =	ssub.s32 @!p2 $0x600, s2;
	p3 =	por !p3, p2  }
0x322: {  	s2 =	sshrl.u32 @!p2 s21, $0x3;
	s1 =	sshrl.u32 @!p2 s1, $0x2;
	s0 =	sshrl.u32 @!p2 s0, $0x2  }
0x323: {  	s2 =	sadd.s32 @!p2 s2, s14;
	s1 =	simm.s32 @!p3 $0x0;
	s0 =	sadd.s32 @!p2 $0x64C8, s0  }
0x324: {  	[tilespmem:s0], [sflag:$0xA] =	stream.linear.gather @!p2 [hbm4b:s2+s5], s1, $0x38;
	[tilespmem:$0x1EC48] =	vst v63  }
0x325: {  	s1 =	sadd.s32 $0xFFFFFFFF, s22  }
0x326: {  	p2 =	sge.u32 s1, s13  }
0x327: {  	p3 =	sgt.s32 @!p2 s20, $0xC1D0  }
0x328: {  	s0 =	smov.u32 s20;
	s2 =	sshra.s32 @!p2 s20, $0x1F;
	p3 =	por !p3, p2  }
0x329: {  	s2 =	sand.u32 @!p2 s2, s20;
	s0 =	simm.s32 @p3 $0xC1D0  }
0x32a: {  	s0 =	ssub.s32 @!p2 s0, s2  }
0x32b: {  	s0 =	sadd.s32 @!p2 $0xFFFF3E30, s0  }
0x32c: {  	s2 =	sshll.u32 @!p2 s0, $0x2  }
0x32d: {  	p3 =	sgt.s32 @!p2 s0, $0x17F;
	s0 =	ssub.s32 @!p2 $0x600, s2  }
0x32e: {  	p3 =	por !p3, p2;
	s0 =	sshrl.u32 @!p2 s0, $0x2  }
0x32f: {  	s5 =	simm.s32 @!p2 $0xA;
	s2 =	sand.u32 @!p2 $0x1, s1;
	s0 =	simm.s32 @!p3 $0x0  }
0x330: {  	s2 =	smul.u32 @!p2 $0x600, s2;
	_ =	swait.ge @!p2 [sflag:s5], s0  }
0x331: {  	s6 =	ssub.s32 @!p2 $0x0, s0;
	[sflag:s5] =	ssyncset.done @!p2 $0x0  }
0x332: {  	s2 =	sshrl.u32 @!p2 s2, $0x2;
	[sflag:s5] =	ssyncadd.s32 @!p2 s6;
	s5 =	sshrl.u32 @!p2 s20, $0x3  }
0x333: {  	s2 =	sadd.s32 @!p2 $0x6948, s2;
	s6 =	sand.u32 @!p2 $0x7, s20;
	s5 =	sadd.s32 @!p2 s5, s15  }
0x334: {  	[tilespmem:s2], [sflag:$0xB] =	stream.linear.gather @!p2 [hbm4b:s5+s6], s0, $0x38;
	[tilespmem:$0x1EC48] =	vst v63  }
0x335: {  	s0 =	ssub.s32 @!p2 $0xC350, s20  }
0x336: {  	p3 =	slt.s32 @!p2 s0, $0x1  }
0x337: {  	p3 =	por p2, p3  }
.Ltmp2:
0x338: {  	_ = 	snop;
	(pc) =	sbr.rel @p3 .LBB2_7-.Ltmp2, $1  }
0x339: {  	_ =	sdelay $0x3  }
0x33a: {  	s2 =	smulhi.u32 $0xAAAAAAAB, s1;
	_ =	sdelay $0x1  }
0x33b: {  	s2 =	sshrl.u32 s2, $0x1  }
0x33c: {  	s2 =	smul.u32 $0x3, s2;
	_ =	sdelay $0x1  }
0x33d: {  	s29 =	ssub.s32 s1, s2  }
0x33e: {  	s5 =	simm.s32 $0x1;
	s1 =	smul.u32 $0x600, s29  }
.Ltmp3:
0x33f: {  	s5 =	simm.s32 @!p0 $0x0;
	(pc) =	sbr.rel .LBB2_4-.Ltmp3, $4  }
0x340: {  	s30 =	smul.u32 $0x30000, s5  }
0x341: {  	p3 =	slt.s32 @!p2 s0, $0x180;
	s1 =	sshrl.u32 s1, $0x2  }
0x342: {  	p2 =	por !p3, p2;
	s2 =	sshrl.u32 s30, $0x2;
	s31 =	sadd.s32 $0x64C8, s1  }
0x343: {  	s24 =	simm.s32 $0x0;
	s0 =	simm.s32 @p2 $0x180;
	s1 =	sadd.s32 $0x6C48, s2;
	v1 =	vmov s31  }
.LBB2_3:
0x344: {  	p2 =	sge.s32 s24, s0  }
.Ltmp4:
0x345: {  	_ = 	snop;
	(pc) =	sbr.rel @p2 .LBB2_7-.Ltmp4, $2  }
0x346: {  	_ =	sdelay $0x2  }
0x347: {  	s1 =	sadd.s32 $0x800, s1  }
.LBB2_4:
0x348: {  	p2 =	sle.s32 s0, s24  }
.Ltmp5:
0x349: {  	_ = 	snop;
	(pc) =	sbr.rel @p2 .LBB2_3-.Ltmp5, $2  }
0x34a: {  	_ =	sdelay $0x2  }
0x34b: {  	s2 =	smov.u32 s24;
	s24 =	sadd.s32 $0x10, s24  }
0x34c: {  	s5 =	ssub.s32 s0, s2  }
0x34d: {  	p2 =	slt.s32 s5, $0x10  }
0x34e: {  	s5 =	simm.s32 @!p2 $0x10  }
0x34f: {  	v2 =	vmov s5  }
0x350: {  	vm0 =	vgt.s32 v2, v0;
	_ =	sdelay $0x5  }
0x351: {  	v2 =	vld.idx.msk [tilespmem:v1+s2+$0x0 ss:$0x1], vm0;
	_ =	sdelay $0x2  }
0x352: {  	s6 =	smov.u32 s0;
	p2 =	slt.s32 s24, s0  }
0x353: {  	s25 =	simm.s32 $0x0;
	s6 =	smov.u32 @p2 s24;
	s5 =	smov.u32 s1  }
.LBB2_6:
0x354: {  	(v2sf) =	vpush v2, s25;
	_ =	sdelay $0xc  }
0x355: {  	s25 =	sadd.s32 $0x1, s25  }
0x356: {  	s31 =	sadd.s32 s25, s2  }
0x357: {  	p2 =	slt.s32 s31, s6;
	s10 =	spop (v2sf)  }
.Ltmp6:
0x358: {  	s10 =	sshll.u32 s10, $0x4;
	(pc) =	sbr.rel @p2 .LBB2_6-.Ltmp6, $4  }
0x359: {  	s10 =	sand.u32 $0x1FFFFFF0, s10  }
0x35a: {  	s10 =	sadd.s32 s7, s10  }
0x35b: {  	[tilespmem:s5], [sflag:$0x9] =	stream.linear.gather [hbm4b:s10+s18], $0x20, $0x38;
	[tilespmem:$0x1EC48] =	vst v63  }
0x35c: {  	s5 =	sadd.s32 $0x80, s5  }
.Ltmp7:
0x35d: {  	_ = 	snop;
	(pc) =	sbr.rel .LBB2_3-.Ltmp7, $1  }
0x35e: {  	_ =	sdelay $0x3  }
.LBB2_7:
0x35f: {  	p2 =	slt.u32 s22, $0x2  }
.Ltmp8:
0x360: {  	_ = 	snop;
	(pc) =	sbr.rel @p2 .LBB2_25-.Ltmp8, $1  }
0x361: {  	_ =	sdelay $0x3  }
0x362: {  	p2 =	sgt.s32 s23, $0xC1D0  }
0x363: {  	s0 =	smov.u32 s23;
	s1 =	sshra.s32 s23, $0x1F;
	s2 =	ssub.s32 $0xC350, s23  }
0x364: {  	s0 =	simm.s32 @!p2 $0xC1D0;
	s1 =	sand.u32 s1, s23;
	p2 =	slt.s32 s2, $0x180  }
0x365: {  	s0 =	ssub.s32 s0, s1;
	s2 =	simm.s32 @!p2 $0x180  }
0x366: {  	s0 =	sadd.s32 $0xFFFF3E30, s0;
	s11 =	sshll.u32 s2, $0x5  }
0x367: {  	s26 =	simm.s32 $0x9;
	s24 =	sshll.u32 s0, $0x2;
	s1 =	sand.u32 $0x3FFFFFE0, s11  }
0x368: {  	p2 =	sgt.s32 s0, $0x17F;
	s25 =	ssub.s32 $0x600, s24;
	_ =	swait.ge [sflag:s26], s1  }
0x369: {  	s1 =	ssub.s32 $0x0, s1;
	[sflag:s26] =	ssyncset.done $0x0;
	s0 =	sshrl.u32 s25, $0x2  }
0x36a: {  	[sflag:s26] =	ssyncadd.s32 s1;
	s0 =	simm.s32 @p2 $0x0  }
0x36b: {  	_ =	swait.ge [sflag:s12], s0  }
0x36c: {  	s0 =	ssub.s32 $0x0, s0;
	[sflag:s12] =	ssyncset.done $0x0  }
0x36d: {  	[sflag:s12] =	ssyncadd.s32 s0  }
0x36e: {  	v1 =	vld [tilespmem:$0x6088];
	_ =	sdelay $0x4  }
0x36f: {  	(v2sf) =	vpush v1, $0x0  }
0x370: {  	(v2sf) =	vpush v1, $0x1  }
0x371: {  	(v2sf) =	vpush v1, $0x2;
	_ =	sdelay $0x3  }
0x372: {  	s0 =	sadd.s32 $0x180, s23  }
0x373: {  	s1 =	ssub.s32 $0x186A0, s23;
	p2 =	slt.s32 s9, s0  }
0x374: {  	s0 =	smov.u32 @p2 s9;
	p2 =	sgt.s32 s1, $0x0  }
0x375: {  	s28 =	ssub.s32 s0, s23;
	s1 =	simm.s32 @!p2 $0x0  }
0x376: {  	p2 =	slt.s32 s1, s28  }
0x377: {  	s28 =	smov.u32 @p2 s1  }
0x378: {  	s26 =	simm.s32 $0x1;
	p2 =	slt.s32 s28, $0x1  }
.Ltmp9:
0x379: {  	s26 =	simm.s32 @!p1 $0x0;
	(pc) =	sbr.rel @p2 .LBB2_12-.Ltmp9, $4  }
0x37a: {  	s30 =	smul.u32 $0x600, s26  }
0x37b: {  	s0 =	spop (v2sf)  }
0x37c: {  	s31 =	sshrl.u32 s30, $0x2;
	s29 =	spop (v2sf)  }
0x37d: {  	s24 =	sadd.s32 $0x6948, s31;
	s23 =	spop (v2sf)  }
0x37e: {  	s1 =	smin.u32 s28, $0x10  }
0x37f: {  	v1 =	vmov s1  }
0x380: {  	p3 =	sgt.s32 s28, $0x10;
	vm1 =	vgt.u32 v1, v0  }
.Ltmp10:
0x381: {  	_ = 	snop;
	(pc) =	sbr.rel @!p3 .LBB2_11-.Ltmp10, $2  }
0x382: {  	_ =	sdelay $0x2  }
0x383: {  	s2 =	simm.s32 $0x10;
	s25 =	sadd.s32 $0xFFFFFFF0, s28;
	s1 =	smov.u32 s24;
	vm0 =	vmmov vm1  }
.LBB2_10:
0x384: {  	s5 =	smin.u32 s25, $0x10;
	s2 =	sadd.s32 $0x10, s2;
	v1 =	vld.msk [tilespmem:s1+$0x0 ss:$0x1], vm1  }
0x385: {  	v2 =	vmov s5;
	p3 =	slt.s32 s2, s28  }
0x386: {  	vm1 =	vgt.u32 v2, v0  }
.Ltmp11:
0x387: {  	(pc) =	sbr.rel @p3 .LBB2_10-.Ltmp11, $3  }
0x388: {  	_ =	sdelay $0x1  }
0x389: {  	v1 =	vshll.u32 v1, $0x4  }
0x38a: {  	s25 =	sadd.s32 $0xFFFFFFF0, s25;
	[tilespmem:s1+$0x0] =	vst.msk vm0, v1;
	s1 =	sadd.s32 $0x10, s1;
	vm0 =	vmmov vm1  }
.LBB2_11:
0x38b: {  	_ =	sdelay $0x4  }
0x38c: {  	v1 =	vld.msk [tilespmem:s1+$0x0 ss:$0x1], vm1;
	_ =	sdelay $0x4  }
0x38d: {  	v1 =	vshll.u32 v1, $0x4  }
0x38e: {  	[tilespmem:s1+$0x0] =	vst.msk vm0, v1  }
.LBB2_12:
0x38f: {  	s1 =	sand.u32 $0x1, s22  }
0x390: {  	s2 =	smul.u32 $0x180, s1  }
0x391: {  	p3 =	sne.s32 s29, $0xFFFFFFFF  }
0x392: {  	v1 =	vld.msk @!p3 [tilespmem:s2+$0x6948], $0x1;
	_ =	sdelay $0x4  }
0x393: {  	(v2sf) =	vpush @!p3 v1, $0x0;
	_ =	sdelay $0x3  }
0x394: {  	s1 =	smul.u32 $0xC000, s1;
	_ =	sdelay $0x1  }
0x395: {  	v1 =	vld @!p3 [tilespmem:s1+$0x6C48];
	_ =	sdelay $0x4  }
0x396: {  	[tilespmem:$0x48] =	vst @!p3 v1  }
0x397: {  	v1 =	vld @!p3 [tilespmem:s1+$0x6C58]  }
.Ltmp12:
0x398: {  	_ = 	snop;
	(pc) =	sbr.rel @p2 .LBB2_23-.Ltmp12, $4  }
0x399: {  	_ = 	snop  }
0x39a: {  	s30 =	spop @!p3 (v2sf)  }
0x39b: {  	s23 =	simm.s32 @!p3 $0x0;
	s25 =	smov.u32 s30  }
0x39c: {  	[tilespmem:$0x58] =	vst @!p3 v1;
	[sflag:s19] =	ssyncpa.u1 $0x0;
	s30 =	smov.u32 @p3 s0;
	s25 =	smov.u32 @p3 s29  }
0x39d: {  	v1 =	vld.msk [tilespmem:s24+$0x0], $0x1;
	_ =	sdelay $0x4  }
0x39e: {  	(v2sf) =	vpush v1, $0x0;
	_ =	sdelay $0xe  }
0x39f: {  	s0 =	smul.u32 $0x30000, s26;
	s1 =	spop (v2sf)  }
0x3a0: {  	s28 =	ssub.s32 $0x0, s28;
	p2 =	seq.s32 s30, s1  }
0x3a1: {  	s5 =	smov.u32 s30;
	s0 =	sshrl.u32 s0, $0x2;
	p3 =	sgt.s32 @!p2 s30, $0x0  }
0x3a2: {  	s26 =	sadd.s32 $0x6C58, s0;
	s0 =	sadd.s32 $0x1, s28;
	p3 =	por !p3, p2  }
0x3a3: {  	s5 =	simm.s32 @p3 $0x0;
	p3 =	seq.s32 s0, $0x0  }
.Ltmp13:
0x3a4: {  	_ = 	snop;
	(pc) =	sbr.rel @p3 .LBB2_15-.Ltmp13, $4  }
0x3a5: {  	_ = 	snop  }
0x3a6: {  	s29 =	simm.s32 $0x0;
	s31 =	sadd.s32 $0x1, s24;
	s5 =	smin.u32 @!p2 s5, $0x3FC  }
0x3a7: {  	s2 =	simm.s32 @!p2 $0x1;
	s6 =	simm.s32 @!p2 $0x3068;
	s10 =	sand.u32 @!p2 $0x3F8, s5  }
0x3a8: {  	s2 =	smov.u32 @p2 s29;
	s5 =	sand.u32 @!p2 $0x7, s5;
	s10 =	sadd.s32 @!p2 s4, s10  }
.LBB2_14:
0x3a9: {  	s11 =	smov.u32 s2  }
0x3aa: {  	[tilespmem:s6], [sflag:$0x2] =	stream.linear.gather @!p2 [hbm4b:s10+s5], $0x20, $0x38;
	[tilespmem:$0x1EC48] =	vst v63  }
0x3ab: {  	s0 =	sadd.s32 $0x1, s0;
	s5 =	smov.u32 s1;
	v1 =	vld.msk [tilespmem:s31+$0x0], $0x1  }
0x3ac: {  	p3 =	seq.s32 s0, $0x0;
	_ =	sdelay $0x3  }
0x3ad: {  	(v2sf) =	vpush v1, $0x0;
	_ =	sdelay $0xe  }
0x3ae: {  	s1 =	spop (v2sf)  }
0x3af: {  	p2 =	seq.s32 s5, s1  }
0x3b0: {  	p4 =	sgt.s32 @!p2 s5, $0x0;
	s6 =	sshll.u32 @!p2 s2, $0x7;
	s2 =	sadd.s32 @!p2 $0x1, s2  }
.Ltmp14:
0x3b1: {  	p4 =	por !p4, p2;
	s6 =	sshra.s32 @!p2 s6, $0x2;
	(pc) =	sbr.rel @!p3 .LBB2_14-.Ltmp14, $4  }
0x3b2: {  	s2 =	smov.u32 @p2 s11;
	s5 =	simm.s32 @p4 $0x0;
	s6 =	sadd.s32 @!p2 $0x3068, s6  }
0x3b3: {  	s5 =	smin.u32 @!p2 s5, $0x3FC  }
0x3b4: {  	s10 =	sand.u32 @!p2 $0x3F8, s5;
	s5 =	sand.u32 @!p2 $0x7, s5  }
0x3b5: {  	s31 =	sadd.s32 $0x1, s31;
	s10 =	sadd.s32 @!p2 s4, s10  }
.LBB2_15:
0x3b6: {  	[tilespmem:s6], [sflag:$0x2] =	stream.linear.gather @!p2 [hbm4b:s10+s5], $0x20, $0x38;
	[tilespmem:$0x1EC48] =	vst v63  }
.Ltmp15:
0x3b7: {  	s0 =	sshll.u32 s2, $0x5;
	(pc) =	sbr.rel .LBB2_16-.Ltmp15, $4  }
0x3b8: {  	s1 =	simm.s32 $0x2;
	s0 =	sand.u32 $0x3FFFFFE0, s0  }
0x3b9: {  	_ =	swait.ge [sflag:s1], s0  }
0x3ba: {  	s0 =	ssub.s32 $0x0, s0;
	[sflag:s1] =	ssyncset.done $0x0  }
0x3bb: {  	[sflag:s1] =	ssyncadd.s32 s0;
	s0 =	simm.s32 $0x0  }
.LBB2_17:
0x3bc: {  	v1 =	vld [tilespmem:s26+$0xFFFFFFF0]  }
0x3bd: {  	v2 =	vld [tilespmem:s1+$0x48];
	_ =	sdelay $0x4  }
0x3be: {  	v1 =	vmax.f32 v1, v2  }
0x3bf: {  	v2 =	vld [tilespmem:s1+$0x58];
	[tilespmem:s1+$0x48] =	vst v1  }
0x3c0: {  	v1 =	vld [tilespmem:s26+$0x0];
	_ =	sdelay $0x4  }
0x3c1: {  	v1 =	vmax.f32 v1, v2  }
0x3c2: {  	[tilespmem:s1+$0x58] =	vst v1  }
.LBB2_21:
0x3c3: {  	s28 =	sadd.s32 $0x1, s28  }
0x3c4: {  	p2 =	seq.s32 s28, $0x0  }
.Ltmp16:
0x3c5: {  	_ = 	snop;
	(pc) =	sbr.rel @p2 .LBB2_22-.Ltmp16, $2  }
0x3c6: {  	_ =	sdelay $0x2  }
0x3c7: {  	s26 =	sadd.s32 $0x80, s26;
	s24 =	sadd.s32 $0x1, s24;
	s30 =	smov.u32 s31  }
.LBB2_16:
0x3c8: {  	v1 =	vld.msk [tilespmem:s24+$0x0], $0x1;
	_ =	sdelay $0x4  }
0x3c9: {  	(v2sf) =	vpush v1, $0x0;
	_ =	sdelay $0xe  }
0x3ca: {  	s31 =	spop (v2sf)  }
0x3cb: {  	p2 =	sne.s32 s30, s31  }
.Ltmp17:
0x3cc: {  	_ = 	snop;
	(pc) =	sbr.rel @!p2 .LBB2_17-.Ltmp17, $3  }
0x3cd: {  	_ =	sdelay $0x1  }
0x3ce: {  	s1 =	sshll.u32 s23, $0x7  }
0x3cf: {  	s1 =	sshra.s32 s1, $0x2  }
0x3d0: {  	p2 =	seq.s32 s30, s25  }
.Ltmp18:
0x3d1: {  	_ = 	snop;
	(pc) =	sbr.rel @!p2 .LBB2_19-.Ltmp18, $1  }
0x3d2: {  	_ =	sdelay $0x3  }
.Ltmp19:
0x3d3: {  	s1 =	sadd.s32 $0x48, s1;
	(pc) =	sbr.rel .LBB2_20-.Ltmp19, $4  }
0x3d4: {  	[spmem:s16] =	stream.linear.scatter [tilespmem:s1], [sflag:$0x1], $0x20, $0x38;
	[tilespmem:$0x1EC48] =	vst v63  }
0x3d5: {  	_ =	swait.ge [sflag:s3], $0x20  }
0x3d6: {  	[sflag:s3] =	ssyncset.done $0x0  }
0x3d7: {  	[sflag:s3] =	ssyncadd.s32 $0xFFFFFFE0  }
.LBB2_19:
0x3d8: {  	s2 =	sshll.u32 s29, $0x7  }
0x3d9: {  	v2 =	vld [tilespmem:s1+$0x48];
	s2 =	sshra.s32 s2, $0x2  }
0x3da: {  	v1 =	vld [tilespmem:s2+$0x3068];
	_ =	sdelay $0x4  }
0x3db: {  	v1 =	vmax.f32 v1, v2  }
0x3dc: {  	v2 =	vld [tilespmem:s1+$0x58];
	[tilespmem:s1+$0x48] =	vst v1  }
0x3dd: {  	v1 =	vld [tilespmem:s2+$0x3078];
	_ =	sdelay $0x3  }
0x3de: {  	p2 =	sgt.u32 s30, $0x3FC  }
0x3df: {  	s2 =	sand.u32 @!p2 $0x3F8, s30;
	v1 =	vmax.f32 v1, v2  }
0x3e0: {  	s5 =	sadd.s32 $0x48, s1;
	[tilespmem:s1+$0x58] =	vst v1;
	s1 =	sadd.s32 @!p2 s4, s2;
	s2 =	sand.u32 @!p2 $0x7, s30  }
0x3e1: {  	[hbm4b:s1+s2] =	stream.linear.scatter @!p2 [tilespmem:s5], [sflag:$0xC], $0x20, $0x38;
	[tilespmem:$0x1EC48] =	vst v63  }
0x3e2: {  	s1 =	simm.s32 $0x0  }
0x3e3: {  	s1 =	simm.s32 @!p2 $0x80  }
0x3e4: {  	s0 =	sadd.s32 s1, s0  }
.LBB2_20:
0x3e5: {  	s1 =	sadd.s32 $0x1, s23  }
0x3e6: {  	s2 =	smulhi.u32 $0xAAAAAAAB, s1;
	_ =	sdelay $0x1  }
0x3e7: {  	v1 =	vld [tilespmem:s26+$0xFFFFFFF0];
	s2 =	sshrl.u32 s2, $0x8  }
0x3e8: {  	s2 =	smul.u32 $0x180, s2;
	_ =	sdelay $0x1  }
0x3e9: {  	s23 =	ssub.s32 s1, s2  }
0x3ea: {  	s1 =	sshll.u32 s23, $0x5  }
0x3eb: {  	[tilespmem:s1+$0x48] =	vst v1  }
0x3ec: {  	v1 =	vld [tilespmem:s26+$0x0]  }
.Ltmp20:
0x3ed: {  	_ = 	snop;
	(pc) =	sbr.rel .LBB2_21-.Ltmp20, $2  }
0x3ee: {  	_ =	sdelay $0x2  }
0x3ef: {  	s29 =	sadd.s32 $0x1, s29;
	[tilespmem:s1+$0x58] =	vst v1  }
.LBB2_23:
.Ltmp21:
0x3f0: {  	(pc) =	sbr.rel .LBB2_24-.Ltmp21, $4  }
0x3f1: {  	_ = 	snop  }
0x3f2: {  	s0 =	simm.s32 $0x2  }
0x3f3: {  	_ =	swait.ge [sflag:s0], $0x0  }
0x3f4: {  	s31 =	smov.u32 s30;
	[sflag:s0] =	ssyncset.done $0x0;
	s0 =	simm.s32 $0x0  }
.LBB2_26:
0x3f5: {  	_ =	sfence.sel $0x180000  }
0x3f6: {  	s0 =	simm.s32 $0x9;
	[bflag:$0x0] =	sbarrier.arrive $0xFFFF  }
0x3f7: {  	s24 =	simm.s32 $0xA;
	[sflag:s0] =	ssyncpa.u1 $0x1  }
0x3f8: {  	s25 =	simm.s32 $0xB;
	[sflag:s24] =	ssyncpa.u1 $0x1  }
0x3f9: {  	s26 =	simm.s32 $0x2;
	[sflag:s25] =	ssyncpa.u1 $0x1  }
0x3fa: {  	[sflag:s26] =	ssyncpa.u1 $0x1  }
0x3fb: {  	v0 =	vld [tilespmem:$0x6088];
	_ =	sdelay $0x4  }
0x3fc: {  	(v2sf) =	vpush v0, $0x0  }
0x3fd: {  	(v2sf) =	vpush v0, $0x1;
	_ =	sdelay $0x1  }
0x3fe: {  	(v2sf) =	vpush v0, $0x2;
	_ =	sdelay $0xb  }
0x3ff: {  	s0 =	spop (v2sf)  }
0x400: {  	s1 =	spop (v2sf)  }
0x401: {  	s2 =	smov.u32 s0;
	p0 =	sne.s32 s0, s1  }
0x402: {  	s3 =	spop (v2sf);
	s2 =	simm.s32 @!p0 $0xFFFFFFFF  }
0x403: {  	v2 =	vimm.s32 $0x1;
	v3 =	vlaneseq.u32;
	p0 =	seq.s32 s3, $0xFFFFFFFF;
	v1 =	vmov s2  }
0x404: {  	s14 =	stileid.u32;
	v0 =	vperm.xlane v0, v2;
	p1 =	sne.s32 @!p0 s0, s1;
	v1 =	vperm.xlane v1, v3  }
0x405: {  	vm0 =	vcmask $0x3F04;
	s6 =	simm.s32 $0x6088;
	s0 =	simm.s32 @!p0 $0x1;
	p1 =	por !p1, p0  }
0x406: {  	s2 =	sshll.u32 s14, $0x1;
	s1 =	sshll.u32 @!p0 s3, $0x7;
	s0 =	simm.s32 @p1 $0x0;
	v0 =	vsel vm0, v1, v0  }
0x407: {  	s5 =	sor.u32 $0x400, s2;
	s1 =	sshra.s32 @!p0 s1, $0x2;
	s0 =	sor.u32 @!p0 s0, s2;
	[tilespmem:$0x6088] =	vst v0  }
0x408: {  	[spmem:s5] =	stream.linear.scatter [tilespmem:s6], [sflag:$0x1], $0x2, $0x38;
	[tilespmem:$0x1EC48] =	vst v63  }
0x409: {  	s1 =	sadd.s32 @!p0 $0x48, s1;
	s0 =	sshll.u32 @!p0 s0, $0x5  }
0x40a: {  	[spmem:s0] =	stream.linear.scatter @!p0 [tilespmem:s1], [sflag:$0x1], $0x20, $0x38;
	[tilespmem:$0x1EC48] =	vst v63  }
0x40b: {  	s0 =	simm.s32 @!p0 $0x22  }
0x40c: {  	s28 =	simm.s32 $0x1;
	s0 =	simm.s32 @p0 $0x2  }
0x40d: {  	_ =	swait.ge [sflag:s28], s0  }
0x40e: {  	s0 =	ssub.s32 $0x0, s0;
	[sflag:s28] =	ssyncset.done $0x0  }
0x40f: {  	p0 =	sne.s32 s14, $0x0;
	[sflag:s28] =	ssyncadd.s32 s0  }
.Ltmp22:
0x410: {  	_ =	sfence.stream.spmem;
	(pc) =	sbr.rel @p0 .LBB2_43-.Ltmp22, $4  }
0x411: {  	s29 =	simm.s32 $0x3;
	[bflag:$0x0] =	sbarrier.arrive $0xFFFF  }
0x412: {  	s30 =	simm.s32 $0x4;
	[sflag:s29] =	ssyncpa.u1 $0x1  }
0x413: {  	s31 =	simm.s32 $0x3C;
	[sflag:s30] =	ssyncpa.u1 $0x1  }
0x414: {  	s15 =	rddreg [dreg:$0x4];
	[sflag:s31] =	ssyncpa.u1 $0x1  }
0x415: {  	_ =	sfence.stream.spmem;
	s0 =	simm.s32 $0x5  }
0x416: {  	s1 =	simm.s32 $0x400;
	s2 =	simm.s32 $0x6098;
	[sflag:s0] =	ssyncpa.u1 $0x0  }
0x417: {  	[tilespmem:s2], [sflag:$0x5] =	stream.linear.gather [spmem:s1], $0x20, $0x38;
	[tilespmem:$0x1EC48] =	vst v63  }
0x418: {  	s26 =	simm.s32 $0x0;
	s28 =	simm.s32 $0x60B8  }
0x419: {  	[tilespmem:s28], [sflag:$0x5] =	stream.linear.gather [spmem:s26], $0x400, $0x38;
	[tilespmem:$0x1EC48] =	vst v63  }
0x41a: {  	_ =	swait.ge [sflag:s0], $0x420  }
0x41b: {  	[sflag:s0] =	ssyncset.done $0x0  }
0x41c: {  	s29 =	simm.s32 $0x0;
	[sflag:s0] =	ssyncadd.s32 $0xFFFFFBE0  }
0x41d: {  	v0 =	vld.msk [tilespmem:s29+$0x6098], $0x1;
	_ =	sdelay $0x1  }
0x41e: {  	s30 =	simm.s32 $0x1  }
0x41f: {  	v1 =	vld.msk [tilespmem:s30+$0x6098], $0x1;
	_ =	sdelay $0x1  }
0x420: {  	(v2sf) =	vpush v0, $0x0;
	_ =	sdelay $0x2  }
0x421: {  	(v2sf) =	vpush v1, $0x0;
	_ =	sdelay $0x2  }
0x422: {  	s31 =	simm.s32 $0x2  }
0x423: {  	v0 =	vld.msk [tilespmem:s31+$0x6098], $0x1;
	_ =	sdelay $0x2  }
0x424: {  	s1 =	simm.s32 $0xFFFFFFFF;
	s2 =	simm.s32 $0xFFFFFFFF;
	s0 =	simm.s32 $0xC  }
.LBB2_28:
0x425: {  	s3 =	smov.u32 s2;
	s5 =	smov.u32 s1  }
0x426: {  	s1 =	sshra.s32 s0, $0x2;
	p1 =	sne.s32 s0, $0x7C;
	s0 =	sadd.s32 $0x4, s0;
	(v2sf) =	vpush v0, $0x0  }
0x427: {  	v0 =	vld.msk [tilespmem:s1+$0x6098], $0x1  }
.Ltmp23:
0x428: {  	(pc) =	sbr.rel @p1 .LBB2_28-.Ltmp23, $4  }
0x429: {  	s2 =	spop (v2sf)  }
0x42a: {  	p2 =	sne.s32 s5, $0xFFFFFFFF;
	s1 =	smov.u32 s2  }
0x42b: {  	p3 =	seq.s32 s2, $0xFFFFFFFF;
	s1 =	smov.u32 @p2 s5  }
0x42c: {  	s2 =	smov.u32 @p3 s3;
	s1 =	smov.u32 @p3 s5  }
0x42d: {  	(v2sf) =	vpush v0, $0x0;
	_ =	sdelay $0x8  }
0x42e: {  	s0 =	spop (v2sf)  }
0x42f: {  	p1 =	sne.s32 s1, $0xFFFFFFFF;
	s3 =	smov.u32 s0  }
0x430: {  	s9 =	simm.s32 $0x6;
	p2 =	seq.s32 s0, $0xFFFFFFFF;
	s3 =	smov.u32 @p1 s1  }
0x431: {  	s10 =	simm.s32 $0x6068;
	s3 =	smov.u32 @p2 s1;
	s1 =	spop (v2sf)  }
0x432: {  	s0 =	smov.u32 @p2 s2;
	p1 =	sne.s32 s3, $0xFFFFFFFF;
	s5 =	smov.u32 s1  }
.Ltmp24:
0x433: {  	p2 =	seq.s32 s1, $0xFFFFFFFF;
	s5 =	smov.u32 @p1 s3;
	(pc) =	sbr.rel .LBB2_30-.Ltmp24, $4  }
0x434: {  	s11 =	simm.s32 $0x0;
	s5 =	smov.u32 @p2 s3;
	s7 =	spop (v2sf)  }
0x435: {  	[sflag:s9] =	ssyncpa.u1 $0x0;
	p1 =	sne.s32 s5, $0xFFFFFFFF;
	s8 =	smov.u32 s7  }
0x436: {  	s1 =	smov.u32 @p2 s0;
	p2 =	seq.s32 s7, $0xFFFFFFFF;
	s8 =	smov.u32 @p1 s5  }
0x437: {  	s3 =	simm.s32 $0x0;
	s7 =	smov.u32 @p2 s1;
	s8 =	smov.u32 @p2 s5  }
.LBB2_36:
0x438: {  	p1 =	sgt.u32 s12, $0x3FC  }
0x439: {  	p2 =	seq.s32 @!p1 s12, s8  }
0x43a: {  	p1 =	por p1, p2  }
0x43b: {  	p2 =	sne.s32 @!p1 s12, s7  }
0x43c: {  	p1 =	por p1, !p2  }
0x43d: {  	s0 =	sshll.u32 @p1 s11, $0x7  }
0x43e: {  	s0 =	sand.u32 @!p1 $0x3F8, s12  }
0x43f: {  	s1 =	sand.u32 @!p1 $0x7, s12;
	s0 =	sadd.s32 @!p1 s4, s0  }
0x440: {  	[tilespmem:s10], [sflag:$0x6] =	stream.linear.gather @!p1 [hbm4b:s0+s1], $0x20, $0x38;
	[tilespmem:$0x1EC48] =	vst v63  }
0x441: {  	_ =	swait.ge @!p1 [sflag:s9], $0x20  }
0x442: {  	[sflag:s9] =	ssyncset.done @!p1 $0x0  }
0x443: {  	s0 =	sshll.u32 @!p1 s11, $0x7;
	[sflag:s9] =	ssyncadd.s32 @!p1 $0xFFFFFFE0  }
0x444: {  	s1 =	sshrl.u32 @!p1 s0, $0x2;
	v1 =	vld @!p1 [tilespmem:$0x6068]  }
0x445: {  	v2 =	vld @!p1 [tilespmem:s1+$0x60B8];
	_ =	sdelay $0x4  }
0x446: {  	v1 =	vmax.f32 @!p1 v1, v2  }
0x447: {  	v2 =	vld @!p1 [tilespmem:s1+$0x60C8];
	[tilespmem:s1+$0x60B8] =	vst @!p1 v1  }
0x448: {  	v1 =	vld @!p1 [tilespmem:$0x6078];
	_ =	sdelay $0x4  }
0x449: {  	v1 =	vmax.f32 @!p1 v1, v2  }
0x44a: {  	[tilespmem:s1+$0x60C8] =	vst @!p1 v1  }
0x44b: {  	s0 =	sshrl.u32 s0, $0x2;
	[tilespmem:s3+$0x6098] =	vst.msk $0x1, v0  }
0x44c: {  	v0 =	vld [tilespmem:s0+$0x60B8];
	_ =	sdelay $0x2  }
0x44d: {  	s31 =	sshll.u32 s3, $0x7  }
0x44e: {  	s1 =	sshra.s32 s31, $0x2  }
0x44f: {  	[tilespmem:s1+$0x60B8] =	vst v0  }
0x450: {  	v0 =	vld [tilespmem:s0+$0x60C8];
	_ =	sdelay $0x4  }
0x451: {  	s3 =	sadd.s32 $0x1, s3;
	[tilespmem:s1+$0x60C8] =	vst v0  }
.LBB2_37:
0x452: {  	s11 =	sadd.s32 $0x1, s11  }
0x453: {  	p1 =	sne.s32 s11, $0x20  }
.Ltmp25:
0x454: {  	_ = 	snop;
	(pc) =	sbr.rel @!p1 .LBB2_38-.Ltmp25, $1  }
0x455: {  	_ =	sdelay $0x3  }
.LBB2_30:
0x456: {  	v0 =	vld.msk [tilespmem:s11+$0x6098], $0x1;
	_ =	sdelay $0x4  }
0x457: {  	(v2sf) =	vpush v0, $0x0;
	_ =	sdelay $0xe  }
0x458: {  	s12 =	spop (v2sf)  }
0x459: {  	p1 =	seq.s32 s12, $0xFFFFFFFF  }
.Ltmp26:
0x45a: {  	_ = 	snop;
	(pc) =	sbr.rel @p1 .LBB2_37-.Ltmp26, $1  }
0x45b: {  	_ =	sdelay $0x3  }
0x45c: {  	p1 =	slt.s32 s3, $0x1  }
.Ltmp27:
0x45d: {  	_ = 	snop;
	(pc) =	sbr.rel @p1 .LBB2_36-.Ltmp27, $1  }
0x45e: {  	_ =	sdelay $0x3  }
0x45f: {  	s0 =	simm.s32 $0x6098;
	p1 =	por $0x0, $0x0  }
0x460: {  	v1 =	vld.msk @!p1 [tilespmem:s0+$0x0], $0x1;
	_ =	sdelay $0x4  }
0x461: {  	(v2sf) =	vpush @!p1 v1, $0x0;
	_ =	sdelay $0xd  }
0x462: {  	p3 =	sne.s32 s3, $0x1  }
.Ltmp28:
0x463: {  	s1 =	spop @!p1 (v2sf);
	(pc) =	sbr.rel @!p3 .LBB2_34-.Ltmp28, $4  }
0x464: {  	p2 =	seq.s32 @!p1 s12, s1  }
0x465: {  	s13 =	simm.s32 $0x0;
	p2 =	por !p2, p1  }
0x466: {  	s2 =	simm.s32 $0xFFFFFFFF;
	s13 =	simm.s32 @p2 $0xFFFFFFFF  }
0x467: {  	s1 =	simm.s32 $0x1;
	s13 =	smov.u32 @p1 s2  }
.LBB2_33:
0x468: {  	s2 =	smov.u32 s13;
	p1 =	sne.s32 s13, $0xFFFFFFFF  }
0x469: {  	s0 =	sadd.s32 $0x1, s0;
	s13 =	smov.u32 s1;
	s1 =	sadd.s32 $0x1, s1  }
0x46a: {  	p2 =	sne.s32 s3, s1;
	v1 =	vld.msk @!p1 [tilespmem:s0+$0x0], $0x1;
	_ =	sdelay $0x4  }
0x46b: {  	(v2sf) =	vpush @!p1 v1, $0x0;
	_ =	sdelay $0xe  }
.Ltmp29:
0x46c: {  	s5 =	spop @!p1 (v2sf);
	(pc) =	sbr.rel @p2 .LBB2_33-.Ltmp29, $4  }
0x46d: {  	p3 =	seq.s32 @!p1 s12, s5  }
0x46e: {  	p3 =	por !p3, p1  }
0x46f: {  	s13 =	simm.s32 @p3 $0xFFFFFFFF  }
0x470: {  	s13 =	smov.u32 @p1 s2  }
.LBB2_34:
0x471: {  	p1 =	seq.s32 s13, $0xFFFFFFFF  }
.Ltmp30:
0x472: {  	_ = 	snop;
	(pc) =	sbr.rel @p1 .LBB2_36-.Ltmp30, $1  }
0x473: {  	_ =	sdelay $0x3  }
0x474: {  	s0 =	sshll.u32 s11, $0x5  }
0x475: {  	s1 =	sshll.u32 s13, $0x7;
	s0 =	sand.u32 $0x3FFFFFE0, s0  }
0x476: {  	s1 =	sshra.s32 s1, $0x2;
	v0 =	vld [tilespmem:s0+$0x60B8]  }
0x477: {  	v1 =	vld [tilespmem:s1+$0x60B8];
	_ =	sdelay $0x4  }
0x478: {  	v0 =	vmax.f32 v0, v1  }
0x479: {  	v63 =	vld [tilespmem:s1+$0x60C8];
	[tilespmem:s1+$0x60B8] =	vst v0  }
0x47a: {  	v0 =	vld [tilespmem:s0+$0x60C8];
	_ =	sdelay $0x1  }
.Ltmp31:
0x47b: {  	_ = 	snop;
	(pc) =	sbr.rel .LBB2_37-.Ltmp31, $3  }
0x47c: {  	_ =	sdelay $0x1  }
0x47d: {  	v0 =	vmax.f32 v0, v63  }
0x47e: {  	[tilespmem:s1+$0x60C8] =	vst v0  }
.LBB2_38:
0x47f: {  	s0 =	simm.s32 $0x6;
	p1 =	seq.s32 s3, $0x0  }
0x480: {  	[sflag:s0] =	ssyncpa.u1 $0x1;
	v0 =	vimm.s32 @p1 $0xFFFFFFFF  }
0x481: {  	s0 =	sadd.s32 $0xFFFFFFFF, s3;
	[tilespmem:$0x64B8] =	vst @p1 v0  }
0x482: {  	v0 =	vld.msk @!p1 [tilespmem:s0+$0x6098], $0x1;
	_ =	sdelay $0x1  }
0x483: {  	v1 =	vld.msk @!p1 [tilespmem:$0x6098], $0x1;
	_ =	sdelay $0x2  }
0x484: {  	p2 =	seq.s32 @!p1 s0, $0x0;
	v0 =	vbroadcast @!p1 v0, $0x0  }
0x485: {  	vm0 =	vmmov @!p1 $0x1;
	p2 =	por !p2, p1  }
0x486: {  	v1 =	vnsel @!p1 vm0, $0xFFFFFFFF, v1;
	vm0 =	vcmask @!p1 $0x308;
	v0 =	vpsel !p2, $0xFFFFFFFF, v0  }
0x487: {  	p2 =	sne.s32 @!p1 s8, s7;
	v0 =	vsel @!p1 vm0, v1, v0  }
0x488: {  	s1 =	simm.s32 @!p1 $0x60B8;
	s2 =	simm.s32 @!p1 $0x0;
	p3 =	por !p2, p1;
	[tilespmem:$0x64B8] =	vst @!p1 v0  }
0x489: {  	[spmem:s2] =	stream.linear.scatter @!p1 [tilespmem:s1], [sflag:$0x1], $0x20, $0x38;
	[tilespmem:$0x1EC48] =	vst v63  }
0x48a: {  	s1 =	sshll.u32 @!p3 s0, $0x7  }
0x48b: {  	s1 =	sshra.s32 @!p3 s1, $0x2  }
0x48c: {  	s2 =	simm.s32 @!p3 $0x20;
	s1 =	sadd.s32 @!p3 $0x60B8, s1  }
0x48d: {  	[spmem:s2] =	stream.linear.scatter @!p3 [tilespmem:s1], [sflag:$0x1], $0x20, $0x38;
	[tilespmem:$0x1EC48] =	vst v63  }
0x48e: {  	s1 =	simm.s32 @!p3 $0x1  }
0x48f: {  	_ =	swait.ge @!p3 [sflag:s1], $0x40  }
0x490: {  	p1 =	por p2, p1;
	[sflag:s1] =	ssyncset.done @!p3 $0x0  }
0x491: {  	[sflag:s1] =	ssyncadd.s32 @!p3 $0xFFFFFFC0;
	s1 =	simm.s32 @!p1 $0x1  }
0x492: {  	_ =	swait.ge @!p1 [sflag:s1], $0x20  }
0x493: {  	s29 =	simm.s32 $0x64B8;
	[sflag:s1] =	ssyncset.done @!p1 $0x0  }
0x494: {  	s30 =	simm.s32 $0x400;
	s31 =	simm.s32 $0x1;
	[sflag:s1] =	ssyncadd.s32 @!p1 $0xFFFFFFE0  }
0x495: {  	[spmem:s30] =	stream.linear.scatter [tilespmem:s29], [sflag:$0x1], $0x10, $0x38;
	[tilespmem:$0x1EC48] =	vst v63  }
0x496: {  	_ =	swait.ge [sflag:s31], $0x10  }
0x497: {  	[sflag:s31] =	ssyncset.done $0x0  }
0x498: {  	p1 =	seq.s32 s15, $0x0;
	s9 =	rddreg [dreg:$0x1];
	[sflag:s31] =	ssyncadd.s32 $0xFFFFFFF0  }
0x499: {  	s2 =	sshll.u32 @p1 s9, $0xE;
	s8 =	rddreg [dreg:$0x2]  }
0x49a: {  	s1 =	sadd.s32 @p1 $0x15C3C, s2;
	s2 =	sshll.u32 @p1 s8, $0x11  }
0x49b: {  	_ =	sfence.stream.spmem;
	s1 =	sor.u32 @p1 s2, s1  }
0x49c: {  	[sflag:s1] =	ssyncadd.remote.s32 @p1 $0x1;
	s1 =	simm.s32 @p1 $0x4  }
0x49d: {  	s5 =	simm.s32 @!p1 $0x3C;
	s2 =	sand.u32 $0xFFFFFFFE, s9;
	_ =	swait.ge @p1 [sflag:s1], $0xA  }
0x49e: {  	s6 =	simm.s32 @!p1 $0x0;
	s2 =	sadd.s32 @!p1 $0x4, s2;
	[sflag:s1] =	ssyncset.done @p1 $0x0  }
0x49f: {  	s7 =	simm.s32 @!p1 $0x40;
	[sflag:s1] =	ssyncadd.s32 @p1 $0xFFFFFFF6;
	s1 =	sshll.u32 @!p1 s2, $0x1A  }
0x4a0: {  	s2 =	sshll.u32 @!p1 s2, $0xD;
	s1 =	sor.u32 @!p1 s1, s8;
	_ =	swait.eq @!p1 [sflag:s5], $0x1  }
0x4a1: {  	s2 =	sor.u32 @!p1 $0x1C04, s2;
	s5 =	simm.s32 @!p1 $0x1C03;
	s1 =	sor.u32 @!p1 $0x80004000, s1  }
0x4a2: {  	[spmem:s7], [sflag:s2] =	dma.general @!p1 [spmem:s6], [sflag:s5], length:$0x8, [dreg:$0x0], stride_count:$0x0, ici_dest:s1, dma_misc:DstOpCode:WRITE  }
0x4a3: {  	p2 =	slt.s32 s0, $0x2;
	s6 =	simm.s32 @!p1 $0x80;
	s7 =	simm.s32 @!p1 $0x82  }
0x4a4: {  	[spmem:s7], [sflag:s2] =	dma.general @!p1 [spmem:s6], [sflag:s5], length:$0x2, [dreg:$0x0], stride_count:$0x0, ici_dest:s1, dma_misc:DstOpCode:WRITE  }
.Ltmp32:
0x4a5: {  	s1 =	simm.s32 @!p1 $0x3;
	(pc) =	sbr.rel @p2 .LBB2_42-.Ltmp32, $4  }
0x4a6: {  	s2 =	sshll.u32 @!p1 s9, $0xE;
	_ =	swait.ge @!p1 [sflag:s1], $0xA  }
0x4a7: {  	s5 =	sshll.u32 @!p1 s8, $0x11;
	s2 =	sadd.s32 @!p1 $0x11C3C, s2;
	[sflag:s1] =	ssyncset.done @!p1 $0x0  }
0x4a8: {  	[sflag:s1] =	ssyncadd.s32 @!p1 $0xFFFFFFF6;
	s1 =	sor.u32 @!p1 s5, s2  }
0x4a9: {  	s0 =	simm.s32 $0x0;
	[sflag:s1] =	ssyncadd.remote.s32 @!p1 $0xFFFFFFFF  }
0x4aa: {  	s0 =	simm.s32 $0x6099  }
0x4ab: {  	v0 =	vld.msk [tilespmem:s0+$0x0], $0x1;
	_ =	sdelay $0x4  }
0x4ac: {  	(v2sf) =	vpush v0, $0x0;
	_ =	sdelay $0xc  }
0x4ad: {  	s1 =	sadd.s32 $0xFFFFFFFE, s3  }
0x4ae: {  	s1 =	sadd.s32 $0xFFFFFFFF, s1  }
0x4af: {  	p2 =	sne.s32 s1, $0x0;
	s2 =	spop (v2sf)  }
.Ltmp33:
0x4b0: {  	p1 =	sgt.u32 s2, $0x3FC;
	(pc) =	sbr.rel @!p2 .LBB2_41-.Ltmp33, $4  }
0x4b1: {  	s6 =	simm.s32 $0x0;
	s3 =	sand.u32 @!p1 $0x3F8, s2  }
0x4b2: {  	s0 =	simm.s32 $0x60D8;
	s2 =	sand.u32 @!p1 $0x7, s2;
	s3 =	sadd.s32 @!p1 s4, s3  }
0x4b3: {  	[hbm4b:s3+s2] =	stream.linear.scatter @!p1 [tilespmem:s0], [sflag:$0x5], $0x20, $0x38;
	[tilespmem:$0x1EC48] =	vst v63  }
0x4b4: {  	s6 =	simm.s32 @!p1 $0x80;
	s2 =	simm.s32 $0x0;
	s3 =	simm.s32 $0x609A  }
.LBB2_40:
0x4b5: {  	v0 =	vld.msk [tilespmem:s3+$0x0], $0x1;
	s1 =	sadd.s32 $0xFFFFFFFF, s1;
	s2 =	sadd.s32 s2, s6  }
0x4b6: {  	p1 =	sne.s32 s1, $0x0;
	_ =	sdelay $0x3  }
0x4b7: {  	(v2sf) =	vpush v0, $0x0;
	_ =	sdelay $0xe  }
.Ltmp34:
0x4b8: {  	s5 =	spop (v2sf);
	(pc) =	sbr.rel @p1 .LBB2_40-.Ltmp34, $4  }
0x4b9: {  	s6 =	simm.s32 $0x0;
	p2 =	sgt.u32 s5, $0x3FC  }
0x4ba: {  	s0 =	sadd.s32 $0x20, s0;
	s6 =	simm.s32 @!p2 $0x80;
	s7 =	sand.u32 @!p2 $0x3F8, s5  }
0x4bb: {  	s3 =	sadd.s32 $0x1, s3;
	s5 =	sand.u32 @!p2 $0x7, s5;
	s7 =	sadd.s32 @!p2 s4, s7  }
0x4bc: {  	[hbm4b:s7+s5] =	stream.linear.scatter @!p2 [tilespmem:s0], [sflag:$0x5], $0x20, $0x38;
	[tilespmem:$0x1EC48] =	vst v63  }
.LBB2_41:
0x4bd: {  	s0 =	sadd.s32 s2, s6  }
0x4be: {  	s0 =	sshrl.u32 s0, $0x2  }
.LBB2_42:
0x4bf: {  	s1 =	simm.s32 $0x5  }
0x4c0: {  	_ =	swait.ge [sflag:s1], s0  }
0x4c1: {  	s31 =	ssub.s32 $0x0, s0;
	[sflag:s1] =	ssyncset.done $0x0  }
0x4c2: {  	[sflag:s1] =	ssyncadd.s32 s31  }
0x4c3: {  	[sflag:s1] =	ssyncpa.u1 $0x1  }
.LBB2_43:
0x4c4: {  	s0 =	sor.u32 s15, s14  }
0x4c5: {  	p1 =	sne.s32 s0, $0x0  }
.Ltmp35:
0x4c6: {  	_ = 	snop;
	(pc) =	sbr.rel @p1 .LBB2_58-.Ltmp35, $3  }
0x4c7: {  	_ =	sdelay $0x1  }
0x4c8: {  	[bflag:$0x0] =	sbarrier.arrive $0xFFFF  }
0x4c9: {  	_ =	sfence  }
0x4ca: {  	s0 =	simm.s32 $0x7  }
0x4cb: {  	s1 =	simm.s32 $0x400;
	s2 =	simm.s32 $0x6098;
	[sflag:s0] =	ssyncpa.u1 $0x0  }
0x4cc: {  	[tilespmem:s2], [sflag:$0x7] =	stream.linear.gather [spmem:s1], $0x20, $0x38;
	[tilespmem:$0x1EC48] =	vst v63  }
0x4cd: {  	s30 =	simm.s32 $0x60B8;
	s1 =	simm.s32 $0x0  }
0x4ce: {  	[tilespmem:s30], [sflag:$0x7] =	stream.linear.gather [spmem:s1], $0x400, $0x38;
	[tilespmem:$0x1EC48] =	vst v63  }
.Ltmp36:
0x4cf: {  	_ = 	snop;
	(pc) =	sbr.rel .LBB2_45-.Ltmp36, $4  }
0x4d0: {  	_ =	swait.ge [sflag:s0], $0x420  }
0x4d1: {  	[sflag:s0] =	ssyncset.done $0x0  }
0x4d2: {  	s31 =	simm.s32 $0x8;
	[sflag:s0] =	ssyncadd.s32 $0xFFFFFBE0  }
0x4d3: {  	s2 =	simm.s32 $0x0;
	[sflag:s31] =	ssyncpa.u1 $0x0  }
.LBB2_51:
0x4d4: {  	p1 =	slt.u32 s0, $0x3FD  }
0x4d5: {  	s3 =	sand.u32 @p1 $0x3F8, s0  }
0x4d6: {  	s0 =	sand.u32 @p1 $0x7, s0;
	s5 =	simm.s32 @p1 $0x6068;
	s3 =	sadd.s32 @p1 s4, s3  }
0x4d7: {  	[tilespmem:s5], [sflag:$0x8] =	stream.linear.gather @p1 [hbm4b:s3+s0], $0x20, $0x38;
	[tilespmem:$0x1EC48] =	vst v63  }
0x4d8: {  	s0 =	simm.s32 @p1 $0x8  }
0x4d9: {  	_ =	swait.ge @p1 [sflag:s0], $0x20  }
0x4da: {  	[sflag:s0] =	ssyncset.done @p1 $0x0  }
0x4db: {  	[sflag:s0] =	ssyncadd.s32 @p1 $0xFFFFFFE0;
	s0 =	sshll.u32 @p1 s2, $0x7  }
0x4dc: {  	s3 =	sshrl.u32 @p1 s0, $0x2;
	v1 =	vld @p1 [tilespmem:$0x6068]  }
0x4dd: {  	v2 =	vld @p1 [tilespmem:s3+$0x60B8];
	_ =	sdelay $0x4  }
0x4de: {  	v1 =	vmax.f32 @p1 v1, v2  }
0x4df: {  	v2 =	vld @p1 [tilespmem:s3+$0x60C8];
	[tilespmem:s3+$0x60B8] =	vst @p1 v1  }
0x4e0: {  	v1 =	vld @p1 [tilespmem:$0x6078];
	_ =	sdelay $0x4  }
0x4e1: {  	s5 =	sshll.u32 @!p1 s2, $0x7;
	v1 =	vmax.f32 @p1 v1, v2  }
0x4e2: {  	s5 =	smov.u32 @p1 s0;
	[tilespmem:s3+$0x60C8] =	vst @p1 v1  }
0x4e3: {  	s0 =	sshrl.u32 s5, $0x2;
	[tilespmem:s1+$0x6098] =	vst.msk $0x1, v0  }
0x4e4: {  	v0 =	vld [tilespmem:s0+$0x60B8];
	_ =	sdelay $0x2  }
0x4e5: {  	s31 =	sshll.u32 s1, $0x7  }
0x4e6: {  	s3 =	sshra.s32 s31, $0x2  }
0x4e7: {  	[tilespmem:s3+$0x60B8] =	vst v0  }
0x4e8: {  	v0 =	vld [tilespmem:s0+$0x60C8];
	_ =	sdelay $0x4  }
0x4e9: {  	s1 =	sadd.s32 $0x1, s1;
	[tilespmem:s3+$0x60C8] =	vst v0  }
.LBB2_52:
0x4ea: {  	s2 =	sadd.s32 $0x1, s2  }
0x4eb: {  	p1 =	sne.s32 s2, $0x20  }
.Ltmp37:
0x4ec: {  	_ = 	snop;
	(pc) =	sbr.rel @!p1 .LBB2_53-.Ltmp37, $1  }
0x4ed: {  	_ =	sdelay $0x3  }
.LBB2_45:
0x4ee: {  	v0 =	vld.msk [tilespmem:s2+$0x6098], $0x1;
	_ =	sdelay $0x4  }
0x4ef: {  	(v2sf) =	vpush v0, $0x0;
	_ =	sdelay $0xe  }
0x4f0: {  	s0 =	spop (v2sf)  }
0x4f1: {  	p1 =	seq.s32 s0, $0xFFFFFFFF  }
.Ltmp38:
0x4f2: {  	_ = 	snop;
	(pc) =	sbr.rel @p1 .LBB2_52-.Ltmp38, $1  }
0x4f3: {  	_ =	sdelay $0x3  }
0x4f4: {  	p1 =	slt.s32 s1, $0x1  }
.Ltmp39:
0x4f5: {  	_ = 	snop;
	(pc) =	sbr.rel @p1 .LBB2_51-.Ltmp39, $1  }
0x4f6: {  	_ =	sdelay $0x3  }
0x4f7: {  	s3 =	simm.s32 $0x6098;
	p1 =	por $0x0, $0x0  }
0x4f8: {  	v1 =	vld.msk @!p1 [tilespmem:s3+$0x0], $0x1;
	_ =	sdelay $0x4  }
0x4f9: {  	(v2sf) =	vpush @!p1 v1, $0x0;
	_ =	sdelay $0xd  }
0x4fa: {  	p3 =	sne.s32 s1, $0x1  }
.Ltmp40:
0x4fb: {  	s5 =	spop @!p1 (v2sf);
	(pc) =	sbr.rel @!p3 .LBB2_49-.Ltmp40, $4  }
0x4fc: {  	p2 =	seq.s32 @!p1 s0, s5  }
0x4fd: {  	s5 =	simm.s32 $0x0;
	p2 =	por !p2, p1  }
0x4fe: {  	s7 =	simm.s32 $0xFFFFFFFF;
	s5 =	simm.s32 @p2 $0xFFFFFFFF  }
0x4ff: {  	s6 =	simm.s32 $0x1;
	s5 =	smov.u32 @p1 s7  }
.LBB2_48:
0x500: {  	s7 =	smov.u32 s5;
	p1 =	sne.s32 s5, $0xFFFFFFFF  }
0x501: {  	s3 =	sadd.s32 $0x1, s3;
	s5 =	smov.u32 s6;
	s6 =	sadd.s32 $0x1, s6  }
0x502: {  	p2 =	sne.s32 s1, s6;
	v1 =	vld.msk @!p1 [tilespmem:s3+$0x0], $0x1;
	_ =	sdelay $0x4  }
0x503: {  	(v2sf) =	vpush @!p1 v1, $0x0;
	_ =	sdelay $0xe  }
.Ltmp41:
0x504: {  	s8 =	spop @!p1 (v2sf);
	(pc) =	sbr.rel @p2 .LBB2_48-.Ltmp41, $4  }
0x505: {  	p3 =	seq.s32 @!p1 s0, s8  }
0x506: {  	p3 =	por !p3, p1  }
0x507: {  	s5 =	simm.s32 @p3 $0xFFFFFFFF  }
0x508: {  	s5 =	smov.u32 @p1 s7  }
.LBB2_49:
0x509: {  	p1 =	seq.s32 s5, $0xFFFFFFFF  }
.Ltmp42:
0x50a: {  	_ = 	snop;
	(pc) =	sbr.rel @p1 .LBB2_51-.Ltmp42, $1  }
0x50b: {  	_ =	sdelay $0x3  }
0x50c: {  	s0 =	sshll.u32 s2, $0x5  }
0x50d: {  	s3 =	sshll.u32 s5, $0x7;
	s0 =	sand.u32 $0x3FFFFFE0, s0  }
0x50e: {  	s3 =	sshra.s32 s3, $0x2;
	v0 =	vld [tilespmem:s0+$0x60B8]  }
0x50f: {  	v1 =	vld [tilespmem:s3+$0x60B8];
	_ =	sdelay $0x4  }
0x510: {  	v0 =	vmax.f32 v0, v1  }
0x511: {  	v63 =	vld [tilespmem:s3+$0x60C8];
	[tilespmem:s3+$0x60B8] =	vst v0  }
0x512: {  	v0 =	vld [tilespmem:s0+$0x60C8];
	_ =	sdelay $0x1  }
.Ltmp43:
0x513: {  	_ = 	snop;
	(pc) =	sbr.rel .LBB2_52-.Ltmp43, $3  }
0x514: {  	_ =	sdelay $0x1  }
0x515: {  	v0 =	vmax.f32 v0, v63  }
0x516: {  	[tilespmem:s3+$0x60C8] =	vst v0  }
.LBB2_53:
0x517: {  	p1 =	slt.s32 s1, $0x1  }
.Ltmp44:
0x518: {  	_ = 	snop;
	(pc) =	sbr.rel @p1 .LBB2_57-.Ltmp44, $3  }
0x519: {  	_ =	sdelay $0x1  }
0x51a: {  	s0 =	simm.s32 $0x8  }
0x51b: {  	[sflag:s0] =	ssyncpa.u1 $0x1;
	s0 =	simm.s32 $0x0  }
0x51c: {  	s2 =	simm.s32 $0x6098  }
0x51d: {  	v0 =	vld.msk [tilespmem:s2+$0x0], $0x1;
	_ =	sdelay $0x4  }
0x51e: {  	(v2sf) =	vpush v0, $0x0;
	_ =	sdelay $0xe  }
0x51f: {  	s1 =	sadd.s32 $0xFFFFFFFF, s1;
	s3 =	spop (v2sf)  }
0x520: {  	p2 =	sne.s32 s1, $0x0;
	p1 =	sgt.u32 s3, $0x3FC  }
.Ltmp45:
0x521: {  	s5 =	sand.u32 @!p1 $0x3F8, s3;
	(pc) =	sbr.rel @!p2 .LBB2_56-.Ltmp45, $4  }
0x522: {  	s2 =	simm.s32 $0x60B8;
	s3 =	sand.u32 @!p1 $0x7, s3;
	s5 =	sadd.s32 @!p1 s4, s5  }
0x523: {  	[hbm4b:s5+s3] =	stream.linear.scatter @!p1 [tilespmem:s2], [sflag:$0x7], $0x20, $0x38;
	[tilespmem:$0x1EC48] =	vst v63  }
0x524: {  	s5 =	simm.s32 $0x0  }
0x525: {  	s3 =	simm.s32 $0x6099;
	s5 =	simm.s32 @!p1 $0x80  }
.LBB2_55:
0x526: {  	v0 =	vld.msk [tilespmem:s3+$0x0], $0x1;
	s1 =	sadd.s32 $0xFFFFFFFF, s1;
	s0 =	sadd.s32 s0, s5  }
0x527: {  	p1 =	sne.s32 s1, $0x0;
	_ =	sdelay $0x3  }
0x528: {  	(v2sf) =	vpush v0, $0x0;
	_ =	sdelay $0xe  }
.Ltmp46:
0x529: {  	s6 =	spop (v2sf);
	(pc) =	sbr.rel @p1 .LBB2_55-.Ltmp46, $4  }
0x52a: {  	s5 =	simm.s32 $0x0;
	p2 =	sgt.u32 s6, $0x3FC  }
0x52b: {  	s2 =	sadd.s32 $0x20, s2;
	s5 =	simm.s32 @!p2 $0x80;
	s7 =	sand.u32 @!p2 $0x3F8, s6  }
0x52c: {  	s3 =	sadd.s32 $0x1, s3;
	s6 =	sand.u32 @!p2 $0x7, s6;
	s7 =	sadd.s32 @!p2 s4, s7  }
0x52d: {  	[hbm4b:s7+s6] =	stream.linear.scatter @!p2 [tilespmem:s2], [sflag:$0x7], $0x20, $0x38;
	[tilespmem:$0x1EC48] =	vst v63  }
.LBB2_56:
0x52e: {  	s0 =	sadd.s32 s0, s5  }
0x52f: {  	s0 =	sshrl.u32 s0, $0x2  }
.LBB2_57:
0x530: {  	s1 =	simm.s32 $0x7  }
0x531: {  	_ =	swait.ge [sflag:s1], s0  }
0x532: {  	s31 =	ssub.s32 $0x0, s0;
	[sflag:s1] =	ssyncset.done $0x0  }
0x533: {  	[sflag:s1] =	ssyncadd.s32 s31  }
0x534: {  	[sflag:s1] =	ssyncpa.u1 $0x1  }
.LBB2_58:
0x535: {  	_ =	sfence;
	s0 =	simm.s32 $0x1  }
0x536: {  	[sflag:s0] =	ssyncpa.u1 $0x1  }
0x537: {  	_ =	strace $0x90000056  }
0x538: {  	[bflag:$0x2] =	sbarrier.arrive $0xFFFF  }
0x539: {  	s0 =	rddreg [dreg:$0x3]  }
0x53a: {  	s0 =	sadd.s32 @!p0 $0x100000, s0  }
0x53b: {  	[sflag:s0] =	ssyncadd.tile.s32 @!p0 $0x1;
	_ =	shalt  }
.Lfunc_end2:
_tile_overlayer_lowered:
.L_overlay_start_2:
0x53c: {  	(tag) =	ssettag $0x2  }
0x53d: {  	s0 =	rddreg [dreg:$0x0];
	s2 =	stileid.u32  }
0x53e: {  	s1 =	rddreg [dreg:$0x1];
	p0 =	sne.s32 s2, $0x0  }
0x53f: {  	s3 =	rddreg [dreg:$0x2];
	[bflag:$0x3] =	sbarrier.arrive $0xFFFF;
	s2 =	simm.s32 @!p0 $0x1C01  }
0x540: {  	[timem:s3], [sflag:s2] =	dma.local @!p0 [hbm:s0], s1  }
0x541: {  	s0 =	simm.s32 @!p0 $0x1  }
0x542: {  	_ =	swait.ge @!p0 [sflag:s0], s1  }
0x543: {  	s1 =	ssub.s32 @!p0 $0x0, s1;
	[sflag:s0] =	ssyncset.done @!p0 $0x0  }
0x544: {  	[sflag:s0] =	ssyncadd.s32 @!p0 s1  }
0x545: {  	[bflag:$0x3] =	sbarrier.arrive $0xFFFF  }
0x546: {  	_ =	shalt  }

// kernel: scatter_offload_async_start
scs
__scs_entry_jumppad:
0x0: {  	(pc) =	sbr.rel $0x88, $3  }
0x1: {  	(tag) =	ssettag $0x0;
	lr =	simm.s32 $0x1  }
0x2: {  	[smem:$0x3F94] =	sst lr;
	_ =	strace $0xD0000000  }
0x3: {  	_ = 	snop  }
0x4: {  	_ = 	snop  }
0x5: {  	_ = 	snop  }
0x6: {  	_ = 	snop  }
0x7: {  	_ = 	snop  }
__scs_overlays_trampoline_lowered:
0x8: {  	[smem:$0x3FA3] =	sst s0  }
0x9: {  	[smem:$0x3FA4] =	sst s1  }
0xa: {  	[smem:$0x3FA5] =	sst s2  }
0xb: {  	[smem:$0x3FA6] =	sst s3  }
0xc: {  	[smem:$0x3FA7] =	sst s4  }
0xd: {  	[smem:$0x3FA8] =	sst s5  }
0xe: {  	[smem:$0x3FA9] =	sst s6  }
0xf: {  	[smem:$0x3FAA] =	sst s7  }
0x10: {  	[smem:$0x3FAB] =	sst s8  }
0x11: {  	[smem:$0x3FAC] =	sst s9;
	s0 =	simm.s32 @!p0 $0x0  }
0x12: {  	s1 =	sld [smem:$0x3F92];
	s0 =	simm.s32 @p0 $0x1  }
0x13: {  	[smem:$0x3FAD] =	sst s0;
	s0 =	simm.s32 @!p1 $0x0  }
0x14: {  	s2 =	sld [smem:$0x3F91];
	s0 =	simm.s32 @p1 $0x1  }
0x15: {  	[smem:$0x3FAE] =	sst s0;
	s0 =	simm.s32 @!p2 $0x0  }
0x16: {  	s3 =	sld [smem:$0x3FDB];
	s0 =	simm.s32 @p2 $0x1  }
0x17: {  	s4 =	simm.s32 $0x1BF5;
	[smem:$0x3FB0] =	sst s0  }
0x18: {  	s0 =	sld [smem:$0x3F93];
	_ =	swait.ge [sflag:s4], $0x0  }
0x19: {  	s7 =	sld [smem:$0x3F94]  }
0x1a: {  	s8 =	sadd.s32 $0xFFFFE003, lr  }
0x1b: {  	s9 =	sadd.s32 $0xFFFFFEF7, lr;
	s5 =	simm.s32 $0xFFFFFFFF;
	p2 =	slt.u32 s8, $0xFFFFF086  }
0x1c: {  	p1 =	slt.u32 s9, $0xF7A;
	s5 =	simm.s32 @!p2 $0x0  }
0x1d: {  	s5 =	simm.s32 @p1 $0x1;
	p0 =	seq.s32 s7, s2  }
0x1e: {  	s7 =	smul.u32 @!p0 $0xF7A, s2;
	p2 =	seq.s32 @!p0 s5, $0x0  }
0x1f: {  	s9 =	smul.u32 $0xF7A, s1;
	s8 =	simm.s32 @!p0 $0x1BF5;
	p2 =	por !p2, p0  }
0x20: {  	[sflag:s8] =	ssyncset.s32 @!p0 $0xFFFFF086;
	s6 =	sadd.s32 @!p0 s3, s7;
	s7 =	simm.s32 @!p0 $0x108  }
0x21: {  	s3 =	sadd.s32 s3, s9;
	s6 =	sadd.s32 @!p0 $0x88, s6;
	s7 =	simm.s32 @p2 $0x1082  }
0x22: {  	[simem:s7], [sflag:s8] =	dma.local @!p0 [hbm:s6], $0xF7A  }
0x23: {  	s9 =	sor.u32 $0xD0000000, s2;
	s6 =	simm.s32 $0x108;
	_ =	swait.ge @!p0 [sflag:s8], $0x0  }
0x24: {  	s3 =	sadd.s32 $0x88, s3;
	s6 =	simm.s32 @!p1 $0x1082;
	[sflag:s4] =	ssyncset.s32 $0xFFFFF086  }
0x25: {  	[simem:s6], [sflag:s4] =	dma.local [hbm:s3], $0xF7A  }
0x26: {  	[smem:$0x3F94] =	sst s1;
	(tag) =	ssettag s2;
	_ =	strace s9  }
0x27: {  	s1 =	sld [smem:$0x3FA4]  }
0x28: {  	s2 =	sld [smem:$0x3FA5]  }
0x29: {  	s4 =	sld [smem:$0x3FA7]  }
0x2a: {  	p0 =	seq.s32 s5, $0x0;
	s5 =	sld [smem:$0x3FA8]  }
0x2b: {  	s6 =	sld [smem:$0x3FA9]  }
0x2c: {  	s7 =	sld [smem:$0x3FAA]  }
0x2d: {  	s3 =	simm.s32 $0x108;
	s8 =	sld [smem:$0x3FAB]  }
0x2e: {  	s3 =	simm.s32 @!p0 $0x1082;
	s9 =	sld [smem:$0x3FAC]  }
0x2f: {  	lr =	sadd.s32 s0, s3;
	s0 =	sld [smem:$0x3FA3]  }
0x30: {  	s3 =	sld [smem:$0x3FA6]  }
0x31: {  	[smem:$0x3FAF] =	sst s10  }
0x32: {  	s10 =	sld [smem:$0x3FAD];
	_ =	sdelay $0x3  }
0x33: {  	p0 =	seq.s32 s10, $0x1;
	s10 =	sld [smem:$0x3FAF];
	_ =	sdelay $0x3  }
0x34: {  	[smem:$0x3FAF] =	sst s10  }
0x35: {  	s10 =	sld [smem:$0x3FAE];
	_ =	sdelay $0x3  }
0x36: {  	p1 =	seq.s32 s10, $0x1;
	s10 =	sld [smem:$0x3FAF];
	_ =	sdelay $0x3  }
0x37: {  	[smem:$0x3FAF] =	sst s10  }
0x38: {  	s10 =	sld [smem:$0x3FB0]  }
0x39: {  	_ = 	snop;
	(pc) =	sbr.ind lr, $3  }
0x3a: {  	_ = 	snop  }
0x3b: {  	_ = 	snop  }
0x3c: {  	p2 =	seq.s32 s10, $0x1;
	s10 =	sld [smem:$0x3FAF]  }
0x3d: {  	_ =	shalt  }
0x3e: {  	_ =	shalt  }
0x3f: {  	_ =	shalt  }
0x40: {  	_ =	shalt  }
0x41: {  	_ =	shalt  }
0x42: {  	_ =	shalt  }
0x43: {  	_ =	shalt  }
0x44: {  	_ =	shalt  }
0x45: {  	_ =	shalt  }
0x46: {  	_ =	shalt  }
0x47: {  	_ =	shalt  }
0x48: {  	_ =	shalt  }
0x49: {  	_ =	shalt  }
0x4a: {  	_ =	shalt  }
0x4b: {  	_ =	shalt  }
0x4c: {  	_ =	shalt  }
0x4d: {  	_ =	shalt  }
0x4e: {  	_ =	shalt  }
0x4f: {  	_ =	shalt  }
0x50: {  	_ =	shalt  }
0x51: {  	_ =	shalt  }
0x52: {  	_ =	shalt  }
0x53: {  	_ =	shalt  }
0x54: {  	_ =	shalt  }
0x55: {  	_ =	shalt  }
0x56: {  	_ =	shalt  }
0x57: {  	_ =	shalt  }
0x58: {  	_ =	shalt  }
0x59: {  	_ =	shalt  }
0x5a: {  	_ =	shalt  }
0x5b: {  	_ =	shalt  }
0x5c: {  	_ =	shalt  }
0x5d: {  	_ =	shalt  }
0x5e: {  	_ =	shalt  }
0x5f: {  	_ =	shalt  }
0x60: {  	_ =	shalt  }
0x61: {  	_ =	shalt  }
0x62: {  	_ =	shalt  }
0x63: {  	_ =	shalt  }
0x64: {  	_ =	shalt  }
0x65: {  	_ =	shalt  }
0x66: {  	_ =	shalt  }
0x67: {  	_ =	shalt  }
0x68: {  	_ =	shalt  }
0x69: {  	_ =	shalt  }
0x6a: {  	_ =	shalt  }
0x6b: {  	_ =	shalt  }
0x6c: {  	_ =	shalt  }
0x6d: {  	_ =	shalt  }
0x6e: {  	_ =	shalt  }
0x6f: {  	_ =	shalt  }
0x70: {  	_ =	shalt  }
0x71: {  	_ =	shalt  }
0x72: {  	_ =	shalt  }
0x73: {  	_ =	shalt  }
0x74: {  	_ =	shalt  }
0x75: {  	_ =	shalt  }
0x76: {  	_ =	shalt  }
0x77: {  	_ =	shalt  }
0x78: {  	_ =	shalt  }
0x79: {  	_ =	shalt  }
0x7a: {  	_ =	shalt  }
0x7b: {  	_ =	shalt  }
0x7c: {  	_ =	shalt  }
0x7d: {  	_ =	shalt  }
0x7e: {  	_ =	shalt  }
0x7f: {  	_ =	shalt  }
0x80: {  	_ =	shalt  }
0x81: {  	_ =	shalt  }
0x82: {  	_ =	shalt  }
0x83: {  	_ =	shalt  }
0x84: {  	_ =	shalt  }
0x85: {  	_ =	shalt  }
0x86: {  	_ =	shalt  }
0x87: {  	_ =	shalt  }
.Lfunc_end0:
.L_simem_size_0:
called_computation_lowered:
.L_overlay_start_0:
0x88: {  	s2 =	sld [smem:$0x3FD9]  }
0x89: {  	s3 =	sld [smem:$0x3FFE];
	_ =	sdelay $0x1  }
0x8a: {  	s1 =	srdreg.scid  }
0x8b: {  	s0 =	sand.u32 $0x1, s1  }
0x8c: {  	s15 =	sshll.u32 s0, $0xA;
	s2 =	sadd.s32 s3, s2  }
0x8d: {  	s2 =	sadd.s32 s2, s15  }
0x8e: {  	[smem:$0x3FBB] =	sst s2  }
0x8f: {  	_ = 	snop  }
0x90: {  	(tm) =	ssettm $0x1  }
0x91: {  	s16 =	sld [smem:$0x3FFB];
	_ =	sdelay $0x3  }
0x92: {  	_ =	strace s16  }
0x93: {  	s2 =	sld [smem:$0x3FFC];
	_ =	sdelay $0x3  }
0x94: {  	_ =	strace s2  }
0x95: {  	s2 =	sld [smem:$0x3FFD];
	_ =	sdelay $0x3  }
0x96: {  	_ =	strace s2  }
0x97: {  	_ =	strace $0x8FFFFFFF  }
0x98: {  	s17 =	sld [smem:$0x3FDB];
	_ =	sdelay $0x1  }
0x99: {  	s18 =	simm.s32 $_scs_section_size  }
0x9a: {  	s4 =	simm.s32 $_size__tile_overlayer_lowered;
	s5 =	simm.s32 $_tile_overlayer_lowered  }
0x9b: {  	s6 =	simm.s32 $0x1BFF;
	s19 =	sshll.u32 s5, $0x1;
	s3 =	sadd.s32 s18, s17  }
0x9c: {  	s20 =	simm.s32 $0x0;
	s4 =	sshll.u32 s4, $0x1;
	s5 =	sadd.s32 s19, s3  }
0x9d: {  	[timem:s20], [sflag:s6] =	dma.local [hbm:s5], s4  }
0x9e: {  	_ =	swait.ge [sflag:s6], s4  }
0x9f: {  	s4 =	ssub.s32 $0x0, s4;
	[sflag:s6] =	ssyncset.done $0x0  }
0xa0: {  	[sflag:s6] =	ssyncadd.s32 s4;
	_ =	sdelay $0x1  }
0xa1: {  	s21 =	simm.s32 $0x1B8B  }
0xa2: {  	_ =	swait.ge [sflag:s21], $0x1  }
0xa3: {  	[sflag:s21] =	ssyncset.done $0x0  }
0xa4: {  	s22 =	sld [smem:$0x3FFE];
	[sflag:s21] =	ssyncadd.s32 $0xFFFFFFFF  }
0xa5: {  	s24 =	simm.s32 $0x1B8E;
	s23 =	sld [smem:$0x0]  }
0xa6: {  	s25 =	simm.s32 $execute0_lowered;
	[smem:$0x3FD2] =	sst s24  }
0xa7: {  	s6 =	sshll.u32 s25, $0x1;
	_ =	strace $0x80000049;
	[dreg:$0x1] =	wrdreg $0xFFFFFFFF  }
0xa8: {  	s7 =	simm.s32 $_size_execute0_lowered;
	s6 =	sadd.s32 s3, s6;
	[dreg:$0x0] =	wrdreg $0x0  }
0xa9: {  	s7 =	sshll.u32 s7, $0x1;
	[dreg:$0x2] =	wrdreg s6  }
0xaa: {  	[dreg:$0x3] =	wrdreg s7  }
0xab: {  	[dreg:$0x4] =	wrdreg $0xC0  }
0xac: {  	s26 =	simm.s32 $execute1_lowered;
	_ =	task [dreg:s20], $0x5FFFF  }
0xad: {  	s6 =	sshll.u32 s26, $0x1;
	[dreg:$0x1] =	wrdreg $0xFFFFFFFF  }
0xae: {  	s3 =	sadd.s32 s3, s6;
	[dreg:$0x0] =	wrdreg $0x60  }
0xaf: {  	[dreg:$0x2] =	wrdreg s3  }
0xb0: {  	[dreg:$0x3] =	wrdreg s22  }
0xb1: {  	[dreg:$0x4] =	wrdreg $0x9  }
0xb2: {  	_ =	task.clear_ibuf [dreg:s20], $0x5FFFF;
	_ =	strace $0x90000049  }
0xb3: {  	s28 =	simm.s32 $0x9;
	_ =	strace $0x8000004B  }
0xb4: {  	_ =	swait.ge [sflag:s28], $0x1  }
0xb5: {  	[sflag:s28] =	ssyncadd.s32 $0xFFFFFFFF  }
0xb6: {  	_ =	strace $0x9000004B  }
0xb7: {  	s3 =	sld [smem:$0x0]  }
0xb8: {  	s6 =	sand.u32 $0xFFFFFFFE, s1  }
0xb9: {  	p0 =	sne.s32 s1, s6  }
0xba: {  	s6 =	sshll.u32 @p0 s6, $0xE  }
0xbb: {  	s6 =	sadd.s32 @p0 $0x11BF3, s6;
	s7 =	sshll.u32 @p0 s3, $0x11  }
0xbc: {  	s6 =	sor.u32 @p0 s7, s6  }
0xbd: {  	[sflag:s6] =	ssyncadd.remote.s32 @p0 $0x1;
	_ =	sdelay $0x1  }
0xbe: {  	s6 =	simm.s32 @p0 $0x1BF3  }
0xbf: {  	_ =	swait.eq @p0 [sflag:s6], $0x1  }
0xc0: {  	[sflag:s6] =	ssyncadd.s32 @p0 $0xFFFFFFFF  }
0xc1: {  	s7 =	sshll.u32 @!p0 s1, $0xE  }
0xc2: {  	s7 =	sor.u32 @!p0 $0x4000, s7;
	s6 =	simm.s32 @!p0 $0x1BF3  }
0xc3: {  	s3 =	sshll.u32 @!p0 s3, $0x11;
	s7 =	sadd.s32 @!p0 $0x11BF3, s7;
	_ =	swait.eq @!p0 [sflag:s6], $0x1  }
0xc4: {  	s3 =	sor.u32 @!p0 s3, s7;
	[sflag:s6] =	ssyncadd.s32 @!p0 $0xFFFFFFFF  }
0xc5: {  	[sflag:s3] =	ssyncadd.remote.s32 @!p0 $0x1  }
0xc6: {  	_ =	strace $0x8000004C;
	[dreg:$0x1] =	wrdreg $0xFFFFFFFF  }
0xc7: {  	[dreg:$0x0] =	wrdreg $0x2030  }
0xc8: {  	[dreg:$0x2] =	wrdreg s22  }
0xc9: {  	[dreg:$0x3] =	wrdreg s1  }
0xca: {  	[dreg:$0x4] =	wrdreg s23  }
0xcb: {  	[dreg:$0x5] =	wrdreg $0xA  }
0xcc: {  	_ =	task.clear_ibuf [dreg:s20], $0x6FFFF;
	_ =	strace $0x9000004C  }
0xcd: {  	s29 =	simm.s32 $0xA;
	_ =	strace $0x8000004E  }
0xce: {  	_ =	swait.ge [sflag:s29], $0x1  }
0xcf: {  	[sflag:s29] =	ssyncadd.s32 $0xFFFFFFFF  }
0xd0: {  	_ =	strace $0x9000004E  }
0xd1: {  	_ =	sfence  }
0xd2: {  	s30 =	sld [smem:$0x0];
	_ =	sdelay $0x2  }
0xd3: {  	s31 =	sshll.u32 s1, $0xD;
	s1 =	sshrl.u32 s1, $0x2  }
0xd4: {  	s4 =	sand.u32 $0x4000, s31;
	s1 =	sadd.s32 s1, s30  }
0xd5: {  	s0 =	sor.u32 s4, s0;
	s1 =	sshll.u32 s1, $0x11  }
0xd6: {  	s0 =	sor.u32 s1, s0  }
0xd7: {  	s0 =	sadd.s32 $0x8F2B, s0  }
0xd8: {  	[sflag:s0] =	ssyncadd.remote.s32 $0x1  }
0xd9: {  	_ =	sfence.sel $0xFFFF  }
0xda: {  	[dreg:$0x0] =	wrdreg $0xFFFFFFFF;
	(pc) =	sbr.abs _section_cstart, $3  }
0xdb: {  	[dreg:$0x1] =	wrdreg $0xFFFFFFFF  }
0xdc: {  	_ =	task.clear_ibuf [dreg:s20], $0x2FFFF;
	_ =	strace $0x9FFFFFFF  }
0xdd: {  	(tm) =	ssettm $0x7FFFFFFF  }
tec
execute0_lowered:
.L_overlay_start_1:
0x0: {  	(tag) =	ssettag $0x1  }
0x1: {  	s2 =	rddreg [dreg:$0x0]  }
0x2: {  	s5 =	rddreg [dreg:$0x1]  }
0x3: {  	s0 =	rddreg [dreg:$0x2];
	s3 =	stileid.u32;
	[bflag:$0x3] =	sbarrier.arrive $0xFFFF  }
0x4: {  	s1 =	simm.s32 $_size_execute1_lowered;
	s29 =	srdreg.scid;
	s31 =	simm.s32 $0x2  }
0x5: {  	s13 =	simm.s32 $0x0;
	s8 =	simm.s32 $0x20;
	p0 =	sne.s32 s3, $0x0  }
0x6: {  	s1 =	sshll.u32 s1, $0x1;
	s4 =	simm.s32 @!p0 $0x1C3F;
	s6 =	simm.s32 @!p0 $0x4060  }
0x7: {  	[timem:s6], [sflag:s4] =	dma.local @!p0 [hbm:s2], s1  }
0x8: {  	s9 =	simm.s32 $0x80;
	s11 =	simm.s32 $0x0;
	s2 =	sshll.u32 s29, $0x9  }
.Ltmp0:
0x9: {  	s3 =	sshll.u32 s3, $0xA;
	s30 =	sand.u32 $0x200, s2;
	(pc) =	sbr.rel .LBB2_1-.Ltmp0, $4  }
0xa: {  	s12 =	simm.s32 $0x0;
	_ =	strace $0x8000004A;
	s3 =	sor.u32 s3, s30  }
0xb: {  	s4 =	simm.s32 $0x1;
	s2 =	sadd.s32 $0x2AEE00, s5;
	s7 =	ssub.s32 $0x18600, s3  }
0xc: {  	s5 =	sadd.s32 $0x435800, s5;
	[sflag:s4] =	ssyncpa.u1 $0x0;
	s6 =	sshrl.u32 s7, $0xE  }
0xd: {  	[sflag:s31] =	ssyncpa.u1 $0x0;
	s10 =	smov.u32 s3;
	s7 =	sadd.s32 $0x2, s6  }
.LBB2_5:
0xe: {  	_ =	sdelay $0x3  }
0xf: {  	[tilespmem:v1+s16+$0x0 ss:$0x1] =	vst.idx.msk $0xffff, v2  }
0x10: {  	[tilespmem:v1+s17+$0x0 ss:$0x1] =	vst.idx.msk $0xffff, v3  }
.LBB2_6:
0x11: {  	s16 =	sand.u32 $0x1FFFFFF, s11  }
0x12: {  	s17 =	smulhi.u32 $0x14F8B59, s16;
	_ =	sdelay $0x1  }
0x13: {  	s17 =	sshrl.u32 s17, $0x9  }
0x14: {  	s17 =	smul.u32 $0x186A0, s17;
	_ =	sdelay $0x1  }
0x15: {  	s16 =	ssub.s32 s16, s17  }
0x16: {  	s16 =	sshll.u32 s16, $0x4  }
0x17: {  	s16 =	sadd.s32 s5, s16  }
0x18: {  	[hbm4b:s16+s8] =	stream.strided.scatter [tilespmem:s15], [sflag:$0x2], s14, s9, s8, $0x38;
	[tilespmem:$0x10000] =	vst v63  }
.LBB2_7:
0x19: {  	p1 =	slt.u32 s12, $0x2  }
0x1a: {  	p2 =	sgt.s32 @!p1 s13, $0x184A0  }
0x1b: {  	s14 =	smov.u32 s13;
	s15 =	sshra.s32 @!p1 s13, $0x1F;
	p2 =	por !p2, p1  }
0x1c: {  	s13 =	sand.u32 @!p1 s15, s13;
	s14 =	simm.s32 @p2 $0x184A0  }
0x1d: {  	s13 =	ssub.s32 @!p1 s14, s13  }
0x1e: {  	s13 =	sadd.s32 @!p1 $0xFFFE7B60, s13  }
0x1f: {  	s14 =	sshll.u32 @!p1 s13, $0x7  }
0x20: {  	p2 =	sgt.s32 @!p1 s13, $0x1FF;
	s13 =	ssub.s32 @!p1 $0x10000, s14  }
0x21: {  	s15 =	sadd.s32 $0x4000, s10;
	p2 =	por !p2, p1;
	s13 =	sshrl.u32 @!p1 s13, $0x2  }
0x22: {  	s13 =	simm.s32 @!p2 $0x0;
	p2 =	sgt.s32 s15, $0x1869F  }
0x23: {  	s15 =	smov.u32 @p2 s3;
	p2 =	sne.s32 s12, s7  }
.Ltmp1:
0x24: {  	_ = 	snop;
	(pc) =	sbr.rel @!p2 .LBB2_8-.Ltmp1, $4  }
0x25: {  	s14 =	simm.s32 @!p1 $0x2  }
0x26: {  	_ =	swait.ge @!p1 [sflag:s14], s13;
	s16 =	ssub.s32 @!p1 $0x0, s13  }
0x27: {  	s13 =	smov.u32 s11;
	s12 =	sadd.s32 $0x1, s12;
	[sflag:s14] =	ssyncset.done @!p1 $0x0  }
0x28: {  	s11 =	smov.u32 s10;
	s10 =	smov.u32 s15;
	[sflag:s14] =	ssyncadd.s32 @!p1 s16  }
.LBB2_1:
0x29: {  	p1 =	sgt.u32 s12, s6  }
0x2a: {  	s15 =	smov.u32 s10;
	p2 =	sgt.s32 @!p1 s10, $0x184A0  }
0x2b: {  	s14 =	sand.u32 @!p1 $0x1FFFFFF, s10;
	s16 =	sshra.s32 @!p1 s10, $0x1F;
	p2 =	por !p2, p1  }
0x2c: {  	s17 =	smulhi.u32 @!p1 $0x14F8B59, s14;
	s16 =	sand.u32 @!p1 s16, s10;
	s15 =	simm.s32 @p2 $0x184A0  }
0x2d: {  	s15 =	ssub.s32 @!p1 s15, s16  }
0x2e: {  	s16 =	sshrl.u32 @!p1 s17, $0x9;
	s15 =	sadd.s32 @!p1 $0xFFFE7B60, s15  }
0x2f: {  	s17 =	sxor.u32 @!p1 $0xFFFFFFFF, s12;
	s16 =	smul.u32 @!p1 $0x186A0, s16;
	s18 =	sshll.u32 @!p1 s15, $0x7  }
0x30: {  	s17 =	sshll.u32 @!p1 s17, $0xE;
	p2 =	sgt.s32 @!p1 s15, $0x1FF;
	s15 =	ssub.s32 @!p1 $0x10000, s18  }
0x31: {  	s14 =	ssub.s32 @!p1 s14, s16;
	p2 =	por !p2, p1;
	s16 =	sand.u32 @!p1 $0x4000, s17  }
0x32: {  	s17 =	simm.s32 @!p1 $0x20;
	s15 =	sshrl.u32 @!p1 s15, $0x2;
	s14 =	sshll.u32 @!p1 s14, $0x4  }
0x33: {  	s18 =	simm.s32 @!p1 $0x80;
	s15 =	simm.s32 @!p2 $0x0;
	s14 =	sadd.s32 @!p1 s2, s14  }
0x34: {  	[tilespmem:s16], [sflag:$0x1] =	stream.strided.gather @!p1 [hbm4b:s14+s17], s15, s18, s17, $0x38;
	[tilespmem:$0x10000] =	vst v63  }
0x35: {  	p1 =	seq.s32 s12, $0x0  }
0x36: {  	p2 =	sge.u32 @!p1 s12, s7  }
0x37: {  	p1 =	por p1, p2  }
.Ltmp2:
0x38: {  	_ = 	snop;
	(pc) =	sbr.rel @p1 .LBB2_7-.Ltmp2, $1  }
0x39: {  	_ =	sdelay $0x3  }
0x3a: {  	p1 =	sgt.s32 s11, $0x184A0;
	s14 =	smov.u32 s11;
	s15 =	sshra.s32 s11, $0x1F  }
0x3b: {  	s14 =	simm.s32 @!p1 $0x184A0;
	s15 =	sand.u32 s15, s11  }
0x3c: {  	s14 =	ssub.s32 s14, s15  }
0x3d: {  	s14 =	sadd.s32 $0xFFFE7B60, s14  }
0x3e: {  	s31 =	sshll.u32 s14, $0x7  }
0x3f: {  	s15 =	ssub.s32 $0x10000, s31  }
0x40: {  	p1 =	sgt.s32 s14, $0x1FF;
	s14 =	sshrl.u32 s15, $0x2;
	s15 =	sadd.s32 $0x200, s11  }
0x41: {  	s14 =	simm.s32 @p1 $0x0;
	p1 =	slt.s32 s15, $0x186A0  }
0x42: {  	s15 =	simm.s32 @!p1 $0x186A0  }
0x43: {  	s18 =	ssub.s32 s15, s11  }
0x44: {  	p1 =	slt.s32 s18, $0x1  }
.Ltmp3:
0x45: {  	_ = 	snop;
	(pc) =	sbr.rel @p1 .LBB2_6-.Ltmp3, $4  }
0x46: {  	_ = 	snop  }
0x47: {  	s16 =	sshll.u32 s12, $0xE;
	_ =	swait.ge [sflag:s4], s14  }
0x48: {  	s16 =	sand.u32 $0x4000, s16;
	s17 =	ssub.s32 $0x0, s14;
	[sflag:s4] =	ssyncset.done $0x0  }
0x49: {  	s15 =	sor.u32 $0x8000, s16;
	[sflag:s4] =	ssyncadd.s32 s17  }
0x4a: {  	v0 =	vmov s16;
	_ =	sdelay $0x2  }
0x4b: {  	s31 =	simm.s32 $0x0;
	p1 =	sne.s32 s18, $0x1  }
.Ltmp4:
0x4c: {  	s16 =	sand.u32 $0x3FE0, s31;
	(pc) =	sbr.rel @!p1 .LBB2_5-.Ltmp4, $3  }
0x4d: {  	v1 =	vmov s15;
	s17 =	sor.u32 $0x10, s16;
	v2 =	vld.idx.msk [tilespmem:v0+s16+$0x0 ss:$0x1], $0xffff  }
0x4e: {  	v3 =	vld.idx.msk [tilespmem:v0+s17+$0x0 ss:$0x1], $0xffff;
	_ =	sdelay $0x1  }
0x4f: {  	s18 =	sadd.s32 $0xFFFFFFFF, s18;
	s19 =	simm.s32 $0x20  }
.LBB2_4:
0x50: {  	s20 =	sand.u32 $0x3FE0, s19;
	p1 =	sne.s32 s18, $0x1;
	s18 =	sadd.s32 $0xFFFFFFFF, s18  }
.Ltmp5:
0x51: {  	s21 =	sor.u32 $0x10, s20;
	[tilespmem:v1+s16+$0x0 ss:$0x1] =	vst.idx.msk $0xffff, v2;
	v2 =	vld.idx.msk [tilespmem:v0+s20+$0x0 ss:$0x1], $0xffff;
	s16 =	smov.u32 s20;
	(pc) =	sbr.rel @p1 .LBB2_4-.Ltmp5, $2  }
0x52: {  	[tilespmem:v1+s17+$0x0 ss:$0x1] =	vst.idx.msk $0xffff, v3;
	v3 =	vld.idx.msk [tilespmem:v0+s21+$0x0 ss:$0x1], $0xffff;
	s17 =	smov.u32 s21;
	_ =	sdelay $0x2  }
0x53: {  	s19 =	sadd.s32 $0x20, s19  }
.Ltmp6:
0x54: {  	_ = 	snop;
	(pc) =	sbr.rel .LBB2_5-.Ltmp6, $1  }
0x55: {  	_ =	sdelay $0x3  }
.LBB2_8:
0x56: {  	_ =	sfence.sel $0x180000  }
0x57: {  	s2 =	simm.s32 $0x1;
	[bflag:$0x0] =	sbarrier.arrive $0xFFFF  }
0x58: {  	s31 =	simm.s32 $0x2;
	[sflag:s2] =	ssyncpa.u1 $0x1  }
0x59: {  	[sflag:s31] =	ssyncpa.u1 $0x1  }
0x5a: {  	_ =	strace $0x9000004A  }
0x5b: {  	s0 =	sadd.s32 @!p0 $0x100000, s0;
	[bflag:$0x2] =	sbarrier.arrive $0xFFFF  }
0x5c: {  	[sflag:s0] =	ssyncadd.tile.s32 @!p0 $0x1;
	s0 =	simm.s32 @!p0 $0x3F  }
0x5d: {  	_ =	swait.ge @!p0 [sflag:s0], s1  }
0x5e: {  	s1 =	ssub.s32 @!p0 $0x0, s1;
	[sflag:s0] =	ssyncset.done @!p0 $0x0  }
0x5f: {  	[sflag:s0] =	ssyncadd.s32 @!p0 s1  }
0x60: {  	[bflag:$0x3] =	sbarrier.arrive $0xFFFF  }
0x61: {  	_ =	shalt  }
.Lfunc_end2:
execute1_lowered:
.L_overlay_start_2:
0x62: {  	(tag) =	ssettag $0x2  }
0x63: {  	s7 =	rddreg [dreg:$0x0]  }
0x64: {  	s2 =	rddreg [dreg:$0x1];
	_ =	strace $0x8000004D;
	s3 =	simm.s32 $0x1  }
0x65: {  	v0 =	vimm.s32 $0x0;
	[sflag:s3] =	ssyncpa.u1 $0x0  }
0x66: {  	[tilespmem:$0x48] =	vst v0  }
0x67: {  	[tilespmem:$0x58] =	vst v0  }
0x68: {  	[tilespmem:$0x68] =	vst v0  }
0x69: {  	[tilespmem:$0x78] =	vst v0  }
0x6a: {  	[tilespmem:$0x88] =	vst v0  }
0x6b: {  	[tilespmem:$0x98] =	vst v0  }
0x6c: {  	[tilespmem:$0xA8] =	vst v0  }
0x6d: {  	[tilespmem:$0xB8] =	vst v0  }
0x6e: {  	[tilespmem:$0xC8] =	vst v0  }
0x6f: {  	[tilespmem:$0xD8] =	vst v0  }
0x70: {  	[tilespmem:$0xE8] =	vst v0  }
0x71: {  	[tilespmem:$0xF8] =	vst v0  }
0x72: {  	[tilespmem:$0x108] =	vst v0  }
0x73: {  	[tilespmem:$0x118] =	vst v0  }
0x74: {  	[tilespmem:$0x128] =	vst v0  }
0x75: {  	[tilespmem:$0x138] =	vst v0  }
0x76: {  	[tilespmem:$0x148] =	vst v0  }
0x77: {  	[tilespmem:$0x158] =	vst v0  }
0x78: {  	[tilespmem:$0x168] =	vst v0  }
0x79: {  	[tilespmem:$0x178] =	vst v0  }
0x7a: {  	[tilespmem:$0x188] =	vst v0  }
0x7b: {  	[tilespmem:$0x198] =	vst v0  }
0x7c: {  	[tilespmem:$0x1A8] =	vst v0  }
0x7d: {  	[tilespmem:$0x1B8] =	vst v0  }
0x7e: {  	[tilespmem:$0x1C8] =	vst v0  }
0x7f: {  	[tilespmem:$0x1D8] =	vst v0  }
0x80: {  	[tilespmem:$0x1E8] =	vst v0  }
0x81: {  	[tilespmem:$0x1F8] =	vst v0  }
0x82: {  	[tilespmem:$0x208] =	vst v0  }
0x83: {  	[tilespmem:$0x218] =	vst v0  }
0x84: {  	[tilespmem:$0x228] =	vst v0  }
0x85: {  	[tilespmem:$0x238] =	vst v0  }
0x86: {  	[tilespmem:$0x248] =	vst v0  }
0x87: {  	[tilespmem:$0x258] =	vst v0  }
0x88: {  	[tilespmem:$0x268] =	vst v0  }
0x89: {  	[tilespmem:$0x278] =	vst v0  }
0x8a: {  	[tilespmem:$0x288] =	vst v0  }
0x8b: {  	[tilespmem:$0x298] =	vst v0  }
0x8c: {  	[tilespmem:$0x2A8] =	vst v0  }
0x8d: {  	[tilespmem:$0x2B8] =	vst v0  }
0x8e: {  	[tilespmem:$0x2C8] =	vst v0  }
0x8f: {  	[tilespmem:$0x2D8] =	vst v0  }
0x90: {  	[tilespmem:$0x2E8] =	vst v0  }
0x91: {  	[tilespmem:$0x2F8] =	vst v0  }
0x92: {  	[tilespmem:$0x308] =	vst v0  }
0x93: {  	[tilespmem:$0x318] =	vst v0  }
0x94: {  	[tilespmem:$0x328] =	vst v0  }
0x95: {  	[tilespmem:$0x338] =	vst v0  }
0x96: {  	[tilespmem:$0x348] =	vst v0  }
0x97: {  	[tilespmem:$0x358] =	vst v0  }
0x98: {  	[tilespmem:$0x368] =	vst v0  }
0x99: {  	[tilespmem:$0x378] =	vst v0  }
0x9a: {  	[tilespmem:$0x388] =	vst v0  }
0x9b: {  	[tilespmem:$0x398] =	vst v0  }
0x9c: {  	[tilespmem:$0x3A8] =	vst v0  }
0x9d: {  	[tilespmem:$0x3B8] =	vst v0  }
0x9e: {  	[tilespmem:$0x3C8] =	vst v0  }
0x9f: {  	[tilespmem:$0x3D8] =	vst v0  }
0xa0: {  	[tilespmem:$0x3E8] =	vst v0  }
0xa1: {  	[tilespmem:$0x3F8] =	vst v0  }
0xa2: {  	[tilespmem:$0x408] =	vst v0  }
0xa3: {  	[tilespmem:$0x418] =	vst v0  }
0xa4: {  	[tilespmem:$0x428] =	vst v0  }
0xa5: {  	[tilespmem:$0x438] =	vst v0  }
0xa6: {  	[tilespmem:$0x448] =	vst v0  }
0xa7: {  	[tilespmem:$0x458] =	vst v0  }
0xa8: {  	[tilespmem:$0x468] =	vst v0  }
0xa9: {  	[tilespmem:$0x478] =	vst v0  }
0xaa: {  	[tilespmem:$0x488] =	vst v0  }
0xab: {  	[tilespmem:$0x498] =	vst v0  }
0xac: {  	[tilespmem:$0x4A8] =	vst v0  }
0xad: {  	[tilespmem:$0x4B8] =	vst v0  }
0xae: {  	[tilespmem:$0x4C8] =	vst v0  }
0xaf: {  	[tilespmem:$0x4D8] =	vst v0  }
0xb0: {  	[tilespmem:$0x4E8] =	vst v0  }
0xb1: {  	[tilespmem:$0x4F8] =	vst v0  }
0xb2: {  	[tilespmem:$0x508] =	vst v0  }
0xb3: {  	[tilespmem:$0x518] =	vst v0  }
0xb4: {  	[tilespmem:$0x528] =	vst v0  }
0xb5: {  	[tilespmem:$0x538] =	vst v0  }
0xb6: {  	[tilespmem:$0x548] =	vst v0  }
0xb7: {  	[tilespmem:$0x558] =	vst v0  }
0xb8: {  	[tilespmem:$0x568] =	vst v0  }
0xb9: {  	[tilespmem:$0x578] =	vst v0  }
0xba: {  	[tilespmem:$0x588] =	vst v0  }
0xbb: {  	[tilespmem:$0x598] =	vst v0  }
0xbc: {  	[tilespmem:$0x5A8] =	vst v0  }
0xbd: {  	[tilespmem:$0x5B8] =	vst v0  }
0xbe: {  	[tilespmem:$0x5C8] =	vst v0  }
0xbf: {  	[tilespmem:$0x5D8] =	vst v0  }
0xc0: {  	[tilespmem:$0x5E8] =	vst v0  }
0xc1: {  	[tilespmem:$0x5F8] =	vst v0  }
0xc2: {  	[tilespmem:$0x608] =	vst v0  }
0xc3: {  	[tilespmem:$0x618] =	vst v0  }
0xc4: {  	[tilespmem:$0x628] =	vst v0  }
0xc5: {  	[tilespmem:$0x638] =	vst v0  }
0xc6: {  	[tilespmem:$0x648] =	vst v0  }
0xc7: {  	[tilespmem:$0x658] =	vst v0  }
0xc8: {  	[tilespmem:$0x668] =	vst v0  }
0xc9: {  	[tilespmem:$0x678] =	vst v0  }
0xca: {  	[tilespmem:$0x688] =	vst v0  }
0xcb: {  	[tilespmem:$0x698] =	vst v0  }
0xcc: {  	[tilespmem:$0x6A8] =	vst v0  }
0xcd: {  	[tilespmem:$0x6B8] =	vst v0  }
0xce: {  	[tilespmem:$0x6C8] =	vst v0  }
0xcf: {  	[tilespmem:$0x6D8] =	vst v0  }
0xd0: {  	[tilespmem:$0x6E8] =	vst v0  }
0xd1: {  	[tilespmem:$0x6F8] =	vst v0  }
0xd2: {  	[tilespmem:$0x708] =	vst v0  }
0xd3: {  	[tilespmem:$0x718] =	vst v0  }
0xd4: {  	[tilespmem:$0x728] =	vst v0  }
0xd5: {  	[tilespmem:$0x738] =	vst v0  }
0xd6: {  	[tilespmem:$0x748] =	vst v0  }
0xd7: {  	[tilespmem:$0x758] =	vst v0  }
0xd8: {  	[tilespmem:$0x768] =	vst v0  }
0xd9: {  	[tilespmem:$0x778] =	vst v0  }
0xda: {  	[tilespmem:$0x788] =	vst v0  }
0xdb: {  	[tilespmem:$0x798] =	vst v0  }
0xdc: {  	[tilespmem:$0x7A8] =	vst v0  }
0xdd: {  	[tilespmem:$0x7B8] =	vst v0  }
0xde: {  	[tilespmem:$0x7C8] =	vst v0  }
0xdf: {  	[tilespmem:$0x7D8] =	vst v0  }
0xe0: {  	[tilespmem:$0x7E8] =	vst v0  }
0xe1: {  	[tilespmem:$0x7F8] =	vst v0  }
0xe2: {  	[tilespmem:$0x808] =	vst v0  }
0xe3: {  	[tilespmem:$0x818] =	vst v0  }
0xe4: {  	[tilespmem:$0x828] =	vst v0  }
0xe5: {  	[tilespmem:$0x838] =	vst v0  }
0xe6: {  	[tilespmem:$0x848] =	vst v0  }
0xe7: {  	[tilespmem:$0x858] =	vst v0  }
0xe8: {  	[tilespmem:$0x868] =	vst v0  }
0xe9: {  	[tilespmem:$0x878] =	vst v0  }
0xea: {  	[tilespmem:$0x888] =	vst v0  }
0xeb: {  	[tilespmem:$0x898] =	vst v0  }
0xec: {  	[tilespmem:$0x8A8] =	vst v0  }
0xed: {  	[tilespmem:$0x8B8] =	vst v0  }
0xee: {  	[tilespmem:$0x8C8] =	vst v0  }
0xef: {  	[tilespmem:$0x8D8] =	vst v0  }
0xf0: {  	[tilespmem:$0x8E8] =	vst v0  }
0xf1: {  	[tilespmem:$0x8F8] =	vst v0  }
0xf2: {  	[tilespmem:$0x908] =	vst v0  }
0xf3: {  	[tilespmem:$0x918] =	vst v0  }
0xf4: {  	[tilespmem:$0x928] =	vst v0  }
0xf5: {  	[tilespmem:$0x938] =	vst v0  }
0xf6: {  	[tilespmem:$0x948] =	vst v0  }
0xf7: {  	[tilespmem:$0x958] =	vst v0  }
0xf8: {  	[tilespmem:$0x968] =	vst v0  }
0xf9: {  	[tilespmem:$0x978] =	vst v0  }
0xfa: {  	[tilespmem:$0x988] =	vst v0  }
0xfb: {  	[tilespmem:$0x998] =	vst v0  }
0xfc: {  	[tilespmem:$0x9A8] =	vst v0  }
0xfd: {  	[tilespmem:$0x9B8] =	vst v0  }
0xfe: {  	[tilespmem:$0x9C8] =	vst v0  }
0xff: {  	[tilespmem:$0x9D8] =	vst v0  }
0x100: {  	[tilespmem:$0x9E8] =	vst v0  }
0x101: {  	[tilespmem:$0x9F8] =	vst v0  }
0x102: {  	[tilespmem:$0xA08] =	vst v0  }
0x103: {  	[tilespmem:$0xA18] =	vst v0  }
0x104: {  	[tilespmem:$0xA28] =	vst v0  }
0x105: {  	[tilespmem:$0xA38] =	vst v0  }
0x106: {  	[tilespmem:$0xA48] =	vst v0  }
0x107: {  	[tilespmem:$0xA58] =	vst v0  }
0x108: {  	[tilespmem:$0xA68] =	vst v0  }
0x109: {  	[tilespmem:$0xA78] =	vst v0  }
0x10a: {  	[tilespmem:$0xA88] =	vst v0  }
0x10b: {  	[tilespmem:$0xA98] =	vst v0  }
0x10c: {  	[tilespmem:$0xAA8] =	vst v0  }
0x10d: {  	[tilespmem:$0xAB8] =	vst v0  }
0x10e: {  	[tilespmem:$0xAC8] =	vst v0  }
0x10f: {  	[tilespmem:$0xAD8] =	vst v0  }
0x110: {  	[tilespmem:$0xAE8] =	vst v0  }
0x111: {  	[tilespmem:$0xAF8] =	vst v0  }
0x112: {  	[tilespmem:$0xB08] =	vst v0  }
0x113: {  	[tilespmem:$0xB18] =	vst v0  }
0x114: {  	[tilespmem:$0xB28] =	vst v0  }
0x115: {  	[tilespmem:$0xB38] =	vst v0  }
0x116: {  	[tilespmem:$0xB48] =	vst v0  }
0x117: {  	[tilespmem:$0xB58] =	vst v0  }
0x118: {  	[tilespmem:$0xB68] =	vst v0  }
0x119: {  	[tilespmem:$0xB78] =	vst v0  }
0x11a: {  	[tilespmem:$0xB88] =	vst v0  }
0x11b: {  	[tilespmem:$0xB98] =	vst v0  }
0x11c: {  	[tilespmem:$0xBA8] =	vst v0  }
0x11d: {  	[tilespmem:$0xBB8] =	vst v0  }
0x11e: {  	[tilespmem:$0xBC8] =	vst v0  }
0x11f: {  	[tilespmem:$0xBD8] =	vst v0  }
0x120: {  	[tilespmem:$0xBE8] =	vst v0  }
0x121: {  	[tilespmem:$0xBF8] =	vst v0  }
0x122: {  	[tilespmem:$0xC08] =	vst v0  }
0x123: {  	[tilespmem:$0xC18] =	vst v0  }
0x124: {  	[tilespmem:$0xC28] =	vst v0  }
0x125: {  	[tilespmem:$0xC38] =	vst v0  }
0x126: {  	[tilespmem:$0xC48] =	vst v0  }
0x127: {  	[tilespmem:$0xC58] =	vst v0  }
0x128: {  	[tilespmem:$0xC68] =	vst v0  }
0x129: {  	[tilespmem:$0xC78] =	vst v0  }
0x12a: {  	[tilespmem:$0xC88] =	vst v0  }
0x12b: {  	[tilespmem:$0xC98] =	vst v0  }
0x12c: {  	[tilespmem:$0xCA8] =	vst v0  }
0x12d: {  	[tilespmem:$0xCB8] =	vst v0  }
0x12e: {  	[tilespmem:$0xCC8] =	vst v0  }
0x12f: {  	[tilespmem:$0xCD8] =	vst v0  }
0x130: {  	[tilespmem:$0xCE8] =	vst v0  }
0x131: {  	[tilespmem:$0xCF8] =	vst v0  }
0x132: {  	[tilespmem:$0xD08] =	vst v0  }
0x133: {  	[tilespmem:$0xD18] =	vst v0  }
0x134: {  	[tilespmem:$0xD28] =	vst v0  }
0x135: {  	[tilespmem:$0xD38] =	vst v0  }
0x136: {  	[tilespmem:$0xD48] =	vst v0  }
0x137: {  	[tilespmem:$0xD58] =	vst v0  }
0x138: {  	[tilespmem:$0xD68] =	vst v0  }
0x139: {  	[tilespmem:$0xD78] =	vst v0  }
0x13a: {  	[tilespmem:$0xD88] =	vst v0  }
0x13b: {  	[tilespmem:$0xD98] =	vst v0  }
0x13c: {  	[tilespmem:$0xDA8] =	vst v0  }
0x13d: {  	[tilespmem:$0xDB8] =	vst v0  }
0x13e: {  	[tilespmem:$0xDC8] =	vst v0  }
0x13f: {  	[tilespmem:$0xDD8] =	vst v0  }
0x140: {  	[tilespmem:$0xDE8] =	vst v0  }
0x141: {  	[tilespmem:$0xDF8] =	vst v0  }
0x142: {  	[tilespmem:$0xE08] =	vst v0  }
0x143: {  	[tilespmem:$0xE18] =	vst v0  }
0x144: {  	[tilespmem:$0xE28] =	vst v0  }
0x145: {  	[tilespmem:$0xE38] =	vst v0  }
0x146: {  	[tilespmem:$0xE48] =	vst v0  }
0x147: {  	[tilespmem:$0xE58] =	vst v0  }
0x148: {  	[tilespmem:$0xE68] =	vst v0  }
0x149: {  	[tilespmem:$0xE78] =	vst v0  }
0x14a: {  	[tilespmem:$0xE88] =	vst v0  }
0x14b: {  	[tilespmem:$0xE98] =	vst v0  }
0x14c: {  	[tilespmem:$0xEA8] =	vst v0  }
0x14d: {  	[tilespmem:$0xEB8] =	vst v0  }
0x14e: {  	[tilespmem:$0xEC8] =	vst v0  }
0x14f: {  	[tilespmem:$0xED8] =	vst v0  }
0x150: {  	[tilespmem:$0xEE8] =	vst v0  }
0x151: {  	[tilespmem:$0xEF8] =	vst v0  }
0x152: {  	[tilespmem:$0xF08] =	vst v0  }
0x153: {  	[tilespmem:$0xF18] =	vst v0  }
0x154: {  	[tilespmem:$0xF28] =	vst v0  }
0x155: {  	[tilespmem:$0xF38] =	vst v0  }
0x156: {  	[tilespmem:$0xF48] =	vst v0  }
0x157: {  	[tilespmem:$0xF58] =	vst v0  }
0x158: {  	[tilespmem:$0xF68] =	vst v0  }
0x159: {  	[tilespmem:$0xF78] =	vst v0  }
0x15a: {  	[tilespmem:$0xF88] =	vst v0  }
0x15b: {  	[tilespmem:$0xF98] =	vst v0  }
0x15c: {  	[tilespmem:$0xFA8] =	vst v0  }
0x15d: {  	[tilespmem:$0xFB8] =	vst v0  }
0x15e: {  	[tilespmem:$0xFC8] =	vst v0  }
0x15f: {  	[tilespmem:$0xFD8] =	vst v0  }
0x160: {  	[tilespmem:$0xFE8] =	vst v0  }
0x161: {  	[tilespmem:$0xFF8] =	vst v0  }
0x162: {  	[tilespmem:$0x1008] =	vst v0  }
0x163: {  	[tilespmem:$0x1018] =	vst v0  }
0x164: {  	[tilespmem:$0x1028] =	vst v0  }
0x165: {  	[tilespmem:$0x1168] =	vst v0  }
0x166: {  	[tilespmem:$0x1038] =	vst v0  }
0x167: {  	[tilespmem:$0x1048] =	vst v0  }
0x168: {  	[tilespmem:$0x1058] =	vst v0  }
0x169: {  	[tilespmem:$0x1068] =	vst v0  }
0x16a: {  	[tilespmem:$0x1078] =	vst v0  }
0x16b: {  	[tilespmem:$0x1088] =	vst v0  }
0x16c: {  	[tilespmem:$0x1098] =	vst v0  }
0x16d: {  	[tilespmem:$0x10A8] =	vst v0  }
0x16e: {  	[tilespmem:$0x10B8] =	vst v0  }
0x16f: {  	[tilespmem:$0x10C8] =	vst v0  }
0x170: {  	[tilespmem:$0x10D8] =	vst v0  }
0x171: {  	[tilespmem:$0x10E8] =	vst v0  }
0x172: {  	[tilespmem:$0x10F8] =	vst v0  }
0x173: {  	[tilespmem:$0x1108] =	vst v0  }
0x174: {  	[tilespmem:$0x1118] =	vst v0  }
0x175: {  	[tilespmem:$0x1128] =	vst v0  }
0x176: {  	[tilespmem:$0x1138] =	vst v0  }
0x177: {  	[tilespmem:$0x1148] =	vst v0  }
0x178: {  	[tilespmem:$0x1158] =	vst v0  }
0x179: {  	[tilespmem:$0x1178] =	vst v0  }
0x17a: {  	[tilespmem:$0x1188] =	vst v0  }
0x17b: {  	[tilespmem:$0x1198] =	vst v0  }
0x17c: {  	[tilespmem:$0x11A8] =	vst v0  }
0x17d: {  	[tilespmem:$0x11B8] =	vst v0  }
0x17e: {  	[tilespmem:$0x11C8] =	vst v0  }
0x17f: {  	[tilespmem:$0x11D8] =	vst v0  }
0x180: {  	[tilespmem:$0x11E8] =	vst v0  }
0x181: {  	[tilespmem:$0x11F8] =	vst v0  }
0x182: {  	[tilespmem:$0x1208] =	vst v0  }
0x183: {  	[tilespmem:$0x1218] =	vst v0  }
0x184: {  	[tilespmem:$0x1228] =	vst v0  }
0x185: {  	[tilespmem:$0x1238] =	vst v0  }
0x186: {  	[tilespmem:$0x1248] =	vst v0  }
0x187: {  	[tilespmem:$0x1258] =	vst v0  }
0x188: {  	[tilespmem:$0x1268] =	vst v0  }
0x189: {  	[tilespmem:$0x1278] =	vst v0  }
0x18a: {  	[tilespmem:$0x1288] =	vst v0  }
0x18b: {  	[tilespmem:$0x1298] =	vst v0  }
0x18c: {  	[tilespmem:$0x12A8] =	vst v0  }
0x18d: {  	[tilespmem:$0x12B8] =	vst v0  }
0x18e: {  	[tilespmem:$0x12C8] =	vst v0  }
0x18f: {  	[tilespmem:$0x12D8] =	vst v0  }
0x190: {  	[tilespmem:$0x12E8] =	vst v0  }
0x191: {  	[tilespmem:$0x12F8] =	vst v0  }
0x192: {  	[tilespmem:$0x1308] =	vst v0  }
0x193: {  	[tilespmem:$0x1318] =	vst v0  }
0x194: {  	[tilespmem:$0x1328] =	vst v0  }
0x195: {  	[tilespmem:$0x1338] =	vst v0  }
0x196: {  	[tilespmem:$0x1348] =	vst v0  }
0x197: {  	[tilespmem:$0x1358] =	vst v0  }
0x198: {  	[tilespmem:$0x1368] =	vst v0  }
0x199: {  	[tilespmem:$0x1378] =	vst v0  }
0x19a: {  	[tilespmem:$0x1388] =	vst v0  }
0x19b: {  	[tilespmem:$0x1398] =	vst v0  }
0x19c: {  	[tilespmem:$0x13A8] =	vst v0  }
0x19d: {  	[tilespmem:$0x13B8] =	vst v0  }
0x19e: {  	[tilespmem:$0x13C8] =	vst v0  }
0x19f: {  	[tilespmem:$0x13D8] =	vst v0  }
0x1a0: {  	[tilespmem:$0x13E8] =	vst v0  }
0x1a1: {  	[tilespmem:$0x13F8] =	vst v0  }
0x1a2: {  	[tilespmem:$0x1408] =	vst v0  }
0x1a3: {  	[tilespmem:$0x1418] =	vst v0  }
0x1a4: {  	[tilespmem:$0x1428] =	vst v0  }
0x1a5: {  	[tilespmem:$0x1438] =	vst v0  }
0x1a6: {  	[tilespmem:$0x1448] =	vst v0  }
0x1a7: {  	[tilespmem:$0x1458] =	vst v0  }
0x1a8: {  	[tilespmem:$0x1468] =	vst v0  }
0x1a9: {  	[tilespmem:$0x1478] =	vst v0  }
0x1aa: {  	[tilespmem:$0x1488] =	vst v0  }
0x1ab: {  	[tilespmem:$0x1498] =	vst v0  }
0x1ac: {  	[tilespmem:$0x14A8] =	vst v0  }
0x1ad: {  	[tilespmem:$0x14B8] =	vst v0  }
0x1ae: {  	[tilespmem:$0x14C8] =	vst v0  }
0x1af: {  	[tilespmem:$0x14D8] =	vst v0  }
0x1b0: {  	[tilespmem:$0x14E8] =	vst v0  }
0x1b1: {  	[tilespmem:$0x14F8] =	vst v0  }
0x1b2: {  	[tilespmem:$0x1508] =	vst v0  }
0x1b3: {  	[tilespmem:$0x1518] =	vst v0  }
0x1b4: {  	[tilespmem:$0x1528] =	vst v0  }
0x1b5: {  	[tilespmem:$0x1538] =	vst v0  }
0x1b6: {  	[tilespmem:$0x1548] =	vst v0  }
0x1b7: {  	[tilespmem:$0x1558] =	vst v0  }
0x1b8: {  	[tilespmem:$0x1568] =	vst v0  }
0x1b9: {  	[tilespmem:$0x1578] =	vst v0  }
0x1ba: {  	[tilespmem:$0x1588] =	vst v0  }
0x1bb: {  	[tilespmem:$0x1598] =	vst v0  }
0x1bc: {  	[tilespmem:$0x15A8] =	vst v0  }
0x1bd: {  	[tilespmem:$0x15B8] =	vst v0  }
0x1be: {  	[tilespmem:$0x15C8] =	vst v0  }
0x1bf: {  	[tilespmem:$0x15D8] =	vst v0  }
0x1c0: {  	[tilespmem:$0x15E8] =	vst v0  }
0x1c1: {  	[tilespmem:$0x15F8] =	vst v0  }
0x1c2: {  	[tilespmem:$0x1608] =	vst v0  }
0x1c3: {  	[tilespmem:$0x1618] =	vst v0  }
0x1c4: {  	[tilespmem:$0x1628] =	vst v0  }
0x1c5: {  	[tilespmem:$0x1638] =	vst v0  }
0x1c6: {  	[tilespmem:$0x1648] =	vst v0  }
0x1c7: {  	[tilespmem:$0x1658] =	vst v0  }
0x1c8: {  	[tilespmem:$0x1668] =	vst v0  }
0x1c9: {  	[tilespmem:$0x1678] =	vst v0  }
0x1ca: {  	[tilespmem:$0x1688] =	vst v0  }
0x1cb: {  	[tilespmem:$0x1698] =	vst v0  }
0x1cc: {  	[tilespmem:$0x16A8] =	vst v0  }
0x1cd: {  	[tilespmem:$0x16B8] =	vst v0  }
0x1ce: {  	[tilespmem:$0x16C8] =	vst v0  }
0x1cf: {  	[tilespmem:$0x16D8] =	vst v0  }
0x1d0: {  	[tilespmem:$0x16E8] =	vst v0  }
0x1d1: {  	[tilespmem:$0x16F8] =	vst v0  }
0x1d2: {  	[tilespmem:$0x1708] =	vst v0  }
0x1d3: {  	[tilespmem:$0x1718] =	vst v0  }
0x1d4: {  	[tilespmem:$0x1728] =	vst v0  }
0x1d5: {  	[tilespmem:$0x1738] =	vst v0  }
0x1d6: {  	[tilespmem:$0x1748] =	vst v0  }
0x1d7: {  	[tilespmem:$0x1758] =	vst v0  }
0x1d8: {  	[tilespmem:$0x1768] =	vst v0  }
0x1d9: {  	[tilespmem:$0x1778] =	vst v0  }
0x1da: {  	[tilespmem:$0x1788] =	vst v0  }
0x1db: {  	[tilespmem:$0x1798] =	vst v0  }
0x1dc: {  	[tilespmem:$0x17A8] =	vst v0  }
0x1dd: {  	[tilespmem:$0x17B8] =	vst v0  }
0x1de: {  	[tilespmem:$0x17C8] =	vst v0  }
0x1df: {  	[tilespmem:$0x17D8] =	vst v0  }
0x1e0: {  	[tilespmem:$0x17E8] =	vst v0  }
0x1e1: {  	[tilespmem:$0x17F8] =	vst v0  }
0x1e2: {  	[tilespmem:$0x1808] =	vst v0  }
0x1e3: {  	[tilespmem:$0x1818] =	vst v0  }
0x1e4: {  	[tilespmem:$0x1828] =	vst v0  }
0x1e5: {  	[tilespmem:$0x1838] =	vst v0  }
0x1e6: {  	[tilespmem:$0x1848] =	vst v0  }
0x1e7: {  	[tilespmem:$0x1858] =	vst v0  }
0x1e8: {  	[tilespmem:$0x1868] =	vst v0  }
0x1e9: {  	[tilespmem:$0x1878] =	vst v0  }
0x1ea: {  	[tilespmem:$0x1888] =	vst v0  }
0x1eb: {  	[tilespmem:$0x1898] =	vst v0  }
0x1ec: {  	[tilespmem:$0x18A8] =	vst v0  }
0x1ed: {  	[tilespmem:$0x18B8] =	vst v0  }
0x1ee: {  	[tilespmem:$0x18C8] =	vst v0  }
0x1ef: {  	[tilespmem:$0x18D8] =	vst v0  }
0x1f0: {  	[tilespmem:$0x18E8] =	vst v0  }
0x1f1: {  	[tilespmem:$0x18F8] =	vst v0  }
0x1f2: {  	[tilespmem:$0x1908] =	vst v0  }
0x1f3: {  	[tilespmem:$0x1918] =	vst v0  }
0x1f4: {  	[tilespmem:$0x1928] =	vst v0  }
0x1f5: {  	[tilespmem:$0x1938] =	vst v0  }
0x1f6: {  	[tilespmem:$0x1948] =	vst v0  }
0x1f7: {  	[tilespmem:$0x1958] =	vst v0  }
0x1f8: {  	[tilespmem:$0x1968] =	vst v0  }
0x1f9: {  	[tilespmem:$0x1978] =	vst v0  }
0x1fa: {  	[tilespmem:$0x1988] =	vst v0  }
0x1fb: {  	[tilespmem:$0x1998] =	vst v0  }
0x1fc: {  	[tilespmem:$0x19A8] =	vst v0  }
0x1fd: {  	[tilespmem:$0x19B8] =	vst v0  }
0x1fe: {  	[tilespmem:$0x19C8] =	vst v0  }
0x1ff: {  	[tilespmem:$0x19D8] =	vst v0  }
0x200: {  	[tilespmem:$0x19E8] =	vst v0  }
0x201: {  	[tilespmem:$0x19F8] =	vst v0  }
0x202: {  	[tilespmem:$0x1A08] =	vst v0  }
0x203: {  	[tilespmem:$0x1A18] =	vst v0  }
0x204: {  	[tilespmem:$0x1A28] =	vst v0  }
0x205: {  	[tilespmem:$0x1A38] =	vst v0  }
0x206: {  	[tilespmem:$0x1A48] =	vst v0  }
0x207: {  	[tilespmem:$0x1A58] =	vst v0  }
0x208: {  	[tilespmem:$0x1A68] =	vst v0  }
0x209: {  	[tilespmem:$0x1A78] =	vst v0  }
0x20a: {  	[tilespmem:$0x1A88] =	vst v0  }
0x20b: {  	[tilespmem:$0x1A98] =	vst v0  }
0x20c: {  	[tilespmem:$0x1AA8] =	vst v0  }
0x20d: {  	[tilespmem:$0x1AB8] =	vst v0  }
0x20e: {  	[tilespmem:$0x1AC8] =	vst v0  }
0x20f: {  	[tilespmem:$0x1AD8] =	vst v0  }
0x210: {  	[tilespmem:$0x1AE8] =	vst v0  }
0x211: {  	[tilespmem:$0x1AF8] =	vst v0  }
0x212: {  	[tilespmem:$0x1B08] =	vst v0  }
0x213: {  	[tilespmem:$0x1B18] =	vst v0  }
0x214: {  	[tilespmem:$0x1B28] =	vst v0  }
0x215: {  	[tilespmem:$0x1B38] =	vst v0  }
0x216: {  	[tilespmem:$0x1B48] =	vst v0  }
0x217: {  	[tilespmem:$0x1B58] =	vst v0  }
0x218: {  	[tilespmem:$0x1B68] =	vst v0  }
0x219: {  	[tilespmem:$0x1B78] =	vst v0  }
0x21a: {  	[tilespmem:$0x1B88] =	vst v0  }
0x21b: {  	[tilespmem:$0x1B98] =	vst v0  }
0x21c: {  	[tilespmem:$0x1BA8] =	vst v0  }
0x21d: {  	[tilespmem:$0x1BB8] =	vst v0  }
0x21e: {  	[tilespmem:$0x1BC8] =	vst v0  }
0x21f: {  	[tilespmem:$0x1BD8] =	vst v0  }
0x220: {  	[tilespmem:$0x1BE8] =	vst v0  }
0x221: {  	[tilespmem:$0x1BF8] =	vst v0  }
0x222: {  	[tilespmem:$0x1C08] =	vst v0  }
0x223: {  	[tilespmem:$0x1C18] =	vst v0  }
0x224: {  	[tilespmem:$0x1C28] =	vst v0  }
0x225: {  	[tilespmem:$0x1C38] =	vst v0  }
0x226: {  	[tilespmem:$0x1C48] =	vst v0  }
0x227: {  	[tilespmem:$0x1C58] =	vst v0  }
0x228: {  	[tilespmem:$0x1C68] =	vst v0  }
0x229: {  	[tilespmem:$0x1C78] =	vst v0  }
0x22a: {  	[tilespmem:$0x1C88] =	vst v0  }
0x22b: {  	[tilespmem:$0x1C98] =	vst v0  }
0x22c: {  	[tilespmem:$0x1CA8] =	vst v0  }
0x22d: {  	[tilespmem:$0x1CB8] =	vst v0  }
0x22e: {  	[tilespmem:$0x1CC8] =	vst v0  }
0x22f: {  	[tilespmem:$0x1CD8] =	vst v0  }
0x230: {  	[tilespmem:$0x1CE8] =	vst v0  }
0x231: {  	[tilespmem:$0x1CF8] =	vst v0  }
0x232: {  	[tilespmem:$0x1D08] =	vst v0  }
0x233: {  	[tilespmem:$0x1D18] =	vst v0  }
0x234: {  	[tilespmem:$0x1D28] =	vst v0  }
0x235: {  	[tilespmem:$0x1D38] =	vst v0  }
0x236: {  	[tilespmem:$0x1D48] =	vst v0  }
0x237: {  	[tilespmem:$0x1D58] =	vst v0  }
0x238: {  	[tilespmem:$0x1D68] =	vst v0  }
0x239: {  	[tilespmem:$0x1D78] =	vst v0  }
0x23a: {  	[tilespmem:$0x1D88] =	vst v0  }
0x23b: {  	[tilespmem:$0x1D98] =	vst v0  }
0x23c: {  	[tilespmem:$0x1DA8] =	vst v0  }
0x23d: {  	[tilespmem:$0x1DB8] =	vst v0  }
0x23e: {  	[tilespmem:$0x1DC8] =	vst v0  }
0x23f: {  	[tilespmem:$0x1DD8] =	vst v0  }
0x240: {  	[tilespmem:$0x1DE8] =	vst v0  }
0x241: {  	[tilespmem:$0x1DF8] =	vst v0  }
0x242: {  	[tilespmem:$0x1E08] =	vst v0  }
0x243: {  	[tilespmem:$0x1E18] =	vst v0  }
0x244: {  	[tilespmem:$0x1E28] =	vst v0  }
0x245: {  	[tilespmem:$0x1E38] =	vst v0  }
0x246: {  	[tilespmem:$0x1E48] =	vst v0  }
0x247: {  	[tilespmem:$0x1E58] =	vst v0  }
0x248: {  	[tilespmem:$0x1E68] =	vst v0  }
0x249: {  	[tilespmem:$0x1E78] =	vst v0  }
0x24a: {  	[tilespmem:$0x1E88] =	vst v0  }
0x24b: {  	[tilespmem:$0x1E98] =	vst v0  }
0x24c: {  	[tilespmem:$0x1EA8] =	vst v0  }
0x24d: {  	[tilespmem:$0x1EB8] =	vst v0  }
0x24e: {  	[tilespmem:$0x1EC8] =	vst v0  }
0x24f: {  	[tilespmem:$0x1ED8] =	vst v0  }
0x250: {  	[tilespmem:$0x1EE8] =	vst v0  }
0x251: {  	[tilespmem:$0x1EF8] =	vst v0  }
0x252: {  	[tilespmem:$0x1F08] =	vst v0  }
0x253: {  	[tilespmem:$0x1F18] =	vst v0  }
0x254: {  	[tilespmem:$0x1F28] =	vst v0  }
0x255: {  	[tilespmem:$0x1F38] =	vst v0  }
0x256: {  	[tilespmem:$0x1F48] =	vst v0  }
0x257: {  	[tilespmem:$0x1F58] =	vst v0  }
0x258: {  	[tilespmem:$0x1F68] =	vst v0  }
0x259: {  	[tilespmem:$0x1F78] =	vst v0  }
0x25a: {  	[tilespmem:$0x1F88] =	vst v0  }
0x25b: {  	[tilespmem:$0x1F98] =	vst v0  }
0x25c: {  	[tilespmem:$0x1FA8] =	vst v0  }
0x25d: {  	[tilespmem:$0x1FB8] =	vst v0  }
0x25e: {  	[tilespmem:$0x1FC8] =	vst v0  }
0x25f: {  	[tilespmem:$0x1FD8] =	vst v0  }
0x260: {  	[tilespmem:$0x1FE8] =	vst v0  }
0x261: {  	[tilespmem:$0x1FF8] =	vst v0  }
0x262: {  	[tilespmem:$0x2008] =	vst v0  }
0x263: {  	[tilespmem:$0x2018] =	vst v0  }
0x264: {  	[tilespmem:$0x2028] =	vst v0  }
0x265: {  	[tilespmem:$0x2038] =	vst v0  }
0x266: {  	[tilespmem:$0x2048] =	vst v0  }
0x267: {  	[tilespmem:$0x2058] =	vst v0  }
0x268: {  	[tilespmem:$0x2068] =	vst v0  }
0x269: {  	[tilespmem:$0x2078] =	vst v0  }
0x26a: {  	[tilespmem:$0x2088] =	vst v0  }
0x26b: {  	[tilespmem:$0x2098] =	vst v0  }
0x26c: {  	[tilespmem:$0x20A8] =	vst v0  }
0x26d: {  	[tilespmem:$0x20B8] =	vst v0  }
0x26e: {  	[tilespmem:$0x20C8] =	vst v0  }
0x26f: {  	[tilespmem:$0x20D8] =	vst v0  }
0x270: {  	[tilespmem:$0x20E8] =	vst v0  }
0x271: {  	[tilespmem:$0x20F8] =	vst v0  }
0x272: {  	[tilespmem:$0x2108] =	vst v0  }
0x273: {  	[tilespmem:$0x2118] =	vst v0  }
0x274: {  	[tilespmem:$0x2128] =	vst v0  }
0x275: {  	[tilespmem:$0x2138] =	vst v0  }
0x276: {  	[tilespmem:$0x2148] =	vst v0  }
0x277: {  	[tilespmem:$0x2158] =	vst v0  }
0x278: {  	[tilespmem:$0x2168] =	vst v0  }
0x279: {  	[tilespmem:$0x2218] =	vst v0  }
0x27a: {  	[tilespmem:$0x3058] =	vst v0  }
0x27b: {  	[tilespmem:$0x3048] =	vst v0  }
0x27c: {  	[tilespmem:$0x3038] =	vst v0  }
0x27d: {  	[tilespmem:$0x3028] =	vst v0  }
0x27e: {  	[tilespmem:$0x3018] =	vst v0  }
0x27f: {  	[tilespmem:$0x3008] =	vst v0  }
0x280: {  	[tilespmem:$0x2FF8] =	vst v0  }
0x281: {  	[tilespmem:$0x2FE8] =	vst v0  }
0x282: {  	[tilespmem:$0x2FD8] =	vst v0  }
0x283: {  	[tilespmem:$0x2FC8] =	vst v0  }
0x284: {  	[tilespmem:$0x2FB8] =	vst v0  }
0x285: {  	[tilespmem:$0x2FA8] =	vst v0  }
0x286: {  	[tilespmem:$0x2F98] =	vst v0  }
0x287: {  	[tilespmem:$0x2F88] =	vst v0  }
0x288: {  	[tilespmem:$0x2F78] =	vst v0  }
0x289: {  	[tilespmem:$0x2F68] =	vst v0  }
0x28a: {  	[tilespmem:$0x2F58] =	vst v0  }
0x28b: {  	[tilespmem:$0x2F48] =	vst v0  }
0x28c: {  	[tilespmem:$0x2F38] =	vst v0  }
0x28d: {  	[tilespmem:$0x2F28] =	vst v0  }
0x28e: {  	[tilespmem:$0x2F18] =	vst v0  }
0x28f: {  	[tilespmem:$0x2F08] =	vst v0  }
0x290: {  	[tilespmem:$0x2EF8] =	vst v0  }
0x291: {  	[tilespmem:$0x2EE8] =	vst v0  }
0x292: {  	[tilespmem:$0x2ED8] =	vst v0  }
0x293: {  	[tilespmem:$0x2EC8] =	vst v0  }
0x294: {  	[tilespmem:$0x2EB8] =	vst v0  }
0x295: {  	[tilespmem:$0x2EA8] =	vst v0  }
0x296: {  	[tilespmem:$0x2E98] =	vst v0  }
0x297: {  	[tilespmem:$0x2E88] =	vst v0  }
0x298: {  	[tilespmem:$0x2E78] =	vst v0  }
0x299: {  	[tilespmem:$0x2E68] =	vst v0  }
0x29a: {  	[tilespmem:$0x2E58] =	vst v0  }
0x29b: {  	[tilespmem:$0x2E48] =	vst v0  }
0x29c: {  	[tilespmem:$0x2E38] =	vst v0  }
0x29d: {  	[tilespmem:$0x2E28] =	vst v0  }
0x29e: {  	[tilespmem:$0x2E18] =	vst v0  }
0x29f: {  	[tilespmem:$0x2E08] =	vst v0  }
0x2a0: {  	[tilespmem:$0x2DF8] =	vst v0  }
0x2a1: {  	[tilespmem:$0x2DE8] =	vst v0  }
0x2a2: {  	[tilespmem:$0x2DD8] =	vst v0  }
0x2a3: {  	[tilespmem:$0x2DC8] =	vst v0  }
0x2a4: {  	[tilespmem:$0x2DB8] =	vst v0  }
0x2a5: {  	[tilespmem:$0x2DA8] =	vst v0  }
0x2a6: {  	[tilespmem:$0x2D98] =	vst v0  }
0x2a7: {  	[tilespmem:$0x2D88] =	vst v0  }
0x2a8: {  	[tilespmem:$0x2D78] =	vst v0  }
0x2a9: {  	[tilespmem:$0x2D68] =	vst v0  }
0x2aa: {  	[tilespmem:$0x2D58] =	vst v0  }
0x2ab: {  	[tilespmem:$0x2D48] =	vst v0  }
0x2ac: {  	[tilespmem:$0x2D38] =	vst v0  }
0x2ad: {  	[tilespmem:$0x2D28] =	vst v0  }
0x2ae: {  	[tilespmem:$0x2D18] =	vst v0  }
0x2af: {  	[tilespmem:$0x2D08] =	vst v0  }
0x2b0: {  	[tilespmem:$0x2CF8] =	vst v0  }
0x2b1: {  	[tilespmem:$0x2CE8] =	vst v0  }
0x2b2: {  	[tilespmem:$0x2CD8] =	vst v0  }
0x2b3: {  	[tilespmem:$0x2CC8] =	vst v0  }
0x2b4: {  	[tilespmem:$0x2CB8] =	vst v0  }
0x2b5: {  	[tilespmem:$0x2CA8] =	vst v0  }
0x2b6: {  	[tilespmem:$0x2C98] =	vst v0  }
0x2b7: {  	[tilespmem:$0x2C88] =	vst v0  }
0x2b8: {  	[tilespmem:$0x2C78] =	vst v0  }
0x2b9: {  	[tilespmem:$0x2C68] =	vst v0  }
0x2ba: {  	[tilespmem:$0x2C58] =	vst v0  }
0x2bb: {  	[tilespmem:$0x2C48] =	vst v0  }
0x2bc: {  	[tilespmem:$0x2C38] =	vst v0  }
0x2bd: {  	[tilespmem:$0x2C28] =	vst v0  }
0x2be: {  	[tilespmem:$0x2C18] =	vst v0  }
0x2bf: {  	[tilespmem:$0x2C08] =	vst v0  }
0x2c0: {  	[tilespmem:$0x2BF8] =	vst v0  }
0x2c1: {  	[tilespmem:$0x2BE8] =	vst v0  }
0x2c2: {  	[tilespmem:$0x2BD8] =	vst v0  }
0x2c3: {  	[tilespmem:$0x2BC8] =	vst v0  }
0x2c4: {  	[tilespmem:$0x2BB8] =	vst v0  }
0x2c5: {  	[tilespmem:$0x2BA8] =	vst v0  }
0x2c6: {  	[tilespmem:$0x2B98] =	vst v0  }
0x2c7: {  	[tilespmem:$0x2B88] =	vst v0  }
0x2c8: {  	[tilespmem:$0x2B78] =	vst v0  }
0x2c9: {  	[tilespmem:$0x2B68] =	vst v0  }
0x2ca: {  	[tilespmem:$0x2B58] =	vst v0  }
0x2cb: {  	[tilespmem:$0x2B48] =	vst v0  }
0x2cc: {  	[tilespmem:$0x2B38] =	vst v0  }
0x2cd: {  	[tilespmem:$0x2B28] =	vst v0  }
0x2ce: {  	[tilespmem:$0x2B18] =	vst v0  }
0x2cf: {  	[tilespmem:$0x2B08] =	vst v0  }
0x2d0: {  	[tilespmem:$0x2AF8] =	vst v0  }
0x2d1: {  	[tilespmem:$0x2AE8] =	vst v0  }
0x2d2: {  	[tilespmem:$0x2AD8] =	vst v0  }
0x2d3: {  	[tilespmem:$0x2AC8] =	vst v0  }
0x2d4: {  	[tilespmem:$0x2AB8] =	vst v0  }
0x2d5: {  	[tilespmem:$0x2AA8] =	vst v0  }
0x2d6: {  	[tilespmem:$0x2A98] =	vst v0  }
0x2d7: {  	[tilespmem:$0x2A88] =	vst v0  }
0x2d8: {  	[tilespmem:$0x2A78] =	vst v0  }
0x2d9: {  	[tilespmem:$0x2A68] =	vst v0  }
0x2da: {  	[tilespmem:$0x2A58] =	vst v0  }
0x2db: {  	[tilespmem:$0x2A48] =	vst v0  }
0x2dc: {  	[tilespmem:$0x2A38] =	vst v0  }
0x2dd: {  	[tilespmem:$0x2A28] =	vst v0  }
0x2de: {  	[tilespmem:$0x2A18] =	vst v0  }
0x2df: {  	[tilespmem:$0x2A08] =	vst v0  }
0x2e0: {  	[tilespmem:$0x29F8] =	vst v0  }
0x2e1: {  	[tilespmem:$0x29E8] =	vst v0  }
0x2e2: {  	[tilespmem:$0x29D8] =	vst v0  }
0x2e3: {  	[tilespmem:$0x29C8] =	vst v0  }
0x2e4: {  	[tilespmem:$0x29B8] =	vst v0  }
0x2e5: {  	[tilespmem:$0x29A8] =	vst v0  }
0x2e6: {  	[tilespmem:$0x2998] =	vst v0  }
0x2e7: {  	[tilespmem:$0x2988] =	vst v0  }
0x2e8: {  	[tilespmem:$0x2978] =	vst v0  }
0x2e9: {  	[tilespmem:$0x2968] =	vst v0  }
0x2ea: {  	[tilespmem:$0x2958] =	vst v0  }
0x2eb: {  	[tilespmem:$0x2948] =	vst v0  }
0x2ec: {  	[tilespmem:$0x2938] =	vst v0  }
0x2ed: {  	[tilespmem:$0x2928] =	vst v0  }
0x2ee: {  	[tilespmem:$0x2918] =	vst v0  }
0x2ef: {  	[tilespmem:$0x2908] =	vst v0  }
0x2f0: {  	[tilespmem:$0x28F8] =	vst v0  }
0x2f1: {  	[tilespmem:$0x28E8] =	vst v0  }
0x2f2: {  	[tilespmem:$0x28D8] =	vst v0  }
0x2f3: {  	[tilespmem:$0x28C8] =	vst v0  }
0x2f4: {  	[tilespmem:$0x28B8] =	vst v0  }
0x2f5: {  	[tilespmem:$0x28A8] =	vst v0  }
0x2f6: {  	[tilespmem:$0x2898] =	vst v0  }
0x2f7: {  	[tilespmem:$0x2888] =	vst v0  }
0x2f8: {  	[tilespmem:$0x2878] =	vst v0  }
0x2f9: {  	[tilespmem:$0x2868] =	vst v0  }
0x2fa: {  	[tilespmem:$0x2858] =	vst v0  }
0x2fb: {  	[tilespmem:$0x2848] =	vst v0  }
0x2fc: {  	[tilespmem:$0x2838] =	vst v0  }
0x2fd: {  	[tilespmem:$0x2828] =	vst v0  }
0x2fe: {  	[tilespmem:$0x2818] =	vst v0  }
0x2ff: {  	[tilespmem:$0x2808] =	vst v0  }
0x300: {  	[tilespmem:$0x27F8] =	vst v0  }
0x301: {  	[tilespmem:$0x27E8] =	vst v0  }
0x302: {  	[tilespmem:$0x27D8] =	vst v0  }
0x303: {  	[tilespmem:$0x27C8] =	vst v0  }
0x304: {  	[tilespmem:$0x27B8] =	vst v0  }
0x305: {  	[tilespmem:$0x27A8] =	vst v0  }
0x306: {  	[tilespmem:$0x2798] =	vst v0  }
0x307: {  	[tilespmem:$0x2788] =	vst v0  }
0x308: {  	[tilespmem:$0x2778] =	vst v0  }
0x309: {  	[tilespmem:$0x2768] =	vst v0  }
0x30a: {  	[tilespmem:$0x2758] =	vst v0  }
0x30b: {  	[tilespmem:$0x2748] =	vst v0  }
0x30c: {  	[tilespmem:$0x2738] =	vst v0  }
0x30d: {  	[tilespmem:$0x2728] =	vst v0  }
0x30e: {  	[tilespmem:$0x2718] =	vst v0  }
0x30f: {  	[tilespmem:$0x2708] =	vst v0  }
0x310: {  	[tilespmem:$0x26F8] =	vst v0  }
0x311: {  	[tilespmem:$0x26E8] =	vst v0  }
0x312: {  	[tilespmem:$0x26D8] =	vst v0  }
0x313: {  	[tilespmem:$0x26C8] =	vst v0  }
0x314: {  	[tilespmem:$0x26B8] =	vst v0  }
0x315: {  	[tilespmem:$0x26A8] =	vst v0  }
0x316: {  	[tilespmem:$0x2698] =	vst v0  }
0x317: {  	[tilespmem:$0x2688] =	vst v0  }
0x318: {  	[tilespmem:$0x2678] =	vst v0  }
0x319: {  	[tilespmem:$0x2668] =	vst v0  }
0x31a: {  	[tilespmem:$0x2658] =	vst v0  }
0x31b: {  	[tilespmem:$0x2648] =	vst v0  }
0x31c: {  	[tilespmem:$0x2638] =	vst v0  }
0x31d: {  	[tilespmem:$0x2628] =	vst v0  }
0x31e: {  	[tilespmem:$0x2618] =	vst v0  }
0x31f: {  	[tilespmem:$0x2608] =	vst v0  }
0x320: {  	[tilespmem:$0x25F8] =	vst v0  }
0x321: {  	[tilespmem:$0x25E8] =	vst v0  }
0x322: {  	[tilespmem:$0x25D8] =	vst v0  }
0x323: {  	[tilespmem:$0x25C8] =	vst v0  }
0x324: {  	[tilespmem:$0x25B8] =	vst v0  }
0x325: {  	[tilespmem:$0x25A8] =	vst v0  }
0x326: {  	[tilespmem:$0x2598] =	vst v0  }
0x327: {  	[tilespmem:$0x2588] =	vst v0  }
0x328: {  	[tilespmem:$0x2578] =	vst v0  }
0x329: {  	[tilespmem:$0x2568] =	vst v0  }
0x32a: {  	[tilespmem:$0x2558] =	vst v0  }
0x32b: {  	[tilespmem:$0x2548] =	vst v0  }
0x32c: {  	[tilespmem:$0x2538] =	vst v0  }
0x32d: {  	[tilespmem:$0x2528] =	vst v0  }
0x32e: {  	[tilespmem:$0x2518] =	vst v0  }
0x32f: {  	[tilespmem:$0x2508] =	vst v0  }
0x330: {  	[tilespmem:$0x24F8] =	vst v0  }
0x331: {  	[tilespmem:$0x24E8] =	vst v0  }
0x332: {  	[tilespmem:$0x24D8] =	vst v0  }
0x333: {  	[tilespmem:$0x24C8] =	vst v0  }
0x334: {  	[tilespmem:$0x24B8] =	vst v0  }
0x335: {  	[tilespmem:$0x24A8] =	vst v0  }
0x336: {  	[tilespmem:$0x2498] =	vst v0  }
0x337: {  	[tilespmem:$0x2488] =	vst v0  }
0x338: {  	[tilespmem:$0x2478] =	vst v0  }
0x339: {  	[tilespmem:$0x2468] =	vst v0  }
0x33a: {  	[tilespmem:$0x2458] =	vst v0  }
0x33b: {  	[tilespmem:$0x2448] =	vst v0  }
0x33c: {  	[tilespmem:$0x2438] =	vst v0  }
0x33d: {  	[tilespmem:$0x2428] =	vst v0  }
0x33e: {  	[tilespmem:$0x2418] =	vst v0  }
0x33f: {  	[tilespmem:$0x2408] =	vst v0  }
0x340: {  	[tilespmem:$0x23F8] =	vst v0  }
0x341: {  	[tilespmem:$0x23E8] =	vst v0  }
0x342: {  	[tilespmem:$0x23D8] =	vst v0  }
0x343: {  	[tilespmem:$0x23C8] =	vst v0  }
0x344: {  	[tilespmem:$0x23B8] =	vst v0  }
0x345: {  	[tilespmem:$0x23A8] =	vst v0  }
0x346: {  	[tilespmem:$0x2398] =	vst v0  }
0x347: {  	[tilespmem:$0x2388] =	vst v0  }
0x348: {  	[tilespmem:$0x2378] =	vst v0  }
0x349: {  	[tilespmem:$0x2368] =	vst v0  }
0x34a: {  	[tilespmem:$0x2358] =	vst v0  }
0x34b: {  	[tilespmem:$0x2348] =	vst v0  }
0x34c: {  	[tilespmem:$0x2338] =	vst v0  }
0x34d: {  	[tilespmem:$0x2328] =	vst v0  }
0x34e: {  	[tilespmem:$0x2318] =	vst v0  }
0x34f: {  	[tilespmem:$0x2308] =	vst v0  }
0x350: {  	[tilespmem:$0x22F8] =	vst v0  }
0x351: {  	[tilespmem:$0x22E8] =	vst v0  }
0x352: {  	[tilespmem:$0x22D8] =	vst v0  }
0x353: {  	[tilespmem:$0x22C8] =	vst v0  }
0x354: {  	[tilespmem:$0x22B8] =	vst v0  }
0x355: {  	[tilespmem:$0x22A8] =	vst v0  }
0x356: {  	[tilespmem:$0x2298] =	vst v0  }
0x357: {  	[tilespmem:$0x2288] =	vst v0  }
0x358: {  	[tilespmem:$0x2278] =	vst v0  }
0x359: {  	s10 =	stileid.u32;
	[tilespmem:$0x2268] =	vst v0  }
0x35a: {  	s0 =	smul.u32 $0x82, s10;
	[tilespmem:$0x2258] =	vst v0  }
0x35b: {  	s1 =	smin.u32 s10, $0x4;
	[tilespmem:$0x2248] =	vst v0  }
0x35c: {  	[tilespmem:$0x2238] =	vst v0;
	s0 =	sadd.s32 s1, s0  }
0x35d: {  	p0 =	slt.u32 s10, $0x4;
	[tilespmem:$0x2228] =	vst v0;
	s1 =	simm.s32 $0xC480;
	s8 =	smul.u32 $0x180, s0  }
0x35e: {  	s1 =	simm.s32 @!p0 $0xC300;
	[tilespmem:$0x21F8] =	vst v0  }
0x35f: {  	[tilespmem:$0x2208] =	vst v0;
	s0 =	sadd.s32 s1, s8  }
0x360: {  	s4 =	simm.s32 $0x2;
	[tilespmem:$0x21E8] =	vst v0;
	s9 =	smin.u32 s0, $0xC3500  }
0x361: {  	s31 =	simm.s32 $0x9;
	s5 =	simm.s32 $0xA;
	[tilespmem:$0x2188] =	vst v0;
	s0 =	ssub.s32 s9, s8  }
0x362: {  	s12 =	simm.s32 $0xB;
	s18 =	simm.s32 $0x0;
	[tilespmem:$0x21D8] =	vst v0;
	p0 =	sgt.s32 s0, $0x0  }
0x363: {  	p1 =	por $0x0, $0x0;
	s19 =	simm.s32 $0xC;
	[tilespmem:$0x21C8] =	vst v0;
	s0 =	simm.s32 @!p0 $0x0  }
0x364: {  	s23 =	simm.s32 $0x0;
	s20 =	simm.s32 $0x0;
	[tilespmem:$0x21B8] =	vst v0;
	s30 =	smulhi.u32 $0x2AAAAAAB, s0  }
0x365: {  	s22 =	simm.s32 $0x0;
	s2 =	sand.u32 $0x1, s2;
	s16 =	sshll.u32 s10, $0x6;
	[tilespmem:$0x21A8] =	vst v0  }
0x366: {  	s1 =	sshrl.u32 s30, $0x6;
	[tilespmem:$0x2198] =	vst v0;
	[dreg:$0x4] =	wrdreg s2;
	s2 =	smul.u32 $0x186A0, s2  }
0x367: {  	[tilespmem:$0x2178] =	vst v0;
	[sflag:s4] =	ssyncpa.u1 $0x0;
	v0 =	vimm.s32 $0xFFFFFFFF;
	s4 =	sadd.s32 $0x435800, s7;
	s6 =	smul.u32 $0x180, s1  }
.Ltmp7:
0x368: {  	[tilespmem:$0x6088] =	vst v0;
	[sflag:s31] =	ssyncpa.u1 $0x0;
	s2 =	sadd.s32 s2, s7;
	(pc) =	sbr.rel .LBB3_1-.Ltmp7, $4  }
0x369: {  	[sflag:s5] =	ssyncpa.u1 $0x0;
	p0 =	sne.s32 s0, s6;
	s0 =	simm.s32 $0x1  }
0x36a: {  	s7 =	sadd.s32 $0x112BA00, s7;
	[sflag:s12] =	ssyncpa.u1 $0x0;
	s0 =	simm.s32 @!p0 $0x0  }
0x36b: {  	s14 =	sadd.s32 $0x27E000, s2;
	s15 =	sadd.s32 $0x24D200, s2;
	s13 =	sadd.s32 s0, s1  }
0x36c: {  	v0 =	vlaneseq.u32;
	s21 =	smov.u32 s8;
	p0 =	por $0x1, $0x1;
	s17 =	sadd.s32 $0x1, s13  }
.LBB3_22:
0x36d: {  	s0 =	sshrl.u32 s0, $0x2  }
.LBB3_24:
0x36e: {  	_ =	swait.ge [sflag:s19], s0  }
0x36f: {  	s30 =	ssub.s32 $0x0, s0;
	v1 =	vmov s25;
	vm0 =	veq.s32 v0, $0x0;
	[sflag:s19] =	ssyncset.done $0x0  }
0x370: {  	vm15 =	veq.s32 v0, $0x2;
	v1 =	vsel vm0, s31, v1;
	[sflag:s19] =	ssyncadd.s32 s30  }
0x371: {  	v1 =	vsel vm15, s23, v1;
	[sflag:s19] =	ssyncpa.u1 $0x1  }
0x372: {  	[tilespmem:$0x6088] =	vst v1  }
.LBB3_25:
0x373: {  	s0 =	sadd.s32 $0x180, s21  }
0x374: {  	s1 =	smov.u32 s8;
	p2 =	slt.s32 s0, s9  }
0x375: {  	s1 =	smov.u32 @p2 s0;
	p2 =	sne.s32 s22, s17  }
.Ltmp8:
0x376: {  	_ = 	snop;
	(pc) =	sbr.rel @!p2 .LBB3_26-.Ltmp8, $4  }
0x377: {  	_ = 	snop  }
0x378: {  	s23 =	smov.u32 s20  }
0x379: {  	s31 =	sadd.s32 $0x1, s22;
	s20 =	smov.u32 s21;
	p0 =	por !p0, !p0  }
0x37a: {  	p1 =	por !p1, !p1;
	s22 =	smov.u32 s31;
	s21 =	smov.u32 s1  }
.LBB3_1:
0x37b: {  	p2 =	sge.u32 s22, s13  }
0x37c: {  	s0 =	smulhi.u32 @!p2 $0xAAAAAAAB, s22  }
0x37d: {  	s1 =	smov.u32 s21;
	p3 =	sgt.s32 @!p2 s21, $0xC3380  }
0x37e: {  	s2 =	sshra.s32 @!p2 s21, $0x1F;
	p3 =	por !p3, p2;
	s0 =	sshrl.u32 @!p2 s0, $0x1  }
0x37f: {  	s2 =	sand.u32 @!p2 s2, s21;
	s1 =	simm.s32 @p3 $0xC3380;
	s0 =	smul.u32 @!p2 $0x3, s0  }
0x380: {  	s1 =	ssub.s32 @!p2 s1, s2  }
0x381: {  	s1 =	sadd.s32 @!p2 $0xFFF3CC80, s1;
	s0 =	ssub.s32 @!p2 s22, s0  }
0x382: {  	s2 =	sshll.u32 @!p2 s1, $0x2;
	p3 =	sgt.s32 @!p2 s1, $0x17F;
	s0 =	smul.u32 @!p2 $0x600, s0  }
0x383: {  	s5 =	sand.u32 @!p2 $0x7, s21;
	s1 =	ssub.s32 @!p2 $0x600, s2;
	p3 =	por !p3, p2  }
0x384: {  	s2 =	sshrl.u32 @!p2 s21, $0x3;
	s1 =	sshrl.u32 @!p2 s1, $0x2;
	s0 =	sshrl.u32 @!p2 s0, $0x2  }
0x385: {  	s2 =	sadd.s32 @!p2 s2, s14;
	s1 =	simm.s32 @!p3 $0x0;
	s0 =	sadd.s32 @!p2 $0x64C8, s0  }
0x386: {  	[tilespmem:s0], [sflag:$0xA] =	stream.linear.gather @!p2 [hbm4b:s2+s5], s1, $0x38;
	[tilespmem:$0x1EC48] =	vst v63  }
0x387: {  	s1 =	sadd.s32 $0xFFFFFFFF, s22  }
0x388: {  	p2 =	sge.u32 s1, s13  }
0x389: {  	p3 =	sgt.s32 @!p2 s20, $0xC3380  }
0x38a: {  	s0 =	smov.u32 s20;
	s2 =	sshra.s32 @!p2 s20, $0x1F;
	p3 =	por !p3, p2  }
0x38b: {  	s2 =	sand.u32 @!p2 s2, s20;
	s0 =	simm.s32 @p3 $0xC3380  }
0x38c: {  	s0 =	ssub.s32 @!p2 s0, s2  }
0x38d: {  	s0 =	sadd.s32 @!p2 $0xFFF3CC80, s0  }
0x38e: {  	s2 =	sshll.u32 @!p2 s0, $0x2  }
0x38f: {  	p3 =	sgt.s32 @!p2 s0, $0x17F;
	s0 =	ssub.s32 @!p2 $0x600, s2  }
0x390: {  	p3 =	por !p3, p2;
	s0 =	sshrl.u32 @!p2 s0, $0x2  }
0x391: {  	s5 =	simm.s32 @!p2 $0xA;
	s2 =	sand.u32 @!p2 $0x1, s1;
	s0 =	simm.s32 @!p3 $0x0  }
0x392: {  	s2 =	smul.u32 @!p2 $0x600, s2;
	_ =	swait.ge @!p2 [sflag:s5], s0  }
0x393: {  	s6 =	ssub.s32 @!p2 $0x0, s0;
	[sflag:s5] =	ssyncset.done @!p2 $0x0  }
0x394: {  	s2 =	sshrl.u32 @!p2 s2, $0x2;
	[sflag:s5] =	ssyncadd.s32 @!p2 s6;
	s5 =	sshrl.u32 @!p2 s20, $0x3  }
0x395: {  	s2 =	sadd.s32 @!p2 $0x6948, s2;
	s6 =	sand.u32 @!p2 $0x7, s20;
	s5 =	sadd.s32 @!p2 s5, s15  }
0x396: {  	[tilespmem:s2], [sflag:$0xB] =	stream.linear.gather @!p2 [hbm4b:s5+s6], s0, $0x38;
	[tilespmem:$0x1EC48] =	vst v63  }
0x397: {  	s0 =	ssub.s32 @!p2 $0xC3500, s20  }
0x398: {  	p3 =	slt.s32 @!p2 s0, $0x1  }
0x399: {  	p3 =	por p2, p3  }
.Ltmp9:
0x39a: {  	_ = 	snop;
	(pc) =	sbr.rel @p3 .LBB3_7-.Ltmp9, $1  }
0x39b: {  	_ =	sdelay $0x3  }
0x39c: {  	s2 =	smulhi.u32 $0xAAAAAAAB, s1;
	_ =	sdelay $0x1  }
0x39d: {  	s2 =	sshrl.u32 s2, $0x1  }
0x39e: {  	s2 =	smul.u32 $0x3, s2;
	_ =	sdelay $0x1  }
0x39f: {  	s29 =	ssub.s32 s1, s2  }
0x3a0: {  	s5 =	simm.s32 $0x1;
	s1 =	smul.u32 $0x600, s29  }
.Ltmp10:
0x3a1: {  	s5 =	simm.s32 @!p0 $0x0;
	(pc) =	sbr.rel .LBB3_4-.Ltmp10, $4  }
0x3a2: {  	s30 =	smul.u32 $0x30000, s5  }
0x3a3: {  	p3 =	slt.s32 @!p2 s0, $0x180;
	s1 =	sshrl.u32 s1, $0x2  }
0x3a4: {  	p2 =	por !p3, p2;
	s2 =	sshrl.u32 s30, $0x2;
	s31 =	sadd.s32 $0x64C8, s1  }
0x3a5: {  	s24 =	simm.s32 $0x0;
	s0 =	simm.s32 @p2 $0x180;
	s1 =	sadd.s32 $0x6C48, s2;
	v1 =	vmov s31  }
.LBB3_3:
0x3a6: {  	p2 =	sge.s32 s24, s0  }
.Ltmp11:
0x3a7: {  	_ = 	snop;
	(pc) =	sbr.rel @p2 .LBB3_7-.Ltmp11, $2  }
0x3a8: {  	_ =	sdelay $0x2  }
0x3a9: {  	s1 =	sadd.s32 $0x800, s1  }
.LBB3_4:
0x3aa: {  	p2 =	sle.s32 s0, s24  }
.Ltmp12:
0x3ab: {  	_ = 	snop;
	(pc) =	sbr.rel @p2 .LBB3_3-.Ltmp12, $2  }
0x3ac: {  	_ =	sdelay $0x2  }
0x3ad: {  	s2 =	smov.u32 s24;
	s24 =	sadd.s32 $0x10, s24  }
0x3ae: {  	s5 =	ssub.s32 s0, s2  }
0x3af: {  	p2 =	slt.s32 s5, $0x10  }
0x3b0: {  	s5 =	simm.s32 @!p2 $0x10  }
0x3b1: {  	v2 =	vmov s5  }
0x3b2: {  	vm0 =	vgt.s32 v2, v0;
	_ =	sdelay $0x5  }
0x3b3: {  	v2 =	vld.idx.msk [tilespmem:v1+s2+$0x0 ss:$0x1], vm0;
	_ =	sdelay $0x2  }
0x3b4: {  	s6 =	smov.u32 s0;
	p2 =	slt.s32 s24, s0  }
0x3b5: {  	s25 =	simm.s32 $0x0;
	s6 =	smov.u32 @p2 s24;
	s5 =	smov.u32 s1  }
.LBB3_6:
0x3b6: {  	(v2sf) =	vpush v2, s25;
	_ =	sdelay $0xc  }
0x3b7: {  	s25 =	sadd.s32 $0x1, s25  }
0x3b8: {  	s31 =	sadd.s32 s25, s2  }
0x3b9: {  	p2 =	slt.s32 s31, s6;
	s10 =	spop (v2sf)  }
.Ltmp13:
0x3ba: {  	s10 =	sshll.u32 s10, $0x4;
	(pc) =	sbr.rel @p2 .LBB3_6-.Ltmp13, $4  }
0x3bb: {  	s10 =	sand.u32 $0x1FFFFFF0, s10  }
0x3bc: {  	s10 =	sadd.s32 s7, s10  }
0x3bd: {  	[tilespmem:s5], [sflag:$0x9] =	stream.linear.gather [hbm4b:s10+s18], $0x20, $0x38;
	[tilespmem:$0x1EC48] =	vst v63  }
0x3be: {  	s5 =	sadd.s32 $0x80, s5  }
.Ltmp14:
0x3bf: {  	_ = 	snop;
	(pc) =	sbr.rel .LBB3_3-.Ltmp14, $1  }
0x3c0: {  	_ =	sdelay $0x3  }
.LBB3_7:
0x3c1: {  	p2 =	slt.u32 s22, $0x2  }
.Ltmp15:
0x3c2: {  	_ = 	snop;
	(pc) =	sbr.rel @p2 .LBB3_25-.Ltmp15, $1  }
0x3c3: {  	_ =	sdelay $0x3  }
0x3c4: {  	p2 =	sgt.s32 s23, $0xC3380  }
0x3c5: {  	s0 =	smov.u32 s23;
	s1 =	sshra.s32 s23, $0x1F;
	s2 =	ssub.s32 $0xC3500, s23  }
0x3c6: {  	s0 =	simm.s32 @!p2 $0xC3380;
	s1 =	sand.u32 s1, s23;
	p2 =	slt.s32 s2, $0x180  }
0x3c7: {  	s0 =	ssub.s32 s0, s1;
	s2 =	simm.s32 @!p2 $0x180  }
0x3c8: {  	s0 =	sadd.s32 $0xFFF3CC80, s0;
	s11 =	sshll.u32 s2, $0x5  }
0x3c9: {  	s26 =	simm.s32 $0x9;
	s24 =	sshll.u32 s0, $0x2;
	s1 =	sand.u32 $0x3FFFFFE0, s11  }
0x3ca: {  	p2 =	sgt.s32 s0, $0x17F;
	s25 =	ssub.s32 $0x600, s24;
	_ =	swait.ge [sflag:s26], s1  }
0x3cb: {  	s1 =	ssub.s32 $0x0, s1;
	[sflag:s26] =	ssyncset.done $0x0;
	s0 =	sshrl.u32 s25, $0x2  }
0x3cc: {  	[sflag:s26] =	ssyncadd.s32 s1;
	s0 =	simm.s32 @p2 $0x0  }
0x3cd: {  	_ =	swait.ge [sflag:s12], s0  }
0x3ce: {  	s0 =	ssub.s32 $0x0, s0;
	[sflag:s12] =	ssyncset.done $0x0  }
0x3cf: {  	[sflag:s12] =	ssyncadd.s32 s0  }
0x3d0: {  	v1 =	vld [tilespmem:$0x6088];
	_ =	sdelay $0x4  }
0x3d1: {  	(v2sf) =	vpush v1, $0x0  }
0x3d2: {  	(v2sf) =	vpush v1, $0x1  }
0x3d3: {  	(v2sf) =	vpush v1, $0x2;
	_ =	sdelay $0x3  }
0x3d4: {  	s0 =	sadd.s32 $0x180, s23  }
0x3d5: {  	s1 =	ssub.s32 $0x186A00, s23;
	p2 =	slt.s32 s9, s0  }
0x3d6: {  	s0 =	smov.u32 @p2 s9;
	p2 =	sgt.s32 s1, $0x0  }
0x3d7: {  	s28 =	ssub.s32 s0, s23;
	s1 =	simm.s32 @!p2 $0x0  }
0x3d8: {  	p2 =	slt.s32 s1, s28  }
0x3d9: {  	s28 =	smov.u32 @p2 s1  }
0x3da: {  	s26 =	simm.s32 $0x1;
	p2 =	slt.s32 s28, $0x1  }
.Ltmp16:
0x3db: {  	s26 =	simm.s32 @!p1 $0x0;
	(pc) =	sbr.rel @p2 .LBB3_12-.Ltmp16, $4  }
0x3dc: {  	s30 =	smul.u32 $0x600, s26  }
0x3dd: {  	s0 =	spop (v2sf)  }
0x3de: {  	s31 =	sshrl.u32 s30, $0x2;
	s29 =	spop (v2sf)  }
0x3df: {  	s24 =	sadd.s32 $0x6948, s31;
	s23 =	spop (v2sf)  }
0x3e0: {  	s1 =	smin.u32 s28, $0x10  }
0x3e1: {  	v1 =	vmov s1  }
0x3e2: {  	p3 =	sgt.s32 s28, $0x10;
	vm1 =	vgt.u32 v1, v0  }
.Ltmp17:
0x3e3: {  	_ = 	snop;
	(pc) =	sbr.rel @!p3 .LBB3_11-.Ltmp17, $2  }
0x3e4: {  	_ =	sdelay $0x2  }
0x3e5: {  	s2 =	simm.s32 $0x10;
	s25 =	sadd.s32 $0xFFFFFFF0, s28;
	s1 =	smov.u32 s24;
	vm0 =	vmmov vm1  }
.LBB3_10:
0x3e6: {  	s5 =	smin.u32 s25, $0x10;
	s2 =	sadd.s32 $0x10, s2;
	v1 =	vld.msk [tilespmem:s1+$0x0 ss:$0x1], vm1  }
0x3e7: {  	v2 =	vmov s5;
	p3 =	slt.s32 s2, s28  }
0x3e8: {  	vm1 =	vgt.u32 v2, v0  }
.Ltmp18:
0x3e9: {  	(pc) =	sbr.rel @p3 .LBB3_10-.Ltmp18, $3  }
0x3ea: {  	_ =	sdelay $0x1  }
0x3eb: {  	v1 =	vshll.u32 v1, $0x4  }
0x3ec: {  	s25 =	sadd.s32 $0xFFFFFFF0, s25;
	[tilespmem:s1+$0x0] =	vst.msk vm0, v1;
	s1 =	sadd.s32 $0x10, s1;
	vm0 =	vmmov vm1  }
.LBB3_11:
0x3ed: {  	_ =	sdelay $0x4  }
0x3ee: {  	v1 =	vld.msk [tilespmem:s1+$0x0 ss:$0x1], vm1;
	_ =	sdelay $0x4  }
0x3ef: {  	v1 =	vshll.u32 v1, $0x4  }
0x3f0: {  	[tilespmem:s1+$0x0] =	vst.msk vm0, v1  }
.LBB3_12:
0x3f1: {  	s1 =	sand.u32 $0x1, s22  }
0x3f2: {  	s2 =	smul.u32 $0x180, s1  }
0x3f3: {  	p3 =	sne.s32 s29, $0xFFFFFFFF  }
0x3f4: {  	v1 =	vld.msk @!p3 [tilespmem:s2+$0x6948], $0x1;
	_ =	sdelay $0x4  }
0x3f5: {  	(v2sf) =	vpush @!p3 v1, $0x0;
	_ =	sdelay $0x3  }
0x3f6: {  	s1 =	smul.u32 $0xC000, s1;
	_ =	sdelay $0x1  }
0x3f7: {  	v1 =	vld @!p3 [tilespmem:s1+$0x6C48];
	_ =	sdelay $0x4  }
0x3f8: {  	[tilespmem:$0x48] =	vst @!p3 v1  }
0x3f9: {  	v1 =	vld @!p3 [tilespmem:s1+$0x6C58]  }
.Ltmp19:
0x3fa: {  	_ = 	snop;
	(pc) =	sbr.rel @p2 .LBB3_23-.Ltmp19, $4  }
0x3fb: {  	_ = 	snop  }
0x3fc: {  	s30 =	spop @!p3 (v2sf)  }
0x3fd: {  	s23 =	simm.s32 @!p3 $0x0;
	s25 =	smov.u32 s30  }
0x3fe: {  	[tilespmem:$0x58] =	vst @!p3 v1;
	[sflag:s19] =	ssyncpa.u1 $0x0;
	s30 =	smov.u32 @p3 s0;
	s25 =	smov.u32 @p3 s29  }
0x3ff: {  	v1 =	vld.msk [tilespmem:s24+$0x0], $0x1;
	_ =	sdelay $0x4  }
0x400: {  	(v2sf) =	vpush v1, $0x0;
	_ =	sdelay $0xe  }
0x401: {  	s0 =	smul.u32 $0x30000, s26;
	s1 =	spop (v2sf)  }
0x402: {  	s28 =	ssub.s32 $0x0, s28;
	p2 =	seq.s32 s30, s1  }
0x403: {  	s5 =	smov.u32 s30;
	s0 =	sshrl.u32 s0, $0x2;
	p3 =	sgt.s32 @!p2 s30, $0x0  }
0x404: {  	s26 =	sadd.s32 $0x6C58, s0;
	s0 =	sadd.s32 $0x1, s28;
	p3 =	por !p3, p2  }
0x405: {  	s5 =	simm.s32 @p3 $0x0;
	p3 =	seq.s32 s0, $0x0  }
.Ltmp20:
0x406: {  	_ = 	snop;
	(pc) =	sbr.rel @p3 .LBB3_15-.Ltmp20, $4  }
0x407: {  	_ = 	snop  }
0x408: {  	s29 =	simm.s32 $0x0;
	s31 =	sadd.s32 $0x1, s24;
	s5 =	smin.u32 @!p2 s5, $0x1869FC  }
0x409: {  	s2 =	simm.s32 @!p2 $0x1;
	s6 =	simm.s32 @!p2 $0x3068;
	s10 =	sand.u32 @!p2 $0x1FFFF8, s5  }
0x40a: {  	s2 =	smov.u32 @p2 s29;
	s5 =	sand.u32 @!p2 $0x7, s5;
	s10 =	sadd.s32 @!p2 s4, s10  }
.LBB3_14:
0x40b: {  	s11 =	smov.u32 s2  }
0x40c: {  	[tilespmem:s6], [sflag:$0x2] =	stream.linear.gather @!p2 [hbm4b:s10+s5], $0x20, $0x38;
	[tilespmem:$0x1EC48] =	vst v63  }
0x40d: {  	s0 =	sadd.s32 $0x1, s0;
	s5 =	smov.u32 s1;
	v1 =	vld.msk [tilespmem:s31+$0x0], $0x1  }
0x40e: {  	p3 =	seq.s32 s0, $0x0;
	_ =	sdelay $0x3  }
0x40f: {  	(v2sf) =	vpush v1, $0x0;
	_ =	sdelay $0xe  }
0x410: {  	s1 =	spop (v2sf)  }
0x411: {  	p2 =	seq.s32 s5, s1  }
0x412: {  	p4 =	sgt.s32 @!p2 s5, $0x0;
	s6 =	sshll.u32 @!p2 s2, $0x7;
	s2 =	sadd.s32 @!p2 $0x1, s2  }
.Ltmp21:
0x413: {  	p4 =	por !p4, p2;
	s6 =	sshra.s32 @!p2 s6, $0x2;
	(pc) =	sbr.rel @!p3 .LBB3_14-.Ltmp21, $4  }
0x414: {  	s2 =	smov.u32 @p2 s11;
	s5 =	simm.s32 @p4 $0x0;
	s6 =	sadd.s32 @!p2 $0x3068, s6  }
0x415: {  	s5 =	smin.u32 @!p2 s5, $0x1869FC  }
0x416: {  	s10 =	sand.u32 @!p2 $0x1FFFF8, s5;
	s5 =	sand.u32 @!p2 $0x7, s5  }
0x417: {  	s31 =	sadd.s32 $0x1, s31;
	s10 =	sadd.s32 @!p2 s4, s10  }
.LBB3_15:
0x418: {  	[tilespmem:s6], [sflag:$0x2] =	stream.linear.gather @!p2 [hbm4b:s10+s5], $0x20, $0x38;
	[tilespmem:$0x1EC48] =	vst v63  }
.Ltmp22:
0x419: {  	s0 =	sshll.u32 s2, $0x5;
	(pc) =	sbr.rel .LBB3_16-.Ltmp22, $4  }
0x41a: {  	s1 =	simm.s32 $0x2;
	s0 =	sand.u32 $0x3FFFFFE0, s0  }
0x41b: {  	_ =	swait.ge [sflag:s1], s0  }
0x41c: {  	s0 =	ssub.s32 $0x0, s0;
	[sflag:s1] =	ssyncset.done $0x0  }
0x41d: {  	[sflag:s1] =	ssyncadd.s32 s0;
	s0 =	simm.s32 $0x0  }
.LBB3_17:
0x41e: {  	v1 =	vld [tilespmem:s26+$0xFFFFFFF0]  }
0x41f: {  	v2 =	vld [tilespmem:s1+$0x48];
	_ =	sdelay $0x4  }
0x420: {  	v1 =	vmax.f32 v1, v2  }
0x421: {  	v2 =	vld [tilespmem:s1+$0x58];
	[tilespmem:s1+$0x48] =	vst v1  }
0x422: {  	v1 =	vld [tilespmem:s26+$0x0];
	_ =	sdelay $0x4  }
0x423: {  	v1 =	vmax.f32 v1, v2  }
0x424: {  	[tilespmem:s1+$0x58] =	vst v1  }
.LBB3_21:
0x425: {  	s28 =	sadd.s32 $0x1, s28  }
0x426: {  	p2 =	seq.s32 s28, $0x0  }
.Ltmp23:
0x427: {  	_ = 	snop;
	(pc) =	sbr.rel @p2 .LBB3_22-.Ltmp23, $2  }
0x428: {  	_ =	sdelay $0x2  }
0x429: {  	s26 =	sadd.s32 $0x80, s26;
	s24 =	sadd.s32 $0x1, s24;
	s30 =	smov.u32 s31  }
.LBB3_16:
0x42a: {  	v1 =	vld.msk [tilespmem:s24+$0x0], $0x1;
	_ =	sdelay $0x4  }
0x42b: {  	(v2sf) =	vpush v1, $0x0;
	_ =	sdelay $0xe  }
0x42c: {  	s31 =	spop (v2sf)  }
0x42d: {  	p2 =	sne.s32 s30, s31  }
.Ltmp24:
0x42e: {  	_ = 	snop;
	(pc) =	sbr.rel @!p2 .LBB3_17-.Ltmp24, $3  }
0x42f: {  	_ =	sdelay $0x1  }
0x430: {  	s1 =	sshll.u32 s23, $0x7  }
0x431: {  	s1 =	sshra.s32 s1, $0x2  }
0x432: {  	p2 =	seq.s32 s30, s25  }
.Ltmp25:
0x433: {  	_ = 	snop;
	(pc) =	sbr.rel @!p2 .LBB3_19-.Ltmp25, $1  }
0x434: {  	_ =	sdelay $0x3  }
.Ltmp26:
0x435: {  	s1 =	sadd.s32 $0x48, s1;
	(pc) =	sbr.rel .LBB3_20-.Ltmp26, $4  }
0x436: {  	[spmem:s16] =	stream.linear.scatter [tilespmem:s1], [sflag:$0x1], $0x20, $0x38;
	[tilespmem:$0x1EC48] =	vst v63  }
0x437: {  	_ =	swait.ge [sflag:s3], $0x20  }
0x438: {  	[sflag:s3] =	ssyncset.done $0x0  }
0x439: {  	[sflag:s3] =	ssyncadd.s32 $0xFFFFFFE0  }
.LBB3_19:
0x43a: {  	s2 =	sshll.u32 s29, $0x7  }
0x43b: {  	v2 =	vld [tilespmem:s1+$0x48];
	s2 =	sshra.s32 s2, $0x2  }
0x43c: {  	v1 =	vld [tilespmem:s2+$0x3068];
	_ =	sdelay $0x4  }
0x43d: {  	v1 =	vmax.f32 v1, v2  }
0x43e: {  	v2 =	vld [tilespmem:s1+$0x58];
	[tilespmem:s1+$0x48] =	vst v1  }
0x43f: {  	v1 =	vld [tilespmem:s2+$0x3078];
	_ =	sdelay $0x3  }
0x440: {  	p2 =	sgt.u32 s30, $0x1869FC  }
0x441: {  	s2 =	sand.u32 @!p2 $0x1FFFF8, s30;
	v1 =	vmax.f32 v1, v2  }
0x442: {  	s5 =	sadd.s32 $0x48, s1;
	[tilespmem:s1+$0x58] =	vst v1;
	s1 =	sadd.s32 @!p2 s4, s2;
	s2 =	sand.u32 @!p2 $0x7, s30  }
0x443: {  	[hbm4b:s1+s2] =	stream.linear.scatter @!p2 [tilespmem:s5], [sflag:$0xC], $0x20, $0x38;
	[tilespmem:$0x1EC48] =	vst v63  }
0x444: {  	s1 =	simm.s32 $0x0  }
0x445: {  	s1 =	simm.s32 @!p2 $0x80  }
0x446: {  	s0 =	sadd.s32 s1, s0  }
.LBB3_20:
0x447: {  	s1 =	sadd.s32 $0x1, s23  }
0x448: {  	s2 =	smulhi.u32 $0xAAAAAAAB, s1;
	_ =	sdelay $0x1  }
0x449: {  	v1 =	vld [tilespmem:s26+$0xFFFFFFF0];
	s2 =	sshrl.u32 s2, $0x8  }
0x44a: {  	s2 =	smul.u32 $0x180, s2;
	_ =	sdelay $0x1  }
0x44b: {  	s23 =	ssub.s32 s1, s2  }
0x44c: {  	s1 =	sshll.u32 s23, $0x5  }
0x44d: {  	[tilespmem:s1+$0x48] =	vst v1  }
0x44e: {  	v1 =	vld [tilespmem:s26+$0x0]  }
.Ltmp27:
0x44f: {  	_ = 	snop;
	(pc) =	sbr.rel .LBB3_21-.Ltmp27, $2  }
0x450: {  	_ =	sdelay $0x2  }
0x451: {  	s29 =	sadd.s32 $0x1, s29;
	[tilespmem:s1+$0x58] =	vst v1  }
.LBB3_23:
.Ltmp28:
0x452: {  	(pc) =	sbr.rel .LBB3_24-.Ltmp28, $4  }
0x453: {  	_ = 	snop  }
0x454: {  	s0 =	simm.s32 $0x2  }
0x455: {  	_ =	swait.ge [sflag:s0], $0x0  }
0x456: {  	s31 =	smov.u32 s30;
	[sflag:s0] =	ssyncset.done $0x0;
	s0 =	simm.s32 $0x0  }
.LBB3_26:
0x457: {  	_ =	sfence.sel $0x180000  }
0x458: {  	s0 =	simm.s32 $0x9;
	[bflag:$0x0] =	sbarrier.arrive $0xFFFF  }
0x459: {  	s24 =	simm.s32 $0xA;
	[sflag:s0] =	ssyncpa.u1 $0x1  }
0x45a: {  	s25 =	simm.s32 $0xB;
	[sflag:s24] =	ssyncpa.u1 $0x1  }
0x45b: {  	s26 =	simm.s32 $0x2;
	[sflag:s25] =	ssyncpa.u1 $0x1  }
0x45c: {  	[sflag:s26] =	ssyncpa.u1 $0x1  }
0x45d: {  	v0 =	vld [tilespmem:$0x6088];
	_ =	sdelay $0x4  }
0x45e: {  	(v2sf) =	vpush v0, $0x0  }
0x45f: {  	(v2sf) =	vpush v0, $0x1;
	_ =	sdelay $0x1  }
0x460: {  	(v2sf) =	vpush v0, $0x2;
	_ =	sdelay $0xb  }
0x461: {  	s0 =	spop (v2sf)  }
0x462: {  	s1 =	spop (v2sf)  }
0x463: {  	s2 =	smov.u32 s0;
	p0 =	sne.s32 s0, s1  }
0x464: {  	s3 =	spop (v2sf);
	s2 =	simm.s32 @!p0 $0xFFFFFFFF  }
0x465: {  	v2 =	vimm.s32 $0x1;
	v3 =	vlaneseq.u32;
	p0 =	seq.s32 s3, $0xFFFFFFFF;
	v1 =	vmov s2  }
0x466: {  	s14 =	stileid.u32;
	v0 =	vperm.xlane v0, v2;
	p1 =	sne.s32 @!p0 s0, s1;
	v1 =	vperm.xlane v1, v3  }
0x467: {  	vm0 =	vcmask $0x3F04;
	s6 =	simm.s32 $0x6088;
	s0 =	simm.s32 @!p0 $0x1;
	p1 =	por !p1, p0  }
0x468: {  	s2 =	sshll.u32 s14, $0x1;
	s1 =	sshll.u32 @!p0 s3, $0x7;
	s0 =	simm.s32 @p1 $0x0;
	v0 =	vsel vm0, v1, v0  }
0x469: {  	s5 =	sor.u32 $0x400, s2;
	s1 =	sshra.s32 @!p0 s1, $0x2;
	s0 =	sor.u32 @!p0 s0, s2;
	[tilespmem:$0x6088] =	vst v0  }
0x46a: {  	[spmem:s5] =	stream.linear.scatter [tilespmem:s6], [sflag:$0x1], $0x2, $0x38;
	[tilespmem:$0x1EC48] =	vst v63  }
0x46b: {  	s1 =	sadd.s32 @!p0 $0x48, s1;
	s0 =	sshll.u32 @!p0 s0, $0x5  }
0x46c: {  	[spmem:s0] =	stream.linear.scatter @!p0 [tilespmem:s1], [sflag:$0x1], $0x20, $0x38;
	[tilespmem:$0x1EC48] =	vst v63  }
0x46d: {  	s0 =	simm.s32 @!p0 $0x22  }
0x46e: {  	s28 =	simm.s32 $0x1;
	s0 =	simm.s32 @p0 $0x2  }
0x46f: {  	_ =	swait.ge [sflag:s28], s0  }
0x470: {  	s0 =	ssub.s32 $0x0, s0;
	[sflag:s28] =	ssyncset.done $0x0  }
0x471: {  	p0 =	sne.s32 s14, $0x0;
	[sflag:s28] =	ssyncadd.s32 s0  }
.Ltmp29:
0x472: {  	_ =	sfence.stream.spmem;
	(pc) =	sbr.rel @p0 .LBB3_43-.Ltmp29, $4  }
0x473: {  	s29 =	simm.s32 $0x3;
	[bflag:$0x0] =	sbarrier.arrive $0xFFFF  }
0x474: {  	s30 =	simm.s32 $0x4;
	[sflag:s29] =	ssyncpa.u1 $0x1  }
0x475: {  	s31 =	simm.s32 $0x3C;
	[sflag:s30] =	ssyncpa.u1 $0x1  }
0x476: {  	s15 =	rddreg [dreg:$0x4];
	[sflag:s31] =	ssyncpa.u1 $0x1  }
0x477: {  	_ =	sfence.stream.spmem;
	s0 =	simm.s32 $0x5  }
0x478: {  	s1 =	simm.s32 $0x400;
	s2 =	simm.s32 $0x6098;
	[sflag:s0] =	ssyncpa.u1 $0x0  }
0x479: {  	[tilespmem:s2], [sflag:$0x5] =	stream.linear.gather [spmem:s1], $0x20, $0x38;
	[tilespmem:$0x1EC48] =	vst v63  }
0x47a: {  	s26 =	simm.s32 $0x0;
	s28 =	simm.s32 $0x60B8  }
0x47b: {  	[tilespmem:s28], [sflag:$0x5] =	stream.linear.gather [spmem:s26], $0x400, $0x38;
	[tilespmem:$0x1EC48] =	vst v63  }
0x47c: {  	_ =	swait.ge [sflag:s0], $0x420  }
0x47d: {  	[sflag:s0] =	ssyncset.done $0x0  }
0x47e: {  	s29 =	simm.s32 $0x0;
	[sflag:s0] =	ssyncadd.s32 $0xFFFFFBE0  }
0x47f: {  	v0 =	vld.msk [tilespmem:s29+$0x6098], $0x1;
	_ =	sdelay $0x1  }
0x480: {  	s30 =	simm.s32 $0x1  }
0x481: {  	v1 =	vld.msk [tilespmem:s30+$0x6098], $0x1;
	_ =	sdelay $0x1  }
0x482: {  	(v2sf) =	vpush v0, $0x0;
	_ =	sdelay $0x2  }
0x483: {  	(v2sf) =	vpush v1, $0x0;
	_ =	sdelay $0x2  }
0x484: {  	s31 =	simm.s32 $0x2  }
0x485: {  	v0 =	vld.msk [tilespmem:s31+$0x6098], $0x1;
	_ =	sdelay $0x2  }
0x486: {  	s1 =	simm.s32 $0xFFFFFFFF;
	s2 =	simm.s32 $0xFFFFFFFF;
	s0 =	simm.s32 $0xC  }
.LBB3_28:
0x487: {  	s3 =	smov.u32 s2;
	s5 =	smov.u32 s1  }
0x488: {  	s1 =	sshra.s32 s0, $0x2;
	p1 =	sne.s32 s0, $0x7C;
	s0 =	sadd.s32 $0x4, s0;
	(v2sf) =	vpush v0, $0x0  }
0x489: {  	v0 =	vld.msk [tilespmem:s1+$0x6098], $0x1  }
.Ltmp30:
0x48a: {  	(pc) =	sbr.rel @p1 .LBB3_28-.Ltmp30, $4  }
0x48b: {  	s2 =	spop (v2sf)  }
0x48c: {  	p2 =	sne.s32 s5, $0xFFFFFFFF;
	s1 =	smov.u32 s2  }
0x48d: {  	p3 =	seq.s32 s2, $0xFFFFFFFF;
	s1 =	smov.u32 @p2 s5  }
0x48e: {  	s2 =	smov.u32 @p3 s3;
	s1 =	smov.u32 @p3 s5  }
0x48f: {  	(v2sf) =	vpush v0, $0x0;
	_ =	sdelay $0x8  }
0x490: {  	s0 =	spop (v2sf)  }
0x491: {  	p1 =	sne.s32 s1, $0xFFFFFFFF;
	s3 =	smov.u32 s0  }
0x492: {  	s9 =	simm.s32 $0x6;
	p2 =	seq.s32 s0, $0xFFFFFFFF;
	s3 =	smov.u32 @p1 s1  }
0x493: {  	s10 =	simm.s32 $0x6068;
	s3 =	smov.u32 @p2 s1;
	s1 =	spop (v2sf)  }
0x494: {  	s0 =	smov.u32 @p2 s2;
	p1 =	sne.s32 s3, $0xFFFFFFFF;
	s5 =	smov.u32 s1  }
.Ltmp31:
0x495: {  	p2 =	seq.s32 s1, $0xFFFFFFFF;
	s5 =	smov.u32 @p1 s3;
	(pc) =	sbr.rel .LBB3_30-.Ltmp31, $4  }
0x496: {  	s11 =	simm.s32 $0x0;
	s5 =	smov.u32 @p2 s3;
	s7 =	spop (v2sf)  }
0x497: {  	[sflag:s9] =	ssyncpa.u1 $0x0;
	p1 =	sne.s32 s5, $0xFFFFFFFF;
	s8 =	smov.u32 s7  }
0x498: {  	s1 =	smov.u32 @p2 s0;
	p2 =	seq.s32 s7, $0xFFFFFFFF;
	s8 =	smov.u32 @p1 s5  }
0x499: {  	s3 =	simm.s32 $0x0;
	s7 =	smov.u32 @p2 s1;
	s8 =	smov.u32 @p2 s5  }
.LBB3_36:
0x49a: {  	p1 =	sgt.u32 s12, $0x1869FC  }
0x49b: {  	p2 =	seq.s32 @!p1 s12, s8  }
0x49c: {  	p1 =	por p1, p2  }
0x49d: {  	p2 =	sne.s32 @!p1 s12, s7  }
0x49e: {  	p1 =	por p1, !p2  }
0x49f: {  	s0 =	sshll.u32 @p1 s11, $0x7  }
0x4a0: {  	s0 =	sand.u32 @!p1 $0x1FFFF8, s12  }
0x4a1: {  	s1 =	sand.u32 @!p1 $0x7, s12;
	s0 =	sadd.s32 @!p1 s4, s0  }
0x4a2: {  	[tilespmem:s10], [sflag:$0x6] =	stream.linear.gather @!p1 [hbm4b:s0+s1], $0x20, $0x38;
	[tilespmem:$0x1EC48] =	vst v63  }
0x4a3: {  	_ =	swait.ge @!p1 [sflag:s9], $0x20  }
0x4a4: {  	[sflag:s9] =	ssyncset.done @!p1 $0x0  }
0x4a5: {  	s0 =	sshll.u32 @!p1 s11, $0x7;
	[sflag:s9] =	ssyncadd.s32 @!p1 $0xFFFFFFE0  }
0x4a6: {  	s1 =	sshrl.u32 @!p1 s0, $0x2;
	v1 =	vld @!p1 [tilespmem:$0x6068]  }
0x4a7: {  	v2 =	vld @!p1 [tilespmem:s1+$0x60B8];
	_ =	sdelay $0x4  }
0x4a8: {  	v1 =	vmax.f32 @!p1 v1, v2  }
0x4a9: {  	v2 =	vld @!p1 [tilespmem:s1+$0x60C8];
	[tilespmem:s1+$0x60B8] =	vst @!p1 v1  }
0x4aa: {  	v1 =	vld @!p1 [tilespmem:$0x6078];
	_ =	sdelay $0x4  }
0x4ab: {  	v1 =	vmax.f32 @!p1 v1, v2  }
0x4ac: {  	[tilespmem:s1+$0x60C8] =	vst @!p1 v1  }
0x4ad: {  	s0 =	sshrl.u32 s0, $0x2;
	[tilespmem:s3+$0x6098] =	vst.msk $0x1, v0  }
0x4ae: {  	v0 =	vld [tilespmem:s0+$0x60B8];
	_ =	sdelay $0x2  }
0x4af: {  	s31 =	sshll.u32 s3, $0x7  }
0x4b0: {  	s1 =	sshra.s32 s31, $0x2  }
0x4b1: {  	[tilespmem:s1+$0x60B8] =	vst v0  }
0x4b2: {  	v0 =	vld [tilespmem:s0+$0x60C8];
	_ =	sdelay $0x4  }
0x4b3: {  	s3 =	sadd.s32 $0x1, s3;
	[tilespmem:s1+$0x60C8] =	vst v0  }
.LBB3_37:
0x4b4: {  	s11 =	sadd.s32 $0x1, s11  }
0x4b5: {  	p1 =	sne.s32 s11, $0x20  }
.Ltmp32:
0x4b6: {  	_ = 	snop;
	(pc) =	sbr.rel @!p1 .LBB3_38-.Ltmp32, $1  }
0x4b7: {  	_ =	sdelay $0x3  }
.LBB3_30:
0x4b8: {  	v0 =	vld.msk [tilespmem:s11+$0x6098], $0x1;
	_ =	sdelay $0x4  }
0x4b9: {  	(v2sf) =	vpush v0, $0x0;
	_ =	sdelay $0xe  }
0x4ba: {  	s12 =	spop (v2sf)  }
0x4bb: {  	p1 =	seq.s32 s12, $0xFFFFFFFF  }
.Ltmp33:
0x4bc: {  	_ = 	snop;
	(pc) =	sbr.rel @p1 .LBB3_37-.Ltmp33, $1  }
0x4bd: {  	_ =	sdelay $0x3  }
0x4be: {  	p1 =	slt.s32 s3, $0x1  }
.Ltmp34:
0x4bf: {  	_ = 	snop;
	(pc) =	sbr.rel @p1 .LBB3_36-.Ltmp34, $1  }
0x4c0: {  	_ =	sdelay $0x3  }
0x4c1: {  	s0 =	simm.s32 $0x6098;
	p1 =	por $0x0, $0x0  }
0x4c2: {  	v1 =	vld.msk @!p1 [tilespmem:s0+$0x0], $0x1;
	_ =	sdelay $0x4  }
0x4c3: {  	(v2sf) =	vpush @!p1 v1, $0x0;
	_ =	sdelay $0xd  }
0x4c4: {  	p3 =	sne.s32 s3, $0x1  }
.Ltmp35:
0x4c5: {  	s1 =	spop @!p1 (v2sf);
	(pc) =	sbr.rel @!p3 .LBB3_34-.Ltmp35, $4  }
0x4c6: {  	p2 =	seq.s32 @!p1 s12, s1  }
0x4c7: {  	s13 =	simm.s32 $0x0;
	p2 =	por !p2, p1  }
0x4c8: {  	s2 =	simm.s32 $0xFFFFFFFF;
	s13 =	simm.s32 @p2 $0xFFFFFFFF  }
0x4c9: {  	s1 =	simm.s32 $0x1;
	s13 =	smov.u32 @p1 s2  }
.LBB3_33:
0x4ca: {  	s2 =	smov.u32 s13;
	p1 =	sne.s32 s13, $0xFFFFFFFF  }
0x4cb: {  	s0 =	sadd.s32 $0x1, s0;
	s13 =	smov.u32 s1;
	s1 =	sadd.s32 $0x1, s1  }
0x4cc: {  	p2 =	sne.s32 s3, s1;
	v1 =	vld.msk @!p1 [tilespmem:s0+$0x0], $0x1;
	_ =	sdelay $0x4  }
0x4cd: {  	(v2sf) =	vpush @!p1 v1, $0x0;
	_ =	sdelay $0xe  }
.Ltmp36:
0x4ce: {  	s5 =	spop @!p1 (v2sf);
	(pc) =	sbr.rel @p2 .LBB3_33-.Ltmp36, $4  }
0x4cf: {  	p3 =	seq.s32 @!p1 s12, s5  }
0x4d0: {  	p3 =	por !p3, p1  }
0x4d1: {  	s13 =	simm.s32 @p3 $0xFFFFFFFF  }
0x4d2: {  	s13 =	smov.u32 @p1 s2  }
.LBB3_34:
0x4d3: {  	p1 =	seq.s32 s13, $0xFFFFFFFF  }
.Ltmp37:
0x4d4: {  	_ = 	snop;
	(pc) =	sbr.rel @p1 .LBB3_36-.Ltmp37, $1  }
0x4d5: {  	_ =	sdelay $0x3  }
0x4d6: {  	s0 =	sshll.u32 s11, $0x5  }
0x4d7: {  	s1 =	sshll.u32 s13, $0x7;
	s0 =	sand.u32 $0x3FFFFFE0, s0  }
0x4d8: {  	s1 =	sshra.s32 s1, $0x2;
	v0 =	vld [tilespmem:s0+$0x60B8]  }
0x4d9: {  	v1 =	vld [tilespmem:s1+$0x60B8];
	_ =	sdelay $0x4  }
0x4da: {  	v0 =	vmax.f32 v0, v1  }
0x4db: {  	v63 =	vld [tilespmem:s1+$0x60C8];
	[tilespmem:s1+$0x60B8] =	vst v0  }
0x4dc: {  	v0 =	vld [tilespmem:s0+$0x60C8];
	_ =	sdelay $0x1  }
.Ltmp38:
0x4dd: {  	_ = 	snop;
	(pc) =	sbr.rel .LBB3_37-.Ltmp38, $3  }
0x4de: {  	_ =	sdelay $0x1  }
0x4df: {  	v0 =	vmax.f32 v0, v63  }
0x4e0: {  	[tilespmem:s1+$0x60C8] =	vst v0  }
.LBB3_38:
0x4e1: {  	s0 =	simm.s32 $0x6;
	p1 =	seq.s32 s3, $0x0  }
0x4e2: {  	[sflag:s0] =	ssyncpa.u1 $0x1;
	v0 =	vimm.s32 @p1 $0xFFFFFFFF  }
0x4e3: {  	s0 =	sadd.s32 $0xFFFFFFFF, s3;
	[tilespmem:$0x64B8] =	vst @p1 v0  }
0x4e4: {  	v0 =	vld.msk @!p1 [tilespmem:s0+$0x6098], $0x1;
	_ =	sdelay $0x1  }
0x4e5: {  	v1 =	vld.msk @!p1 [tilespmem:$0x6098], $0x1;
	_ =	sdelay $0x2  }
0x4e6: {  	p2 =	seq.s32 @!p1 s0, $0x0;
	v0 =	vbroadcast @!p1 v0, $0x0  }
0x4e7: {  	vm0 =	vmmov @!p1 $0x1;
	p2 =	por !p2, p1  }
0x4e8: {  	v1 =	vnsel @!p1 vm0, $0xFFFFFFFF, v1;
	vm0 =	vcmask @!p1 $0x308;
	v0 =	vpsel !p2, $0xFFFFFFFF, v0  }
0x4e9: {  	p2 =	sne.s32 @!p1 s8, s7;
	v0 =	vsel @!p1 vm0, v1, v0  }
0x4ea: {  	s1 =	simm.s32 @!p1 $0x60B8;
	s2 =	simm.s32 @!p1 $0x0;
	p3 =	por !p2, p1;
	[tilespmem:$0x64B8] =	vst @!p1 v0  }
0x4eb: {  	[spmem:s2] =	stream.linear.scatter @!p1 [tilespmem:s1], [sflag:$0x1], $0x20, $0x38;
	[tilespmem:$0x1EC48] =	vst v63  }
0x4ec: {  	s1 =	sshll.u32 @!p3 s0, $0x7  }
0x4ed: {  	s1 =	sshra.s32 @!p3 s1, $0x2  }
0x4ee: {  	s2 =	simm.s32 @!p3 $0x20;
	s1 =	sadd.s32 @!p3 $0x60B8, s1  }
0x4ef: {  	[spmem:s2] =	stream.linear.scatter @!p3 [tilespmem:s1], [sflag:$0x1], $0x20, $0x38;
	[tilespmem:$0x1EC48] =	vst v63  }
0x4f0: {  	s1 =	simm.s32 @!p3 $0x1  }
0x4f1: {  	_ =	swait.ge @!p3 [sflag:s1], $0x40  }
0x4f2: {  	p1 =	por p2, p1;
	[sflag:s1] =	ssyncset.done @!p3 $0x0  }
0x4f3: {  	[sflag:s1] =	ssyncadd.s32 @!p3 $0xFFFFFFC0;
	s1 =	simm.s32 @!p1 $0x1  }
0x4f4: {  	_ =	swait.ge @!p1 [sflag:s1], $0x20  }
0x4f5: {  	s29 =	simm.s32 $0x64B8;
	[sflag:s1] =	ssyncset.done @!p1 $0x0  }
0x4f6: {  	s30 =	simm.s32 $0x400;
	s31 =	simm.s32 $0x1;
	[sflag:s1] =	ssyncadd.s32 @!p1 $0xFFFFFFE0  }
0x4f7: {  	[spmem:s30] =	stream.linear.scatter [tilespmem:s29], [sflag:$0x1], $0x10, $0x38;
	[tilespmem:$0x1EC48] =	vst v63  }
0x4f8: {  	_ =	swait.ge [sflag:s31], $0x10  }
0x4f9: {  	[sflag:s31] =	ssyncset.done $0x0  }
0x4fa: {  	p1 =	seq.s32 s15, $0x0;
	s9 =	rddreg [dreg:$0x1];
	[sflag:s31] =	ssyncadd.s32 $0xFFFFFFF0  }
0x4fb: {  	s2 =	sshll.u32 @p1 s9, $0xE;
	s8 =	rddreg [dreg:$0x2]  }
0x4fc: {  	s1 =	sadd.s32 @p1 $0x15C3C, s2;
	s2 =	sshll.u32 @p1 s8, $0x11  }
0x4fd: {  	_ =	sfence.stream.spmem;
	s1 =	sor.u32 @p1 s2, s1  }
0x4fe: {  	[sflag:s1] =	ssyncadd.remote.s32 @p1 $0x1;
	s1 =	simm.s32 @p1 $0x4  }
0x4ff: {  	s5 =	simm.s32 @!p1 $0x3C;
	s2 =	sand.u32 $0xFFFFFFFE, s9;
	_ =	swait.ge @p1 [sflag:s1], $0xA  }
0x500: {  	s6 =	simm.s32 @!p1 $0x0;
	s2 =	sadd.s32 @!p1 $0x4, s2;
	[sflag:s1] =	ssyncset.done @p1 $0x0  }
0x501: {  	s7 =	simm.s32 @!p1 $0x40;
	[sflag:s1] =	ssyncadd.s32 @p1 $0xFFFFFFF6;
	s1 =	sshll.u32 @!p1 s2, $0x1A  }
0x502: {  	s2 =	sshll.u32 @!p1 s2, $0xD;
	s1 =	sor.u32 @!p1 s1, s8;
	_ =	swait.eq @!p1 [sflag:s5], $0x1  }
0x503: {  	s2 =	sor.u32 @!p1 $0x1C04, s2;
	s5 =	simm.s32 @!p1 $0x1C03;
	s1 =	sor.u32 @!p1 $0x80004000, s1  }
0x504: {  	[spmem:s7], [sflag:s2] =	dma.general @!p1 [spmem:s6], [sflag:s5], length:$0x8, [dreg:$0x0], stride_count:$0x0, ici_dest:s1, dma_misc:DstOpCode:WRITE  }
0x505: {  	p2 =	slt.s32 s0, $0x2;
	s6 =	simm.s32 @!p1 $0x80;
	s7 =	simm.s32 @!p1 $0x82  }
0x506: {  	[spmem:s7], [sflag:s2] =	dma.general @!p1 [spmem:s6], [sflag:s5], length:$0x2, [dreg:$0x0], stride_count:$0x0, ici_dest:s1, dma_misc:DstOpCode:WRITE  }
.Ltmp39:
0x507: {  	s1 =	simm.s32 @!p1 $0x3;
	(pc) =	sbr.rel @p2 .LBB3_42-.Ltmp39, $4  }
0x508: {  	s2 =	sshll.u32 @!p1 s9, $0xE;
	_ =	swait.ge @!p1 [sflag:s1], $0xA  }
0x509: {  	s5 =	sshll.u32 @!p1 s8, $0x11;
	s2 =	sadd.s32 @!p1 $0x11C3C, s2;
	[sflag:s1] =	ssyncset.done @!p1 $0x0  }
0x50a: {  	[sflag:s1] =	ssyncadd.s32 @!p1 $0xFFFFFFF6;
	s1 =	sor.u32 @!p1 s5, s2  }
0x50b: {  	s0 =	simm.s32 $0x0;
	[sflag:s1] =	ssyncadd.remote.s32 @!p1 $0xFFFFFFFF  }
0x50c: {  	s0 =	simm.s32 $0x6099  }
0x50d: {  	v0 =	vld.msk [tilespmem:s0+$0x0], $0x1;
	_ =	sdelay $0x4  }
0x50e: {  	(v2sf) =	vpush v0, $0x0;
	_ =	sdelay $0xc  }
0x50f: {  	s1 =	sadd.s32 $0xFFFFFFFE, s3  }
0x510: {  	s1 =	sadd.s32 $0xFFFFFFFF, s1  }
0x511: {  	p2 =	sne.s32 s1, $0x0;
	s2 =	spop (v2sf)  }
.Ltmp40:
0x512: {  	p1 =	sgt.u32 s2, $0x1869FC;
	(pc) =	sbr.rel @!p2 .LBB3_41-.Ltmp40, $4  }
0x513: {  	s6 =	simm.s32 $0x0;
	s3 =	sand.u32 @!p1 $0x1FFFF8, s2  }
0x514: {  	s0 =	simm.s32 $0x60D8;
	s2 =	sand.u32 @!p1 $0x7, s2;
	s3 =	sadd.s32 @!p1 s4, s3  }
0x515: {  	[hbm4b:s3+s2] =	stream.linear.scatter @!p1 [tilespmem:s0], [sflag:$0x5], $0x20, $0x38;
	[tilespmem:$0x1EC48] =	vst v63  }
0x516: {  	s6 =	simm.s32 @!p1 $0x80;
	s2 =	simm.s32 $0x0;
	s3 =	simm.s32 $0x609A  }
.LBB3_40:
0x517: {  	v0 =	vld.msk [tilespmem:s3+$0x0], $0x1;
	s1 =	sadd.s32 $0xFFFFFFFF, s1;
	s2 =	sadd.s32 s2, s6  }
0x518: {  	p1 =	sne.s32 s1, $0x0;
	_ =	sdelay $0x3  }
0x519: {  	(v2sf) =	vpush v0, $0x0;
	_ =	sdelay $0xe  }
.Ltmp41:
0x51a: {  	s5 =	spop (v2sf);
	(pc) =	sbr.rel @p1 .LBB3_40-.Ltmp41, $4  }
0x51b: {  	s6 =	simm.s32 $0x0;
	p2 =	sgt.u32 s5, $0x1869FC  }
0x51c: {  	s0 =	sadd.s32 $0x20, s0;
	s6 =	simm.s32 @!p2 $0x80;
	s7 =	sand.u32 @!p2 $0x1FFFF8, s5  }
0x51d: {  	s3 =	sadd.s32 $0x1, s3;
	s5 =	sand.u32 @!p2 $0x7, s5;
	s7 =	sadd.s32 @!p2 s4, s7  }
0x51e: {  	[hbm4b:s7+s5] =	stream.linear.scatter @!p2 [tilespmem:s0], [sflag:$0x5], $0x20, $0x38;
	[tilespmem:$0x1EC48] =	vst v63  }
.LBB3_41:
0x51f: {  	s0 =	sadd.s32 s2, s6  }
0x520: {  	s0 =	sshrl.u32 s0, $0x2  }
.LBB3_42:
0x521: {  	s1 =	simm.s32 $0x5  }
0x522: {  	_ =	swait.ge [sflag:s1], s0  }
0x523: {  	s31 =	ssub.s32 $0x0, s0;
	[sflag:s1] =	ssyncset.done $0x0  }
0x524: {  	[sflag:s1] =	ssyncadd.s32 s31  }
0x525: {  	[sflag:s1] =	ssyncpa.u1 $0x1  }
.LBB3_43:
0x526: {  	s0 =	sor.u32 s15, s14  }
0x527: {  	p1 =	sne.s32 s0, $0x0  }
.Ltmp42:
0x528: {  	_ = 	snop;
	(pc) =	sbr.rel @p1 .LBB3_58-.Ltmp42, $3  }
0x529: {  	_ =	sdelay $0x1  }
0x52a: {  	[bflag:$0x0] =	sbarrier.arrive $0xFFFF  }
0x52b: {  	_ =	sfence  }
0x52c: {  	s0 =	simm.s32 $0x7  }
0x52d: {  	s1 =	simm.s32 $0x400;
	s2 =	simm.s32 $0x6098;
	[sflag:s0] =	ssyncpa.u1 $0x0  }
0x52e: {  	[tilespmem:s2], [sflag:$0x7] =	stream.linear.gather [spmem:s1], $0x20, $0x38;
	[tilespmem:$0x1EC48] =	vst v63  }
0x52f: {  	s30 =	simm.s32 $0x60B8;
	s1 =	simm.s32 $0x0  }
0x530: {  	[tilespmem:s30], [sflag:$0x7] =	stream.linear.gather [spmem:s1], $0x400, $0x38;
	[tilespmem:$0x1EC48] =	vst v63  }
.Ltmp43:
0x531: {  	_ = 	snop;
	(pc) =	sbr.rel .LBB3_45-.Ltmp43, $4  }
0x532: {  	_ =	swait.ge [sflag:s0], $0x420  }
0x533: {  	[sflag:s0] =	ssyncset.done $0x0  }
0x534: {  	s31 =	simm.s32 $0x8;
	[sflag:s0] =	ssyncadd.s32 $0xFFFFFBE0  }
0x535: {  	s2 =	simm.s32 $0x0;
	[sflag:s31] =	ssyncpa.u1 $0x0  }
.LBB3_51:
0x536: {  	p1 =	slt.u32 s0, $0x1869FD  }
0x537: {  	s3 =	sand.u32 @p1 $0x1FFFF8, s0  }
0x538: {  	s0 =	sand.u32 @p1 $0x7, s0;
	s5 =	simm.s32 @p1 $0x6068;
	s3 =	sadd.s32 @p1 s4, s3  }
0x539: {  	[tilespmem:s5], [sflag:$0x8] =	stream.linear.gather @p1 [hbm4b:s3+s0], $0x20, $0x38;
	[tilespmem:$0x1EC48] =	vst v63  }
0x53a: {  	s0 =	simm.s32 @p1 $0x8  }
0x53b: {  	_ =	swait.ge @p1 [sflag:s0], $0x20  }
0x53c: {  	[sflag:s0] =	ssyncset.done @p1 $0x0  }
0x53d: {  	[sflag:s0] =	ssyncadd.s32 @p1 $0xFFFFFFE0;
	s0 =	sshll.u32 @p1 s2, $0x7  }
0x53e: {  	s3 =	sshrl.u32 @p1 s0, $0x2;
	v1 =	vld @p1 [tilespmem:$0x6068]  }
0x53f: {  	v2 =	vld @p1 [tilespmem:s3+$0x60B8];
	_ =	sdelay $0x4  }
0x540: {  	v1 =	vmax.f32 @p1 v1, v2  }
0x541: {  	v2 =	vld @p1 [tilespmem:s3+$0x60C8];
	[tilespmem:s3+$0x60B8] =	vst @p1 v1  }
0x542: {  	v1 =	vld @p1 [tilespmem:$0x6078];
	_ =	sdelay $0x4  }
0x543: {  	s5 =	sshll.u32 @!p1 s2, $0x7;
	v1 =	vmax.f32 @p1 v1, v2  }
0x544: {  	s5 =	smov.u32 @p1 s0;
	[tilespmem:s3+$0x60C8] =	vst @p1 v1  }
0x545: {  	s0 =	sshrl.u32 s5, $0x2;
	[tilespmem:s1+$0x6098] =	vst.msk $0x1, v0  }
0x546: {  	v0 =	vld [tilespmem:s0+$0x60B8];
	_ =	sdelay $0x2  }
0x547: {  	s31 =	sshll.u32 s1, $0x7  }
0x548: {  	s3 =	sshra.s32 s31, $0x2  }
0x549: {  	[tilespmem:s3+$0x60B8] =	vst v0  }
0x54a: {  	v0 =	vld [tilespmem:s0+$0x60C8];
	_ =	sdelay $0x4  }
0x54b: {  	s1 =	sadd.s32 $0x1, s1;
	[tilespmem:s3+$0x60C8] =	vst v0  }
.LBB3_52:
0x54c: {  	s2 =	sadd.s32 $0x1, s2  }
0x54d: {  	p1 =	sne.s32 s2, $0x20  }
.Ltmp44:
0x54e: {  	_ = 	snop;
	(pc) =	sbr.rel @!p1 .LBB3_53-.Ltmp44, $1  }
0x54f: {  	_ =	sdelay $0x3  }
.LBB3_45:
0x550: {  	v0 =	vld.msk [tilespmem:s2+$0x6098], $0x1;
	_ =	sdelay $0x4  }
0x551: {  	(v2sf) =	vpush v0, $0x0;
	_ =	sdelay $0xe  }
0x552: {  	s0 =	spop (v2sf)  }
0x553: {  	p1 =	seq.s32 s0, $0xFFFFFFFF  }
.Ltmp45:
0x554: {  	_ = 	snop;
	(pc) =	sbr.rel @p1 .LBB3_52-.Ltmp45, $1  }
0x555: {  	_ =	sdelay $0x3  }
0x556: {  	p1 =	slt.s32 s1, $0x1  }
.Ltmp46:
0x557: {  	_ = 	snop;
	(pc) =	sbr.rel @p1 .LBB3_51-.Ltmp46, $1  }
0x558: {  	_ =	sdelay $0x3  }
0x559: {  	s3 =	simm.s32 $0x6098;
	p1 =	por $0x0, $0x0  }
0x55a: {  	v1 =	vld.msk @!p1 [tilespmem:s3+$0x0], $0x1;
	_ =	sdelay $0x4  }
0x55b: {  	(v2sf) =	vpush @!p1 v1, $0x0;
	_ =	sdelay $0xd  }
0x55c: {  	p3 =	sne.s32 s1, $0x1  }
.Ltmp47:
0x55d: {  	s5 =	spop @!p1 (v2sf);
	(pc) =	sbr.rel @!p3 .LBB3_49-.Ltmp47, $4  }
0x55e: {  	p2 =	seq.s32 @!p1 s0, s5  }
0x55f: {  	s5 =	simm.s32 $0x0;
	p2 =	por !p2, p1  }
0x560: {  	s7 =	simm.s32 $0xFFFFFFFF;
	s5 =	simm.s32 @p2 $0xFFFFFFFF  }
0x561: {  	s6 =	simm.s32 $0x1;
	s5 =	smov.u32 @p1 s7  }
.LBB3_48:
0x562: {  	s7 =	smov.u32 s5;
	p1 =	sne.s32 s5, $0xFFFFFFFF  }
0x563: {  	s3 =	sadd.s32 $0x1, s3;
	s5 =	smov.u32 s6;
	s6 =	sadd.s32 $0x1, s6  }
0x564: {  	p2 =	sne.s32 s1, s6;
	v1 =	vld.msk @!p1 [tilespmem:s3+$0x0], $0x1;
	_ =	sdelay $0x4  }
0x565: {  	(v2sf) =	vpush @!p1 v1, $0x0;
	_ =	sdelay $0xe  }
.Ltmp48:
0x566: {  	s8 =	spop @!p1 (v2sf);
	(pc) =	sbr.rel @p2 .LBB3_48-.Ltmp48, $4  }
0x567: {  	p3 =	seq.s32 @!p1 s0, s8  }
0x568: {  	p3 =	por !p3, p1  }
0x569: {  	s5 =	simm.s32 @p3 $0xFFFFFFFF  }
0x56a: {  	s5 =	smov.u32 @p1 s7  }
.LBB3_49:
0x56b: {  	p1 =	seq.s32 s5, $0xFFFFFFFF  }
.Ltmp49:
0x56c: {  	_ = 	snop;
	(pc) =	sbr.rel @p1 .LBB3_51-.Ltmp49, $1  }
0x56d: {  	_ =	sdelay $0x3  }
0x56e: {  	s0 =	sshll.u32 s2, $0x5  }
0x56f: {  	s3 =	sshll.u32 s5, $0x7;
	s0 =	sand.u32 $0x3FFFFFE0, s0  }
0x570: {  	s3 =	sshra.s32 s3, $0x2;
	v0 =	vld [tilespmem:s0+$0x60B8]  }
0x571: {  	v1 =	vld [tilespmem:s3+$0x60B8];
	_ =	sdelay $0x4  }
0x572: {  	v0 =	vmax.f32 v0, v1  }
0x573: {  	v63 =	vld [tilespmem:s3+$0x60C8];
	[tilespmem:s3+$0x60B8] =	vst v0  }
0x574: {  	v0 =	vld [tilespmem:s0+$0x60C8];
	_ =	sdelay $0x1  }
.Ltmp50:
0x575: {  	_ = 	snop;
	(pc) =	sbr.rel .LBB3_52-.Ltmp50, $3  }
0x576: {  	_ =	sdelay $0x1  }
0x577: {  	v0 =	vmax.f32 v0, v63  }
0x578: {  	[tilespmem:s3+$0x60C8] =	vst v0  }
.LBB3_53:
0x579: {  	p1 =	slt.s32 s1, $0x1  }
.Ltmp51:
0x57a: {  	_ = 	snop;
	(pc) =	sbr.rel @p1 .LBB3_57-.Ltmp51, $3  }
0x57b: {  	_ =	sdelay $0x1  }
0x57c: {  	s0 =	simm.s32 $0x8  }
0x57d: {  	[sflag:s0] =	ssyncpa.u1 $0x1;
	s0 =	simm.s32 $0x0  }
0x57e: {  	s2 =	simm.s32 $0x6098  }
0x57f: {  	v0 =	vld.msk [tilespmem:s2+$0x0], $0x1;
	_ =	sdelay $0x4  }
0x580: {  	(v2sf) =	vpush v0, $0x0;
	_ =	sdelay $0xe  }
0x581: {  	s1 =	sadd.s32 $0xFFFFFFFF, s1;
	s3 =	spop (v2sf)  }
0x582: {  	p2 =	sne.s32 s1, $0x0;
	p1 =	sgt.u32 s3, $0x1869FC  }
.Ltmp52:
0x583: {  	s5 =	sand.u32 @!p1 $0x1FFFF8, s3;
	(pc) =	sbr.rel @!p2 .LBB3_56-.Ltmp52, $4  }
0x584: {  	s2 =	simm.s32 $0x60B8;
	s3 =	sand.u32 @!p1 $0x7, s3;
	s5 =	sadd.s32 @!p1 s4, s5  }
0x585: {  	[hbm4b:s5+s3] =	stream.linear.scatter @!p1 [tilespmem:s2], [sflag:$0x7], $0x20, $0x38;
	[tilespmem:$0x1EC48] =	vst v63  }
0x586: {  	s5 =	simm.s32 $0x0  }
0x587: {  	s3 =	simm.s32 $0x6099;
	s5 =	simm.s32 @!p1 $0x80  }
.LBB3_55:
0x588: {  	v0 =	vld.msk [tilespmem:s3+$0x0], $0x1;
	s1 =	sadd.s32 $0xFFFFFFFF, s1;
	s0 =	sadd.s32 s0, s5  }
0x589: {  	p1 =	sne.s32 s1, $0x0;
	_ =	sdelay $0x3  }
0x58a: {  	(v2sf) =	vpush v0, $0x0;
	_ =	sdelay $0xe  }
.Ltmp53:
0x58b: {  	s6 =	spop (v2sf);
	(pc) =	sbr.rel @p1 .LBB3_55-.Ltmp53, $4  }
0x58c: {  	s5 =	simm.s32 $0x0;
	p2 =	sgt.u32 s6, $0x1869FC  }
0x58d: {  	s2 =	sadd.s32 $0x20, s2;
	s5 =	simm.s32 @!p2 $0x80;
	s7 =	sand.u32 @!p2 $0x1FFFF8, s6  }
0x58e: {  	s3 =	sadd.s32 $0x1, s3;
	s6 =	sand.u32 @!p2 $0x7, s6;
	s7 =	sadd.s32 @!p2 s4, s7  }
0x58f: {  	[hbm4b:s7+s6] =	stream.linear.scatter @!p2 [tilespmem:s2], [sflag:$0x7], $0x20, $0x38;
	[tilespmem:$0x1EC48] =	vst v63  }
.LBB3_56:
0x590: {  	s0 =	sadd.s32 s0, s5  }
0x591: {  	s0 =	sshrl.u32 s0, $0x2  }
.LBB3_57:
0x592: {  	s1 =	simm.s32 $0x7  }
0x593: {  	_ =	swait.ge [sflag:s1], s0  }
0x594: {  	s31 =	ssub.s32 $0x0, s0;
	[sflag:s1] =	ssyncset.done $0x0  }
0x595: {  	[sflag:s1] =	ssyncadd.s32 s31  }
0x596: {  	[sflag:s1] =	ssyncpa.u1 $0x1  }
.LBB3_58:
0x597: {  	_ =	sfence;
	s0 =	simm.s32 $0x1  }
0x598: {  	[sflag:s0] =	ssyncpa.u1 $0x1  }
0x599: {  	_ =	strace $0x9000004D  }
0x59a: {  	[bflag:$0x2] =	sbarrier.arrive $0xFFFF  }
0x59b: {  	s0 =	rddreg [dreg:$0x3]  }
0x59c: {  	s0 =	sadd.s32 @!p0 $0x100000, s0  }
0x59d: {  	[sflag:s0] =	ssyncadd.tile.s32 @!p0 $0x1;
	_ =	shalt  }
.Lfunc_end3:
_tile_overlayer_lowered:
.L_overlay_start_3:
0x59e: {  	(tag) =	ssettag $0x3  }
0x59f: {  	s0 =	rddreg [dreg:$0x0];
	s2 =	stileid.u32  }
0x5a0: {  	s1 =	rddreg [dreg:$0x1];
	p0 =	sne.s32 s2, $0x0  }
0x5a1: {  	s3 =	rddreg [dreg:$0x2];
	[bflag:$0x3] =	sbarrier.arrive $0xFFFF;
	s2 =	simm.s32 @!p0 $0x1C01  }
0x5a2: {  	[timem:s3], [sflag:s2] =	dma.local @!p0 [hbm:s0], s1  }
0x5a3: {  	s0 =	simm.s32 @!p0 $0x1  }
0x5a4: {  	_ =	swait.ge @!p0 [sflag:s0], s1  }
0x5a5: {  	s1 =	ssub.s32 @!p0 $0x0, s1;
	[sflag:s0] =	ssyncset.done @!p0 $0x0  }
0x5a6: {  	[sflag:s0] =	ssyncadd.s32 @!p0 s1  }
0x5a7: {  	[bflag:$0x3] =	sbarrier.arrive $0xFFFF  }
0x5a8: {  	_ =	shalt  }

</sc_bundles>
